<compile_context>
chip_gen: v7x
topology: tpu7x:2x2x1
jax: 0.10.2.dev20260603
libtpu: 0.0.44.dev20260713+nightly
codegen_flags: <defaults>
</compile_context>

<pallas_src>
import jax
import jax.numpy as jnp
from jax import lax
from jax.experimental import pallas as pl
from jax.experimental.pallas import tpu as pltpu
from jax.experimental.pallas import tpu_sc as plsc

D = 1024
B = 4
S = 4096
NC = 2
NS = 16
NW = NC * NS
SEQ_PER_W = S // NW
CHUNK = 16
NCHUNK = SEQ_PER_W // CHUNK
NTILE = NCHUNK * B
NVREG = CHUNK * D // 16
NTOK = 5
AHEAD = 3


def _embed_body(idx_hbm, tok_hbm, pos_hbm, out_hbm,
                idx_v, tok0, tok1, tok2, tok3, tok4, posA, posB,
                gs0, gs1, gs2, gs3, gs4, ss0, ss1, ss2, ss3, ss4, psA, psB):
    wid = lax.axis_index("s") * NC + lax.axis_index("c")
    s0 = wid * SEQ_PER_W
    tok_b = [tok0, tok1, tok2, tok3, tok4]
    pos_b = [posA, posB]
    gsem = [gs0, gs1, gs2, gs3, gs4]
    ssem = [ss0, ss1, ss2, ss3, ss4]
    psem = [psA, psB]

    pltpu.sync_copy(idx_hbm.at[wid], idx_v)

    def start_gather(u):
        a = u % NTOK
        pltpu.async_copy(tok_hbm.at[idx_v.at[u]], tok_b[a], gsem[a])

    def wait_gather(a):
        pltpu.make_async_copy(
            pos_hbm.at[pl.ds(0, CHUNK)], tok_b[a], gsem[a]).wait()

    def start_pos(g):
        pltpu.async_copy(
            pos_hbm.at[pl.ds(s0 + g * CHUNK, CHUNK)], pos_b[g % 2],
            psem[g % 2])

    def wait_pos(pb):
        pltpu.make_async_copy(
            pos_hbm.at[pl.ds(0, CHUNK)], pos_b[pb], psem[pb]).wait()

    def start_store(u):
        a = u % NTOK
        g, b = u // B, u % B
        pltpu.async_copy(
            tok_b[a], out_hbm.at[pl.ds(b * S + s0 + g * CHUNK, CHUNK)],
            ssem[a])

    def wait_store(a):
        pltpu.make_async_copy(
            tok_b[a], out_hbm.at[pl.ds(0, CHUNK)], ssem[a]).wait()

    def compute(a, pb):
        tv, pv = tok_b[a], pos_b[pb]

        @plsc.parallel_loop(0, NVREG, unroll=8)
        def _(t):
            r = lax.shift_right_logical(t, 6)
            col = lax.shift_left(lax.bitwise_and(t, 63), 4)
            sl = pl.ds(pl.multiple_of(col, 16), 16)
            plsc.addupdate(tv.at[r, sl], pv[r, sl])

    start_pos(0)
    start_pos(1)
    for u in range(AHEAD):
        start_gather(u)

    for u in range(NTILE):
        a = u % NTOK
        g, b = u // B, u % B
        wait_gather(a)
        if b == 0:
            wait_pos(g % 2)
        compute(a, g % 2)
        start_store(u)
        if b == B - 1 and g + 2 < NCHUNK:
            start_pos(g + 2)
        un = u + AHEAD
        if un < NTILE:
            an = un % NTOK
            if un >= NTOK:
                wait_store(an)
            start_gather(un)

    for a in range(NTOK):
        wait_store(a)


def kernel(idx, token_embd_table, position_embd_table):
    batch, seq = idx.shape
    idx_r = jnp.transpose(idx.reshape(batch, NW, NCHUNK, CHUNK), (1, 2, 0, 3))
    idx_r = idx_r.reshape(NW, NTILE, CHUNK).astype(jnp.int32)
    mesh = plsc.VectorSubcoreMesh(core_axis_name="c", subcore_axis_name="s")
    k = pl.kernel(
        _embed_body,
        mesh=mesh,
        out_type=jax.ShapeDtypeStruct((batch * seq, D), jnp.float32),
        scratch_types=[
            pltpu.VMEM((NTILE, CHUNK), jnp.int32),
        ] + [pltpu.VMEM((CHUNK, D), jnp.float32)] * (NTOK + 2)
          + [pltpu.SemaphoreType.DMA] * (2 * NTOK + 2),
    )
    out = k(idx_r, token_embd_table, position_embd_table)
    return out.reshape(batch, seq, D)

# --- scband reference (transcript-rebuilt; emitter-appended) ---
"""Pipeline reference for scband-llama-embedding-6390911336890 (READ-ONLY COPY).

The authoritative reference and input builder live on the scoring server;
editing this copy changes nothing except your own understanding.
"""

import jax, jax.numpy as jnp
import numpy as np

VOCAB_SIZE = 100000
HIDDEN_DIM = 1024
MAX_SEQ = 8192
BATCH = 4
SEQ_LEN = 4096

def setup_inputs(seed: int = 0) -> dict:
    key = jax.random.key(seed)
    k_idx, k_tok, k_pos = jax.random.split(key, 3)
    idx = jax.random.randint(k_idx, (BATCH, SEQ_LEN), 0, VOCAB_SIZE, dtype=jnp.int64 if jax.config.jax_enable_x64 else jnp.int32)
    token_embd_table = jax.random.normal(k_tok, (VOCAB_SIZE, HIDDEN_DIM), dtype=jnp.float32) * 0.02
    position_embd_table = jax.random.normal(k_pos, (MAX_SEQ, HIDDEN_DIM), dtype=jnp.float32) * 0.02
    return {"idx": idx, "token_embd_table": token_embd_table, "position_embd_table": position_embd_table}

def reference(idx, token_embd_table, position_embd_table):
    batch, seq_len = idx.shape
    token_embd = jnp.take(token_embd_table, idx, axis=0)  # [B, S, D]
    position_embd = jnp.take(position_embd_table, jnp.arange(seq_len), axis=0)  # [S, D]
    x = token_embd + position_embd[None, :, :]
    return x

if __name__ == "__main__":
    import jax
    _d = setup_inputs()
    print(jax.jit(kernel)(*tuple(_d.values())))

</pallas_src>

<mosaic_0001>
#map = affine_map<(d0, d1) -> (0, 0, 0)>
#map1 = affine_map<(d0, d1) -> (0, 0)>
module attributes {stable_mosaic.version = 14 : i64} {
  func.func @_embed_body(%arg0: i32, %arg1: i32, %arg2: memref<32x32x16xi32, #tpu.memory_space<hbm>>, %arg3: memref<100000x1024xf32, #tpu.memory_space<hbm>>, %arg4: memref<8192x1024xf32, #tpu.memory_space<hbm>>, %arg5: memref<16384x1024xf32, #tpu.memory_space<hbm>>, %arg6: memref<32x16xi32, #tpu.memory_space<vmem>>, %arg7: memref<16x1024xf32, #tpu.memory_space<vmem>>, %arg8: memref<16x1024xf32, #tpu.memory_space<vmem>>, %arg9: memref<16x1024xf32, #tpu.memory_space<vmem>>, %arg10: memref<16x1024xf32, #tpu.memory_space<vmem>>, %arg11: memref<16x1024xf32, #tpu.memory_space<vmem>>, %arg12: memref<16x1024xf32, #tpu.memory_space<vmem>>, %arg13: memref<16x1024xf32, #tpu.memory_space<vmem>>, %arg14: memref<!tpu.dma_semaphore, #tpu.memory_space<semaphore_mem>>, %arg15: memref<!tpu.dma_semaphore, #tpu.memory_space<semaphore_mem>>, %arg16: memref<!tpu.dma_semaphore, #tpu.memory_space<semaphore_mem>>, %arg17: memref<!tpu.dma_semaphore, #tpu.memory_space<semaphore_mem>>, %arg18: memref<!tpu.dma_semaphore, #tpu.memory_space<semaphore_mem>>, %arg19: memref<!tpu.dma_semaphore, #tpu.memory_space<semaphore_mem>>, %arg20: memref<!tpu.dma_semaphore, #tpu.memory_space<semaphore_mem>>, %arg21: memref<!tpu.dma_semaphore, #tpu.memory_space<semaphore_mem>>, %arg22: memref<!tpu.dma_semaphore, #tpu.memory_space<semaphore_mem>>, %arg23: memref<!tpu.dma_semaphore, #tpu.memory_space<semaphore_mem>>, %arg24: memref<!tpu.dma_semaphore, #tpu.memory_space<semaphore_mem>>, %arg25: memref<!tpu.dma_semaphore, #tpu.memory_space<semaphore_mem>>) attributes {dimension_semantics = [#tpu.dimension_semantics<core_parallel>, #tpu.dimension_semantics<subcore_parallel>], iteration_bounds = array<i64: 2, 16>, scalar_prefetch = 0 : i64, scratch_operands = 20 : i64, tpu.core_type = #tpu.core_type<sc_vector_subcore>, window_params = [{transform_indices = #map}, {transform_indices = #map1}, {transform_indices = #map1}, {transform_indices = #map1}]} {
    %mul3A = arith.constant 2 : i32
    %mul3A_0 = arith.muli %arg1, %mul3A : i32
    %add3A = arith.addi %mul3A_0, %arg0 : i32
    %mul3A_1 = arith.constant 128 : i32
    %mul3A_2 = arith.muli %add3A, %mul3A_1 : i32
    "tpu.region"() ({
      %run_scoped3A = tpu.sem_alloc : memref<!tpu.dma_semaphore, #tpu.memory_space<semaphore_mem>>
      %dma_start3A_1056 = arith.constant 0 : i32
      %dma_start3A_1057 = arith.constant 0 : i32
      %dma_start3A_1058 = tpu.memref_slice %arg2[%add3A, %dma_start3A_1056, %dma_start3A_1057] : memref<32x32x16xi32, #tpu.memory_space<hbm>> -> memref<1x32x16xi32, #tpu.memory_space<hbm>>
      %dma_start3A_1059 = tpu.memref_squeeze %dma_start3A_1058 : memref<1x32x16xi32, #tpu.memory_space<hbm>> -> memref<32x16xi32, #tpu.memory_space<hbm>>
      %dma_start3A_1060 = arith.constant 0 : i32
      %dma_start3A_1061 = arith.constant 0 : i32
      %dma_start3A_1062 = tpu.memref_slice %arg2[%add3A, %dma_start3A_1060, %dma_start3A_1061] : memref<32x32x16xi32, #tpu.memory_space<hbm>> -> memref<1x32x16xi32, #tpu.memory_space<hbm>>
      %dma_start3A_1063 = tpu.memref_squeeze %dma_start3A_1062 : memref<1x32x16xi32, #tpu.memory_space<hbm>> -> memref<32x16xi32, #tpu.memory_space<hbm>>
      tpu.enqueue_dma source(%dma_start3A_1063 : memref<32x16xi32, #tpu.memory_space<hbm>>) target(%arg6 : memref<32x16xi32, #tpu.memory_space<vmem>>) target_semaphore(%run_scoped3A : memref<!tpu.dma_semaphore, #tpu.memory_space<semaphore_mem>>)
      %dma_wait3A_1064 = arith.constant 0 : i32
      %dma_wait3A_1065 = arith.constant 0 : i32
      %dma_wait3A_1066 = tpu.memref_slice %arg2[%add3A, %dma_wait3A_1064, %dma_wait3A_1065] : memref<32x32x16xi32, #tpu.memory_space<hbm>> -> memref<1x32x16xi32, #tpu.memory_space<hbm>>
      %dma_wait3A_1067 = tpu.memref_squeeze %dma_wait3A_1066 : memref<1x32x16xi32, #tpu.memory_space<hbm>> -> memref<32x16xi32, #tpu.memory_space<hbm>>
      %dma_wait3A_1068 = arith.constant 0 : i32
      %dma_wait3A_1069 = arith.constant 0 : i32
      %dma_wait3A_1070 = tpu.memref_slice %arg2[%add3A, %dma_wait3A_1068, %dma_wait3A_1069] : memref<32x32x16xi32, #tpu.memory_space<hbm>> -> memref<1x32x16xi32, #tpu.memory_space<hbm>>
      %dma_wait3A_1071 = tpu.memref_squeeze %dma_wait3A_1070 : memref<1x32x16xi32, #tpu.memory_space<hbm>> -> memref<32x16xi32, #tpu.memory_space<hbm>>
      tpu.wait_dma2 semaphore(%run_scoped3A : memref<!tpu.dma_semaphore, #tpu.memory_space<semaphore_mem>>) src(%dma_wait3A_1071 : memref<32x16xi32, #tpu.memory_space<hbm>>) dst(%arg6 : memref<32x16xi32, #tpu.memory_space<vmem>>)
      tpu.yield
    }) : () -> ()
    %add3A_3 = arith.constant 0 : i32
    %add3A_4 = arith.addi %mul3A_2, %add3A_3 : i32
    %dma_start3A = arith.constant 0 : i32
    %dma_start3A_5 = tpu.memref_slice %arg4[%add3A_4, %dma_start3A] : memref<8192x1024xf32, #tpu.memory_space<hbm>> -> memref<16x1024xf32, #tpu.memory_space<hbm>>
    %dma_start3A_6 = arith.constant 0 : i32
    %dma_start3A_7 = tpu.memref_slice %arg4[%add3A_4, %dma_start3A_6] : memref<8192x1024xf32, #tpu.memory_space<hbm>> -> memref<16x1024xf32, #tpu.memory_space<hbm>>
    tpu.enqueue_dma source(%dma_start3A_7 : memref<16x1024xf32, #tpu.memory_space<hbm>>) target(%arg12 : memref<16x1024xf32, #tpu.memory_space<vmem>>) target_semaphore(%arg24 : memref<!tpu.dma_semaphore, #tpu.memory_space<semaphore_mem>>)
    %add3A_8 = arith.constant 16 : i32
    %add3A_9 = arith.addi %mul3A_2, %add3A_8 : i32
    %dma_start3A_10 = arith.constant 0 : i32
    %dma_start3A_11 = tpu.memref_slice %arg4[%add3A_9, %dma_start3A_10] : memref<8192x1024xf32, #tpu.memory_space<hbm>> -> memref<16x1024xf32, #tpu.memory_space<hbm>>
    %dma_start3A_12 = arith.constant 0 : i32
    %dma_start3A_13 = tpu.memref_slice %arg4[%add3A_9, %dma_start3A_12] : memref<8192x1024xf32, #tpu.memory_space<hbm>> -> memref<16x1024xf32, #tpu.memory_space<hbm>>
    tpu.enqueue_dma source(%dma_start3A_13 : memref<16x1024xf32, #tpu.memory_space<hbm>>) target(%arg13 : memref<16x1024xf32, #tpu.memory_space<vmem>>) target_semaphore(%arg25 : memref<!tpu.dma_semaphore, #tpu.memory_space<semaphore_mem>>)
    %dma_start3A_14 = arith.constant 0 : i32
    %dma_start3A_15 = arith.constant 0 : i32
    %dma_start3A_16 = tpu.memref_slice %arg6[%dma_start3A_14, %dma_start3A_15] : memref<32x16xi32, #tpu.memory_space<vmem>> -> memref<1x16xi32, #tpu.memory_space<vmem>>
    %dma_start3A_17 = tpu.memref_squeeze %dma_start3A_16 : memref<1x16xi32, #tpu.memory_space<vmem>> -> memref<16xi32, #tpu.memory_space<vmem>>
    %dma_start3A_18 = arith.constant 0 : i32
    %dma_start3A_19 = arith.constant 0 : i32
    %dma_start3A_20 = tpu.memref_slice %arg3[%dma_start3A_18, %dma_start3A_19] : memref<100000x1024xf32, #tpu.memory_space<hbm>> -> memref<100000x1024xf32, #tpu.memory_space<hbm>>
    tpu.enqueue_indirect_dma source(%dma_start3A_20 : memref<100000x1024xf32, #tpu.memory_space<hbm>>) target(%arg7 : memref<16x1024xf32, #tpu.memory_space<vmem>>) offsets(%dma_start3A_17 : memref<16xi32, #tpu.memory_space<vmem>>) semaphore(%arg14 : memref<!tpu.dma_semaphore, #tpu.memory_space<semaphore_mem>>)
    %dma_start3A_21 = arith.constant 1 : i32
    %dma_start3A_22 = arith.constant 0 : i32
    %dma_start3A_23 = tpu.memref_slice %arg6[%dma_start3A_21, %dma_start3A_22] : memref<32x16xi32, #tpu.memory_space<vmem>> -> memref<1x16xi32, #tpu.memory_space<vmem>>
    %dma_start3A_24 = tpu.memref_squeeze %dma_start3A_23 : memref<1x16xi32, #tpu.memory_space<vmem>> -> memref<16xi32, #tpu.memory_space<vmem>>
    %dma_start3A_25 = arith.constant 0 : i32
    %dma_start3A_26 = arith.constant 0 : i32
    %dma_start3A_27 = tpu.memref_slice %arg3[%dma_start3A_25, %dma_start3A_26] : memref<100000x1024xf32, #tpu.memory_space<hbm>> -> memref<100000x1024xf32, #tpu.memory_space<hbm>>
    tpu.enqueue_indirect_dma source(%dma_start3A_27 : memref<100000x1024xf32, #tpu.memory_space<hbm>>) target(%arg8 : memref<16x1024xf32, #tpu.memory_space<vmem>>) offsets(%dma_start3A_24 : memref<16xi32, #tpu.memory_space<vmem>>) semaphore(%arg15 : memref<!tpu.dma_semaphore, #tpu.memory_space<semaphore_mem>>)
    %dma_start3A_28 = arith.constant 2 : i32
    %dma_start3A_29 = arith.constant 0 : i32
    %dma_start3A_30 = tpu.memref_slice %arg6[%dma_start3A_28, %dma_start3A_29] : memref<32x16xi32, #tpu.memory_space<vmem>> -> memref<1x16xi32, #tpu.memory_space<vmem>>
    %dma_start3A_31 = tpu.memref_squeeze %dma_start3A_30 : memref<1x16xi32, #tpu.memory_space<vmem>> -> memref<16xi32, #tpu.memory_space<vmem>>
    %dma_start3A_32 = arith.constant 0 : i32
    %dma_start3A_33 = arith.constant 0 : i32
    %dma_start3A_34 = tpu.memref_slice %arg3[%dma_start3A_32, %dma_start3A_33] : memref<100000x1024xf32, #tpu.memory_space<hbm>> -> memref<100000x1024xf32, #tpu.memory_space<hbm>>
    tpu.enqueue_indirect_dma source(%dma_start3A_34 : memref<100000x1024xf32, #tpu.memory_space<hbm>>) target(%arg9 : memref<16x1024xf32, #tpu.memory_space<vmem>>) offsets(%dma_start3A_31 : memref<16xi32, #tpu.memory_space<vmem>>) semaphore(%arg16 : memref<!tpu.dma_semaphore, #tpu.memory_space<semaphore_mem>>)
    %dma_wait3A = arith.constant 0 : i32
    %dma_wait3A_35 = arith.constant 0 : i32
    %dma_wait3A_36 = tpu.memref_slice %arg4[%dma_wait3A, %dma_wait3A_35] : memref<8192x1024xf32, #tpu.memory_space<hbm>> -> memref<16x1024xf32, #tpu.memory_space<hbm>>
    %dma_wait3A_37 = arith.constant 0 : i32
    %dma_wait3A_38 = arith.constant 0 : i32
    %dma_wait3A_39 = tpu.memref_slice %arg4[%dma_wait3A_37, %dma_wait3A_38] : memref<8192x1024xf32, #tpu.memory_space<hbm>> -> memref<16x1024xf32, #tpu.memory_space<hbm>>
    tpu.wait_dma2 semaphore(%arg14 : memref<!tpu.dma_semaphore, #tpu.memory_space<semaphore_mem>>) src(%dma_wait3A_39 : memref<16x1024xf32, #tpu.memory_space<hbm>>) dst(%arg7 : memref<16x1024xf32, #tpu.memory_space<vmem>>)
    %dma_wait3A_40 = arith.constant 0 : i32
    %dma_wait3A_41 = arith.constant 0 : i32
    %dma_wait3A_42 = tpu.memref_slice %arg4[%dma_wait3A_40, %dma_wait3A_41] : memref<8192x1024xf32, #tpu.memory_space<hbm>> -> memref<16x1024xf32, #tpu.memory_space<hbm>>
    %dma_wait3A_43 = arith.constant 0 : i32
    %dma_wait3A_44 = arith.constant 0 : i32
    %dma_wait3A_45 = tpu.memref_slice %arg4[%dma_wait3A_43, %dma_wait3A_44] : memref<8192x1024xf32, #tpu.memory_space<hbm>> -> memref<16x1024xf32, #tpu.memory_space<hbm>>
    tpu.wait_dma2 semaphore(%arg24 : memref<!tpu.dma_semaphore, #tpu.memory_space<semaphore_mem>>) src(%dma_wait3A_45 : memref<16x1024xf32, #tpu.memory_space<hbm>>) dst(%arg12 : memref<16x1024xf32, #tpu.memory_space<vmem>>)
    %parallel_loop3A = arith.constant 0 : i32
    %parallel_loop3A_46 = arith.constant 1024 : i32
    %parallel_loop3A_47 = arith.constant 1 : i32
    scf.for %parallel_loop3A_1056 = %parallel_loop3A to %parallel_loop3A_46 step %parallel_loop3A_47  : i32 {
      %parallel_loop3A_1057 = arith.constant 6 : i32
      %parallel_loop3A_1058 = arith.shrui %parallel_loop3A_1056, %parallel_loop3A_1057 : i32
      %parallel_loop3A_1059 = arith.constant 63 : i32
      %parallel_loop3A_1060 = arith.andi %parallel_loop3A_1056, %parallel_loop3A_1059 : i32
      %parallel_loop3A_1061 = arith.constant 4 : i32
      %parallel_loop3A_1062 = arith.shli %parallel_loop3A_1060, %parallel_loop3A_1061 : i32
      %parallel_loop3A_1063 = tpu.assume_multiple %parallel_loop3A_1062, 16 : i32
      %parallel_loop3A_1064 = arith.index_cast %parallel_loop3A_1058 : i32 to index
      %parallel_loop3A_1065 = arith.index_cast %parallel_loop3A_1063 : i32 to index
      %parallel_loop3A_1066 = tpu.vector_load %arg12[%parallel_loop3A_1064, %parallel_loop3A_1065] {strides = array<i32>} : memref<16x1024xf32, #tpu.memory_space<vmem>>, vector<1x16xf32>,
      %parallel_loop3A_1067 = vector.shape_cast %parallel_loop3A_1066 : vector<1x16xf32> to vector<16xf32>
      %parallel_loop3A_1068 = arith.index_cast %parallel_loop3A_1058 : i32 to index
      %parallel_loop3A_1069 = arith.index_cast %parallel_loop3A_1063 : i32 to index
      %parallel_loop3A_1070 = tpu.vector_load %arg7[%parallel_loop3A_1068, %parallel_loop3A_1069] {strides = array<i32>} : memref<16x1024xf32, #tpu.memory_space<vmem>>, vector<1x16xf32>,
      %parallel_loop3A_1071 = vector.shape_cast %parallel_loop3A_1070 : vector<1x16xf32> to vector<16xf32>
      %parallel_loop3A_1072 = vector.shape_cast %parallel_loop3A_1067 : vector<16xf32> to vector<1x16xf32>
      tpu.vector_store %arg7[%parallel_loop3A_1068, %parallel_loop3A_1069], %parallel_loop3A_1072 {add = true, strides = array<i32>} : memref<16x1024xf32, #tpu.memory_space<vmem>>, vector<1x16xf32>,
    } {sc.loop_unroll_factor = 8 : i64, sc.parallel_access}
    %add3A_48 = arith.constant 0 : i32
    %add3A_49 = arith.addi %add3A_48, %mul3A_2 : i32
    %add3A_50 = arith.constant 0 : i32
    %add3A_51 = arith.addi %add3A_49, %add3A_50 : i32
    %dma_start3A_52 = arith.constant 0 : i32
    %dma_start3A_53 = tpu.memref_slice %arg5[%add3A_51, %dma_start3A_52] : memref<16384x1024xf32, #tpu.memory_space<hbm>> -> memref<16x1024xf32, #tpu.memory_space<hbm>>
    %dma_start3A_54 = arith.constant 0 : i32
    %dma_start3A_55 = tpu.memref_slice %arg5[%add3A_51, %dma_start3A_54] : memref<16384x1024xf32, #tpu.memory_space<hbm>> -> memref<16x1024xf32, #tpu.memory_space<hbm>>
    tpu.enqueue_dma source(%arg7 : memref<16x1024xf32, #tpu.memory_space<vmem>>) target(%dma_start3A_55 : memref<16x1024xf32, #tpu.memory_space<hbm>>) target_semaphore(%arg19 : memref<!tpu.dma_semaphore, #tpu.memory_space<semaphore_mem>>)
    %dma_start3A_56 = arith.constant 3 : i32
    %dma_start3A_57 = arith.constant 0 : i32
    %dma_start3A_58 = tpu.memref_slice %arg6[%dma_start3A_56, %dma_start3A_57] : memref<32x16xi32, #tpu.memory_space<vmem>> -> memref<1x16xi32, #tpu.memory_space<vmem>>
    %dma_start3A_59 = tpu.memref_squeeze %dma_start3A_58 : memref<1x16xi32, #tpu.memory_space<vmem>> -> memref<16xi32, #tpu.memory_space<vmem>>
    %dma_start3A_60 = arith.constant 0 : i32
    %dma_start3A_61 = arith.constant 0 : i32
    %dma_start3A_62 = tpu.memref_slice %arg3[%dma_start3A_60, %dma_start3A_61] : memref<100000x1024xf32, #tpu.memory_space<hbm>> -> memref<100000x1024xf32, #tpu.memory_space<hbm>>
    tpu.enqueue_indirect_dma source(%dma_start3A_62 : memref<100000x1024xf32, #tpu.memory_space<hbm>>) target(%arg10 : memref<16x1024xf32, #tpu.memory_space<vmem>>) offsets(%dma_start3A_59 : memref<16xi32, #tpu.memory_space<vmem>>) semaphore(%arg17 : memref<!tpu.dma_semaphore, #tpu.memory_space<semaphore_mem>>)
    %dma_wait3A_63 = arith.constant 0 : i32
    %dma_wait3A_64 = arith.constant 0 : i32
    %dma_wait3A_65 = tpu.memref_slice %arg4[%dma_wait3A_63, %dma_wait3A_64] : memref<8192x1024xf32, #tpu.memory_space<hbm>> -> memref<16x1024xf32, #tpu.memory_space<hbm>>
    %dma_wait3A_66 = arith.constant 0 : i32
    %dma_wait3A_67 = arith.constant 0 : i32
    %dma_wait3A_68 = tpu.memref_slice %arg4[%dma_wait3A_66, %dma_wait3A_67] : memref<8192x1024xf32, #tpu.memory_space<hbm>> -> memref<16x1024xf32, #tpu.memory_space<hbm>>
    tpu.wait_dma2 semaphore(%arg15 : memref<!tpu.dma_semaphore, #tpu.memory_space<semaphore_mem>>) src(%dma_wait3A_68 : memref<16x1024xf32, #tpu.memory_space<hbm>>) dst(%arg8 : memref<16x1024xf32, #tpu.memory_space<vmem>>)
    %parallel_loop3A_69 = arith.constant 0 : i32
    %parallel_loop3A_70 = arith.constant 1024 : i32
    %parallel_loop3A_71 = arith.constant 1 : i32
    scf.for %parallel_loop3A_1056 = %parallel_loop3A_69 to %parallel_loop3A_70 step %parallel_loop3A_71  : i32 {
      %parallel_loop3A_1057 = arith.constant 6 : i32
      %parallel_loop3A_1058 = arith.shrui %parallel_loop3A_1056, %parallel_loop3A_1057 : i32
      %parallel_loop3A_1059 = arith.constant 63 : i32
      %parallel_loop3A_1060 = arith.andi %parallel_loop3A_1056, %parallel_loop3A_1059 : i32
      %parallel_loop3A_1061 = arith.constant 4 : i32
      %parallel_loop3A_1062 = arith.shli %parallel_loop3A_1060, %parallel_loop3A_1061 : i32
      %parallel_loop3A_1063 = tpu.assume_multiple %parallel_loop3A_1062, 16 : i32
      %parallel_loop3A_1064 = arith.index_cast %parallel_loop3A_1058 : i32 to index
      %parallel_loop3A_1065 = arith.index_cast %parallel_loop3A_1063 : i32 to index
      %parallel_loop3A_1066 = tpu.vector_load %arg12[%parallel_loop3A_1064, %parallel_loop3A_1065] {strides = array<i32>} : memref<16x1024xf32, #tpu.memory_space<vmem>>, vector<1x16xf32>,
      %parallel_loop3A_1067 = vector.shape_cast %parallel_loop3A_1066 : vector<1x16xf32> to vector<16xf32>
      %parallel_loop3A_1068 = arith.index_cast %parallel_loop3A_1058 : i32 to index
      %parallel_loop3A_1069 = arith.index_cast %parallel_loop3A_1063 : i32 to index
      %parallel_loop3A_1070 = tpu.vector_load %arg8[%parallel_loop3A_1068, %parallel_loop3A_1069] {strides = array<i32>} : memref<16x1024xf32, #tpu.memory_space<vmem>>, vector<1x16xf32>,
      %parallel_loop3A_1071 = vector.shape_cast %parallel_loop3A_1070 : vector<1x16xf32> to vector<16xf32>
      %parallel_loop3A_1072 = vector.shape_cast %parallel_loop3A_1067 : vector<16xf32> to vector<1x16xf32>
      tpu.vector_store %arg8[%parallel_loop3A_1068, %parallel_loop3A_1069], %parallel_loop3A_1072 {add = true, strides = array<i32>} : memref<16x1024xf32, #tpu.memory_space<vmem>>, vector<1x16xf32>,
    } {sc.loop_unroll_factor = 8 : i64, sc.parallel_access}
    %add3A_72 = arith.constant 4096 : i32
    %add3A_73 = arith.addi %add3A_72, %mul3A_2 : i32
    %add3A_74 = arith.constant 0 : i32
    %add3A_75 = arith.addi %add3A_73, %add3A_74 : i32
    %dma_start3A_76 = arith.constant 0 : i32
    %dma_start3A_77 = tpu.memref_slice %arg5[%add3A_75, %dma_start3A_76] : memref<16384x1024xf32, #tpu.memory_space<hbm>> -> memref<16x1024xf32, #tpu.memory_space<hbm>>
    %dma_start3A_78 = arith.constant 0 : i32
    %dma_start3A_79 = tpu.memref_slice %arg5[%add3A_75, %dma_start3A_78] : memref<16384x1024xf32, #tpu.memory_space<hbm>> -> memref<16x1024xf32, #tpu.memory_space<hbm>>
    tpu.enqueue_dma source(%arg8 : memref<16x1024xf32, #tpu.memory_space<vmem>>) target(%dma_start3A_79 : memref<16x1024xf32, #tpu.memory_space<hbm>>) target_semaphore(%arg20 : memref<!tpu.dma_semaphore, #tpu.memory_space<semaphore_mem>>)
    %dma_start3A_80 = arith.constant 4 : i32
    %dma_start3A_81 = arith.constant 0 : i32
    %dma_start3A_82 = tpu.memref_slice %arg6[%dma_start3A_80, %dma_start3A_81] : memref<32x16xi32, #tpu.memory_space<vmem>> -> memref<1x16xi32, #tpu.memory_space<vmem>>
    %dma_start3A_83 = tpu.memref_squeeze %dma_start3A_82 : memref<1x16xi32, #tpu.memory_space<vmem>> -> memref<16xi32, #tpu.memory_space<vmem>>
    %dma_start3A_84 = arith.constant 0 : i32
    %dma_start3A_85 = arith.constant 0 : i32
    %dma_start3A_86 = tpu.memref_slice %arg3[%dma_start3A_84, %dma_start3A_85] : memref<100000x1024xf32, #tpu.memory_space<hbm>> -> memref<100000x1024xf32, #tpu.memory_space<hbm>>
    tpu.enqueue_indirect_dma source(%dma_start3A_86 : memref<100000x1024xf32, #tpu.memory_space<hbm>>) target(%arg11 : memref<16x1024xf32, #tpu.memory_space<vmem>>) offsets(%dma_start3A_83 : memref<16xi32, #tpu.memory_space<vmem>>) semaphore(%arg18 : memref<!tpu.dma_semaphore, #tpu.memory_space<semaphore_mem>>)
    %dma_wait3A_87 = arith.constant 0 : i32
    %dma_wait3A_88 = arith.constant 0 : i32
    %dma_wait3A_89 = tpu.memref_slice %arg4[%dma_wait3A_87, %dma_wait3A_88] : memref<8192x1024xf32, #tpu.memory_space<hbm>> -> memref<16x1024xf32, #tpu.memory_space<hbm>>
    %dma_wait3A_90 = arith.constant 0 : i32
    %dma_wait3A_91 = arith.constant 0 : i32
    %dma_wait3A_92 = tpu.memref_slice %arg4[%dma_wait3A_90, %dma_wait3A_91] : memref<8192x1024xf32, #tpu.memory_space<hbm>> -> memref<16x1024xf32, #tpu.memory_space<hbm>>
    tpu.wait_dma2 semaphore(%arg16 : memref<!tpu.dma_semaphore, #tpu.memory_space<semaphore_mem>>) src(%dma_wait3A_92 : memref<16x1024xf32, #tpu.memory_space<hbm>>) dst(%arg9 : memref<16x1024xf32, #tpu.memory_space<vmem>>)
    %parallel_loop3A_93 = arith.constant 0 : i32
    %parallel_loop3A_94 = arith.constant 1024 : i32
    %parallel_loop3A_95 = arith.constant 1 : i32
    scf.for %parallel_loop3A_1056 = %parallel_loop3A_93 to %parallel_loop3A_94 step %parallel_loop3A_95  : i32 {
      %parallel_loop3A_1057 = arith.constant 6 : i32
      %parallel_loop3A_1058 = arith.shrui %parallel_loop3A_1056, %parallel_loop3A_1057 : i32
      %parallel_loop3A_1059 = arith.constant 63 : i32
      %parallel_loop3A_1060 = arith.andi %parallel_loop3A_1056, %parallel_loop3A_1059 : i32
      %parallel_loop3A_1061 = arith.constant 4 : i32
      %parallel_loop3A_1062 = arith.shli %parallel_loop3A_1060, %parallel_loop3A_1061 : i32
      %parallel_loop3A_1063 = tpu.assume_multiple %parallel_loop3A_1062, 16 : i32
      %parallel_loop3A_1064 = arith.index_cast %parallel_loop3A_1058 : i32 to index
      %parallel_loop3A_1065 = arith.index_cast %parallel_loop3A_1063 : i32 to index
      %parallel_loop3A_1066 = tpu.vector_load %arg12[%parallel_loop3A_1064, %parallel_loop3A_1065] {strides = array<i32>} : memref<16x1024xf32, #tpu.memory_space<vmem>>, vector<1x16xf32>,
      %parallel_loop3A_1067 = vector.shape_cast %parallel_loop3A_1066 : vector<1x16xf32> to vector<16xf32>
      %parallel_loop3A_1068 = arith.index_cast %parallel_loop3A_1058 : i32 to index
      %parallel_loop3A_1069 = arith.index_cast %parallel_loop3A_1063 : i32 to index
      %parallel_loop3A_1070 = tpu.vector_load %arg9[%parallel_loop3A_1068, %parallel_loop3A_1069] {strides = array<i32>} : memref<16x1024xf32, #tpu.memory_space<vmem>>, vector<1x16xf32>,
      %parallel_loop3A_1071 = vector.shape_cast %parallel_loop3A_1070 : vector<1x16xf32> to vector<16xf32>
      %parallel_loop3A_1072 = vector.shape_cast %parallel_loop3A_1067 : vector<16xf32> to vector<1x16xf32>
      tpu.vector_store %arg9[%parallel_loop3A_1068, %parallel_loop3A_1069], %parallel_loop3A_1072 {add = true, strides = array<i32>} : memref<16x1024xf32, #tpu.memory_space<vmem>>, vector<1x16xf32>,
    } {sc.loop_unroll_factor = 8 : i64, sc.parallel_access}
    %add3A_96 = arith.constant 8192 : i32
    %add3A_97 = arith.addi %add3A_96, %mul3A_2 : i32
    %add3A_98 = arith.constant 0 : i32
    %add3A_99 = arith.addi %add3A_97, %add3A_98 : i32
    %dma_start3A_100 = arith.constant 0 : i32
    %dma_start3A_101 = tpu.memref_slice %arg5[%add3A_99, %dma_start3A_100] : memref<16384x1024xf32, #tpu.memory_space<hbm>> -> memref<16x1024xf32, #tpu.memory_space<hbm>>
    %dma_start3A_102 = arith.constant 0 : i32
    %dma_start3A_103 = tpu.memref_slice %arg5[%add3A_99, %dma_start3A_102] : memref<16384x1024xf32, #tpu.memory_space<hbm>> -> memref<16x1024xf32, #tpu.memory_space<hbm>>
    tpu.enqueue_dma source(%arg9 : memref<16x1024xf32, #tpu.memory_space<vmem>>) target(%dma_start3A_103 : memref<16x1024xf32, #tpu.memory_space<hbm>>) target_semaphore(%arg21 : memref<!tpu.dma_semaphore, #tpu.memory_space<semaphore_mem>>)
    %dma_wait3A_104 = arith.constant 0 : i32
    %dma_wait3A_105 = arith.constant 0 : i32
    %dma_wait3A_106 = tpu.memref_slice %arg5[%dma_wait3A_104, %dma_wait3A_105] : memref<16384x1024xf32, #tpu.memory_space<hbm>> -> memref<16x1024xf32, #tpu.memory_space<hbm>>
    %dma_wait3A_107 = arith.constant 0 : i32
    %dma_wait3A_108 = arith.constant 0 : i32
    %dma_wait3A_109 = tpu.memref_slice %arg5[%dma_wait3A_107, %dma_wait3A_108] : memref<16384x1024xf32, #tpu.memory_space<hbm>> -> memref<16x1024xf32, #tpu.memory_space<hbm>>
    tpu.wait_dma2 semaphore(%arg19 : memref<!tpu.dma_semaphore, #tpu.memory_space<semaphore_mem>>) src(%arg7 : memref<16x1024xf32, #tpu.memory_space<vmem>>) dst(%dma_wait3A_109 : memref<16x1024xf32, #tpu.memory_space<hbm>>)
    %dma_start3A_110 = arith.constant 5 : i32
    %dma_start3A_111 = arith.constant 0 : i32
    %dma_start3A_112 = tpu.memref_slice %arg6[%dma_start3A_110, %dma_start3A_111] : memref<32x16xi32, #tpu.memory_space<vmem>> -> memref<1x16xi32, #tpu.memory_space<vmem>>
    %dma_start3A_113 = tpu.memref_squeeze %dma_start3A_112 : memref<1x16xi32, #tpu.memory_space<vmem>> -> memref<16xi32, #tpu.memory_space<vmem>>
    %dma_start3A_114 = arith.constant 0 : i32
    %dma_start3A_115 = arith.constant 0 : i32
    %dma_start3A_116 = tpu.memref_slice %arg3[%dma_start3A_114, %dma_start3A_115] : memref<100000x1024xf32, #tpu.memory_space<hbm>> -> memref<100000x1024xf32, #tpu.memory_space<hbm>>
    tpu.enqueue_indirect_dma source(%dma_start3A_116 : memref<100000x1024xf32, #tpu.memory_space<hbm>>) target(%arg7 : memref<16x1024xf32, #tpu.memory_space<vmem>>) offsets(%dma_start3A_113 : memref<16xi32, #tpu.memory_space<vmem>>) semaphore(%arg14 : memref<!tpu.dma_semaphore, #tpu.memory_space<semaphore_mem>>)
    %dma_wait3A_117 = arith.constant 0 : i32
    %dma_wait3A_118 = arith.constant 0 : i32
    %dma_wait3A_119 = tpu.memref_slice %arg4[%dma_wait3A_117, %dma_wait3A_118] : memref<8192x1024xf32, #tpu.memory_space<hbm>> -> memref<16x1024xf32, #tpu.memory_space<hbm>>
    %dma_wait3A_120 = arith.constant 0 : i32
    %dma_wait3A_121 = arith.constant 0 : i32
    %dma_wait3A_122 = tpu.memref_slice %arg4[%dma_wait3A_120, %dma_wait3A_121] : memref<8192x1024xf32, #tpu.memory_space<hbm>> -> memref<16x1024xf32, #tpu.memory_space<hbm>>
    tpu.wait_dma2 semaphore(%arg17 : memref<!tpu.dma_semaphore, #tpu.memory_space<semaphore_mem>>) src(%dma_wait3A_122 : memref<16x1024xf32, #tpu.memory_space<hbm>>) dst(%arg10 : memref<16x1024xf32, #tpu.memory_space<vmem>>)
    %parallel_loop3A_123 = arith.constant 0 : i32
    %parallel_loop3A_124 = arith.constant 1024 : i32
    %parallel_loop3A_125 = arith.constant 1 : i32
    scf.for %parallel_loop3A_1056 = %parallel_loop3A_123 to %parallel_loop3A_124 step %parallel_loop3A_125  : i32 {
      %parallel_loop3A_1057 = arith.constant 6 : i32
      %parallel_loop3A_1058 = arith.shrui %parallel_loop3A_1056, %parallel_loop3A_1057 : i32
      %parallel_loop3A_1059 = arith.constant 63 : i32
      %parallel_loop3A_1060 = arith.andi %parallel_loop3A_1056, %parallel_loop3A_1059 : i32
      %parallel_loop3A_1061 = arith.constant 4 : i32
      %parallel_loop3A_1062 = arith.shli %parallel_loop3A_1060, %parallel_loop3A_1061 : i32
      %parallel_loop3A_1063 = tpu.assume_multiple %parallel_loop3A_1062, 16 : i32
      %parallel_loop3A_1064 = arith.index_cast %parallel_loop3A_1058 : i32 to index
      %parallel_loop3A_1065 = arith.index_cast %parallel_loop3A_1063 : i32 to index
      %parallel_loop3A_1066 = tpu.vector_load %arg12[%parallel_loop3A_1064, %parallel_loop3A_1065] {strides = array<i32>} : memref<16x1024xf32, #tpu.memory_space<vmem>>, vector<1x16xf32>,
      %parallel_loop3A_1067 = vector.shape_cast %parallel_loop3A_1066 : vector<1x16xf32> to vector<16xf32>
      %parallel_loop3A_1068 = arith.index_cast %parallel_loop3A_1058 : i32 to index
      %parallel_loop3A_1069 = arith.index_cast %parallel_loop3A_1063 : i32 to index
      %parallel_loop3A_1070 = tpu.vector_load %arg10[%parallel_loop3A_1068, %parallel_loop3A_1069] {strides = array<i32>} : memref<16x1024xf32, #tpu.memory_space<vmem>>, vector<1x16xf32>,
      %parallel_loop3A_1071 = vector.shape_cast %parallel_loop3A_1070 : vector<1x16xf32> to vector<16xf32>
      %parallel_loop3A_1072 = vector.shape_cast %parallel_loop3A_1067 : vector<16xf32> to vector<1x16xf32>
      tpu.vector_store %arg10[%parallel_loop3A_1068, %parallel_loop3A_1069], %parallel_loop3A_1072 {add = true, strides = array<i32>} : memref<16x1024xf32, #tpu.memory_space<vmem>>, vector<1x16xf32>,
    } {sc.loop_unroll_factor = 8 : i64, sc.parallel_access}
    %add3A_126 = arith.constant 12288 : i32
    %add3A_127 = arith.addi %add3A_126, %mul3A_2 : i32
    %add3A_128 = arith.constant 0 : i32
    %add3A_129 = arith.addi %add3A_127, %add3A_128 : i32
    %dma_start3A_130 = arith.constant 0 : i32
    %dma_start3A_131 = tpu.memref_slice %arg5[%add3A_129, %dma_start3A_130] : memref<16384x1024xf32, #tpu.memory_space<hbm>> -> memref<16x1024xf32, #tpu.memory_space<hbm>>
    %dma_start3A_132 = arith.constant 0 : i32
    %dma_start3A_133 = tpu.memref_slice %arg5[%add3A_129, %dma_start3A_132] : memref<16384x1024xf32, #tpu.memory_space<hbm>> -> memref<16x1024xf32, #tpu.memory_space<hbm>>
    tpu.enqueue_dma source(%arg10 : memref<16x1024xf32, #tpu.memory_space<vmem>>) target(%dma_start3A_133 : memref<16x1024xf32, #tpu.memory_space<hbm>>) target_semaphore(%arg22 : memref<!tpu.dma_semaphore, #tpu.memory_space<semaphore_mem>>)
    %add3A_134 = arith.constant 32 : i32
    %add3A_135 = arith.addi %mul3A_2, %add3A_134 : i32
    %dma_start3A_136 = arith.constant 0 : i32
    %dma_start3A_137 = tpu.memref_slice %arg4[%add3A_135, %dma_start3A_136] : memref<8192x1024xf32, #tpu.memory_space<hbm>> -> memref<16x1024xf32, #tpu.memory_space<hbm>>
    %dma_start3A_138 = arith.constant 0 : i32
    %dma_start3A_139 = tpu.memref_slice %arg4[%add3A_135, %dma_start3A_138] : memref<8192x1024xf32, #tpu.memory_space<hbm>> -> memref<16x1024xf32, #tpu.memory_space<hbm>>
    tpu.enqueue_dma source(%dma_start3A_139 : memref<16x1024xf32, #tpu.memory_space<hbm>>) target(%arg12 : memref<16x1024xf32, #tpu.memory_space<vmem>>) target_semaphore(%arg24 : memref<!tpu.dma_semaphore, #tpu.memory_space<semaphore_mem>>)
    %dma_wait3A_140 = arith.constant 0 : i32
    %dma_wait3A_141 = arith.constant 0 : i32
    %dma_wait3A_142 = tpu.memref_slice %arg5[%dma_wait3A_140, %dma_wait3A_141] : memref<16384x1024xf32, #tpu.memory_space<hbm>> -> memref<16x1024xf32, #tpu.memory_space<hbm>>
    %dma_wait3A_143 = arith.constant 0 : i32
    %dma_wait3A_144 = arith.constant 0 : i32
    %dma_wait3A_145 = tpu.memref_slice %arg5[%dma_wait3A_143, %dma_wait3A_144] : memref<16384x1024xf32, #tpu.memory_space<hbm>> -> memref<16x1024xf32, #tpu.memory_space<hbm>>
    tpu.wait_dma2 semaphore(%arg20 : memref<!tpu.dma_semaphore, #tpu.memory_space<semaphore_mem>>) src(%arg8 : memref<16x1024xf32, #tpu.memory_space<vmem>>) dst(%dma_wait3A_145 : memref<16x1024xf32, #tpu.memory_space<hbm>>)
    %dma_start3A_146 = arith.constant 6 : i32
    %dma_start3A_147 = arith.constant 0 : i32
    %dma_start3A_148 = tpu.memref_slice %arg6[%dma_start3A_146, %dma_start3A_147] : memref<32x16xi32, #tpu.memory_space<vmem>> -> memref<1x16xi32, #tpu.memory_space<vmem>>
    %dma_start3A_149 = tpu.memref_squeeze %dma_start3A_148 : memref<1x16xi32, #tpu.memory_space<vmem>> -> memref<16xi32, #tpu.memory_space<vmem>>
    %dma_start3A_150 = arith.constant 0 : i32
    %dma_start3A_151 = arith.constant 0 : i32
    %dma_start3A_152 = tpu.memref_slice %arg3[%dma_start3A_150, %dma_start3A_151] : memref<100000x1024xf32, #tpu.memory_space<hbm>> -> memref<100000x1024xf32, #tpu.memory_space<hbm>>
    tpu.enqueue_indirect_dma source(%dma_start3A_152 : memref<100000x1024xf32, #tpu.memory_space<hbm>>) target(%arg8 : memref<16x1024xf32, #tpu.memory_space<vmem>>) offsets(%dma_start3A_149 : memref<16xi32, #tpu.memory_space<vmem>>) semaphore(%arg15 : memref<!tpu.dma_semaphore, #tpu.memory_space<semaphore_mem>>)
    %dma_wait3A_153 = arith.constant 0 : i32
    %dma_wait3A_154 = arith.constant 0 : i32
    %dma_wait3A_155 = tpu.memref_slice %arg4[%dma_wait3A_153, %dma_wait3A_154] : memref<8192x1024xf32, #tpu.memory_space<hbm>> -> memref<16x1024xf32, #tpu.memory_space<hbm>>
    %dma_wait3A_156 = arith.constant 0 : i32
    %dma_wait3A_157 = arith.constant 0 : i32
    %dma_wait3A_158 = tpu.memref_slice %arg4[%dma_wait3A_156, %dma_wait3A_157] : memref<8192x1024xf32, #tpu.memory_space<hbm>> -> memref<16x1024xf32, #tpu.memory_space<hbm>>
    tpu.wait_dma2 semaphore(%arg18 : memref<!tpu.dma_semaphore, #tpu.memory_space<semaphore_mem>>) src(%dma_wait3A_158 : memref<16x1024xf32, #tpu.memory_space<hbm>>) dst(%arg11 : memref<16x1024xf32, #tpu.memory_space<vmem>>)
    %dma_wait3A_159 = arith.constant 0 : i32
    %dma_wait3A_160 = arith.constant 0 : i32
    %dma_wait3A_161 = tpu.memref_slice %arg4[%dma_wait3A_159, %dma_wait3A_160] : memref<8192x1024xf32, #tpu.memory_space<hbm>> -> memref<16x1024xf32, #tpu.memory_space<hbm>>
    %dma_wait3A_162 = arith.constant 0 : i32
    %dma_wait3A_163 = arith.constant 0 : i32
    %dma_wait3A_164 = tpu.memref_slice %arg4[%dma_wait3A_162, %dma_wait3A_163] : memref<8192x1024xf32, #tpu.memory_space<hbm>> -> memref<16x1024xf32, #tpu.memory_space<hbm>>
    tpu.wait_dma2 semaphore(%arg25 : memref<!tpu.dma_semaphore, #tpu.memory_space<semaphore_mem>>) src(%dma_wait3A_164 : memref<16x1024xf32, #tpu.memory_space<hbm>>) dst(%arg13 : memref<16x1024xf32, #tpu.memory_space<vmem>>)
    %parallel_loop3A_165 = arith.constant 0 : i32
    %parallel_loop3A_166 = arith.constant 1024 : i32
    %parallel_loop3A_167 = arith.constant 1 : i32
    scf.for %parallel_loop3A_1056 = %parallel_loop3A_165 to %parallel_loop3A_166 step %parallel_loop3A_167  : i32 {
      %parallel_loop3A_1057 = arith.constant 6 : i32
      %parallel_loop3A_1058 = arith.shrui %parallel_loop3A_1056, %parallel_loop3A_1057 : i32
      %parallel_loop3A_1059 = arith.constant 63 : i32
      %parallel_loop3A_1060 = arith.andi %parallel_loop3A_1056, %parallel_loop3A_1059 : i32
      %parallel_loop3A_1061 = arith.constant 4 : i32
      %parallel_loop3A_1062 = arith.shli %parallel_loop3A_1060, %parallel_loop3A_1061 : i32
      %parallel_loop3A_1063 = tpu.assume_multiple %parallel_loop3A_1062, 16 : i32
      %parallel_loop3A_1064 = arith.index_cast %parallel_loop3A_1058 : i32 to index
      %parallel_loop3A_1065 = arith.index_cast %parallel_loop3A_1063 : i32 to index
      %parallel_loop3A_1066 = tpu.vector_load %arg13[%parallel_loop3A_1064, %parallel_loop3A_1065] {strides = array<i32>} : memref<16x1024xf32, #tpu.memory_space<vmem>>, vector<1x16xf32>,
      %parallel_loop3A_1067 = vector.shape_cast %parallel_loop3A_1066 : vector<1x16xf32> to vector<16xf32>
      %parallel_loop3A_1068 = arith.index_cast %parallel_loop3A_1058 : i32 to index
      %parallel_loop3A_1069 = arith.index_cast %parallel_loop3A_1063 : i32 to index
      %parallel_loop3A_1070 = tpu.vector_load %arg11[%parallel_loop3A_1068, %parallel_loop3A_1069] {strides = array<i32>} : memref<16x1024xf32, #tpu.memory_space<vmem>>, vector<1x16xf32>,
      %parallel_loop3A_1071 = vector.shape_cast %parallel_loop3A_1070 : vector<1x16xf32> to vector<16xf32>
      %parallel_loop3A_1072 = vector.shape_cast %parallel_loop3A_1067 : vector<16xf32> to vector<1x16xf32>
      tpu.vector_store %arg11[%parallel_loop3A_1068, %parallel_loop3A_1069], %parallel_loop3A_1072 {add = true, strides = array<i32>} : memref<16x1024xf32, #tpu.memory_space<vmem>>, vector<1x16xf32>,
    } {sc.loop_unroll_factor = 8 : i64, sc.parallel_access}
    %add3A_168 = arith.constant 0 : i32
    %add3A_169 = arith.addi %add3A_168, %mul3A_2 : i32
    %add3A_170 = arith.constant 16 : i32
    %add3A_171 = arith.addi %add3A_169, %add3A_170 : i32
    %dma_start3A_172 = arith.constant 0 : i32
    %dma_start3A_173 = tpu.memref_slice %arg5[%add3A_171, %dma_start3A_172] : memref<16384x1024xf32, #tpu.memory_space<hbm>> -> memref<16x1024xf32, #tpu.memory_space<hbm>>
    %dma_start3A_174 = arith.constant 0 : i32
    %dma_start3A_175 = tpu.memref_slice %arg5[%add3A_171, %dma_start3A_174] : memref<16384x1024xf32, #tpu.memory_space<hbm>> -> memref<16x1024xf32, #tpu.memory_space<hbm>>
    tpu.enqueue_dma source(%arg11 : memref<16x1024xf32, #tpu.memory_space<vmem>>) target(%dma_start3A_175 : memref<16x1024xf32, #tpu.memory_space<hbm>>) target_semaphore(%arg23 : memref<!tpu.dma_semaphore, #tpu.memory_space<semaphore_mem>>)
    %dma_wait3A_176 = arith.constant 0 : i32
    %dma_wait3A_177 = arith.constant 0 : i32
    %dma_wait3A_178 = tpu.memref_slice %arg5[%dma_wait3A_176, %dma_wait3A_177] : memref<16384x1024xf32, #tpu.memory_space<hbm>> -> memref<16x1024xf32, #tpu.memory_space<hbm>>
    %dma_wait3A_179 = arith.constant 0 : i32
    %dma_wait3A_180 = arith.constant 0 : i32
    %dma_wait3A_181 = tpu.memref_slice %arg5[%dma_wait3A_179, %dma_wait3A_180] : memref<16384x1024xf32, #tpu.memory_space<hbm>> -> memref<16x1024xf32, #tpu.memory_space<hbm>>
    tpu.wait_dma2 semaphore(%arg21 : memref<!tpu.dma_semaphore, #tpu.memory_space<semaphore_mem>>) src(%arg9 : memref<16x1024xf32, #tpu.memory_space<vmem>>) dst(%dma_wait3A_181 : memref<16x1024xf32, #tpu.memory_space<hbm>>)
    %dma_start3A_182 = arith.constant 7 : i32
    %dma_start3A_183 = arith.constant 0 : i32
    %dma_start3A_184 = tpu.memref_slice %arg6[%dma_start3A_182, %dma_start3A_183] : memref<32x16xi32, #tpu.memory_space<vmem>> -> memref<1x16xi32, #tpu.memory_space<vmem>>
    %dma_start3A_185 = tpu.memref_squeeze %dma_start3A_184 : memref<1x16xi32, #tpu.memory_space<vmem>> -> memref<16xi32, #tpu.memory_space<vmem>>
    %dma_start3A_186 = arith.constant 0 : i32
    %dma_start3A_187 = arith.constant 0 : i32
    %dma_start3A_188 = tpu.memref_slice %arg3[%dma_start3A_186, %dma_start3A_187] : memref<100000x1024xf32, #tpu.memory_space<hbm>> -> memref<100000x1024xf32, #tpu.memory_space<hbm>>
    tpu.enqueue_indirect_dma source(%dma_start3A_188 : memref<100000x1024xf32, #tpu.memory_space<hbm>>) target(%arg9 : memref<16x1024xf32, #tpu.memory_space<vmem>>) offsets(%dma_start3A_185 : memref<16xi32, #tpu.memory_space<vmem>>) semaphore(%arg16 : memref<!tpu.dma_semaphore, #tpu.memory_space<semaphore_mem>>)
    %dma_wait3A_189 = arith.constant 0 : i32
    %dma_wait3A_190 = arith.constant 0 : i32
    %dma_wait3A_191 = tpu.memref_slice %arg4[%dma_wait3A_189, %dma_wait3A_190] : memref<8192x1024xf32, #tpu.memory_space<hbm>> -> memref<16x1024xf32, #tpu.memory_space<hbm>>
    %dma_wait3A_192 = arith.constant 0 : i32
    %dma_wait3A_193 = arith.constant 0 : i32
    %dma_wait3A_194 = tpu.memref_slice %arg4[%dma_wait3A_192, %dma_wait3A_193] : memref<8192x1024xf32, #tpu.memory_space<hbm>> -> memref<16x1024xf32, #tpu.memory_space<hbm>>
    tpu.wait_dma2 semaphore(%arg14 : memref<!tpu.dma_semaphore, #tpu.memory_space<semaphore_mem>>) src(%dma_wait3A_194 : memref<16x1024xf32, #tpu.memory_space<hbm>>) dst(%arg7 : memref<16x1024xf32, #tpu.memory_space<vmem>>)
    %parallel_loop3A_195 = arith.constant 0 : i32
    %parallel_loop3A_196 = arith.constant 1024 : i32
    %parallel_loop3A_197 = arith.constant 1 : i32
    scf.for %parallel_loop3A_1056 = %parallel_loop3A_195 to %parallel_loop3A_196 step %parallel_loop3A_197  : i32 {
      %parallel_loop3A_1057 = arith.constant 6 : i32
      %parallel_loop3A_1058 = arith.shrui %parallel_loop3A_1056, %parallel_loop3A_1057 : i32
      %parallel_loop3A_1059 = arith.constant 63 : i32
      %parallel_loop3A_1060 = arith.andi %parallel_loop3A_1056, %parallel_loop3A_1059 : i32
      %parallel_loop3A_1061 = arith.constant 4 : i32
      %parallel_loop3A_1062 = arith.shli %parallel_loop3A_1060, %parallel_loop3A_1061 : i32
      %parallel_loop3A_1063 = tpu.assume_multiple %parallel_loop3A_1062, 16 : i32
      %parallel_loop3A_1064 = arith.index_cast %parallel_loop3A_1058 : i32 to index
      %parallel_loop3A_1065 = arith.index_cast %parallel_loop3A_1063 : i32 to index
      %parallel_loop3A_1066 = tpu.vector_load %arg13[%parallel_loop3A_1064, %parallel_loop3A_1065] {strides = array<i32>} : memref<16x1024xf32, #tpu.memory_space<vmem>>, vector<1x16xf32>,
      %parallel_loop3A_1067 = vector.shape_cast %parallel_loop3A_1066 : vector<1x16xf32> to vector<16xf32>
      %parallel_loop3A_1068 = arith.index_cast %parallel_loop3A_1058 : i32 to index
      %parallel_loop3A_1069 = arith.index_cast %parallel_loop3A_1063 : i32 to index
      %parallel_loop3A_1070 = tpu.vector_load %arg7[%parallel_loop3A_1068, %parallel_loop3A_1069] {strides = array<i32>} : memref<16x1024xf32, #tpu.memory_space<vmem>>, vector<1x16xf32>,
      %parallel_loop3A_1071 = vector.shape_cast %parallel_loop3A_1070 : vector<1x16xf32> to vector<16xf32>
      %parallel_loop3A_1072 = vector.shape_cast %parallel_loop3A_1067 : vector<16xf32> to vector<1x16xf32>
      tpu.vector_store %arg7[%parallel_loop3A_1068, %parallel_loop3A_1069], %parallel_loop3A_1072 {add = true, strides = array<i32>} : memref<16x1024xf32, #tpu.memory_space<vmem>>, vector<1x16xf32>,
    } {sc.loop_unroll_factor = 8 : i64, sc.parallel_access}
    %add3A_198 = arith.constant 4096 : i32
    %add3A_199 = arith.addi %add3A_198, %mul3A_2 : i32
    %add3A_200 = arith.constant 16 : i32
    %add3A_201 = arith.addi %add3A_199, %add3A_200 : i32
    %dma_start3A_202 = arith.constant 0 : i32
    %dma_start3A_203 = tpu.memref_slice %arg5[%add3A_201, %dma_start3A_202] : memref<16384x1024xf32, #tpu.memory_space<hbm>> -> memref<16x1024xf32, #tpu.memory_space<hbm>>
    %dma_start3A_204 = arith.constant 0 : i32
    %dma_start3A_205 = tpu.memref_slice %arg5[%add3A_201, %dma_start3A_204] : memref<16384x1024xf32, #tpu.memory_space<hbm>> -> memref<16x1024xf32, #tpu.memory_space<hbm>>
    tpu.enqueue_dma source(%arg7 : memref<16x1024xf32, #tpu.memory_space<vmem>>) target(%dma_start3A_205 : memref<16x1024xf32, #tpu.memory_space<hbm>>) target_semaphore(%arg19 : memref<!tpu.dma_semaphore, #tpu.memory_space<semaphore_mem>>)
    %dma_wait3A_206 = arith.constant 0 : i32
    %dma_wait3A_207 = arith.constant 0 : i32
    %dma_wait3A_208 = tpu.memref_slice %arg5[%dma_wait3A_206, %dma_wait3A_207] : memref<16384x1024xf32, #tpu.memory_space<hbm>> -> memref<16x1024xf32, #tpu.memory_space<hbm>>
    %dma_wait3A_209 = arith.constant 0 : i32
    %dma_wait3A_210 = arith.constant 0 : i32
    %dma_wait3A_211 = tpu.memref_slice %arg5[%dma_wait3A_209, %dma_wait3A_210] : memref<16384x1024xf32, #tpu.memory_space<hbm>> -> memref<16x1024xf32, #tpu.memory_space<hbm>>
    tpu.wait_dma2 semaphore(%arg22 : memref<!tpu.dma_semaphore, #tpu.memory_space<semaphore_mem>>) src(%arg10 : memref<16x1024xf32, #tpu.memory_space<vmem>>) dst(%dma_wait3A_211 : memref<16x1024xf32, #tpu.memory_space<hbm>>)
    %dma_start3A_212 = arith.constant 8 : i32
    %dma_start3A_213 = arith.constant 0 : i32
    %dma_start3A_214 = tpu.memref_slice %arg6[%dma_start3A_212, %dma_start3A_213] : memref<32x16xi32, #tpu.memory_space<vmem>> -> memref<1x16xi32, #tpu.memory_space<vmem>>
    %dma_start3A_215 = tpu.memref_squeeze %dma_start3A_214 : memref<1x16xi32, #tpu.memory_space<vmem>> -> memref<16xi32, #tpu.memory_space<vmem>>
    %dma_start3A_216 = arith.constant 0 : i32
    %dma_start3A_217 = arith.constant 0 : i32
    %dma_start3A_218 = tpu.memref_slice %arg3[%dma_start3A_216, %dma_start3A_217] : memref<100000x1024xf32, #tpu.memory_space<hbm>> -> memref<100000x1024xf32, #tpu.memory_space<hbm>>
    tpu.enqueue_indirect_dma source(%dma_start3A_218 : memref<100000x1024xf32, #tpu.memory_space<hbm>>) target(%arg10 : memref<16x1024xf32, #tpu.memory_space<vmem>>) offsets(%dma_start3A_215 : memref<16xi32, #tpu.memory_space<vmem>>) semaphore(%arg17 : memref<!tpu.dma_semaphore, #tpu.memory_space<semaphore_mem>>)
    %dma_wait3A_219 = arith.constant 0 : i32
    %dma_wait3A_220 = arith.constant 0 : i32
    %dma_wait3A_221 = tpu.memref_slice %arg4[%dma_wait3A_219, %dma_wait3A_220] : memref<8192x1024xf32, #tpu.memory_space<hbm>> -> memref<16x1024xf32, #tpu.memory_space<hbm>>
    %dma_wait3A_222 = arith.constant 0 : i32
    %dma_wait3A_223 = arith.constant 0 : i32
    %dma_wait3A_224 = tpu.memref_slice %arg4[%dma_wait3A_222, %dma_wait3A_223] : memref<8192x1024xf32, #tpu.memory_space<hbm>> -> memref<16x1024xf32, #tpu.memory_space<hbm>>
    tpu.wait_dma2 semaphore(%arg15 : memref<!tpu.dma_semaphore, #tpu.memory_space<semaphore_mem>>) src(%dma_wait3A_224 : memref<16x1024xf32, #tpu.memory_space<hbm>>) dst(%arg8 : memref<16x1024xf32, #tpu.memory_space<vmem>>)
    %parallel_loop3A_225 = arith.constant 0 : i32
    %parallel_loop3A_226 = arith.constant 1024 : i32
    %parallel_loop3A_227 = arith.constant 1 : i32
    scf.for %parallel_loop3A_1056 = %parallel_loop3A_225 to %parallel_loop3A_226 step %parallel_loop3A_227  : i32 {
      %parallel_loop3A_1057 = arith.constant 6 : i32
      %parallel_loop3A_1058 = arith.shrui %parallel_loop3A_1056, %parallel_loop3A_1057 : i32
      %parallel_loop3A_1059 = arith.constant 63 : i32
      %parallel_loop3A_1060 = arith.andi %parallel_loop3A_1056, %parallel_loop3A_1059 : i32
      %parallel_loop3A_1061 = arith.constant 4 : i32
      %parallel_loop3A_1062 = arith.shli %parallel_loop3A_1060, %parallel_loop3A_1061 : i32
      %parallel_loop3A_1063 = tpu.assume_multiple %parallel_loop3A_1062, 16 : i32
      %parallel_loop3A_1064 = arith.index_cast %parallel_loop3A_1058 : i32 to index
      %parallel_loop3A_1065 = arith.index_cast %parallel_loop3A_1063 : i32 to index
      %parallel_loop3A_1066 = tpu.vector_load %arg13[%parallel_loop3A_1064, %parallel_loop3A_1065] {strides = array<i32>} : memref<16x1024xf32, #tpu.memory_space<vmem>>, vector<1x16xf32>,
      %parallel_loop3A_1067 = vector.shape_cast %parallel_loop3A_1066 : vector<1x16xf32> to vector<16xf32>
      %parallel_loop3A_1068 = arith.index_cast %parallel_loop3A_1058 : i32 to index
      %parallel_loop3A_1069 = arith.index_cast %parallel_loop3A_1063 : i32 to index
      %parallel_loop3A_1070 = tpu.vector_load %arg8[%parallel_loop3A_1068, %parallel_loop3A_1069] {strides = array<i32>} : memref<16x1024xf32, #tpu.memory_space<vmem>>, vector<1x16xf32>,
      %parallel_loop3A_1071 = vector.shape_cast %parallel_loop3A_1070 : vector<1x16xf32> to vector<16xf32>
      %parallel_loop3A_1072 = vector.shape_cast %parallel_loop3A_1067 : vector<16xf32> to vector<1x16xf32>
      tpu.vector_store %arg8[%parallel_loop3A_1068, %parallel_loop3A_1069], %parallel_loop3A_1072 {add = true, strides = array<i32>} : memref<16x1024xf32, #tpu.memory_space<vmem>>, vector<1x16xf32>,
    } {sc.loop_unroll_factor = 8 : i64, sc.parallel_access}
    %add3A_228 = arith.constant 8192 : i32
    %add3A_229 = arith.addi %add3A_228, %mul3A_2 : i32
    %add3A_230 = arith.constant 16 : i32
    %add3A_231 = arith.addi %add3A_229, %add3A_230 : i32
    %dma_start3A_232 = arith.constant 0 : i32
    %dma_start3A_233 = tpu.memref_slice %arg5[%add3A_231, %dma_start3A_232] : memref<16384x1024xf32, #tpu.memory_space<hbm>> -> memref<16x1024xf32, #tpu.memory_space<hbm>>
    %dma_start3A_234 = arith.constant 0 : i32
    %dma_start3A_235 = tpu.memref_slice %arg5[%add3A_231, %dma_start3A_234] : memref<16384x1024xf32, #tpu.memory_space<hbm>> -> memref<16x1024xf32, #tpu.memory_space<hbm>>
    tpu.enqueue_dma source(%arg8 : memref<16x1024xf32, #tpu.memory_space<vmem>>) target(%dma_start3A_235 : memref<16x1024xf32, #tpu.memory_space<hbm>>) target_semaphore(%arg20 : memref<!tpu.dma_semaphore, #tpu.memory_space<semaphore_mem>>)
    %dma_wait3A_236 = arith.constant 0 : i32
    %dma_wait3A_237 = arith.constant 0 : i32
    %dma_wait3A_238 = tpu.memref_slice %arg5[%dma_wait3A_236, %dma_wait3A_237] : memref<16384x1024xf32, #tpu.memory_space<hbm>> -> memref<16x1024xf32, #tpu.memory_space<hbm>>
    %dma_wait3A_239 = arith.constant 0 : i32
    %dma_wait3A_240 = arith.constant 0 : i32
    %dma_wait3A_241 = tpu.memref_slice %arg5[%dma_wait3A_239, %dma_wait3A_240] : memref<16384x1024xf32, #tpu.memory_space<hbm>> -> memref<16x1024xf32, #tpu.memory_space<hbm>>
    tpu.wait_dma2 semaphore(%arg23 : memref<!tpu.dma_semaphore, #tpu.memory_space<semaphore_mem>>) src(%arg11 : memref<16x1024xf32, #tpu.memory_space<vmem>>) dst(%dma_wait3A_241 : memref<16x1024xf32, #tpu.memory_space<hbm>>)
    %dma_start3A_242 = arith.constant 9 : i32
    %dma_start3A_243 = arith.constant 0 : i32
    %dma_start3A_244 = tpu.memref_slice %arg6[%dma_start3A_242, %dma_start3A_243] : memref<32x16xi32, #tpu.memory_space<vmem>> -> memref<1x16xi32, #tpu.memory_space<vmem>>
    %dma_start3A_245 = tpu.memref_squeeze %dma_start3A_244 : memref<1x16xi32, #tpu.memory_space<vmem>> -> memref<16xi32, #tpu.memory_space<vmem>>
    %dma_start3A_246 = arith.constant 0 : i32
    %dma_start3A_247 = arith.constant 0 : i32
    %dma_start3A_248 = tpu.memref_slice %arg3[%dma_start3A_246, %dma_start3A_247] : memref<100000x1024xf32, #tpu.memory_space<hbm>> -> memref<100000x1024xf32, #tpu.memory_space<hbm>>
    tpu.enqueue_indirect_dma source(%dma_start3A_248 : memref<100000x1024xf32, #tpu.memory_space<hbm>>) target(%arg11 : memref<16x1024xf32, #tpu.memory_space<vmem>>) offsets(%dma_start3A_245 : memref<16xi32, #tpu.memory_space<vmem>>) semaphore(%arg18 : memref<!tpu.dma_semaphore, #tpu.memory_space<semaphore_mem>>)
    %dma_wait3A_249 = arith.constant 0 : i32
    %dma_wait3A_250 = arith.constant 0 : i32
    %dma_wait3A_251 = tpu.memref_slice %arg4[%dma_wait3A_249, %dma_wait3A_250] : memref<8192x1024xf32, #tpu.memory_space<hbm>> -> memref<16x1024xf32, #tpu.memory_space<hbm>>
    %dma_wait3A_252 = arith.constant 0 : i32
    %dma_wait3A_253 = arith.constant 0 : i32
    %dma_wait3A_254 = tpu.memref_slice %arg4[%dma_wait3A_252, %dma_wait3A_253] : memref<8192x1024xf32, #tpu.memory_space<hbm>> -> memref<16x1024xf32, #tpu.memory_space<hbm>>
    tpu.wait_dma2 semaphore(%arg16 : memref<!tpu.dma_semaphore, #tpu.memory_space<semaphore_mem>>) src(%dma_wait3A_254 : memref<16x1024xf32, #tpu.memory_space<hbm>>) dst(%arg9 : memref<16x1024xf32, #tpu.memory_space<vmem>>)
    %parallel_loop3A_255 = arith.constant 0 : i32
    %parallel_loop3A_256 = arith.constant 1024 : i32
    %parallel_loop3A_257 = arith.constant 1 : i32
    scf.for %parallel_loop3A_1056 = %parallel_loop3A_255 to %parallel_loop3A_256 step %parallel_loop3A_257  : i32 {
      %parallel_loop3A_1057 = arith.constant 6 : i32
      %parallel_loop3A_1058 = arith.shrui %parallel_loop3A_1056, %parallel_loop3A_1057 : i32
      %parallel_loop3A_1059 = arith.constant 63 : i32
      %parallel_loop3A_1060 = arith.andi %parallel_loop3A_1056, %parallel_loop3A_1059 : i32
      %parallel_loop3A_1061 = arith.constant 4 : i32
      %parallel_loop3A_1062 = arith.shli %parallel_loop3A_1060, %parallel_loop3A_1061 : i32
      %parallel_loop3A_1063 = tpu.assume_multiple %parallel_loop3A_1062, 16 : i32
      %parallel_loop3A_1064 = arith.index_cast %parallel_loop3A_1058 : i32 to index
      %parallel_loop3A_1065 = arith.index_cast %parallel_loop3A_1063 : i32 to index
      %parallel_loop3A_1066 = tpu.vector_load %arg13[%parallel_loop3A_1064, %parallel_loop3A_1065] {strides = array<i32>} : memref<16x1024xf32, #tpu.memory_space<vmem>>, vector<1x16xf32>,
      %parallel_loop3A_1067 = vector.shape_cast %parallel_loop3A_1066 : vector<1x16xf32> to vector<16xf32>
      %parallel_loop3A_1068 = arith.index_cast %parallel_loop3A_1058 : i32 to index
      %parallel_loop3A_1069 = arith.index_cast %parallel_loop3A_1063 : i32 to index
      %parallel_loop3A_1070 = tpu.vector_load %arg9[%parallel_loop3A_1068, %parallel_loop3A_1069] {strides = array<i32>} : memref<16x1024xf32, #tpu.memory_space<vmem>>, vector<1x16xf32>,
      %parallel_loop3A_1071 = vector.shape_cast %parallel_loop3A_1070 : vector<1x16xf32> to vector<16xf32>
      %parallel_loop3A_1072 = vector.shape_cast %parallel_loop3A_1067 : vector<16xf32> to vector<1x16xf32>
      tpu.vector_store %arg9[%parallel_loop3A_1068, %parallel_loop3A_1069], %parallel_loop3A_1072 {add = true, strides = array<i32>} : memref<16x1024xf32, #tpu.memory_space<vmem>>, vector<1x16xf32>,
    } {sc.loop_unroll_factor = 8 : i64, sc.parallel_access}
    %add3A_258 = arith.constant 12288 : i32
    %add3A_259 = arith.addi %add3A_258, %mul3A_2 : i32
    %add3A_260 = arith.constant 16 : i32
    %add3A_261 = arith.addi %add3A_259, %add3A_260 : i32
    %dma_start3A_262 = arith.constant 0 : i32
    %dma_start3A_263 = tpu.memref_slice %arg5[%add3A_261, %dma_start3A_262] : memref<16384x1024xf32, #tpu.memory_space<hbm>> -> memref<16x1024xf32, #tpu.memory_space<hbm>>
    %dma_start3A_264 = arith.constant 0 : i32
    %dma_start3A_265 = tpu.memref_slice %arg5[%add3A_261, %dma_start3A_264] : memref<16384x1024xf32, #tpu.memory_space<hbm>> -> memref<16x1024xf32, #tpu.memory_space<hbm>>
    tpu.enqueue_dma source(%arg9 : memref<16x1024xf32, #tpu.memory_space<vmem>>) target(%dma_start3A_265 : memref<16x1024xf32, #tpu.memory_space<hbm>>) target_semaphore(%arg21 : memref<!tpu.dma_semaphore, #tpu.memory_space<semaphore_mem>>)
    %add3A_266 = arith.constant 48 : i32
    %add3A_267 = arith.addi %mul3A_2, %add3A_266 : i32
    %dma_start3A_268 = arith.constant 0 : i32
    %dma_start3A_269 = tpu.memref_slice %arg4[%add3A_267, %dma_start3A_268] : memref<8192x1024xf32, #tpu.memory_space<hbm>> -> memref<16x1024xf32, #tpu.memory_space<hbm>>
    %dma_start3A_270 = arith.constant 0 : i32
    %dma_start3A_271 = tpu.memref_slice %arg4[%add3A_267, %dma_start3A_270] : memref<8192x1024xf32, #tpu.memory_space<hbm>> -> memref<16x1024xf32, #tpu.memory_space<hbm>>
    tpu.enqueue_dma source(%dma_start3A_271 : memref<16x1024xf32, #tpu.memory_space<hbm>>) target(%arg13 : memref<16x1024xf32, #tpu.memory_space<vmem>>) target_semaphore(%arg25 : memref<!tpu.dma_semaphore, #tpu.memory_space<semaphore_mem>>)
    %dma_wait3A_272 = arith.constant 0 : i32
    %dma_wait3A_273 = arith.constant 0 : i32
    %dma_wait3A_274 = tpu.memref_slice %arg5[%dma_wait3A_272, %dma_wait3A_273] : memref<16384x1024xf32, #tpu.memory_space<hbm>> -> memref<16x1024xf32, #tpu.memory_space<hbm>>
    %dma_wait3A_275 = arith.constant 0 : i32
    %dma_wait3A_276 = arith.constant 0 : i32
    %dma_wait3A_277 = tpu.memref_slice %arg5[%dma_wait3A_275, %dma_wait3A_276] : memref<16384x1024xf32, #tpu.memory_space<hbm>> -> memref<16x1024xf32, #tpu.memory_space<hbm>>
    tpu.wait_dma2 semaphore(%arg19 : memref<!tpu.dma_semaphore, #tpu.memory_space<semaphore_mem>>) src(%arg7 : memref<16x1024xf32, #tpu.memory_space<vmem>>) dst(%dma_wait3A_277 : memref<16x1024xf32, #tpu.memory_space<hbm>>)
    %dma_start3A_278 = arith.constant 10 : i32
    %dma_start3A_279 = arith.constant 0 : i32
    %dma_start3A_280 = tpu.memref_slice %arg6[%dma_start3A_278, %dma_start3A_279] : memref<32x16xi32, #tpu.memory_space<vmem>> -> memref<1x16xi32, #tpu.memory_space<vmem>>
    %dma_start3A_281 = tpu.memref_squeeze %dma_start3A_280 : memref<1x16xi32, #tpu.memory_space<vmem>> -> memref<16xi32, #tpu.memory_space<vmem>>
    %dma_start3A_282 = arith.constant 0 : i32
    %dma_start3A_283 = arith.constant 0 : i32
    %dma_start3A_284 = tpu.memref_slice %arg3[%dma_start3A_282, %dma_start3A_283] : memref<100000x1024xf32, #tpu.memory_space<hbm>> -> memref<100000x1024xf32, #tpu.memory_space<hbm>>
    tpu.enqueue_indirect_dma source(%dma_start3A_284 : memref<100000x1024xf32, #tpu.memory_space<hbm>>) target(%arg7 : memref<16x1024xf32, #tpu.memory_space<vmem>>) offsets(%dma_start3A_281 : memref<16xi32, #tpu.memory_space<vmem>>) semaphore(%arg14 : memref<!tpu.dma_semaphore, #tpu.memory_space<semaphore_mem>>)
    %dma_wait3A_285 = arith.constant 0 : i32
    %dma_wait3A_286 = arith.constant 0 : i32
    %dma_wait3A_287 = tpu.memref_slice %arg4[%dma_wait3A_285, %dma_wait3A_286] : memref<8192x1024xf32, #tpu.memory_space<hbm>> -> memref<16x1024xf32, #tpu.memory_space<hbm>>
    %dma_wait3A_288 = arith.constant 0 : i32
    %dma_wait3A_289 = arith.constant 0 : i32
    %dma_wait3A_290 = tpu.memref_slice %arg4[%dma_wait3A_288, %dma_wait3A_289] : memref<8192x1024xf32, #tpu.memory_space<hbm>> -> memref<16x1024xf32, #tpu.memory_space<hbm>>
    tpu.wait_dma2 semaphore(%arg17 : memref<!tpu.dma_semaphore, #tpu.memory_space<semaphore_mem>>) src(%dma_wait3A_290 : memref<16x1024xf32, #tpu.memory_space<hbm>>) dst(%arg10 : memref<16x1024xf32, #tpu.memory_space<vmem>>)
    %dma_wait3A_291 = arith.constant 0 : i32
    %dma_wait3A_292 = arith.constant 0 : i32
    %dma_wait3A_293 = tpu.memref_slice %arg4[%dma_wait3A_291, %dma_wait3A_292] : memref<8192x1024xf32, #tpu.memory_space<hbm>> -> memref<16x1024xf32, #tpu.memory_space<hbm>>
    %dma_wait3A_294 = arith.constant 0 : i32
    %dma_wait3A_295 = arith.constant 0 : i32
    %dma_wait3A_296 = tpu.memref_slice %arg4[%dma_wait3A_294, %dma_wait3A_295] : memref<8192x1024xf32, #tpu.memory_space<hbm>> -> memref<16x1024xf32, #tpu.memory_space<hbm>>
    tpu.wait_dma2 semaphore(%arg24 : memref<!tpu.dma_semaphore, #tpu.memory_space<semaphore_mem>>) src(%dma_wait3A_296 : memref<16x1024xf32, #tpu.memory_space<hbm>>) dst(%arg12 : memref<16x1024xf32, #tpu.memory_space<vmem>>)
    %parallel_loop3A_297 = arith.constant 0 : i32
    %parallel_loop3A_298 = arith.constant 1024 : i32
    %parallel_loop3A_299 = arith.constant 1 : i32
    scf.for %parallel_loop3A_1056 = %parallel_loop3A_297 to %parallel_loop3A_298 step %parallel_loop3A_299  : i32 {
      %parallel_loop3A_1057 = arith.constant 6 : i32
      %parallel_loop3A_1058 = arith.shrui %parallel_loop3A_1056, %parallel_loop3A_1057 : i32
      %parallel_loop3A_1059 = arith.constant 63 : i32
      %parallel_loop3A_1060 = arith.andi %parallel_loop3A_1056, %parallel_loop3A_1059 : i32
      %parallel_loop3A_1061 = arith.constant 4 : i32
      %parallel_loop3A_1062 = arith.shli %parallel_loop3A_1060, %parallel_loop3A_1061 : i32
      %parallel_loop3A_1063 = tpu.assume_multiple %parallel_loop3A_1062, 16 : i32
      %parallel_loop3A_1064 = arith.index_cast %parallel_loop3A_1058 : i32 to index
      %parallel_loop3A_1065 = arith.index_cast %parallel_loop3A_1063 : i32 to index
      %parallel_loop3A_1066 = tpu.vector_load %arg12[%parallel_loop3A_1064, %parallel_loop3A_1065] {strides = array<i32>} : memref<16x1024xf32, #tpu.memory_space<vmem>>, vector<1x16xf32>,
      %parallel_loop3A_1067 = vector.shape_cast %parallel_loop3A_1066 : vector<1x16xf32> to vector<16xf32>
      %parallel_loop3A_1068 = arith.index_cast %parallel_loop3A_1058 : i32 to index
      %parallel_loop3A_1069 = arith.index_cast %parallel_loop3A_1063 : i32 to index
      %parallel_loop3A_1070 = tpu.vector_load %arg10[%parallel_loop3A_1068, %parallel_loop3A_1069] {strides = array<i32>} : memref<16x1024xf32, #tpu.memory_space<vmem>>, vector<1x16xf32>,
      %parallel_loop3A_1071 = vector.shape_cast %parallel_loop3A_1070 : vector<1x16xf32> to vector<16xf32>
      %parallel_loop3A_1072 = vector.shape_cast %parallel_loop3A_1067 : vector<16xf32> to vector<1x16xf32>
      tpu.vector_store %arg10[%parallel_loop3A_1068, %parallel_loop3A_1069], %parallel_loop3A_1072 {add = true, strides = array<i32>} : memref<16x1024xf32, #tpu.memory_space<vmem>>, vector<1x16xf32>,
    } {sc.loop_unroll_factor = 8 : i64, sc.parallel_access}
    %add3A_300 = arith.constant 0 : i32
    %add3A_301 = arith.addi %add3A_300, %mul3A_2 : i32
    %add3A_302 = arith.constant 32 : i32
    %add3A_303 = arith.addi %add3A_301, %add3A_302 : i32
    %dma_start3A_304 = arith.constant 0 : i32
    %dma_start3A_305 = tpu.memref_slice %arg5[%add3A_303, %dma_start3A_304] : memref<16384x1024xf32, #tpu.memory_space<hbm>> -> memref<16x1024xf32, #tpu.memory_space<hbm>>
    %dma_start3A_306 = arith.constant 0 : i32
    %dma_start3A_307 = tpu.memref_slice %arg5[%add3A_303, %dma_start3A_306] : memref<16384x1024xf32, #tpu.memory_space<hbm>> -> memref<16x1024xf32, #tpu.memory_space<hbm>>
    tpu.enqueue_dma source(%arg10 : memref<16x1024xf32, #tpu.memory_space<vmem>>) target(%dma_start3A_307 : memref<16x1024xf32, #tpu.memory_space<hbm>>) target_semaphore(%arg22 : memref<!tpu.dma_semaphore, #tpu.memory_space<semaphore_mem>>)
    %dma_wait3A_308 = arith.constant 0 : i32
    %dma_wait3A_309 = arith.constant 0 : i32
    %dma_wait3A_310 = tpu.memref_slice %arg5[%dma_wait3A_308, %dma_wait3A_309] : memref<16384x1024xf32, #tpu.memory_space<hbm>> -> memref<16x1024xf32, #tpu.memory_space<hbm>>
    %dma_wait3A_311 = arith.constant 0 : i32
    %dma_wait3A_312 = arith.constant 0 : i32
    %dma_wait3A_313 = tpu.memref_slice %arg5[%dma_wait3A_311, %dma_wait3A_312] : memref<16384x1024xf32, #tpu.memory_space<hbm>> -> memref<16x1024xf32, #tpu.memory_space<hbm>>
    tpu.wait_dma2 semaphore(%arg20 : memref<!tpu.dma_semaphore, #tpu.memory_space<semaphore_mem>>) src(%arg8 : memref<16x1024xf32, #tpu.memory_space<vmem>>) dst(%dma_wait3A_313 : memref<16x1024xf32, #tpu.memory_space<hbm>>)
    %dma_start3A_314 = arith.constant 11 : i32
    %dma_start3A_315 = arith.constant 0 : i32
    %dma_start3A_316 = tpu.memref_slice %arg6[%dma_start3A_314, %dma_start3A_315] : memref<32x16xi32, #tpu.memory_space<vmem>> -> memref<1x16xi32, #tpu.memory_space<vmem>>
    %dma_start3A_317 = tpu.memref_squeeze %dma_start3A_316 : memref<1x16xi32, #tpu.memory_space<vmem>> -> memref<16xi32, #tpu.memory_space<vmem>>
    %dma_start3A_318 = arith.constant 0 : i32
    %dma_start3A_319 = arith.constant 0 : i32
    %dma_start3A_320 = tpu.memref_slice %arg3[%dma_start3A_318, %dma_start3A_319] : memref<100000x1024xf32, #tpu.memory_space<hbm>> -> memref<100000x1024xf32, #tpu.memory_space<hbm>>
    tpu.enqueue_indirect_dma source(%dma_start3A_320 : memref<100000x1024xf32, #tpu.memory_space<hbm>>) target(%arg8 : memref<16x1024xf32, #tpu.memory_space<vmem>>) offsets(%dma_start3A_317 : memref<16xi32, #tpu.memory_space<vmem>>) semaphore(%arg15 : memref<!tpu.dma_semaphore, #tpu.memory_space<semaphore_mem>>)
    %dma_wait3A_321 = arith.constant 0 : i32
    %dma_wait3A_322 = arith.constant 0 : i32
    %dma_wait3A_323 = tpu.memref_slice %arg4[%dma_wait3A_321, %dma_wait3A_322] : memref<8192x1024xf32, #tpu.memory_space<hbm>> -> memref<16x1024xf32, #tpu.memory_space<hbm>>
    %dma_wait3A_324 = arith.constant 0 : i32
    %dma_wait3A_325 = arith.constant 0 : i32
    %dma_wait3A_326 = tpu.memref_slice %arg4[%dma_wait3A_324, %dma_wait3A_325] : memref<8192x1024xf32, #tpu.memory_space<hbm>> -> memref<16x1024xf32, #tpu.memory_space<hbm>>
    tpu.wait_dma2 semaphore(%arg18 : memref<!tpu.dma_semaphore, #tpu.memory_space<semaphore_mem>>) src(%dma_wait3A_326 : memref<16x1024xf32, #tpu.memory_space<hbm>>) dst(%arg11 : memref<16x1024xf32, #tpu.memory_space<vmem>>)
    %parallel_loop3A_327 = arith.constant 0 : i32
    %parallel_loop3A_328 = arith.constant 1024 : i32
    %parallel_loop3A_329 = arith.constant 1 : i32
    scf.for %parallel_loop3A_1056 = %parallel_loop3A_327 to %parallel_loop3A_328 step %parallel_loop3A_329  : i32 {
      %parallel_loop3A_1057 = arith.constant 6 : i32
      %parallel_loop3A_1058 = arith.shrui %parallel_loop3A_1056, %parallel_loop3A_1057 : i32
      %parallel_loop3A_1059 = arith.constant 63 : i32
      %parallel_loop3A_1060 = arith.andi %parallel_loop3A_1056, %parallel_loop3A_1059 : i32
      %parallel_loop3A_1061 = arith.constant 4 : i32
      %parallel_loop3A_1062 = arith.shli %parallel_loop3A_1060, %parallel_loop3A_1061 : i32
      %parallel_loop3A_1063 = tpu.assume_multiple %parallel_loop3A_1062, 16 : i32
      %parallel_loop3A_1064 = arith.index_cast %parallel_loop3A_1058 : i32 to index
      %parallel_loop3A_1065 = arith.index_cast %parallel_loop3A_1063 : i32 to index
      %parallel_loop3A_1066 = tpu.vector_load %arg12[%parallel_loop3A_1064, %parallel_loop3A_1065] {strides = array<i32>} : memref<16x1024xf32, #tpu.memory_space<vmem>>, vector<1x16xf32>,
      %parallel_loop3A_1067 = vector.shape_cast %parallel_loop3A_1066 : vector<1x16xf32> to vector<16xf32>
      %parallel_loop3A_1068 = arith.index_cast %parallel_loop3A_1058 : i32 to index
      %parallel_loop3A_1069 = arith.index_cast %parallel_loop3A_1063 : i32 to index
      %parallel_loop3A_1070 = tpu.vector_load %arg11[%parallel_loop3A_1068, %parallel_loop3A_1069] {strides = array<i32>} : memref<16x1024xf32, #tpu.memory_space<vmem>>, vector<1x16xf32>,
      %parallel_loop3A_1071 = vector.shape_cast %parallel_loop3A_1070 : vector<1x16xf32> to vector<16xf32>
      %parallel_loop3A_1072 = vector.shape_cast %parallel_loop3A_1067 : vector<16xf32> to vector<1x16xf32>
      tpu.vector_store %arg11[%parallel_loop3A_1068, %parallel_loop3A_1069], %parallel_loop3A_1072 {add = true, strides = array<i32>} : memref<16x1024xf32, #tpu.memory_space<vmem>>, vector<1x16xf32>,
    } {sc.loop_unroll_factor = 8 : i64, sc.parallel_access}
    %add3A_330 = arith.constant 4096 : i32
    %add3A_331 = arith.addi %add3A_330, %mul3A_2 : i32
    %add3A_332 = arith.constant 32 : i32
    %add3A_333 = arith.addi %add3A_331, %add3A_332 : i32
    %dma_start3A_334 = arith.constant 0 : i32
    %dma_start3A_335 = tpu.memref_slice %arg5[%add3A_333, %dma_start3A_334] : memref<16384x1024xf32, #tpu.memory_space<hbm>> -> memref<16x1024xf32, #tpu.memory_space<hbm>>
    %dma_start3A_336 = arith.constant 0 : i32
    %dma_start3A_337 = tpu.memref_slice %arg5[%add3A_333, %dma_start3A_336] : memref<16384x1024xf32, #tpu.memory_space<hbm>> -> memref<16x1024xf32, #tpu.memory_space<hbm>>
    tpu.enqueue_dma source(%arg11 : memref<16x1024xf32, #tpu.memory_space<vmem>>) target(%dma_start3A_337 : memref<16x1024xf32, #tpu.memory_space<hbm>>) target_semaphore(%arg23 : memref<!tpu.dma_semaphore, #tpu.memory_space<semaphore_mem>>)
    %dma_wait3A_338 = arith.constant 0 : i32
    %dma_wait3A_339 = arith.constant 0 : i32
    %dma_wait3A_340 = tpu.memref_slice %arg5[%dma_wait3A_338, %dma_wait3A_339] : memref<16384x1024xf32, #tpu.memory_space<hbm>> -> memref<16x1024xf32, #tpu.memory_space<hbm>>
    %dma_wait3A_341 = arith.constant 0 : i32
    %dma_wait3A_342 = arith.constant 0 : i32
    %dma_wait3A_343 = tpu.memref_slice %arg5[%dma_wait3A_341, %dma_wait3A_342] : memref<16384x1024xf32, #tpu.memory_space<hbm>> -> memref<16x1024xf32, #tpu.memory_space<hbm>>
    tpu.wait_dma2 semaphore(%arg21 : memref<!tpu.dma_semaphore, #tpu.memory_space<semaphore_mem>>) src(%arg9 : memref<16x1024xf32, #tpu.memory_space<vmem>>) dst(%dma_wait3A_343 : memref<16x1024xf32, #tpu.memory_space<hbm>>)
    %dma_start3A_344 = arith.constant 12 : i32
    %dma_start3A_345 = arith.constant 0 : i32
    %dma_start3A_346 = tpu.memref_slice %arg6[%dma_start3A_344, %dma_start3A_345] : memref<32x16xi32, #tpu.memory_space<vmem>> -> memref<1x16xi32, #tpu.memory_space<vmem>>
    %dma_start3A_347 = tpu.memref_squeeze %dma_start3A_346 : memref<1x16xi32, #tpu.memory_space<vmem>> -> memref<16xi32, #tpu.memory_space<vmem>>
    %dma_start3A_348 = arith.constant 0 : i32
    %dma_start3A_349 = arith.constant 0 : i32
    %dma_start3A_350 = tpu.memref_slice %arg3[%dma_start3A_348, %dma_start3A_349] : memref<100000x1024xf32, #tpu.memory_space<hbm>> -> memref<100000x1024xf32, #tpu.memory_space<hbm>>
    tpu.enqueue_indirect_dma source(%dma_start3A_350 : memref<100000x1024xf32, #tpu.memory_space<hbm>>) target(%arg9 : memref<16x1024xf32, #tpu.memory_space<vmem>>) offsets(%dma_start3A_347 : memref<16xi32, #tpu.memory_space<vmem>>) semaphore(%arg16 : memref<!tpu.dma_semaphore, #tpu.memory_space<semaphore_mem>>)
    %dma_wait3A_351 = arith.constant 0 : i32
    %dma_wait3A_352 = arith.constant 0 : i32
    %dma_wait3A_353 = tpu.memref_slice %arg4[%dma_wait3A_351, %dma_wait3A_352] : memref<8192x1024xf32, #tpu.memory_space<hbm>> -> memref<16x1024xf32, #tpu.memory_space<hbm>>
    %dma_wait3A_354 = arith.constant 0 : i32
    %dma_wait3A_355 = arith.constant 0 : i32
    %dma_wait3A_356 = tpu.memref_slice %arg4[%dma_wait3A_354, %dma_wait3A_355] : memref<8192x1024xf32, #tpu.memory_space<hbm>> -> memref<16x1024xf32, #tpu.memory_space<hbm>>
    tpu.wait_dma2 semaphore(%arg14 : memref<!tpu.dma_semaphore, #tpu.memory_space<semaphore_mem>>) src(%dma_wait3A_356 : memref<16x1024xf32, #tpu.memory_space<hbm>>) dst(%arg7 : memref<16x1024xf32, #tpu.memory_space<vmem>>)
    %parallel_loop3A_357 = arith.constant 0 : i32
    %parallel_loop3A_358 = arith.constant 1024 : i32
    %parallel_loop3A_359 = arith.constant 1 : i32
    scf.for %parallel_loop3A_1056 = %parallel_loop3A_357 to %parallel_loop3A_358 step %parallel_loop3A_359  : i32 {
      %parallel_loop3A_1057 = arith.constant 6 : i32
      %parallel_loop3A_1058 = arith.shrui %parallel_loop3A_1056, %parallel_loop3A_1057 : i32
      %parallel_loop3A_1059 = arith.constant 63 : i32
      %parallel_loop3A_1060 = arith.andi %parallel_loop3A_1056, %parallel_loop3A_1059 : i32
      %parallel_loop3A_1061 = arith.constant 4 : i32
      %parallel_loop3A_1062 = arith.shli %parallel_loop3A_1060, %parallel_loop3A_1061 : i32
      %parallel_loop3A_1063 = tpu.assume_multiple %parallel_loop3A_1062, 16 : i32
      %parallel_loop3A_1064 = arith.index_cast %parallel_loop3A_1058 : i32 to index
      %parallel_loop3A_1065 = arith.index_cast %parallel_loop3A_1063 : i32 to index
      %parallel_loop3A_1066 = tpu.vector_load %arg12[%parallel_loop3A_1064, %parallel_loop3A_1065] {strides = array<i32>} : memref<16x1024xf32, #tpu.memory_space<vmem>>, vector<1x16xf32>,
      %parallel_loop3A_1067 = vector.shape_cast %parallel_loop3A_1066 : vector<1x16xf32> to vector<16xf32>
      %parallel_loop3A_1068 = arith.index_cast %parallel_loop3A_1058 : i32 to index
      %parallel_loop3A_1069 = arith.index_cast %parallel_loop3A_1063 : i32 to index
      %parallel_loop3A_1070 = tpu.vector_load %arg7[%parallel_loop3A_1068, %parallel_loop3A_1069] {strides = array<i32>} : memref<16x1024xf32, #tpu.memory_space<vmem>>, vector<1x16xf32>,
      %parallel_loop3A_1071 = vector.shape_cast %parallel_loop3A_1070 : vector<1x16xf32> to vector<16xf32>
      %parallel_loop3A_1072 = vector.shape_cast %parallel_loop3A_1067 : vector<16xf32> to vector<1x16xf32>
      tpu.vector_store %arg7[%parallel_loop3A_1068, %parallel_loop3A_1069], %parallel_loop3A_1072 {add = true, strides = array<i32>} : memref<16x1024xf32, #tpu.memory_space<vmem>>, vector<1x16xf32>,
    } {sc.loop_unroll_factor = 8 : i64, sc.parallel_access}
    %add3A_360 = arith.constant 8192 : i32
    %add3A_361 = arith.addi %add3A_360, %mul3A_2 : i32
    %add3A_362 = arith.constant 32 : i32
    %add3A_363 = arith.addi %add3A_361, %add3A_362 : i32
    %dma_start3A_364 = arith.constant 0 : i32
    %dma_start3A_365 = tpu.memref_slice %arg5[%add3A_363, %dma_start3A_364] : memref<16384x1024xf32, #tpu.memory_space<hbm>> -> memref<16x1024xf32, #tpu.memory_space<hbm>>
    %dma_start3A_366 = arith.constant 0 : i32
    %dma_start3A_367 = tpu.memref_slice %arg5[%add3A_363, %dma_start3A_366] : memref<16384x1024xf32, #tpu.memory_space<hbm>> -> memref<16x1024xf32, #tpu.memory_space<hbm>>
    tpu.enqueue_dma source(%arg7 : memref<16x1024xf32, #tpu.memory_space<vmem>>) target(%dma_start3A_367 : memref<16x1024xf32, #tpu.memory_space<hbm>>) target_semaphore(%arg19 : memref<!tpu.dma_semaphore, #tpu.memory_space<semaphore_mem>>)
    %dma_wait3A_368 = arith.constant 0 : i32
    %dma_wait3A_369 = arith.constant 0 : i32
    %dma_wait3A_370 = tpu.memref_slice %arg5[%dma_wait3A_368, %dma_wait3A_369] : memref<16384x1024xf32, #tpu.memory_space<hbm>> -> memref<16x1024xf32, #tpu.memory_space<hbm>>
    %dma_wait3A_371 = arith.constant 0 : i32
    %dma_wait3A_372 = arith.constant 0 : i32
    %dma_wait3A_373 = tpu.memref_slice %arg5[%dma_wait3A_371, %dma_wait3A_372] : memref<16384x1024xf32, #tpu.memory_space<hbm>> -> memref<16x1024xf32, #tpu.memory_space<hbm>>
    tpu.wait_dma2 semaphore(%arg22 : memref<!tpu.dma_semaphore, #tpu.memory_space<semaphore_mem>>) src(%arg10 : memref<16x1024xf32, #tpu.memory_space<vmem>>) dst(%dma_wait3A_373 : memref<16x1024xf32, #tpu.memory_space<hbm>>)
    %dma_start3A_374 = arith.constant 13 : i32
    %dma_start3A_375 = arith.constant 0 : i32
    %dma_start3A_376 = tpu.memref_slice %arg6[%dma_start3A_374, %dma_start3A_375] : memref<32x16xi32, #tpu.memory_space<vmem>> -> memref<1x16xi32, #tpu.memory_space<vmem>>
    %dma_start3A_377 = tpu.memref_squeeze %dma_start3A_376 : memref<1x16xi32, #tpu.memory_space<vmem>> -> memref<16xi32, #tpu.memory_space<vmem>>
    %dma_start3A_378 = arith.constant 0 : i32
    %dma_start3A_379 = arith.constant 0 : i32
    %dma_start3A_380 = tpu.memref_slice %arg3[%dma_start3A_378, %dma_start3A_379] : memref<100000x1024xf32, #tpu.memory_space<hbm>> -> memref<100000x1024xf32, #tpu.memory_space<hbm>>
    tpu.enqueue_indirect_dma source(%dma_start3A_380 : memref<100000x1024xf32, #tpu.memory_space<hbm>>) target(%arg10 : memref<16x1024xf32, #tpu.memory_space<vmem>>) offsets(%dma_start3A_377 : memref<16xi32, #tpu.memory_space<vmem>>) semaphore(%arg17 : memref<!tpu.dma_semaphore, #tpu.memory_space<semaphore_mem>>)
    %dma_wait3A_381 = arith.constant 0 : i32
    %dma_wait3A_382 = arith.constant 0 : i32
    %dma_wait3A_383 = tpu.memref_slice %arg4[%dma_wait3A_381, %dma_wait3A_382] : memref<8192x1024xf32, #tpu.memory_space<hbm>> -> memref<16x1024xf32, #tpu.memory_space<hbm>>
    %dma_wait3A_384 = arith.constant 0 : i32
    %dma_wait3A_385 = arith.constant 0 : i32
    %dma_wait3A_386 = tpu.memref_slice %arg4[%dma_wait3A_384, %dma_wait3A_385] : memref<8192x1024xf32, #tpu.memory_space<hbm>> -> memref<16x1024xf32, #tpu.memory_space<hbm>>
    tpu.wait_dma2 semaphore(%arg15 : memref<!tpu.dma_semaphore, #tpu.memory_space<semaphore_mem>>) src(%dma_wait3A_386 : memref<16x1024xf32, #tpu.memory_space<hbm>>) dst(%arg8 : memref<16x1024xf32, #tpu.memory_space<vmem>>)
    %parallel_loop3A_387 = arith.constant 0 : i32
    %parallel_loop3A_388 = arith.constant 1024 : i32
    %parallel_loop3A_389 = arith.constant 1 : i32
    scf.for %parallel_loop3A_1056 = %parallel_loop3A_387 to %parallel_loop3A_388 step %parallel_loop3A_389  : i32 {
      %parallel_loop3A_1057 = arith.constant 6 : i32
      %parallel_loop3A_1058 = arith.shrui %parallel_loop3A_1056, %parallel_loop3A_1057 : i32
      %parallel_loop3A_1059 = arith.constant 63 : i32
      %parallel_loop3A_1060 = arith.andi %parallel_loop3A_1056, %parallel_loop3A_1059 : i32
      %parallel_loop3A_1061 = arith.constant 4 : i32
      %parallel_loop3A_1062 = arith.shli %parallel_loop3A_1060, %parallel_loop3A_1061 : i32
      %parallel_loop3A_1063 = tpu.assume_multiple %parallel_loop3A_1062, 16 : i32
      %parallel_loop3A_1064 = arith.index_cast %parallel_loop3A_1058 : i32 to index
      %parallel_loop3A_1065 = arith.index_cast %parallel_loop3A_1063 : i32 to index
      %parallel_loop3A_1066 = tpu.vector_load %arg12[%parallel_loop3A_1064, %parallel_loop3A_1065] {strides = array<i32>} : memref<16x1024xf32, #tpu.memory_space<vmem>>, vector<1x16xf32>,
      %parallel_loop3A_1067 = vector.shape_cast %parallel_loop3A_1066 : vector<1x16xf32> to vector<16xf32>
      %parallel_loop3A_1068 = arith.index_cast %parallel_loop3A_1058 : i32 to index
      %parallel_loop3A_1069 = arith.index_cast %parallel_loop3A_1063 : i32 to index
      %parallel_loop3A_1070 = tpu.vector_load %arg8[%parallel_loop3A_1068, %parallel_loop3A_1069] {strides = array<i32>} : memref<16x1024xf32, #tpu.memory_space<vmem>>, vector<1x16xf32>,
      %parallel_loop3A_1071 = vector.shape_cast %parallel_loop3A_1070 : vector<1x16xf32> to vector<16xf32>
      %parallel_loop3A_1072 = vector.shape_cast %parallel_loop3A_1067 : vector<16xf32> to vector<1x16xf32>
      tpu.vector_store %arg8[%parallel_loop3A_1068, %parallel_loop3A_1069], %parallel_loop3A_1072 {add = true, strides = array<i32>} : memref<16x1024xf32, #tpu.memory_space<vmem>>, vector<1x16xf32>,
    } {sc.loop_unroll_factor = 8 : i64, sc.parallel_access}
    %add3A_390 = arith.constant 12288 : i32
    %add3A_391 = arith.addi %add3A_390, %mul3A_2 : i32
    %add3A_392 = arith.constant 32 : i32
    %add3A_393 = arith.addi %add3A_391, %add3A_392 : i32
    %dma_start3A_394 = arith.constant 0 : i32
    %dma_start3A_395 = tpu.memref_slice %arg5[%add3A_393, %dma_start3A_394] : memref<16384x1024xf32, #tpu.memory_space<hbm>> -> memref<16x1024xf32, #tpu.memory_space<hbm>>
    %dma_start3A_396 = arith.constant 0 : i32
    %dma_start3A_397 = tpu.memref_slice %arg5[%add3A_393, %dma_start3A_396] : memref<16384x1024xf32, #tpu.memory_space<hbm>> -> memref<16x1024xf32, #tpu.memory_space<hbm>>
    tpu.enqueue_dma source(%arg8 : memref<16x1024xf32, #tpu.memory_space<vmem>>) target(%dma_start3A_397 : memref<16x1024xf32, #tpu.memory_space<hbm>>) target_semaphore(%arg20 : memref<!tpu.dma_semaphore, #tpu.memory_space<semaphore_mem>>)
    %add3A_398 = arith.constant 64 : i32
    %add3A_399 = arith.addi %mul3A_2, %add3A_398 : i32
    %dma_start3A_400 = arith.constant 0 : i32
    %dma_start3A_401 = tpu.memref_slice %arg4[%add3A_399, %dma_start3A_400] : memref<8192x1024xf32, #tpu.memory_space<hbm>> -> memref<16x1024xf32, #tpu.memory_space<hbm>>
    %dma_start3A_402 = arith.constant 0 : i32
    %dma_start3A_403 = tpu.memref_slice %arg4[%add3A_399, %dma_start3A_402] : memref<8192x1024xf32, #tpu.memory_space<hbm>> -> memref<16x1024xf32, #tpu.memory_space<hbm>>
    tpu.enqueue_dma source(%dma_start3A_403 : memref<16x1024xf32, #tpu.memory_space<hbm>>) target(%arg12 : memref<16x1024xf32, #tpu.memory_space<vmem>>) target_semaphore(%arg24 : memref<!tpu.dma_semaphore, #tpu.memory_space<semaphore_mem>>)
    %dma_wait3A_404 = arith.constant 0 : i32
    %dma_wait3A_405 = arith.constant 0 : i32
    %dma_wait3A_406 = tpu.memref_slice %arg5[%dma_wait3A_404, %dma_wait3A_405] : memref<16384x1024xf32, #tpu.memory_space<hbm>> -> memref<16x1024xf32, #tpu.memory_space<hbm>>
    %dma_wait3A_407 = arith.constant 0 : i32
    %dma_wait3A_408 = arith.constant 0 : i32
    %dma_wait3A_409 = tpu.memref_slice %arg5[%dma_wait3A_407, %dma_wait3A_408] : memref<16384x1024xf32, #tpu.memory_space<hbm>> -> memref<16x1024xf32, #tpu.memory_space<hbm>>
    tpu.wait_dma2 semaphore(%arg23 : memref<!tpu.dma_semaphore, #tpu.memory_space<semaphore_mem>>) src(%arg11 : memref<16x1024xf32, #tpu.memory_space<vmem>>) dst(%dma_wait3A_409 : memref<16x1024xf32, #tpu.memory_space<hbm>>)
    %dma_start3A_410 = arith.constant 14 : i32
    %dma_start3A_411 = arith.constant 0 : i32
    %dma_start3A_412 = tpu.memref_slice %arg6[%dma_start3A_410, %dma_start3A_411] : memref<32x16xi32, #tpu.memory_space<vmem>> -> memref<1x16xi32, #tpu.memory_space<vmem>>
    %dma_start3A_413 = tpu.memref_squeeze %dma_start3A_412 : memref<1x16xi32, #tpu.memory_space<vmem>> -> memref<16xi32, #tpu.memory_space<vmem>>
    %dma_start3A_414 = arith.constant 0 : i32
    %dma_start3A_415 = arith.constant 0 : i32
    %dma_start3A_416 = tpu.memref_slice %arg3[%dma_start3A_414, %dma_start3A_415] : memref<100000x1024xf32, #tpu.memory_space<hbm>> -> memref<100000x1024xf32, #tpu.memory_space<hbm>>
    tpu.enqueue_indirect_dma source(%dma_start3A_416 : memref<100000x1024xf32, #tpu.memory_space<hbm>>) target(%arg11 : memref<16x1024xf32, #tpu.memory_space<vmem>>) offsets(%dma_start3A_413 : memref<16xi32, #tpu.memory_space<vmem>>) semaphore(%arg18 : memref<!tpu.dma_semaphore, #tpu.memory_space<semaphore_mem>>)
    %dma_wait3A_417 = arith.constant 0 : i32
    %dma_wait3A_418 = arith.constant 0 : i32
    %dma_wait3A_419 = tpu.memref_slice %arg4[%dma_wait3A_417, %dma_wait3A_418] : memref<8192x1024xf32, #tpu.memory_space<hbm>> -> memref<16x1024xf32, #tpu.memory_space<hbm>>
    %dma_wait3A_420 = arith.constant 0 : i32
    %dma_wait3A_421 = arith.constant 0 : i32
    %dma_wait3A_422 = tpu.memref_slice %arg4[%dma_wait3A_420, %dma_wait3A_421] : memref<8192x1024xf32, #tpu.memory_space<hbm>> -> memref<16x1024xf32, #tpu.memory_space<hbm>>
    tpu.wait_dma2 semaphore(%arg16 : memref<!tpu.dma_semaphore, #tpu.memory_space<semaphore_mem>>) src(%dma_wait3A_422 : memref<16x1024xf32, #tpu.memory_space<hbm>>) dst(%arg9 : memref<16x1024xf32, #tpu.memory_space<vmem>>)
    %dma_wait3A_423 = arith.constant 0 : i32
    %dma_wait3A_424 = arith.constant 0 : i32
    %dma_wait3A_425 = tpu.memref_slice %arg4[%dma_wait3A_423, %dma_wait3A_424] : memref<8192x1024xf32, #tpu.memory_space<hbm>> -> memref<16x1024xf32, #tpu.memory_space<hbm>>
    %dma_wait3A_426 = arith.constant 0 : i32
    %dma_wait3A_427 = arith.constant 0 : i32
    %dma_wait3A_428 = tpu.memref_slice %arg4[%dma_wait3A_426, %dma_wait3A_427] : memref<8192x1024xf32, #tpu.memory_space<hbm>> -> memref<16x1024xf32, #tpu.memory_space<hbm>>
    tpu.wait_dma2 semaphore(%arg25 : memref<!tpu.dma_semaphore, #tpu.memory_space<semaphore_mem>>) src(%dma_wait3A_428 : memref<16x1024xf32, #tpu.memory_space<hbm>>) dst(%arg13 : memref<16x1024xf32, #tpu.memory_space<vmem>>)
    %parallel_loop3A_429 = arith.constant 0 : i32
    %parallel_loop3A_430 = arith.constant 1024 : i32
    %parallel_loop3A_431 = arith.constant 1 : i32
    scf.for %parallel_loop3A_1056 = %parallel_loop3A_429 to %parallel_loop3A_430 step %parallel_loop3A_431  : i32 {
      %parallel_loop3A_1057 = arith.constant 6 : i32
      %parallel_loop3A_1058 = arith.shrui %parallel_loop3A_1056, %parallel_loop3A_1057 : i32
      %parallel_loop3A_1059 = arith.constant 63 : i32
      %parallel_loop3A_1060 = arith.andi %parallel_loop3A_1056, %parallel_loop3A_1059 : i32
      %parallel_loop3A_1061 = arith.constant 4 : i32
      %parallel_loop3A_1062 = arith.shli %parallel_loop3A_1060, %parallel_loop3A_1061 : i32
      %parallel_loop3A_1063 = tpu.assume_multiple %parallel_loop3A_1062, 16 : i32
      %parallel_loop3A_1064 = arith.index_cast %parallel_loop3A_1058 : i32 to index
      %parallel_loop3A_1065 = arith.index_cast %parallel_loop3A_1063 : i32 to index
      %parallel_loop3A_1066 = tpu.vector_load %arg13[%parallel_loop3A_1064, %parallel_loop3A_1065] {strides = array<i32>} : memref<16x1024xf32, #tpu.memory_space<vmem>>, vector<1x16xf32>,
      %parallel_loop3A_1067 = vector.shape_cast %parallel_loop3A_1066 : vector<1x16xf32> to vector<16xf32>
      %parallel_loop3A_1068 = arith.index_cast %parallel_loop3A_1058 : i32 to index
      %parallel_loop3A_1069 = arith.index_cast %parallel_loop3A_1063 : i32 to index
      %parallel_loop3A_1070 = tpu.vector_load %arg9[%parallel_loop3A_1068, %parallel_loop3A_1069] {strides = array<i32>} : memref<16x1024xf32, #tpu.memory_space<vmem>>, vector<1x16xf32>,
      %parallel_loop3A_1071 = vector.shape_cast %parallel_loop3A_1070 : vector<1x16xf32> to vector<16xf32>
      %parallel_loop3A_1072 = vector.shape_cast %parallel_loop3A_1067 : vector<16xf32> to vector<1x16xf32>
      tpu.vector_store %arg9[%parallel_loop3A_1068, %parallel_loop3A_1069], %parallel_loop3A_1072 {add = true, strides = array<i32>} : memref<16x1024xf32, #tpu.memory_space<vmem>>, vector<1x16xf32>,
    } {sc.loop_unroll_factor = 8 : i64, sc.parallel_access}
    %add3A_432 = arith.constant 0 : i32
    %add3A_433 = arith.addi %add3A_432, %mul3A_2 : i32
    %add3A_434 = arith.constant 48 : i32
    %add3A_435 = arith.addi %add3A_433, %add3A_434 : i32
    %dma_start3A_436 = arith.constant 0 : i32
    %dma_start3A_437 = tpu.memref_slice %arg5[%add3A_435, %dma_start3A_436] : memref<16384x1024xf32, #tpu.memory_space<hbm>> -> memref<16x1024xf32, #tpu.memory_space<hbm>>
    %dma_start3A_438 = arith.constant 0 : i32
    %dma_start3A_439 = tpu.memref_slice %arg5[%add3A_435, %dma_start3A_438] : memref<16384x1024xf32, #tpu.memory_space<hbm>> -> memref<16x1024xf32, #tpu.memory_space<hbm>>
    tpu.enqueue_dma source(%arg9 : memref<16x1024xf32, #tpu.memory_space<vmem>>) target(%dma_start3A_439 : memref<16x1024xf32, #tpu.memory_space<hbm>>) target_semaphore(%arg21 : memref<!tpu.dma_semaphore, #tpu.memory_space<semaphore_mem>>)
    %dma_wait3A_440 = arith.constant 0 : i32
    %dma_wait3A_441 = arith.constant 0 : i32
    %dma_wait3A_442 = tpu.memref_slice %arg5[%dma_wait3A_440, %dma_wait3A_441] : memref<16384x1024xf32, #tpu.memory_space<hbm>> -> memref<16x1024xf32, #tpu.memory_space<hbm>>
    %dma_wait3A_443 = arith.constant 0 : i32
    %dma_wait3A_444 = arith.constant 0 : i32
    %dma_wait3A_445 = tpu.memref_slice %arg5[%dma_wait3A_443, %dma_wait3A_444] : memref<16384x1024xf32, #tpu.memory_space<hbm>> -> memref<16x1024xf32, #tpu.memory_space<hbm>>
    tpu.wait_dma2 semaphore(%arg19 : memref<!tpu.dma_semaphore, #tpu.memory_space<semaphore_mem>>) src(%arg7 : memref<16x1024xf32, #tpu.memory_space<vmem>>) dst(%dma_wait3A_445 : memref<16x1024xf32, #tpu.memory_space<hbm>>)
    %dma_start3A_446 = arith.constant 15 : i32
    %dma_start3A_447 = arith.constant 0 : i32
    %dma_start3A_448 = tpu.memref_slice %arg6[%dma_start3A_446, %dma_start3A_447] : memref<32x16xi32, #tpu.memory_space<vmem>> -> memref<1x16xi32, #tpu.memory_space<vmem>>
    %dma_start3A_449 = tpu.memref_squeeze %dma_start3A_448 : memref<1x16xi32, #tpu.memory_space<vmem>> -> memref<16xi32, #tpu.memory_space<vmem>>
    %dma_start3A_450 = arith.constant 0 : i32
    %dma_start3A_451 = arith.constant 0 : i32
    %dma_start3A_452 = tpu.memref_slice %arg3[%dma_start3A_450, %dma_start3A_451] : memref<100000x1024xf32, #tpu.memory_space<hbm>> -> memref<100000x1024xf32, #tpu.memory_space<hbm>>
    tpu.enqueue_indirect_dma source(%dma_start3A_452 : memref<100000x1024xf32, #tpu.memory_space<hbm>>) target(%arg7 : memref<16x1024xf32, #tpu.memory_space<vmem>>) offsets(%dma_start3A_449 : memref<16xi32, #tpu.memory_space<vmem>>) semaphore(%arg14 : memref<!tpu.dma_semaphore, #tpu.memory_space<semaphore_mem>>)
    %dma_wait3A_453 = arith.constant 0 : i32
    %dma_wait3A_454 = arith.constant 0 : i32
    %dma_wait3A_455 = tpu.memref_slice %arg4[%dma_wait3A_453, %dma_wait3A_454] : memref<8192x1024xf32, #tpu.memory_space<hbm>> -> memref<16x1024xf32, #tpu.memory_space<hbm>>
    %dma_wait3A_456 = arith.constant 0 : i32
    %dma_wait3A_457 = arith.constant 0 : i32
    %dma_wait3A_458 = tpu.memref_slice %arg4[%dma_wait3A_456, %dma_wait3A_457] : memref<8192x1024xf32, #tpu.memory_space<hbm>> -> memref<16x1024xf32, #tpu.memory_space<hbm>>
    tpu.wait_dma2 semaphore(%arg17 : memref<!tpu.dma_semaphore, #tpu.memory_space<semaphore_mem>>) src(%dma_wait3A_458 : memref<16x1024xf32, #tpu.memory_space<hbm>>) dst(%arg10 : memref<16x1024xf32, #tpu.memory_space<vmem>>)
    %parallel_loop3A_459 = arith.constant 0 : i32
    %parallel_loop3A_460 = arith.constant 1024 : i32
    %parallel_loop3A_461 = arith.constant 1 : i32
    scf.for %parallel_loop3A_1056 = %parallel_loop3A_459 to %parallel_loop3A_460 step %parallel_loop3A_461  : i32 {
      %parallel_loop3A_1057 = arith.constant 6 : i32
      %parallel_loop3A_1058 = arith.shrui %parallel_loop3A_1056, %parallel_loop3A_1057 : i32
      %parallel_loop3A_1059 = arith.constant 63 : i32
      %parallel_loop3A_1060 = arith.andi %parallel_loop3A_1056, %parallel_loop3A_1059 : i32
      %parallel_loop3A_1061 = arith.constant 4 : i32
      %parallel_loop3A_1062 = arith.shli %parallel_loop3A_1060, %parallel_loop3A_1061 : i32
      %parallel_loop3A_1063 = tpu.assume_multiple %parallel_loop3A_1062, 16 : i32
      %parallel_loop3A_1064 = arith.index_cast %parallel_loop3A_1058 : i32 to index
      %parallel_loop3A_1065 = arith.index_cast %parallel_loop3A_1063 : i32 to index
      %parallel_loop3A_1066 = tpu.vector_load %arg13[%parallel_loop3A_1064, %parallel_loop3A_1065] {strides = array<i32>} : memref<16x1024xf32, #tpu.memory_space<vmem>>, vector<1x16xf32>,
      %parallel_loop3A_1067 = vector.shape_cast %parallel_loop3A_1066 : vector<1x16xf32> to vector<16xf32>
      %parallel_loop3A_1068 = arith.index_cast %parallel_loop3A_1058 : i32 to index
      %parallel_loop3A_1069 = arith.index_cast %parallel_loop3A_1063 : i32 to index
      %parallel_loop3A_1070 = tpu.vector_load %arg10[%parallel_loop3A_1068, %parallel_loop3A_1069] {strides = array<i32>} : memref<16x1024xf32, #tpu.memory_space<vmem>>, vector<1x16xf32>,
      %parallel_loop3A_1071 = vector.shape_cast %parallel_loop3A_1070 : vector<1x16xf32> to vector<16xf32>
      %parallel_loop3A_1072 = vector.shape_cast %parallel_loop3A_1067 : vector<16xf32> to vector<1x16xf32>
      tpu.vector_store %arg10[%parallel_loop3A_1068, %parallel_loop3A_1069], %parallel_loop3A_1072 {add = true, strides = array<i32>} : memref<16x1024xf32, #tpu.memory_space<vmem>>, vector<1x16xf32>,
    } {sc.loop_unroll_factor = 8 : i64, sc.parallel_access}
    %add3A_462 = arith.constant 4096 : i32
    %add3A_463 = arith.addi %add3A_462, %mul3A_2 : i32
    %add3A_464 = arith.constant 48 : i32
    %add3A_465 = arith.addi %add3A_463, %add3A_464 : i32
    %dma_start3A_466 = arith.constant 0 : i32
    %dma_start3A_467 = tpu.memref_slice %arg5[%add3A_465, %dma_start3A_466] : memref<16384x1024xf32, #tpu.memory_space<hbm>> -> memref<16x1024xf32, #tpu.memory_space<hbm>>
    %dma_start3A_468 = arith.constant 0 : i32
    %dma_start3A_469 = tpu.memref_slice %arg5[%add3A_465, %dma_start3A_468] : memref<16384x1024xf32, #tpu.memory_space<hbm>> -> memref<16x1024xf32, #tpu.memory_space<hbm>>
    tpu.enqueue_dma source(%arg10 : memref<16x1024xf32, #tpu.memory_space<vmem>>) target(%dma_start3A_469 : memref<16x1024xf32, #tpu.memory_space<hbm>>) target_semaphore(%arg22 : memref<!tpu.dma_semaphore, #tpu.memory_space<semaphore_mem>>)
    %dma_wait3A_470 = arith.constant 0 : i32
    %dma_wait3A_471 = arith.constant 0 : i32
    %dma_wait3A_472 = tpu.memref_slice %arg5[%dma_wait3A_470, %dma_wait3A_471] : memref<16384x1024xf32, #tpu.memory_space<hbm>> -> memref<16x1024xf32, #tpu.memory_space<hbm>>
    %dma_wait3A_473 = arith.constant 0 : i32
    %dma_wait3A_474 = arith.constant 0 : i32
    %dma_wait3A_475 = tpu.memref_slice %arg5[%dma_wait3A_473, %dma_wait3A_474] : memref<16384x1024xf32, #tpu.memory_space<hbm>> -> memref<16x1024xf32, #tpu.memory_space<hbm>>
    tpu.wait_dma2 semaphore(%arg20 : memref<!tpu.dma_semaphore, #tpu.memory_space<semaphore_mem>>) src(%arg8 : memref<16x1024xf32, #tpu.memory_space<vmem>>) dst(%dma_wait3A_475 : memref<16x1024xf32, #tpu.memory_space<hbm>>)
    %dma_start3A_476 = arith.constant 16 : i32
    %dma_start3A_477 = arith.constant 0 : i32
    %dma_start3A_478 = tpu.memref_slice %arg6[%dma_start3A_476, %dma_start3A_477] : memref<32x16xi32, #tpu.memory_space<vmem>> -> memref<1x16xi32, #tpu.memory_space<vmem>>
    %dma_start3A_479 = tpu.memref_squeeze %dma_start3A_478 : memref<1x16xi32, #tpu.memory_space<vmem>> -> memref<16xi32, #tpu.memory_space<vmem>>
    %dma_start3A_480 = arith.constant 0 : i32
    %dma_start3A_481 = arith.constant 0 : i32
    %dma_start3A_482 = tpu.memref_slice %arg3[%dma_start3A_480, %dma_start3A_481] : memref<100000x1024xf32, #tpu.memory_space<hbm>> -> memref<100000x1024xf32, #tpu.memory_space<hbm>>
    tpu.enqueue_indirect_dma source(%dma_start3A_482 : memref<100000x1024xf32, #tpu.memory_space<hbm>>) target(%arg8 : memref<16x1024xf32, #tpu.memory_space<vmem>>) offsets(%dma_start3A_479 : memref<16xi32, #tpu.memory_space<vmem>>) semaphore(%arg15 : memref<!tpu.dma_semaphore, #tpu.memory_space<semaphore_mem>>)
    %dma_wait3A_483 = arith.constant 0 : i32
    %dma_wait3A_484 = arith.constant 0 : i32
    %dma_wait3A_485 = tpu.memref_slice %arg4[%dma_wait3A_483, %dma_wait3A_484] : memref<8192x1024xf32, #tpu.memory_space<hbm>> -> memref<16x1024xf32, #tpu.memory_space<hbm>>
    %dma_wait3A_486 = arith.constant 0 : i32
    %dma_wait3A_487 = arith.constant 0 : i32
    %dma_wait3A_488 = tpu.memref_slice %arg4[%dma_wait3A_486, %dma_wait3A_487] : memref<8192x1024xf32, #tpu.memory_space<hbm>> -> memref<16x1024xf32, #tpu.memory_space<hbm>>
    tpu.wait_dma2 semaphore(%arg18 : memref<!tpu.dma_semaphore, #tpu.memory_space<semaphore_mem>>) src(%dma_wait3A_488 : memref<16x1024xf32, #tpu.memory_space<hbm>>) dst(%arg11 : memref<16x1024xf32, #tpu.memory_space<vmem>>)
    %parallel_loop3A_489 = arith.constant 0 : i32
    %parallel_loop3A_490 = arith.constant 1024 : i32
    %parallel_loop3A_491 = arith.constant 1 : i32
    scf.for %parallel_loop3A_1056 = %parallel_loop3A_489 to %parallel_loop3A_490 step %parallel_loop3A_491  : i32 {
      %parallel_loop3A_1057 = arith.constant 6 : i32
      %parallel_loop3A_1058 = arith.shrui %parallel_loop3A_1056, %parallel_loop3A_1057 : i32
      %parallel_loop3A_1059 = arith.constant 63 : i32
      %parallel_loop3A_1060 = arith.andi %parallel_loop3A_1056, %parallel_loop3A_1059 : i32
      %parallel_loop3A_1061 = arith.constant 4 : i32
      %parallel_loop3A_1062 = arith.shli %parallel_loop3A_1060, %parallel_loop3A_1061 : i32
      %parallel_loop3A_1063 = tpu.assume_multiple %parallel_loop3A_1062, 16 : i32
      %parallel_loop3A_1064 = arith.index_cast %parallel_loop3A_1058 : i32 to index
      %parallel_loop3A_1065 = arith.index_cast %parallel_loop3A_1063 : i32 to index
      %parallel_loop3A_1066 = tpu.vector_load %arg13[%parallel_loop3A_1064, %parallel_loop3A_1065] {strides = array<i32>} : memref<16x1024xf32, #tpu.memory_space<vmem>>, vector<1x16xf32>,
      %parallel_loop3A_1067 = vector.shape_cast %parallel_loop3A_1066 : vector<1x16xf32> to vector<16xf32>
      %parallel_loop3A_1068 = arith.index_cast %parallel_loop3A_1058 : i32 to index
      %parallel_loop3A_1069 = arith.index_cast %parallel_loop3A_1063 : i32 to index
      %parallel_loop3A_1070 = tpu.vector_load %arg11[%parallel_loop3A_1068, %parallel_loop3A_1069] {strides = array<i32>} : memref<16x1024xf32, #tpu.memory_space<vmem>>, vector<1x16xf32>,
      %parallel_loop3A_1071 = vector.shape_cast %parallel_loop3A_1070 : vector<1x16xf32> to vector<16xf32>
      %parallel_loop3A_1072 = vector.shape_cast %parallel_loop3A_1067 : vector<16xf32> to vector<1x16xf32>
      tpu.vector_store %arg11[%parallel_loop3A_1068, %parallel_loop3A_1069], %parallel_loop3A_1072 {add = true, strides = array<i32>} : memref<16x1024xf32, #tpu.memory_space<vmem>>, vector<1x16xf32>,
    } {sc.loop_unroll_factor = 8 : i64, sc.parallel_access}
    %add3A_492 = arith.constant 8192 : i32
    %add3A_493 = arith.addi %add3A_492, %mul3A_2 : i32
    %add3A_494 = arith.constant 48 : i32
    %add3A_495 = arith.addi %add3A_493, %add3A_494 : i32
    %dma_start3A_496 = arith.constant 0 : i32
    %dma_start3A_497 = tpu.memref_slice %arg5[%add3A_495, %dma_start3A_496] : memref<16384x1024xf32, #tpu.memory_space<hbm>> -> memref<16x1024xf32, #tpu.memory_space<hbm>>
    %dma_start3A_498 = arith.constant 0 : i32
    %dma_start3A_499 = tpu.memref_slice %arg5[%add3A_495, %dma_start3A_498] : memref<16384x1024xf32, #tpu.memory_space<hbm>> -> memref<16x1024xf32, #tpu.memory_space<hbm>>
    tpu.enqueue_dma source(%arg11 : memref<16x1024xf32, #tpu.memory_space<vmem>>) target(%dma_start3A_499 : memref<16x1024xf32, #tpu.memory_space<hbm>>) target_semaphore(%arg23 : memref<!tpu.dma_semaphore, #tpu.memory_space<semaphore_mem>>)
    %dma_wait3A_500 = arith.constant 0 : i32
    %dma_wait3A_501 = arith.constant 0 : i32
    %dma_wait3A_502 = tpu.memref_slice %arg5[%dma_wait3A_500, %dma_wait3A_501] : memref<16384x1024xf32, #tpu.memory_space<hbm>> -> memref<16x1024xf32, #tpu.memory_space<hbm>>
    %dma_wait3A_503 = arith.constant 0 : i32
    %dma_wait3A_504 = arith.constant 0 : i32
    %dma_wait3A_505 = tpu.memref_slice %arg5[%dma_wait3A_503, %dma_wait3A_504] : memref<16384x1024xf32, #tpu.memory_space<hbm>> -> memref<16x1024xf32, #tpu.memory_space<hbm>>
    tpu.wait_dma2 semaphore(%arg21 : memref<!tpu.dma_semaphore, #tpu.memory_space<semaphore_mem>>) src(%arg9 : memref<16x1024xf32, #tpu.memory_space<vmem>>) dst(%dma_wait3A_505 : memref<16x1024xf32, #tpu.memory_space<hbm>>)
    %dma_start3A_506 = arith.constant 17 : i32
    %dma_start3A_507 = arith.constant 0 : i32
    %dma_start3A_508 = tpu.memref_slice %arg6[%dma_start3A_506, %dma_start3A_507] : memref<32x16xi32, #tpu.memory_space<vmem>> -> memref<1x16xi32, #tpu.memory_space<vmem>>
    %dma_start3A_509 = tpu.memref_squeeze %dma_start3A_508 : memref<1x16xi32, #tpu.memory_space<vmem>> -> memref<16xi32, #tpu.memory_space<vmem>>
    %dma_start3A_510 = arith.constant 0 : i32
    %dma_start3A_511 = arith.constant 0 : i32
    %dma_start3A_512 = tpu.memref_slice %arg3[%dma_start3A_510, %dma_start3A_511] : memref<100000x1024xf32, #tpu.memory_space<hbm>> -> memref<100000x1024xf32, #tpu.memory_space<hbm>>
    tpu.enqueue_indirect_dma source(%dma_start3A_512 : memref<100000x1024xf32, #tpu.memory_space<hbm>>) target(%arg9 : memref<16x1024xf32, #tpu.memory_space<vmem>>) offsets(%dma_start3A_509 : memref<16xi32, #tpu.memory_space<vmem>>) semaphore(%arg16 : memref<!tpu.dma_semaphore, #tpu.memory_space<semaphore_mem>>)
    %dma_wait3A_513 = arith.constant 0 : i32
    %dma_wait3A_514 = arith.constant 0 : i32
    %dma_wait3A_515 = tpu.memref_slice %arg4[%dma_wait3A_513, %dma_wait3A_514] : memref<8192x1024xf32, #tpu.memory_space<hbm>> -> memref<16x1024xf32, #tpu.memory_space<hbm>>
    %dma_wait3A_516 = arith.constant 0 : i32
    %dma_wait3A_517 = arith.constant 0 : i32
    %dma_wait3A_518 = tpu.memref_slice %arg4[%dma_wait3A_516, %dma_wait3A_517] : memref<8192x1024xf32, #tpu.memory_space<hbm>> -> memref<16x1024xf32, #tpu.memory_space<hbm>>
    tpu.wait_dma2 semaphore(%arg14 : memref<!tpu.dma_semaphore, #tpu.memory_space<semaphore_mem>>) src(%dma_wait3A_518 : memref<16x1024xf32, #tpu.memory_space<hbm>>) dst(%arg7 : memref<16x1024xf32, #tpu.memory_space<vmem>>)
    %parallel_loop3A_519 = arith.constant 0 : i32
    %parallel_loop3A_520 = arith.constant 1024 : i32
    %parallel_loop3A_521 = arith.constant 1 : i32
    scf.for %parallel_loop3A_1056 = %parallel_loop3A_519 to %parallel_loop3A_520 step %parallel_loop3A_521  : i32 {
      %parallel_loop3A_1057 = arith.constant 6 : i32
      %parallel_loop3A_1058 = arith.shrui %parallel_loop3A_1056, %parallel_loop3A_1057 : i32
      %parallel_loop3A_1059 = arith.constant 63 : i32
      %parallel_loop3A_1060 = arith.andi %parallel_loop3A_1056, %parallel_loop3A_1059 : i32
      %parallel_loop3A_1061 = arith.constant 4 : i32
      %parallel_loop3A_1062 = arith.shli %parallel_loop3A_1060, %parallel_loop3A_1061 : i32
      %parallel_loop3A_1063 = tpu.assume_multiple %parallel_loop3A_1062, 16 : i32
      %parallel_loop3A_1064 = arith.index_cast %parallel_loop3A_1058 : i32 to index
      %parallel_loop3A_1065 = arith.index_cast %parallel_loop3A_1063 : i32 to index
      %parallel_loop3A_1066 = tpu.vector_load %arg13[%parallel_loop3A_1064, %parallel_loop3A_1065] {strides = array<i32>} : memref<16x1024xf32, #tpu.memory_space<vmem>>, vector<1x16xf32>,
      %parallel_loop3A_1067 = vector.shape_cast %parallel_loop3A_1066 : vector<1x16xf32> to vector<16xf32>
      %parallel_loop3A_1068 = arith.index_cast %parallel_loop3A_1058 : i32 to index
      %parallel_loop3A_1069 = arith.index_cast %parallel_loop3A_1063 : i32 to index
      %parallel_loop3A_1070 = tpu.vector_load %arg7[%parallel_loop3A_1068, %parallel_loop3A_1069] {strides = array<i32>} : memref<16x1024xf32, #tpu.memory_space<vmem>>, vector<1x16xf32>,
      %parallel_loop3A_1071 = vector.shape_cast %parallel_loop3A_1070 : vector<1x16xf32> to vector<16xf32>
      %parallel_loop3A_1072 = vector.shape_cast %parallel_loop3A_1067 : vector<16xf32> to vector<1x16xf32>
      tpu.vector_store %arg7[%parallel_loop3A_1068, %parallel_loop3A_1069], %parallel_loop3A_1072 {add = true, strides = array<i32>} : memref<16x1024xf32, #tpu.memory_space<vmem>>, vector<1x16xf32>,
    } {sc.loop_unroll_factor = 8 : i64, sc.parallel_access}
    %add3A_522 = arith.constant 12288 : i32
    %add3A_523 = arith.addi %add3A_522, %mul3A_2 : i32
    %add3A_524 = arith.constant 48 : i32
    %add3A_525 = arith.addi %add3A_523, %add3A_524 : i32
    %dma_start3A_526 = arith.constant 0 : i32
    %dma_start3A_527 = tpu.memref_slice %arg5[%add3A_525, %dma_start3A_526] : memref<16384x1024xf32, #tpu.memory_space<hbm>> -> memref<16x1024xf32, #tpu.memory_space<hbm>>
    %dma_start3A_528 = arith.constant 0 : i32
    %dma_start3A_529 = tpu.memref_slice %arg5[%add3A_525, %dma_start3A_528] : memref<16384x1024xf32, #tpu.memory_space<hbm>> -> memref<16x1024xf32, #tpu.memory_space<hbm>>
    tpu.enqueue_dma source(%arg7 : memref<16x1024xf32, #tpu.memory_space<vmem>>) target(%dma_start3A_529 : memref<16x1024xf32, #tpu.memory_space<hbm>>) target_semaphore(%arg19 : memref<!tpu.dma_semaphore, #tpu.memory_space<semaphore_mem>>)
    %add3A_530 = arith.constant 80 : i32
    %add3A_531 = arith.addi %mul3A_2, %add3A_530 : i32
    %dma_start3A_532 = arith.constant 0 : i32
    %dma_start3A_533 = tpu.memref_slice %arg4[%add3A_531, %dma_start3A_532] : memref<8192x1024xf32, #tpu.memory_space<hbm>> -> memref<16x1024xf32, #tpu.memory_space<hbm>>
    %dma_start3A_534 = arith.constant 0 : i32
    %dma_start3A_535 = tpu.memref_slice %arg4[%add3A_531, %dma_start3A_534] : memref<8192x1024xf32, #tpu.memory_space<hbm>> -> memref<16x1024xf32, #tpu.memory_space<hbm>>
    tpu.enqueue_dma source(%dma_start3A_535 : memref<16x1024xf32, #tpu.memory_space<hbm>>) target(%arg13 : memref<16x1024xf32, #tpu.memory_space<vmem>>) target_semaphore(%arg25 : memref<!tpu.dma_semaphore, #tpu.memory_space<semaphore_mem>>)
    %dma_wait3A_536 = arith.constant 0 : i32
    %dma_wait3A_537 = arith.constant 0 : i32
    %dma_wait3A_538 = tpu.memref_slice %arg5[%dma_wait3A_536, %dma_wait3A_537] : memref<16384x1024xf32, #tpu.memory_space<hbm>> -> memref<16x1024xf32, #tpu.memory_space<hbm>>
    %dma_wait3A_539 = arith.constant 0 : i32
    %dma_wait3A_540 = arith.constant 0 : i32
    %dma_wait3A_541 = tpu.memref_slice %arg5[%dma_wait3A_539, %dma_wait3A_540] : memref<16384x1024xf32, #tpu.memory_space<hbm>> -> memref<16x1024xf32, #tpu.memory_space<hbm>>
    tpu.wait_dma2 semaphore(%arg22 : memref<!tpu.dma_semaphore, #tpu.memory_space<semaphore_mem>>) src(%arg10 : memref<16x1024xf32, #tpu.memory_space<vmem>>) dst(%dma_wait3A_541 : memref<16x1024xf32, #tpu.memory_space<hbm>>)
    %dma_start3A_542 = arith.constant 18 : i32
    %dma_start3A_543 = arith.constant 0 : i32
    %dma_start3A_544 = tpu.memref_slice %arg6[%dma_start3A_542, %dma_start3A_543] : memref<32x16xi32, #tpu.memory_space<vmem>> -> memref<1x16xi32, #tpu.memory_space<vmem>>
    %dma_start3A_545 = tpu.memref_squeeze %dma_start3A_544 : memref<1x16xi32, #tpu.memory_space<vmem>> -> memref<16xi32, #tpu.memory_space<vmem>>
    %dma_start3A_546 = arith.constant 0 : i32
    %dma_start3A_547 = arith.constant 0 : i32
    %dma_start3A_548 = tpu.memref_slice %arg3[%dma_start3A_546, %dma_start3A_547] : memref<100000x1024xf32, #tpu.memory_space<hbm>> -> memref<100000x1024xf32, #tpu.memory_space<hbm>>
    tpu.enqueue_indirect_dma source(%dma_start3A_548 : memref<100000x1024xf32, #tpu.memory_space<hbm>>) target(%arg10 : memref<16x1024xf32, #tpu.memory_space<vmem>>) offsets(%dma_start3A_545 : memref<16xi32, #tpu.memory_space<vmem>>) semaphore(%arg17 : memref<!tpu.dma_semaphore, #tpu.memory_space<semaphore_mem>>)
    %dma_wait3A_549 = arith.constant 0 : i32
    %dma_wait3A_550 = arith.constant 0 : i32
    %dma_wait3A_551 = tpu.memref_slice %arg4[%dma_wait3A_549, %dma_wait3A_550] : memref<8192x1024xf32, #tpu.memory_space<hbm>> -> memref<16x1024xf32, #tpu.memory_space<hbm>>
    %dma_wait3A_552 = arith.constant 0 : i32
    %dma_wait3A_553 = arith.constant 0 : i32
    %dma_wait3A_554 = tpu.memref_slice %arg4[%dma_wait3A_552, %dma_wait3A_553] : memref<8192x1024xf32, #tpu.memory_space<hbm>> -> memref<16x1024xf32, #tpu.memory_space<hbm>>
    tpu.wait_dma2 semaphore(%arg15 : memref<!tpu.dma_semaphore, #tpu.memory_space<semaphore_mem>>) src(%dma_wait3A_554 : memref<16x1024xf32, #tpu.memory_space<hbm>>) dst(%arg8 : memref<16x1024xf32, #tpu.memory_space<vmem>>)
    %dma_wait3A_555 = arith.constant 0 : i32
    %dma_wait3A_556 = arith.constant 0 : i32
    %dma_wait3A_557 = tpu.memref_slice %arg4[%dma_wait3A_555, %dma_wait3A_556] : memref<8192x1024xf32, #tpu.memory_space<hbm>> -> memref<16x1024xf32, #tpu.memory_space<hbm>>
    %dma_wait3A_558 = arith.constant 0 : i32
    %dma_wait3A_559 = arith.constant 0 : i32
    %dma_wait3A_560 = tpu.memref_slice %arg4[%dma_wait3A_558, %dma_wait3A_559] : memref<8192x1024xf32, #tpu.memory_space<hbm>> -> memref<16x1024xf32, #tpu.memory_space<hbm>>
    tpu.wait_dma2 semaphore(%arg24 : memref<!tpu.dma_semaphore, #tpu.memory_space<semaphore_mem>>) src(%dma_wait3A_560 : memref<16x1024xf32, #tpu.memory_space<hbm>>) dst(%arg12 : memref<16x1024xf32, #tpu.memory_space<vmem>>)
    %parallel_loop3A_561 = arith.constant 0 : i32
    %parallel_loop3A_562 = arith.constant 1024 : i32
    %parallel_loop3A_563 = arith.constant 1 : i32
    scf.for %parallel_loop3A_1056 = %parallel_loop3A_561 to %parallel_loop3A_562 step %parallel_loop3A_563  : i32 {
      %parallel_loop3A_1057 = arith.constant 6 : i32
      %parallel_loop3A_1058 = arith.shrui %parallel_loop3A_1056, %parallel_loop3A_1057 : i32
      %parallel_loop3A_1059 = arith.constant 63 : i32
      %parallel_loop3A_1060 = arith.andi %parallel_loop3A_1056, %parallel_loop3A_1059 : i32
      %parallel_loop3A_1061 = arith.constant 4 : i32
      %parallel_loop3A_1062 = arith.shli %parallel_loop3A_1060, %parallel_loop3A_1061 : i32
      %parallel_loop3A_1063 = tpu.assume_multiple %parallel_loop3A_1062, 16 : i32
      %parallel_loop3A_1064 = arith.index_cast %parallel_loop3A_1058 : i32 to index
      %parallel_loop3A_1065 = arith.index_cast %parallel_loop3A_1063 : i32 to index
      %parallel_loop3A_1066 = tpu.vector_load %arg12[%parallel_loop3A_1064, %parallel_loop3A_1065] {strides = array<i32>} : memref<16x1024xf32, #tpu.memory_space<vmem>>, vector<1x16xf32>,
      %parallel_loop3A_1067 = vector.shape_cast %parallel_loop3A_1066 : vector<1x16xf32> to vector<16xf32>
      %parallel_loop3A_1068 = arith.index_cast %parallel_loop3A_1058 : i32 to index
      %parallel_loop3A_1069 = arith.index_cast %parallel_loop3A_1063 : i32 to index
      %parallel_loop3A_1070 = tpu.vector_load %arg8[%parallel_loop3A_1068, %parallel_loop3A_1069] {strides = array<i32>} : memref<16x1024xf32, #tpu.memory_space<vmem>>, vector<1x16xf32>,
      %parallel_loop3A_1071 = vector.shape_cast %parallel_loop3A_1070 : vector<1x16xf32> to vector<16xf32>
      %parallel_loop3A_1072 = vector.shape_cast %parallel_loop3A_1067 : vector<16xf32> to vector<1x16xf32>
      tpu.vector_store %arg8[%parallel_loop3A_1068, %parallel_loop3A_1069], %parallel_loop3A_1072 {add = true, strides = array<i32>} : memref<16x1024xf32, #tpu.memory_space<vmem>>, vector<1x16xf32>,
    } {sc.loop_unroll_factor = 8 : i64, sc.parallel_access}
    %add3A_564 = arith.constant 0 : i32
    %add3A_565 = arith.addi %add3A_564, %mul3A_2 : i32
    %add3A_566 = arith.constant 64 : i32
    %add3A_567 = arith.addi %add3A_565, %add3A_566 : i32
    %dma_start3A_568 = arith.constant 0 : i32
    %dma_start3A_569 = tpu.memref_slice %arg5[%add3A_567, %dma_start3A_568] : memref<16384x1024xf32, #tpu.memory_space<hbm>> -> memref<16x1024xf32, #tpu.memory_space<hbm>>
    %dma_start3A_570 = arith.constant 0 : i32
    %dma_start3A_571 = tpu.memref_slice %arg5[%add3A_567, %dma_start3A_570] : memref<16384x1024xf32, #tpu.memory_space<hbm>> -> memref<16x1024xf32, #tpu.memory_space<hbm>>
    tpu.enqueue_dma source(%arg8 : memref<16x1024xf32, #tpu.memory_space<vmem>>) target(%dma_start3A_571 : memref<16x1024xf32, #tpu.memory_space<hbm>>) target_semaphore(%arg20 : memref<!tpu.dma_semaphore, #tpu.memory_space<semaphore_mem>>)
    %dma_wait3A_572 = arith.constant 0 : i32
    %dma_wait3A_573 = arith.constant 0 : i32
    %dma_wait3A_574 = tpu.memref_slice %arg5[%dma_wait3A_572, %dma_wait3A_573] : memref<16384x1024xf32, #tpu.memory_space<hbm>> -> memref<16x1024xf32, #tpu.memory_space<hbm>>
    %dma_wait3A_575 = arith.constant 0 : i32
    %dma_wait3A_576 = arith.constant 0 : i32
    %dma_wait3A_577 = tpu.memref_slice %arg5[%dma_wait3A_575, %dma_wait3A_576] : memref<16384x1024xf32, #tpu.memory_space<hbm>> -> memref<16x1024xf32, #tpu.memory_space<hbm>>
    tpu.wait_dma2 semaphore(%arg23 : memref<!tpu.dma_semaphore, #tpu.memory_space<semaphore_mem>>) src(%arg11 : memref<16x1024xf32, #tpu.memory_space<vmem>>) dst(%dma_wait3A_577 : memref<16x1024xf32, #tpu.memory_space<hbm>>)
    %dma_start3A_578 = arith.constant 19 : i32
    %dma_start3A_579 = arith.constant 0 : i32
    %dma_start3A_580 = tpu.memref_slice %arg6[%dma_start3A_578, %dma_start3A_579] : memref<32x16xi32, #tpu.memory_space<vmem>> -> memref<1x16xi32, #tpu.memory_space<vmem>>
    %dma_start3A_581 = tpu.memref_squeeze %dma_start3A_580 : memref<1x16xi32, #tpu.memory_space<vmem>> -> memref<16xi32, #tpu.memory_space<vmem>>
    %dma_start3A_582 = arith.constant 0 : i32
    %dma_start3A_583 = arith.constant 0 : i32
    %dma_start3A_584 = tpu.memref_slice %arg3[%dma_start3A_582, %dma_start3A_583] : memref<100000x1024xf32, #tpu.memory_space<hbm>> -> memref<100000x1024xf32, #tpu.memory_space<hbm>>
    tpu.enqueue_indirect_dma source(%dma_start3A_584 : memref<100000x1024xf32, #tpu.memory_space<hbm>>) target(%arg11 : memref<16x1024xf32, #tpu.memory_space<vmem>>) offsets(%dma_start3A_581 : memref<16xi32, #tpu.memory_space<vmem>>) semaphore(%arg18 : memref<!tpu.dma_semaphore, #tpu.memory_space<semaphore_mem>>)
    %dma_wait3A_585 = arith.constant 0 : i32
    %dma_wait3A_586 = arith.constant 0 : i32
    %dma_wait3A_587 = tpu.memref_slice %arg4[%dma_wait3A_585, %dma_wait3A_586] : memref<8192x1024xf32, #tpu.memory_space<hbm>> -> memref<16x1024xf32, #tpu.memory_space<hbm>>
    %dma_wait3A_588 = arith.constant 0 : i32
    %dma_wait3A_589 = arith.constant 0 : i32
    %dma_wait3A_590 = tpu.memref_slice %arg4[%dma_wait3A_588, %dma_wait3A_589] : memref<8192x1024xf32, #tpu.memory_space<hbm>> -> memref<16x1024xf32, #tpu.memory_space<hbm>>
    tpu.wait_dma2 semaphore(%arg16 : memref<!tpu.dma_semaphore, #tpu.memory_space<semaphore_mem>>) src(%dma_wait3A_590 : memref<16x1024xf32, #tpu.memory_space<hbm>>) dst(%arg9 : memref<16x1024xf32, #tpu.memory_space<vmem>>)
    %parallel_loop3A_591 = arith.constant 0 : i32
    %parallel_loop3A_592 = arith.constant 1024 : i32
    %parallel_loop3A_593 = arith.constant 1 : i32
    scf.for %parallel_loop3A_1056 = %parallel_loop3A_591 to %parallel_loop3A_592 step %parallel_loop3A_593  : i32 {
      %parallel_loop3A_1057 = arith.constant 6 : i32
      %parallel_loop3A_1058 = arith.shrui %parallel_loop3A_1056, %parallel_loop3A_1057 : i32
      %parallel_loop3A_1059 = arith.constant 63 : i32
      %parallel_loop3A_1060 = arith.andi %parallel_loop3A_1056, %parallel_loop3A_1059 : i32
      %parallel_loop3A_1061 = arith.constant 4 : i32
      %parallel_loop3A_1062 = arith.shli %parallel_loop3A_1060, %parallel_loop3A_1061 : i32
      %parallel_loop3A_1063 = tpu.assume_multiple %parallel_loop3A_1062, 16 : i32
      %parallel_loop3A_1064 = arith.index_cast %parallel_loop3A_1058 : i32 to index
      %parallel_loop3A_1065 = arith.index_cast %parallel_loop3A_1063 : i32 to index
      %parallel_loop3A_1066 = tpu.vector_load %arg12[%parallel_loop3A_1064, %parallel_loop3A_1065] {strides = array<i32>} : memref<16x1024xf32, #tpu.memory_space<vmem>>, vector<1x16xf32>,
      %parallel_loop3A_1067 = vector.shape_cast %parallel_loop3A_1066 : vector<1x16xf32> to vector<16xf32>
      %parallel_loop3A_1068 = arith.index_cast %parallel_loop3A_1058 : i32 to index
      %parallel_loop3A_1069 = arith.index_cast %parallel_loop3A_1063 : i32 to index
      %parallel_loop3A_1070 = tpu.vector_load %arg9[%parallel_loop3A_1068, %parallel_loop3A_1069] {strides = array<i32>} : memref<16x1024xf32, #tpu.memory_space<vmem>>, vector<1x16xf32>,
      %parallel_loop3A_1071 = vector.shape_cast %parallel_loop3A_1070 : vector<1x16xf32> to vector<16xf32>
      %parallel_loop3A_1072 = vector.shape_cast %parallel_loop3A_1067 : vector<16xf32> to vector<1x16xf32>
      tpu.vector_store %arg9[%parallel_loop3A_1068, %parallel_loop3A_1069], %parallel_loop3A_1072 {add = true, strides = array<i32>} : memref<16x1024xf32, #tpu.memory_space<vmem>>, vector<1x16xf32>,
    } {sc.loop_unroll_factor = 8 : i64, sc.parallel_access}
    %add3A_594 = arith.constant 4096 : i32
    %add3A_595 = arith.addi %add3A_594, %mul3A_2 : i32
    %add3A_596 = arith.constant 64 : i32
    %add3A_597 = arith.addi %add3A_595, %add3A_596 : i32
    %dma_start3A_598 = arith.constant 0 : i32
    %dma_start3A_599 = tpu.memref_slice %arg5[%add3A_597, %dma_start3A_598] : memref<16384x1024xf32, #tpu.memory_space<hbm>> -> memref<16x1024xf32, #tpu.memory_space<hbm>>
    %dma_start3A_600 = arith.constant 0 : i32
    %dma_start3A_601 = tpu.memref_slice %arg5[%add3A_597, %dma_start3A_600] : memref<16384x1024xf32, #tpu.memory_space<hbm>> -> memref<16x1024xf32, #tpu.memory_space<hbm>>
    tpu.enqueue_dma source(%arg9 : memref<16x1024xf32, #tpu.memory_space<vmem>>) target(%dma_start3A_601 : memref<16x1024xf32, #tpu.memory_space<hbm>>) target_semaphore(%arg21 : memref<!tpu.dma_semaphore, #tpu.memory_space<semaphore_mem>>)
    %dma_wait3A_602 = arith.constant 0 : i32
    %dma_wait3A_603 = arith.constant 0 : i32
    %dma_wait3A_604 = tpu.memref_slice %arg5[%dma_wait3A_602, %dma_wait3A_603] : memref<16384x1024xf32, #tpu.memory_space<hbm>> -> memref<16x1024xf32, #tpu.memory_space<hbm>>
    %dma_wait3A_605 = arith.constant 0 : i32
    %dma_wait3A_606 = arith.constant 0 : i32
    %dma_wait3A_607 = tpu.memref_slice %arg5[%dma_wait3A_605, %dma_wait3A_606] : memref<16384x1024xf32, #tpu.memory_space<hbm>> -> memref<16x1024xf32, #tpu.memory_space<hbm>>
    tpu.wait_dma2 semaphore(%arg19 : memref<!tpu.dma_semaphore, #tpu.memory_space<semaphore_mem>>) src(%arg7 : memref<16x1024xf32, #tpu.memory_space<vmem>>) dst(%dma_wait3A_607 : memref<16x1024xf32, #tpu.memory_space<hbm>>)
    %dma_start3A_608 = arith.constant 20 : i32
    %dma_start3A_609 = arith.constant 0 : i32
    %dma_start3A_610 = tpu.memref_slice %arg6[%dma_start3A_608, %dma_start3A_609] : memref<32x16xi32, #tpu.memory_space<vmem>> -> memref<1x16xi32, #tpu.memory_space<vmem>>
    %dma_start3A_611 = tpu.memref_squeeze %dma_start3A_610 : memref<1x16xi32, #tpu.memory_space<vmem>> -> memref<16xi32, #tpu.memory_space<vmem>>
    %dma_start3A_612 = arith.constant 0 : i32
    %dma_start3A_613 = arith.constant 0 : i32
    %dma_start3A_614 = tpu.memref_slice %arg3[%dma_start3A_612, %dma_start3A_613] : memref<100000x1024xf32, #tpu.memory_space<hbm>> -> memref<100000x1024xf32, #tpu.memory_space<hbm>>
    tpu.enqueue_indirect_dma source(%dma_start3A_614 : memref<100000x1024xf32, #tpu.memory_space<hbm>>) target(%arg7 : memref<16x1024xf32, #tpu.memory_space<vmem>>) offsets(%dma_start3A_611 : memref<16xi32, #tpu.memory_space<vmem>>) semaphore(%arg14 : memref<!tpu.dma_semaphore, #tpu.memory_space<semaphore_mem>>)
    %dma_wait3A_615 = arith.constant 0 : i32
    %dma_wait3A_616 = arith.constant 0 : i32
    %dma_wait3A_617 = tpu.memref_slice %arg4[%dma_wait3A_615, %dma_wait3A_616] : memref<8192x1024xf32, #tpu.memory_space<hbm>> -> memref<16x1024xf32, #tpu.memory_space<hbm>>
    %dma_wait3A_618 = arith.constant 0 : i32
    %dma_wait3A_619 = arith.constant 0 : i32
    %dma_wait3A_620 = tpu.memref_slice %arg4[%dma_wait3A_618, %dma_wait3A_619] : memref<8192x1024xf32, #tpu.memory_space<hbm>> -> memref<16x1024xf32, #tpu.memory_space<hbm>>
    tpu.wait_dma2 semaphore(%arg17 : memref<!tpu.dma_semaphore, #tpu.memory_space<semaphore_mem>>) src(%dma_wait3A_620 : memref<16x1024xf32, #tpu.memory_space<hbm>>) dst(%arg10 : memref<16x1024xf32, #tpu.memory_space<vmem>>)
    %parallel_loop3A_621 = arith.constant 0 : i32
    %parallel_loop3A_622 = arith.constant 1024 : i32
    %parallel_loop3A_623 = arith.constant 1 : i32
    scf.for %parallel_loop3A_1056 = %parallel_loop3A_621 to %parallel_loop3A_622 step %parallel_loop3A_623  : i32 {
      %parallel_loop3A_1057 = arith.constant 6 : i32
      %parallel_loop3A_1058 = arith.shrui %parallel_loop3A_1056, %parallel_loop3A_1057 : i32
      %parallel_loop3A_1059 = arith.constant 63 : i32
      %parallel_loop3A_1060 = arith.andi %parallel_loop3A_1056, %parallel_loop3A_1059 : i32
      %parallel_loop3A_1061 = arith.constant 4 : i32
      %parallel_loop3A_1062 = arith.shli %parallel_loop3A_1060, %parallel_loop3A_1061 : i32
      %parallel_loop3A_1063 = tpu.assume_multiple %parallel_loop3A_1062, 16 : i32
      %parallel_loop3A_1064 = arith.index_cast %parallel_loop3A_1058 : i32 to index
      %parallel_loop3A_1065 = arith.index_cast %parallel_loop3A_1063 : i32 to index
      %parallel_loop3A_1066 = tpu.vector_load %arg12[%parallel_loop3A_1064, %parallel_loop3A_1065] {strides = array<i32>} : memref<16x1024xf32, #tpu.memory_space<vmem>>, vector<1x16xf32>,
      %parallel_loop3A_1067 = vector.shape_cast %parallel_loop3A_1066 : vector<1x16xf32> to vector<16xf32>
      %parallel_loop3A_1068 = arith.index_cast %parallel_loop3A_1058 : i32 to index
      %parallel_loop3A_1069 = arith.index_cast %parallel_loop3A_1063 : i32 to index
      %parallel_loop3A_1070 = tpu.vector_load %arg10[%parallel_loop3A_1068, %parallel_loop3A_1069] {strides = array<i32>} : memref<16x1024xf32, #tpu.memory_space<vmem>>, vector<1x16xf32>,
      %parallel_loop3A_1071 = vector.shape_cast %parallel_loop3A_1070 : vector<1x16xf32> to vector<16xf32>
      %parallel_loop3A_1072 = vector.shape_cast %parallel_loop3A_1067 : vector<16xf32> to vector<1x16xf32>
      tpu.vector_store %arg10[%parallel_loop3A_1068, %parallel_loop3A_1069], %parallel_loop3A_1072 {add = true, strides = array<i32>} : memref<16x1024xf32, #tpu.memory_space<vmem>>, vector<1x16xf32>,
    } {sc.loop_unroll_factor = 8 : i64, sc.parallel_access}
    %add3A_624 = arith.constant 8192 : i32
    %add3A_625 = arith.addi %add3A_624, %mul3A_2 : i32
    %add3A_626 = arith.constant 64 : i32
    %add3A_627 = arith.addi %add3A_625, %add3A_626 : i32
    %dma_start3A_628 = arith.constant 0 : i32
    %dma_start3A_629 = tpu.memref_slice %arg5[%add3A_627, %dma_start3A_628] : memref<16384x1024xf32, #tpu.memory_space<hbm>> -> memref<16x1024xf32, #tpu.memory_space<hbm>>
    %dma_start3A_630 = arith.constant 0 : i32
    %dma_start3A_631 = tpu.memref_slice %arg5[%add3A_627, %dma_start3A_630] : memref<16384x1024xf32, #tpu.memory_space<hbm>> -> memref<16x1024xf32, #tpu.memory_space<hbm>>
    tpu.enqueue_dma source(%arg10 : memref<16x1024xf32, #tpu.memory_space<vmem>>) target(%dma_start3A_631 : memref<16x1024xf32, #tpu.memory_space<hbm>>) target_semaphore(%arg22 : memref<!tpu.dma_semaphore, #tpu.memory_space<semaphore_mem>>)
    %dma_wait3A_632 = arith.constant 0 : i32
    %dma_wait3A_633 = arith.constant 0 : i32
    %dma_wait3A_634 = tpu.memref_slice %arg5[%dma_wait3A_632, %dma_wait3A_633] : memref<16384x1024xf32, #tpu.memory_space<hbm>> -> memref<16x1024xf32, #tpu.memory_space<hbm>>
    %dma_wait3A_635 = arith.constant 0 : i32
    %dma_wait3A_636 = arith.constant 0 : i32
    %dma_wait3A_637 = tpu.memref_slice %arg5[%dma_wait3A_635, %dma_wait3A_636] : memref<16384x1024xf32, #tpu.memory_space<hbm>> -> memref<16x1024xf32, #tpu.memory_space<hbm>>
    tpu.wait_dma2 semaphore(%arg20 : memref<!tpu.dma_semaphore, #tpu.memory_space<semaphore_mem>>) src(%arg8 : memref<16x1024xf32, #tpu.memory_space<vmem>>) dst(%dma_wait3A_637 : memref<16x1024xf32, #tpu.memory_space<hbm>>)
    %dma_start3A_638 = arith.constant 21 : i32
    %dma_start3A_639 = arith.constant 0 : i32
    %dma_start3A_640 = tpu.memref_slice %arg6[%dma_start3A_638, %dma_start3A_639] : memref<32x16xi32, #tpu.memory_space<vmem>> -> memref<1x16xi32, #tpu.memory_space<vmem>>
    %dma_start3A_641 = tpu.memref_squeeze %dma_start3A_640 : memref<1x16xi32, #tpu.memory_space<vmem>> -> memref<16xi32, #tpu.memory_space<vmem>>
    %dma_start3A_642 = arith.constant 0 : i32
    %dma_start3A_643 = arith.constant 0 : i32
    %dma_start3A_644 = tpu.memref_slice %arg3[%dma_start3A_642, %dma_start3A_643] : memref<100000x1024xf32, #tpu.memory_space<hbm>> -> memref<100000x1024xf32, #tpu.memory_space<hbm>>
    tpu.enqueue_indirect_dma source(%dma_start3A_644 : memref<100000x1024xf32, #tpu.memory_space<hbm>>) target(%arg8 : memref<16x1024xf32, #tpu.memory_space<vmem>>) offsets(%dma_start3A_641 : memref<16xi32, #tpu.memory_space<vmem>>) semaphore(%arg15 : memref<!tpu.dma_semaphore, #tpu.memory_space<semaphore_mem>>)
    %dma_wait3A_645 = arith.constant 0 : i32
    %dma_wait3A_646 = arith.constant 0 : i32
    %dma_wait3A_647 = tpu.memref_slice %arg4[%dma_wait3A_645, %dma_wait3A_646] : memref<8192x1024xf32, #tpu.memory_space<hbm>> -> memref<16x1024xf32, #tpu.memory_space<hbm>>
    %dma_wait3A_648 = arith.constant 0 : i32
    %dma_wait3A_649 = arith.constant 0 : i32
    %dma_wait3A_650 = tpu.memref_slice %arg4[%dma_wait3A_648, %dma_wait3A_649] : memref<8192x1024xf32, #tpu.memory_space<hbm>> -> memref<16x1024xf32, #tpu.memory_space<hbm>>
    tpu.wait_dma2 semaphore(%arg18 : memref<!tpu.dma_semaphore, #tpu.memory_space<semaphore_mem>>) src(%dma_wait3A_650 : memref<16x1024xf32, #tpu.memory_space<hbm>>) dst(%arg11 : memref<16x1024xf32, #tpu.memory_space<vmem>>)
    %parallel_loop3A_651 = arith.constant 0 : i32
    %parallel_loop3A_652 = arith.constant 1024 : i32
    %parallel_loop3A_653 = arith.constant 1 : i32
    scf.for %parallel_loop3A_1056 = %parallel_loop3A_651 to %parallel_loop3A_652 step %parallel_loop3A_653  : i32 {
      %parallel_loop3A_1057 = arith.constant 6 : i32
      %parallel_loop3A_1058 = arith.shrui %parallel_loop3A_1056, %parallel_loop3A_1057 : i32
      %parallel_loop3A_1059 = arith.constant 63 : i32
      %parallel_loop3A_1060 = arith.andi %parallel_loop3A_1056, %parallel_loop3A_1059 : i32
      %parallel_loop3A_1061 = arith.constant 4 : i32
      %parallel_loop3A_1062 = arith.shli %parallel_loop3A_1060, %parallel_loop3A_1061 : i32
      %parallel_loop3A_1063 = tpu.assume_multiple %parallel_loop3A_1062, 16 : i32
      %parallel_loop3A_1064 = arith.index_cast %parallel_loop3A_1058 : i32 to index
      %parallel_loop3A_1065 = arith.index_cast %parallel_loop3A_1063 : i32 to index
      %parallel_loop3A_1066 = tpu.vector_load %arg12[%parallel_loop3A_1064, %parallel_loop3A_1065] {strides = array<i32>} : memref<16x1024xf32, #tpu.memory_space<vmem>>, vector<1x16xf32>,
      %parallel_loop3A_1067 = vector.shape_cast %parallel_loop3A_1066 : vector<1x16xf32> to vector<16xf32>
      %parallel_loop3A_1068 = arith.index_cast %parallel_loop3A_1058 : i32 to index
      %parallel_loop3A_1069 = arith.index_cast %parallel_loop3A_1063 : i32 to index
      %parallel_loop3A_1070 = tpu.vector_load %arg11[%parallel_loop3A_1068, %parallel_loop3A_1069] {strides = array<i32>} : memref<16x1024xf32, #tpu.memory_space<vmem>>, vector<1x16xf32>,
      %parallel_loop3A_1071 = vector.shape_cast %parallel_loop3A_1070 : vector<1x16xf32> to vector<16xf32>
      %parallel_loop3A_1072 = vector.shape_cast %parallel_loop3A_1067 : vector<16xf32> to vector<1x16xf32>
      tpu.vector_store %arg11[%parallel_loop3A_1068, %parallel_loop3A_1069], %parallel_loop3A_1072 {add = true, strides = array<i32>} : memref<16x1024xf32, #tpu.memory_space<vmem>>, vector<1x16xf32>,
    } {sc.loop_unroll_factor = 8 : i64, sc.parallel_access}
    %add3A_654 = arith.constant 12288 : i32
    %add3A_655 = arith.addi %add3A_654, %mul3A_2 : i32
    %add3A_656 = arith.constant 64 : i32
    %add3A_657 = arith.addi %add3A_655, %add3A_656 : i32
    %dma_start3A_658 = arith.constant 0 : i32
    %dma_start3A_659 = tpu.memref_slice %arg5[%add3A_657, %dma_start3A_658] : memref<16384x1024xf32, #tpu.memory_space<hbm>> -> memref<16x1024xf32, #tpu.memory_space<hbm>>
    %dma_start3A_660 = arith.constant 0 : i32
    %dma_start3A_661 = tpu.memref_slice %arg5[%add3A_657, %dma_start3A_660] : memref<16384x1024xf32, #tpu.memory_space<hbm>> -> memref<16x1024xf32, #tpu.memory_space<hbm>>
    tpu.enqueue_dma source(%arg11 : memref<16x1024xf32, #tpu.memory_space<vmem>>) target(%dma_start3A_661 : memref<16x1024xf32, #tpu.memory_space<hbm>>) target_semaphore(%arg23 : memref<!tpu.dma_semaphore, #tpu.memory_space<semaphore_mem>>)
    %add3A_662 = arith.constant 96 : i32
    %add3A_663 = arith.addi %mul3A_2, %add3A_662 : i32
    %dma_start3A_664 = arith.constant 0 : i32
    %dma_start3A_665 = tpu.memref_slice %arg4[%add3A_663, %dma_start3A_664] : memref<8192x1024xf32, #tpu.memory_space<hbm>> -> memref<16x1024xf32, #tpu.memory_space<hbm>>
    %dma_start3A_666 = arith.constant 0 : i32
    %dma_start3A_667 = tpu.memref_slice %arg4[%add3A_663, %dma_start3A_666] : memref<8192x1024xf32, #tpu.memory_space<hbm>> -> memref<16x1024xf32, #tpu.memory_space<hbm>>
    tpu.enqueue_dma source(%dma_start3A_667 : memref<16x1024xf32, #tpu.memory_space<hbm>>) target(%arg12 : memref<16x1024xf32, #tpu.memory_space<vmem>>) target_semaphore(%arg24 : memref<!tpu.dma_semaphore, #tpu.memory_space<semaphore_mem>>)
    %dma_wait3A_668 = arith.constant 0 : i32
    %dma_wait3A_669 = arith.constant 0 : i32
    %dma_wait3A_670 = tpu.memref_slice %arg5[%dma_wait3A_668, %dma_wait3A_669] : memref<16384x1024xf32, #tpu.memory_space<hbm>> -> memref<16x1024xf32, #tpu.memory_space<hbm>>
    %dma_wait3A_671 = arith.constant 0 : i32
    %dma_wait3A_672 = arith.constant 0 : i32
    %dma_wait3A_673 = tpu.memref_slice %arg5[%dma_wait3A_671, %dma_wait3A_672] : memref<16384x1024xf32, #tpu.memory_space<hbm>> -> memref<16x1024xf32, #tpu.memory_space<hbm>>
    tpu.wait_dma2 semaphore(%arg21 : memref<!tpu.dma_semaphore, #tpu.memory_space<semaphore_mem>>) src(%arg9 : memref<16x1024xf32, #tpu.memory_space<vmem>>) dst(%dma_wait3A_673 : memref<16x1024xf32, #tpu.memory_space<hbm>>)
    %dma_start3A_674 = arith.constant 22 : i32
    %dma_start3A_675 = arith.constant 0 : i32
    %dma_start3A_676 = tpu.memref_slice %arg6[%dma_start3A_674, %dma_start3A_675] : memref<32x16xi32, #tpu.memory_space<vmem>> -> memref<1x16xi32, #tpu.memory_space<vmem>>
    %dma_start3A_677 = tpu.memref_squeeze %dma_start3A_676 : memref<1x16xi32, #tpu.memory_space<vmem>> -> memref<16xi32, #tpu.memory_space<vmem>>
    %dma_start3A_678 = arith.constant 0 : i32
    %dma_start3A_679 = arith.constant 0 : i32
    %dma_start3A_680 = tpu.memref_slice %arg3[%dma_start3A_678, %dma_start3A_679] : memref<100000x1024xf32, #tpu.memory_space<hbm>> -> memref<100000x1024xf32, #tpu.memory_space<hbm>>
    tpu.enqueue_indirect_dma source(%dma_start3A_680 : memref<100000x1024xf32, #tpu.memory_space<hbm>>) target(%arg9 : memref<16x1024xf32, #tpu.memory_space<vmem>>) offsets(%dma_start3A_677 : memref<16xi32, #tpu.memory_space<vmem>>) semaphore(%arg16 : memref<!tpu.dma_semaphore, #tpu.memory_space<semaphore_mem>>)
    %dma_wait3A_681 = arith.constant 0 : i32
    %dma_wait3A_682 = arith.constant 0 : i32
    %dma_wait3A_683 = tpu.memref_slice %arg4[%dma_wait3A_681, %dma_wait3A_682] : memref<8192x1024xf32, #tpu.memory_space<hbm>> -> memref<16x1024xf32, #tpu.memory_space<hbm>>
    %dma_wait3A_684 = arith.constant 0 : i32
    %dma_wait3A_685 = arith.constant 0 : i32
    %dma_wait3A_686 = tpu.memref_slice %arg4[%dma_wait3A_684, %dma_wait3A_685] : memref<8192x1024xf32, #tpu.memory_space<hbm>> -> memref<16x1024xf32, #tpu.memory_space<hbm>>
    tpu.wait_dma2 semaphore(%arg14 : memref<!tpu.dma_semaphore, #tpu.memory_space<semaphore_mem>>) src(%dma_wait3A_686 : memref<16x1024xf32, #tpu.memory_space<hbm>>) dst(%arg7 : memref<16x1024xf32, #tpu.memory_space<vmem>>)
    %dma_wait3A_687 = arith.constant 0 : i32
    %dma_wait3A_688 = arith.constant 0 : i32
    %dma_wait3A_689 = tpu.memref_slice %arg4[%dma_wait3A_687, %dma_wait3A_688] : memref<8192x1024xf32, #tpu.memory_space<hbm>> -> memref<16x1024xf32, #tpu.memory_space<hbm>>
    %dma_wait3A_690 = arith.constant 0 : i32
    %dma_wait3A_691 = arith.constant 0 : i32
    %dma_wait3A_692 = tpu.memref_slice %arg4[%dma_wait3A_690, %dma_wait3A_691] : memref<8192x1024xf32, #tpu.memory_space<hbm>> -> memref<16x1024xf32, #tpu.memory_space<hbm>>
    tpu.wait_dma2 semaphore(%arg25 : memref<!tpu.dma_semaphore, #tpu.memory_space<semaphore_mem>>) src(%dma_wait3A_692 : memref<16x1024xf32, #tpu.memory_space<hbm>>) dst(%arg13 : memref<16x1024xf32, #tpu.memory_space<vmem>>)
    %parallel_loop3A_693 = arith.constant 0 : i32
    %parallel_loop3A_694 = arith.constant 1024 : i32
    %parallel_loop3A_695 = arith.constant 1 : i32
    scf.for %parallel_loop3A_1056 = %parallel_loop3A_693 to %parallel_loop3A_694 step %parallel_loop3A_695  : i32 {
      %parallel_loop3A_1057 = arith.constant 6 : i32
      %parallel_loop3A_1058 = arith.shrui %parallel_loop3A_1056, %parallel_loop3A_1057 : i32
      %parallel_loop3A_1059 = arith.constant 63 : i32
      %parallel_loop3A_1060 = arith.andi %parallel_loop3A_1056, %parallel_loop3A_1059 : i32
      %parallel_loop3A_1061 = arith.constant 4 : i32
      %parallel_loop3A_1062 = arith.shli %parallel_loop3A_1060, %parallel_loop3A_1061 : i32
      %parallel_loop3A_1063 = tpu.assume_multiple %parallel_loop3A_1062, 16 : i32
      %parallel_loop3A_1064 = arith.index_cast %parallel_loop3A_1058 : i32 to index
      %parallel_loop3A_1065 = arith.index_cast %parallel_loop3A_1063 : i32 to index
      %parallel_loop3A_1066 = tpu.vector_load %arg13[%parallel_loop3A_1064, %parallel_loop3A_1065] {strides = array<i32>} : memref<16x1024xf32, #tpu.memory_space<vmem>>, vector<1x16xf32>,
      %parallel_loop3A_1067 = vector.shape_cast %parallel_loop3A_1066 : vector<1x16xf32> to vector<16xf32>
      %parallel_loop3A_1068 = arith.index_cast %parallel_loop3A_1058 : i32 to index
      %parallel_loop3A_1069 = arith.index_cast %parallel_loop3A_1063 : i32 to index
      %parallel_loop3A_1070 = tpu.vector_load %arg7[%parallel_loop3A_1068, %parallel_loop3A_1069] {strides = array<i32>} : memref<16x1024xf32, #tpu.memory_space<vmem>>, vector<1x16xf32>,
      %parallel_loop3A_1071 = vector.shape_cast %parallel_loop3A_1070 : vector<1x16xf32> to vector<16xf32>
      %parallel_loop3A_1072 = vector.shape_cast %parallel_loop3A_1067 : vector<16xf32> to vector<1x16xf32>
      tpu.vector_store %arg7[%parallel_loop3A_1068, %parallel_loop3A_1069], %parallel_loop3A_1072 {add = true, strides = array<i32>} : memref<16x1024xf32, #tpu.memory_space<vmem>>, vector<1x16xf32>,
    } {sc.loop_unroll_factor = 8 : i64, sc.parallel_access}
    %add3A_696 = arith.constant 0 : i32
    %add3A_697 = arith.addi %add3A_696, %mul3A_2 : i32
    %add3A_698 = arith.constant 80 : i32
    %add3A_699 = arith.addi %add3A_697, %add3A_698 : i32
    %dma_start3A_700 = arith.constant 0 : i32
    %dma_start3A_701 = tpu.memref_slice %arg5[%add3A_699, %dma_start3A_700] : memref<16384x1024xf32, #tpu.memory_space<hbm>> -> memref<16x1024xf32, #tpu.memory_space<hbm>>
    %dma_start3A_702 = arith.constant 0 : i32
    %dma_start3A_703 = tpu.memref_slice %arg5[%add3A_699, %dma_start3A_702] : memref<16384x1024xf32, #tpu.memory_space<hbm>> -> memref<16x1024xf32, #tpu.memory_space<hbm>>
    tpu.enqueue_dma source(%arg7 : memref<16x1024xf32, #tpu.memory_space<vmem>>) target(%dma_start3A_703 : memref<16x1024xf32, #tpu.memory_space<hbm>>) target_semaphore(%arg19 : memref<!tpu.dma_semaphore, #tpu.memory_space<semaphore_mem>>)
    %dma_wait3A_704 = arith.constant 0 : i32
    %dma_wait3A_705 = arith.constant 0 : i32
    %dma_wait3A_706 = tpu.memref_slice %arg5[%dma_wait3A_704, %dma_wait3A_705] : memref<16384x1024xf32, #tpu.memory_space<hbm>> -> memref<16x1024xf32, #tpu.memory_space<hbm>>
    %dma_wait3A_707 = arith.constant 0 : i32
    %dma_wait3A_708 = arith.constant 0 : i32
    %dma_wait3A_709 = tpu.memref_slice %arg5[%dma_wait3A_707, %dma_wait3A_708] : memref<16384x1024xf32, #tpu.memory_space<hbm>> -> memref<16x1024xf32, #tpu.memory_space<hbm>>
    tpu.wait_dma2 semaphore(%arg22 : memref<!tpu.dma_semaphore, #tpu.memory_space<semaphore_mem>>) src(%arg10 : memref<16x1024xf32, #tpu.memory_space<vmem>>) dst(%dma_wait3A_709 : memref<16x1024xf32, #tpu.memory_space<hbm>>)
    %dma_start3A_710 = arith.constant 23 : i32
    %dma_start3A_711 = arith.constant 0 : i32
    %dma_start3A_712 = tpu.memref_slice %arg6[%dma_start3A_710, %dma_start3A_711] : memref<32x16xi32, #tpu.memory_space<vmem>> -> memref<1x16xi32, #tpu.memory_space<vmem>>
    %dma_start3A_713 = tpu.memref_squeeze %dma_start3A_712 : memref<1x16xi32, #tpu.memory_space<vmem>> -> memref<16xi32, #tpu.memory_space<vmem>>
    %dma_start3A_714 = arith.constant 0 : i32
    %dma_start3A_715 = arith.constant 0 : i32
    %dma_start3A_716 = tpu.memref_slice %arg3[%dma_start3A_714, %dma_start3A_715] : memref<100000x1024xf32, #tpu.memory_space<hbm>> -> memref<100000x1024xf32, #tpu.memory_space<hbm>>
    tpu.enqueue_indirect_dma source(%dma_start3A_716 : memref<100000x1024xf32, #tpu.memory_space<hbm>>) target(%arg10 : memref<16x1024xf32, #tpu.memory_space<vmem>>) offsets(%dma_start3A_713 : memref<16xi32, #tpu.memory_space<vmem>>) semaphore(%arg17 : memref<!tpu.dma_semaphore, #tpu.memory_space<semaphore_mem>>)
    %dma_wait3A_717 = arith.constant 0 : i32
    %dma_wait3A_718 = arith.constant 0 : i32
    %dma_wait3A_719 = tpu.memref_slice %arg4[%dma_wait3A_717, %dma_wait3A_718] : memref<8192x1024xf32, #tpu.memory_space<hbm>> -> memref<16x1024xf32, #tpu.memory_space<hbm>>
    %dma_wait3A_720 = arith.constant 0 : i32
    %dma_wait3A_721 = arith.constant 0 : i32
    %dma_wait3A_722 = tpu.memref_slice %arg4[%dma_wait3A_720, %dma_wait3A_721] : memref<8192x1024xf32, #tpu.memory_space<hbm>> -> memref<16x1024xf32, #tpu.memory_space<hbm>>
    tpu.wait_dma2 semaphore(%arg15 : memref<!tpu.dma_semaphore, #tpu.memory_space<semaphore_mem>>) src(%dma_wait3A_722 : memref<16x1024xf32, #tpu.memory_space<hbm>>) dst(%arg8 : memref<16x1024xf32, #tpu.memory_space<vmem>>)
    %parallel_loop3A_723 = arith.constant 0 : i32
    %parallel_loop3A_724 = arith.constant 1024 : i32
    %parallel_loop3A_725 = arith.constant 1 : i32
    scf.for %parallel_loop3A_1056 = %parallel_loop3A_723 to %parallel_loop3A_724 step %parallel_loop3A_725  : i32 {
      %parallel_loop3A_1057 = arith.constant 6 : i32
      %parallel_loop3A_1058 = arith.shrui %parallel_loop3A_1056, %parallel_loop3A_1057 : i32
      %parallel_loop3A_1059 = arith.constant 63 : i32
      %parallel_loop3A_1060 = arith.andi %parallel_loop3A_1056, %parallel_loop3A_1059 : i32
      %parallel_loop3A_1061 = arith.constant 4 : i32
      %parallel_loop3A_1062 = arith.shli %parallel_loop3A_1060, %parallel_loop3A_1061 : i32
      %parallel_loop3A_1063 = tpu.assume_multiple %parallel_loop3A_1062, 16 : i32
      %parallel_loop3A_1064 = arith.index_cast %parallel_loop3A_1058 : i32 to index
      %parallel_loop3A_1065 = arith.index_cast %parallel_loop3A_1063 : i32 to index
      %parallel_loop3A_1066 = tpu.vector_load %arg13[%parallel_loop3A_1064, %parallel_loop3A_1065] {strides = array<i32>} : memref<16x1024xf32, #tpu.memory_space<vmem>>, vector<1x16xf32>,
      %parallel_loop3A_1067 = vector.shape_cast %parallel_loop3A_1066 : vector<1x16xf32> to vector<16xf32>
      %parallel_loop3A_1068 = arith.index_cast %parallel_loop3A_1058 : i32 to index
      %parallel_loop3A_1069 = arith.index_cast %parallel_loop3A_1063 : i32 to index
      %parallel_loop3A_1070 = tpu.vector_load %arg8[%parallel_loop3A_1068, %parallel_loop3A_1069] {strides = array<i32>} : memref<16x1024xf32, #tpu.memory_space<vmem>>, vector<1x16xf32>,
      %parallel_loop3A_1071 = vector.shape_cast %parallel_loop3A_1070 : vector<1x16xf32> to vector<16xf32>
      %parallel_loop3A_1072 = vector.shape_cast %parallel_loop3A_1067 : vector<16xf32> to vector<1x16xf32>
      tpu.vector_store %arg8[%parallel_loop3A_1068, %parallel_loop3A_1069], %parallel_loop3A_1072 {add = true, strides = array<i32>} : memref<16x1024xf32, #tpu.memory_space<vmem>>, vector<1x16xf32>,
    } {sc.loop_unroll_factor = 8 : i64, sc.parallel_access}
    %add3A_726 = arith.constant 4096 : i32
    %add3A_727 = arith.addi %add3A_726, %mul3A_2 : i32
    %add3A_728 = arith.constant 80 : i32
    %add3A_729 = arith.addi %add3A_727, %add3A_728 : i32
    %dma_start3A_730 = arith.constant 0 : i32
    %dma_start3A_731 = tpu.memref_slice %arg5[%add3A_729, %dma_start3A_730] : memref<16384x1024xf32, #tpu.memory_space<hbm>> -> memref<16x1024xf32, #tpu.memory_space<hbm>>
    %dma_start3A_732 = arith.constant 0 : i32
    %dma_start3A_733 = tpu.memref_slice %arg5[%add3A_729, %dma_start3A_732] : memref<16384x1024xf32, #tpu.memory_space<hbm>> -> memref<16x1024xf32, #tpu.memory_space<hbm>>
    tpu.enqueue_dma source(%arg8 : memref<16x1024xf32, #tpu.memory_space<vmem>>) target(%dma_start3A_733 : memref<16x1024xf32, #tpu.memory_space<hbm>>) target_semaphore(%arg20 : memref<!tpu.dma_semaphore, #tpu.memory_space<semaphore_mem>>)
    %dma_wait3A_734 = arith.constant 0 : i32
    %dma_wait3A_735 = arith.constant 0 : i32
    %dma_wait3A_736 = tpu.memref_slice %arg5[%dma_wait3A_734, %dma_wait3A_735] : memref<16384x1024xf32, #tpu.memory_space<hbm>> -> memref<16x1024xf32, #tpu.memory_space<hbm>>
    %dma_wait3A_737 = arith.constant 0 : i32
    %dma_wait3A_738 = arith.constant 0 : i32
    %dma_wait3A_739 = tpu.memref_slice %arg5[%dma_wait3A_737, %dma_wait3A_738] : memref<16384x1024xf32, #tpu.memory_space<hbm>> -> memref<16x1024xf32, #tpu.memory_space<hbm>>
    tpu.wait_dma2 semaphore(%arg23 : memref<!tpu.dma_semaphore, #tpu.memory_space<semaphore_mem>>) src(%arg11 : memref<16x1024xf32, #tpu.memory_space<vmem>>) dst(%dma_wait3A_739 : memref<16x1024xf32, #tpu.memory_space<hbm>>)
    %dma_start3A_740 = arith.constant 24 : i32
    %dma_start3A_741 = arith.constant 0 : i32
    %dma_start3A_742 = tpu.memref_slice %arg6[%dma_start3A_740, %dma_start3A_741] : memref<32x16xi32, #tpu.memory_space<vmem>> -> memref<1x16xi32, #tpu.memory_space<vmem>>
    %dma_start3A_743 = tpu.memref_squeeze %dma_start3A_742 : memref<1x16xi32, #tpu.memory_space<vmem>> -> memref<16xi32, #tpu.memory_space<vmem>>
    %dma_start3A_744 = arith.constant 0 : i32
    %dma_start3A_745 = arith.constant 0 : i32
    %dma_start3A_746 = tpu.memref_slice %arg3[%dma_start3A_744, %dma_start3A_745] : memref<100000x1024xf32, #tpu.memory_space<hbm>> -> memref<100000x1024xf32, #tpu.memory_space<hbm>>
    tpu.enqueue_indirect_dma source(%dma_start3A_746 : memref<100000x1024xf32, #tpu.memory_space<hbm>>) target(%arg11 : memref<16x1024xf32, #tpu.memory_space<vmem>>) offsets(%dma_start3A_743 : memref<16xi32, #tpu.memory_space<vmem>>) semaphore(%arg18 : memref<!tpu.dma_semaphore, #tpu.memory_space<semaphore_mem>>)
    %dma_wait3A_747 = arith.constant 0 : i32
    %dma_wait3A_748 = arith.constant 0 : i32
    %dma_wait3A_749 = tpu.memref_slice %arg4[%dma_wait3A_747, %dma_wait3A_748] : memref<8192x1024xf32, #tpu.memory_space<hbm>> -> memref<16x1024xf32, #tpu.memory_space<hbm>>
    %dma_wait3A_750 = arith.constant 0 : i32
    %dma_wait3A_751 = arith.constant 0 : i32
    %dma_wait3A_752 = tpu.memref_slice %arg4[%dma_wait3A_750, %dma_wait3A_751] : memref<8192x1024xf32, #tpu.memory_space<hbm>> -> memref<16x1024xf32, #tpu.memory_space<hbm>>
    tpu.wait_dma2 semaphore(%arg16 : memref<!tpu.dma_semaphore, #tpu.memory_space<semaphore_mem>>) src(%dma_wait3A_752 : memref<16x1024xf32, #tpu.memory_space<hbm>>) dst(%arg9 : memref<16x1024xf32, #tpu.memory_space<vmem>>)
    %parallel_loop3A_753 = arith.constant 0 : i32
    %parallel_loop3A_754 = arith.constant 1024 : i32
    %parallel_loop3A_755 = arith.constant 1 : i32
    scf.for %parallel_loop3A_1056 = %parallel_loop3A_753 to %parallel_loop3A_754 step %parallel_loop3A_755  : i32 {
      %parallel_loop3A_1057 = arith.constant 6 : i32
      %parallel_loop3A_1058 = arith.shrui %parallel_loop3A_1056, %parallel_loop3A_1057 : i32
      %parallel_loop3A_1059 = arith.constant 63 : i32
      %parallel_loop3A_1060 = arith.andi %parallel_loop3A_1056, %parallel_loop3A_1059 : i32
      %parallel_loop3A_1061 = arith.constant 4 : i32
      %parallel_loop3A_1062 = arith.shli %parallel_loop3A_1060, %parallel_loop3A_1061 : i32
      %parallel_loop3A_1063 = tpu.assume_multiple %parallel_loop3A_1062, 16 : i32
      %parallel_loop3A_1064 = arith.index_cast %parallel_loop3A_1058 : i32 to index
      %parallel_loop3A_1065 = arith.index_cast %parallel_loop3A_1063 : i32 to index
      %parallel_loop3A_1066 = tpu.vector_load %arg13[%parallel_loop3A_1064, %parallel_loop3A_1065] {strides = array<i32>} : memref<16x1024xf32, #tpu.memory_space<vmem>>, vector<1x16xf32>,
      %parallel_loop3A_1067 = vector.shape_cast %parallel_loop3A_1066 : vector<1x16xf32> to vector<16xf32>
      %parallel_loop3A_1068 = arith.index_cast %parallel_loop3A_1058 : i32 to index
      %parallel_loop3A_1069 = arith.index_cast %parallel_loop3A_1063 : i32 to index
      %parallel_loop3A_1070 = tpu.vector_load %arg9[%parallel_loop3A_1068, %parallel_loop3A_1069] {strides = array<i32>} : memref<16x1024xf32, #tpu.memory_space<vmem>>, vector<1x16xf32>,
      %parallel_loop3A_1071 = vector.shape_cast %parallel_loop3A_1070 : vector<1x16xf32> to vector<16xf32>
      %parallel_loop3A_1072 = vector.shape_cast %parallel_loop3A_1067 : vector<16xf32> to vector<1x16xf32>
      tpu.vector_store %arg9[%parallel_loop3A_1068, %parallel_loop3A_1069], %parallel_loop3A_1072 {add = true, strides = array<i32>} : memref<16x1024xf32, #tpu.memory_space<vmem>>, vector<1x16xf32>,
    } {sc.loop_unroll_factor = 8 : i64, sc.parallel_access}
    %add3A_756 = arith.constant 8192 : i32
    %add3A_757 = arith.addi %add3A_756, %mul3A_2 : i32
    %add3A_758 = arith.constant 80 : i32
    %add3A_759 = arith.addi %add3A_757, %add3A_758 : i32
    %dma_start3A_760 = arith.constant 0 : i32
    %dma_start3A_761 = tpu.memref_slice %arg5[%add3A_759, %dma_start3A_760] : memref<16384x1024xf32, #tpu.memory_space<hbm>> -> memref<16x1024xf32, #tpu.memory_space<hbm>>
    %dma_start3A_762 = arith.constant 0 : i32
    %dma_start3A_763 = tpu.memref_slice %arg5[%add3A_759, %dma_start3A_762] : memref<16384x1024xf32, #tpu.memory_space<hbm>> -> memref<16x1024xf32, #tpu.memory_space<hbm>>
    tpu.enqueue_dma source(%arg9 : memref<16x1024xf32, #tpu.memory_space<vmem>>) target(%dma_start3A_763 : memref<16x1024xf32, #tpu.memory_space<hbm>>) target_semaphore(%arg21 : memref<!tpu.dma_semaphore, #tpu.memory_space<semaphore_mem>>)
    %dma_wait3A_764 = arith.constant 0 : i32
    %dma_wait3A_765 = arith.constant 0 : i32
    %dma_wait3A_766 = tpu.memref_slice %arg5[%dma_wait3A_764, %dma_wait3A_765] : memref<16384x1024xf32, #tpu.memory_space<hbm>> -> memref<16x1024xf32, #tpu.memory_space<hbm>>
    %dma_wait3A_767 = arith.constant 0 : i32
    %dma_wait3A_768 = arith.constant 0 : i32
    %dma_wait3A_769 = tpu.memref_slice %arg5[%dma_wait3A_767, %dma_wait3A_768] : memref<16384x1024xf32, #tpu.memory_space<hbm>> -> memref<16x1024xf32, #tpu.memory_space<hbm>>
    tpu.wait_dma2 semaphore(%arg19 : memref<!tpu.dma_semaphore, #tpu.memory_space<semaphore_mem>>) src(%arg7 : memref<16x1024xf32, #tpu.memory_space<vmem>>) dst(%dma_wait3A_769 : memref<16x1024xf32, #tpu.memory_space<hbm>>)
    %dma_start3A_770 = arith.constant 25 : i32
    %dma_start3A_771 = arith.constant 0 : i32
    %dma_start3A_772 = tpu.memref_slice %arg6[%dma_start3A_770, %dma_start3A_771] : memref<32x16xi32, #tpu.memory_space<vmem>> -> memref<1x16xi32, #tpu.memory_space<vmem>>
    %dma_start3A_773 = tpu.memref_squeeze %dma_start3A_772 : memref<1x16xi32, #tpu.memory_space<vmem>> -> memref<16xi32, #tpu.memory_space<vmem>>
    %dma_start3A_774 = arith.constant 0 : i32
    %dma_start3A_775 = arith.constant 0 : i32
    %dma_start3A_776 = tpu.memref_slice %arg3[%dma_start3A_774, %dma_start3A_775] : memref<100000x1024xf32, #tpu.memory_space<hbm>> -> memref<100000x1024xf32, #tpu.memory_space<hbm>>
    tpu.enqueue_indirect_dma source(%dma_start3A_776 : memref<100000x1024xf32, #tpu.memory_space<hbm>>) target(%arg7 : memref<16x1024xf32, #tpu.memory_space<vmem>>) offsets(%dma_start3A_773 : memref<16xi32, #tpu.memory_space<vmem>>) semaphore(%arg14 : memref<!tpu.dma_semaphore, #tpu.memory_space<semaphore_mem>>)
    %dma_wait3A_777 = arith.constant 0 : i32
    %dma_wait3A_778 = arith.constant 0 : i32
    %dma_wait3A_779 = tpu.memref_slice %arg4[%dma_wait3A_777, %dma_wait3A_778] : memref<8192x1024xf32, #tpu.memory_space<hbm>> -> memref<16x1024xf32, #tpu.memory_space<hbm>>
    %dma_wait3A_780 = arith.constant 0 : i32
    %dma_wait3A_781 = arith.constant 0 : i32
    %dma_wait3A_782 = tpu.memref_slice %arg4[%dma_wait3A_780, %dma_wait3A_781] : memref<8192x1024xf32, #tpu.memory_space<hbm>> -> memref<16x1024xf32, #tpu.memory_space<hbm>>
    tpu.wait_dma2 semaphore(%arg17 : memref<!tpu.dma_semaphore, #tpu.memory_space<semaphore_mem>>) src(%dma_wait3A_782 : memref<16x1024xf32, #tpu.memory_space<hbm>>) dst(%arg10 : memref<16x1024xf32, #tpu.memory_space<vmem>>)
    %parallel_loop3A_783 = arith.constant 0 : i32
    %parallel_loop3A_784 = arith.constant 1024 : i32
    %parallel_loop3A_785 = arith.constant 1 : i32
    scf.for %parallel_loop3A_1056 = %parallel_loop3A_783 to %parallel_loop3A_784 step %parallel_loop3A_785  : i32 {
      %parallel_loop3A_1057 = arith.constant 6 : i32
      %parallel_loop3A_1058 = arith.shrui %parallel_loop3A_1056, %parallel_loop3A_1057 : i32
      %parallel_loop3A_1059 = arith.constant 63 : i32
      %parallel_loop3A_1060 = arith.andi %parallel_loop3A_1056, %parallel_loop3A_1059 : i32
      %parallel_loop3A_1061 = arith.constant 4 : i32
      %parallel_loop3A_1062 = arith.shli %parallel_loop3A_1060, %parallel_loop3A_1061 : i32
      %parallel_loop3A_1063 = tpu.assume_multiple %parallel_loop3A_1062, 16 : i32
      %parallel_loop3A_1064 = arith.index_cast %parallel_loop3A_1058 : i32 to index
      %parallel_loop3A_1065 = arith.index_cast %parallel_loop3A_1063 : i32 to index
      %parallel_loop3A_1066 = tpu.vector_load %arg13[%parallel_loop3A_1064, %parallel_loop3A_1065] {strides = array<i32>} : memref<16x1024xf32, #tpu.memory_space<vmem>>, vector<1x16xf32>,
      %parallel_loop3A_1067 = vector.shape_cast %parallel_loop3A_1066 : vector<1x16xf32> to vector<16xf32>
      %parallel_loop3A_1068 = arith.index_cast %parallel_loop3A_1058 : i32 to index
      %parallel_loop3A_1069 = arith.index_cast %parallel_loop3A_1063 : i32 to index
      %parallel_loop3A_1070 = tpu.vector_load %arg10[%parallel_loop3A_1068, %parallel_loop3A_1069] {strides = array<i32>} : memref<16x1024xf32, #tpu.memory_space<vmem>>, vector<1x16xf32>,
      %parallel_loop3A_1071 = vector.shape_cast %parallel_loop3A_1070 : vector<1x16xf32> to vector<16xf32>
      %parallel_loop3A_1072 = vector.shape_cast %parallel_loop3A_1067 : vector<16xf32> to vector<1x16xf32>
      tpu.vector_store %arg10[%parallel_loop3A_1068, %parallel_loop3A_1069], %parallel_loop3A_1072 {add = true, strides = array<i32>} : memref<16x1024xf32, #tpu.memory_space<vmem>>, vector<1x16xf32>,
    } {sc.loop_unroll_factor = 8 : i64, sc.parallel_access}
    %add3A_786 = arith.constant 12288 : i32
    %add3A_787 = arith.addi %add3A_786, %mul3A_2 : i32
    %add3A_788 = arith.constant 80 : i32
    %add3A_789 = arith.addi %add3A_787, %add3A_788 : i32
    %dma_start3A_790 = arith.constant 0 : i32
    %dma_start3A_791 = tpu.memref_slice %arg5[%add3A_789, %dma_start3A_790] : memref<16384x1024xf32, #tpu.memory_space<hbm>> -> memref<16x1024xf32, #tpu.memory_space<hbm>>
    %dma_start3A_792 = arith.constant 0 : i32
    %dma_start3A_793 = tpu.memref_slice %arg5[%add3A_789, %dma_start3A_792] : memref<16384x1024xf32, #tpu.memory_space<hbm>> -> memref<16x1024xf32, #tpu.memory_space<hbm>>
    tpu.enqueue_dma source(%arg10 : memref<16x1024xf32, #tpu.memory_space<vmem>>) target(%dma_start3A_793 : memref<16x1024xf32, #tpu.memory_space<hbm>>) target_semaphore(%arg22 : memref<!tpu.dma_semaphore, #tpu.memory_space<semaphore_mem>>)
    %add3A_794 = arith.constant 112 : i32
    %add3A_795 = arith.addi %mul3A_2, %add3A_794 : i32
    %dma_start3A_796 = arith.constant 0 : i32
    %dma_start3A_797 = tpu.memref_slice %arg4[%add3A_795, %dma_start3A_796] : memref<8192x1024xf32, #tpu.memory_space<hbm>> -> memref<16x1024xf32, #tpu.memory_space<hbm>>
    %dma_start3A_798 = arith.constant 0 : i32
    %dma_start3A_799 = tpu.memref_slice %arg4[%add3A_795, %dma_start3A_798] : memref<8192x1024xf32, #tpu.memory_space<hbm>> -> memref<16x1024xf32, #tpu.memory_space<hbm>>
    tpu.enqueue_dma source(%dma_start3A_799 : memref<16x1024xf32, #tpu.memory_space<hbm>>) target(%arg13 : memref<16x1024xf32, #tpu.memory_space<vmem>>) target_semaphore(%arg25 : memref<!tpu.dma_semaphore, #tpu.memory_space<semaphore_mem>>)
    %dma_wait3A_800 = arith.constant 0 : i32
    %dma_wait3A_801 = arith.constant 0 : i32
    %dma_wait3A_802 = tpu.memref_slice %arg5[%dma_wait3A_800, %dma_wait3A_801] : memref<16384x1024xf32, #tpu.memory_space<hbm>> -> memref<16x1024xf32, #tpu.memory_space<hbm>>
    %dma_wait3A_803 = arith.constant 0 : i32
    %dma_wait3A_804 = arith.constant 0 : i32
    %dma_wait3A_805 = tpu.memref_slice %arg5[%dma_wait3A_803, %dma_wait3A_804] : memref<16384x1024xf32, #tpu.memory_space<hbm>> -> memref<16x1024xf32, #tpu.memory_space<hbm>>
    tpu.wait_dma2 semaphore(%arg20 : memref<!tpu.dma_semaphore, #tpu.memory_space<semaphore_mem>>) src(%arg8 : memref<16x1024xf32, #tpu.memory_space<vmem>>) dst(%dma_wait3A_805 : memref<16x1024xf32, #tpu.memory_space<hbm>>)
    %dma_start3A_806 = arith.constant 26 : i32
    %dma_start3A_807 = arith.constant 0 : i32
    %dma_start3A_808 = tpu.memref_slice %arg6[%dma_start3A_806, %dma_start3A_807] : memref<32x16xi32, #tpu.memory_space<vmem>> -> memref<1x16xi32, #tpu.memory_space<vmem>>
    %dma_start3A_809 = tpu.memref_squeeze %dma_start3A_808 : memref<1x16xi32, #tpu.memory_space<vmem>> -> memref<16xi32, #tpu.memory_space<vmem>>
    %dma_start3A_810 = arith.constant 0 : i32
    %dma_start3A_811 = arith.constant 0 : i32
    %dma_start3A_812 = tpu.memref_slice %arg3[%dma_start3A_810, %dma_start3A_811] : memref<100000x1024xf32, #tpu.memory_space<hbm>> -> memref<100000x1024xf32, #tpu.memory_space<hbm>>
    tpu.enqueue_indirect_dma source(%dma_start3A_812 : memref<100000x1024xf32, #tpu.memory_space<hbm>>) target(%arg8 : memref<16x1024xf32, #tpu.memory_space<vmem>>) offsets(%dma_start3A_809 : memref<16xi32, #tpu.memory_space<vmem>>) semaphore(%arg15 : memref<!tpu.dma_semaphore, #tpu.memory_space<semaphore_mem>>)
    %dma_wait3A_813 = arith.constant 0 : i32
    %dma_wait3A_814 = arith.constant 0 : i32
    %dma_wait3A_815 = tpu.memref_slice %arg4[%dma_wait3A_813, %dma_wait3A_814] : memref<8192x1024xf32, #tpu.memory_space<hbm>> -> memref<16x1024xf32, #tpu.memory_space<hbm>>
    %dma_wait3A_816 = arith.constant 0 : i32
    %dma_wait3A_817 = arith.constant 0 : i32
    %dma_wait3A_818 = tpu.memref_slice %arg4[%dma_wait3A_816, %dma_wait3A_817] : memref<8192x1024xf32, #tpu.memory_space<hbm>> -> memref<16x1024xf32, #tpu.memory_space<hbm>>
    tpu.wait_dma2 semaphore(%arg18 : memref<!tpu.dma_semaphore, #tpu.memory_space<semaphore_mem>>) src(%dma_wait3A_818 : memref<16x1024xf32, #tpu.memory_space<hbm>>) dst(%arg11 : memref<16x1024xf32, #tpu.memory_space<vmem>>)
    %dma_wait3A_819 = arith.constant 0 : i32
    %dma_wait3A_820 = arith.constant 0 : i32
    %dma_wait3A_821 = tpu.memref_slice %arg4[%dma_wait3A_819, %dma_wait3A_820] : memref<8192x1024xf32, #tpu.memory_space<hbm>> -> memref<16x1024xf32, #tpu.memory_space<hbm>>
    %dma_wait3A_822 = arith.constant 0 : i32
    %dma_wait3A_823 = arith.constant 0 : i32
    %dma_wait3A_824 = tpu.memref_slice %arg4[%dma_wait3A_822, %dma_wait3A_823] : memref<8192x1024xf32, #tpu.memory_space<hbm>> -> memref<16x1024xf32, #tpu.memory_space<hbm>>
    tpu.wait_dma2 semaphore(%arg24 : memref<!tpu.dma_semaphore, #tpu.memory_space<semaphore_mem>>) src(%dma_wait3A_824 : memref<16x1024xf32, #tpu.memory_space<hbm>>) dst(%arg12 : memref<16x1024xf32, #tpu.memory_space<vmem>>)
    %parallel_loop3A_825 = arith.constant 0 : i32
    %parallel_loop3A_826 = arith.constant 1024 : i32
    %parallel_loop3A_827 = arith.constant 1 : i32
    scf.for %parallel_loop3A_1056 = %parallel_loop3A_825 to %parallel_loop3A_826 step %parallel_loop3A_827  : i32 {
      %parallel_loop3A_1057 = arith.constant 6 : i32
      %parallel_loop3A_1058 = arith.shrui %parallel_loop3A_1056, %parallel_loop3A_1057 : i32
      %parallel_loop3A_1059 = arith.constant 63 : i32
      %parallel_loop3A_1060 = arith.andi %parallel_loop3A_1056, %parallel_loop3A_1059 : i32
      %parallel_loop3A_1061 = arith.constant 4 : i32
      %parallel_loop3A_1062 = arith.shli %parallel_loop3A_1060, %parallel_loop3A_1061 : i32
      %parallel_loop3A_1063 = tpu.assume_multiple %parallel_loop3A_1062, 16 : i32
      %parallel_loop3A_1064 = arith.index_cast %parallel_loop3A_1058 : i32 to index
      %parallel_loop3A_1065 = arith.index_cast %parallel_loop3A_1063 : i32 to index
      %parallel_loop3A_1066 = tpu.vector_load %arg12[%parallel_loop3A_1064, %parallel_loop3A_1065] {strides = array<i32>} : memref<16x1024xf32, #tpu.memory_space<vmem>>, vector<1x16xf32>,
      %parallel_loop3A_1067 = vector.shape_cast %parallel_loop3A_1066 : vector<1x16xf32> to vector<16xf32>
      %parallel_loop3A_1068 = arith.index_cast %parallel_loop3A_1058 : i32 to index
      %parallel_loop3A_1069 = arith.index_cast %parallel_loop3A_1063 : i32 to index
      %parallel_loop3A_1070 = tpu.vector_load %arg11[%parallel_loop3A_1068, %parallel_loop3A_1069] {strides = array<i32>} : memref<16x1024xf32, #tpu.memory_space<vmem>>, vector<1x16xf32>,
      %parallel_loop3A_1071 = vector.shape_cast %parallel_loop3A_1070 : vector<1x16xf32> to vector<16xf32>
      %parallel_loop3A_1072 = vector.shape_cast %parallel_loop3A_1067 : vector<16xf32> to vector<1x16xf32>
      tpu.vector_store %arg11[%parallel_loop3A_1068, %parallel_loop3A_1069], %parallel_loop3A_1072 {add = true, strides = array<i32>} : memref<16x1024xf32, #tpu.memory_space<vmem>>, vector<1x16xf32>,
    } {sc.loop_unroll_factor = 8 : i64, sc.parallel_access}
    %add3A_828 = arith.constant 0 : i32
    %add3A_829 = arith.addi %add3A_828, %mul3A_2 : i32
    %add3A_830 = arith.constant 96 : i32
    %add3A_831 = arith.addi %add3A_829, %add3A_830 : i32
    %dma_start3A_832 = arith.constant 0 : i32
    %dma_start3A_833 = tpu.memref_slice %arg5[%add3A_831, %dma_start3A_832] : memref<16384x1024xf32, #tpu.memory_space<hbm>> -> memref<16x1024xf32, #tpu.memory_space<hbm>>
    %dma_start3A_834 = arith.constant 0 : i32
    %dma_start3A_835 = tpu.memref_slice %arg5[%add3A_831, %dma_start3A_834] : memref<16384x1024xf32, #tpu.memory_space<hbm>> -> memref<16x1024xf32, #tpu.memory_space<hbm>>
    tpu.enqueue_dma source(%arg11 : memref<16x1024xf32, #tpu.memory_space<vmem>>) target(%dma_start3A_835 : memref<16x1024xf32, #tpu.memory_space<hbm>>) target_semaphore(%arg23 : memref<!tpu.dma_semaphore, #tpu.memory_space<semaphore_mem>>)
    %dma_wait3A_836 = arith.constant 0 : i32
    %dma_wait3A_837 = arith.constant 0 : i32
    %dma_wait3A_838 = tpu.memref_slice %arg5[%dma_wait3A_836, %dma_wait3A_837] : memref<16384x1024xf32, #tpu.memory_space<hbm>> -> memref<16x1024xf32, #tpu.memory_space<hbm>>
    %dma_wait3A_839 = arith.constant 0 : i32
    %dma_wait3A_840 = arith.constant 0 : i32
    %dma_wait3A_841 = tpu.memref_slice %arg5[%dma_wait3A_839, %dma_wait3A_840] : memref<16384x1024xf32, #tpu.memory_space<hbm>> -> memref<16x1024xf32, #tpu.memory_space<hbm>>
    tpu.wait_dma2 semaphore(%arg21 : memref<!tpu.dma_semaphore, #tpu.memory_space<semaphore_mem>>) src(%arg9 : memref<16x1024xf32, #tpu.memory_space<vmem>>) dst(%dma_wait3A_841 : memref<16x1024xf32, #tpu.memory_space<hbm>>)
    %dma_start3A_842 = arith.constant 27 : i32
    %dma_start3A_843 = arith.constant 0 : i32
    %dma_start3A_844 = tpu.memref_slice %arg6[%dma_start3A_842, %dma_start3A_843] : memref<32x16xi32, #tpu.memory_space<vmem>> -> memref<1x16xi32, #tpu.memory_space<vmem>>
    %dma_start3A_845 = tpu.memref_squeeze %dma_start3A_844 : memref<1x16xi32, #tpu.memory_space<vmem>> -> memref<16xi32, #tpu.memory_space<vmem>>
    %dma_start3A_846 = arith.constant 0 : i32
    %dma_start3A_847 = arith.constant 0 : i32
    %dma_start3A_848 = tpu.memref_slice %arg3[%dma_start3A_846, %dma_start3A_847] : memref<100000x1024xf32, #tpu.memory_space<hbm>> -> memref<100000x1024xf32, #tpu.memory_space<hbm>>
    tpu.enqueue_indirect_dma source(%dma_start3A_848 : memref<100000x1024xf32, #tpu.memory_space<hbm>>) target(%arg9 : memref<16x1024xf32, #tpu.memory_space<vmem>>) offsets(%dma_start3A_845 : memref<16xi32, #tpu.memory_space<vmem>>) semaphore(%arg16 : memref<!tpu.dma_semaphore, #tpu.memory_space<semaphore_mem>>)
    %dma_wait3A_849 = arith.constant 0 : i32
    %dma_wait3A_850 = arith.constant 0 : i32
    %dma_wait3A_851 = tpu.memref_slice %arg4[%dma_wait3A_849, %dma_wait3A_850] : memref<8192x1024xf32, #tpu.memory_space<hbm>> -> memref<16x1024xf32, #tpu.memory_space<hbm>>
    %dma_wait3A_852 = arith.constant 0 : i32
    %dma_wait3A_853 = arith.constant 0 : i32
    %dma_wait3A_854 = tpu.memref_slice %arg4[%dma_wait3A_852, %dma_wait3A_853] : memref<8192x1024xf32, #tpu.memory_space<hbm>> -> memref<16x1024xf32, #tpu.memory_space<hbm>>
    tpu.wait_dma2 semaphore(%arg14 : memref<!tpu.dma_semaphore, #tpu.memory_space<semaphore_mem>>) src(%dma_wait3A_854 : memref<16x1024xf32, #tpu.memory_space<hbm>>) dst(%arg7 : memref<16x1024xf32, #tpu.memory_space<vmem>>)
    %parallel_loop3A_855 = arith.constant 0 : i32
    %parallel_loop3A_856 = arith.constant 1024 : i32
    %parallel_loop3A_857 = arith.constant 1 : i32
    scf.for %parallel_loop3A_1056 = %parallel_loop3A_855 to %parallel_loop3A_856 step %parallel_loop3A_857  : i32 {
      %parallel_loop3A_1057 = arith.constant 6 : i32
      %parallel_loop3A_1058 = arith.shrui %parallel_loop3A_1056, %parallel_loop3A_1057 : i32
      %parallel_loop3A_1059 = arith.constant 63 : i32
      %parallel_loop3A_1060 = arith.andi %parallel_loop3A_1056, %parallel_loop3A_1059 : i32
      %parallel_loop3A_1061 = arith.constant 4 : i32
      %parallel_loop3A_1062 = arith.shli %parallel_loop3A_1060, %parallel_loop3A_1061 : i32
      %parallel_loop3A_1063 = tpu.assume_multiple %parallel_loop3A_1062, 16 : i32
      %parallel_loop3A_1064 = arith.index_cast %parallel_loop3A_1058 : i32 to index
      %parallel_loop3A_1065 = arith.index_cast %parallel_loop3A_1063 : i32 to index
      %parallel_loop3A_1066 = tpu.vector_load %arg12[%parallel_loop3A_1064, %parallel_loop3A_1065] {strides = array<i32>} : memref<16x1024xf32, #tpu.memory_space<vmem>>, vector<1x16xf32>,
      %parallel_loop3A_1067 = vector.shape_cast %parallel_loop3A_1066 : vector<1x16xf32> to vector<16xf32>
      %parallel_loop3A_1068 = arith.index_cast %parallel_loop3A_1058 : i32 to index
      %parallel_loop3A_1069 = arith.index_cast %parallel_loop3A_1063 : i32 to index
      %parallel_loop3A_1070 = tpu.vector_load %arg7[%parallel_loop3A_1068, %parallel_loop3A_1069] {strides = array<i32>} : memref<16x1024xf32, #tpu.memory_space<vmem>>, vector<1x16xf32>,
      %parallel_loop3A_1071 = vector.shape_cast %parallel_loop3A_1070 : vector<1x16xf32> to vector<16xf32>
      %parallel_loop3A_1072 = vector.shape_cast %parallel_loop3A_1067 : vector<16xf32> to vector<1x16xf32>
      tpu.vector_store %arg7[%parallel_loop3A_1068, %parallel_loop3A_1069], %parallel_loop3A_1072 {add = true, strides = array<i32>} : memref<16x1024xf32, #tpu.memory_space<vmem>>, vector<1x16xf32>,
    } {sc.loop_unroll_factor = 8 : i64, sc.parallel_access}
    %add3A_858 = arith.constant 4096 : i32
    %add3A_859 = arith.addi %add3A_858, %mul3A_2 : i32
    %add3A_860 = arith.constant 96 : i32
    %add3A_861 = arith.addi %add3A_859, %add3A_860 : i32
    %dma_start3A_862 = arith.constant 0 : i32
    %dma_start3A_863 = tpu.memref_slice %arg5[%add3A_861, %dma_start3A_862] : memref<16384x1024xf32, #tpu.memory_space<hbm>> -> memref<16x1024xf32, #tpu.memory_space<hbm>>
    %dma_start3A_864 = arith.constant 0 : i32
    %dma_start3A_865 = tpu.memref_slice %arg5[%add3A_861, %dma_start3A_864] : memref<16384x1024xf32, #tpu.memory_space<hbm>> -> memref<16x1024xf32, #tpu.memory_space<hbm>>
    tpu.enqueue_dma source(%arg7 : memref<16x1024xf32, #tpu.memory_space<vmem>>) target(%dma_start3A_865 : memref<16x1024xf32, #tpu.memory_space<hbm>>) target_semaphore(%arg19 : memref<!tpu.dma_semaphore, #tpu.memory_space<semaphore_mem>>)
    %dma_wait3A_866 = arith.constant 0 : i32
    %dma_wait3A_867 = arith.constant 0 : i32
    %dma_wait3A_868 = tpu.memref_slice %arg5[%dma_wait3A_866, %dma_wait3A_867] : memref<16384x1024xf32, #tpu.memory_space<hbm>> -> memref<16x1024xf32, #tpu.memory_space<hbm>>
    %dma_wait3A_869 = arith.constant 0 : i32
    %dma_wait3A_870 = arith.constant 0 : i32
    %dma_wait3A_871 = tpu.memref_slice %arg5[%dma_wait3A_869, %dma_wait3A_870] : memref<16384x1024xf32, #tpu.memory_space<hbm>> -> memref<16x1024xf32, #tpu.memory_space<hbm>>
    tpu.wait_dma2 semaphore(%arg22 : memref<!tpu.dma_semaphore, #tpu.memory_space<semaphore_mem>>) src(%arg10 : memref<16x1024xf32, #tpu.memory_space<vmem>>) dst(%dma_wait3A_871 : memref<16x1024xf32, #tpu.memory_space<hbm>>)
    %dma_start3A_872 = arith.constant 28 : i32
    %dma_start3A_873 = arith.constant 0 : i32
    %dma_start3A_874 = tpu.memref_slice %arg6[%dma_start3A_872, %dma_start3A_873] : memref<32x16xi32, #tpu.memory_space<vmem>> -> memref<1x16xi32, #tpu.memory_space<vmem>>
    %dma_start3A_875 = tpu.memref_squeeze %dma_start3A_874 : memref<1x16xi32, #tpu.memory_space<vmem>> -> memref<16xi32, #tpu.memory_space<vmem>>
    %dma_start3A_876 = arith.constant 0 : i32
    %dma_start3A_877 = arith.constant 0 : i32
    %dma_start3A_878 = tpu.memref_slice %arg3[%dma_start3A_876, %dma_start3A_877] : memref<100000x1024xf32, #tpu.memory_space<hbm>> -> memref<100000x1024xf32, #tpu.memory_space<hbm>>
    tpu.enqueue_indirect_dma source(%dma_start3A_878 : memref<100000x1024xf32, #tpu.memory_space<hbm>>) target(%arg10 : memref<16x1024xf32, #tpu.memory_space<vmem>>) offsets(%dma_start3A_875 : memref<16xi32, #tpu.memory_space<vmem>>) semaphore(%arg17 : memref<!tpu.dma_semaphore, #tpu.memory_space<semaphore_mem>>)
    %dma_wait3A_879 = arith.constant 0 : i32
    %dma_wait3A_880 = arith.constant 0 : i32
    %dma_wait3A_881 = tpu.memref_slice %arg4[%dma_wait3A_879, %dma_wait3A_880] : memref<8192x1024xf32, #tpu.memory_space<hbm>> -> memref<16x1024xf32, #tpu.memory_space<hbm>>
    %dma_wait3A_882 = arith.constant 0 : i32
    %dma_wait3A_883 = arith.constant 0 : i32
    %dma_wait3A_884 = tpu.memref_slice %arg4[%dma_wait3A_882, %dma_wait3A_883] : memref<8192x1024xf32, #tpu.memory_space<hbm>> -> memref<16x1024xf32, #tpu.memory_space<hbm>>
    tpu.wait_dma2 semaphore(%arg15 : memref<!tpu.dma_semaphore, #tpu.memory_space<semaphore_mem>>) src(%dma_wait3A_884 : memref<16x1024xf32, #tpu.memory_space<hbm>>) dst(%arg8 : memref<16x1024xf32, #tpu.memory_space<vmem>>)
    %parallel_loop3A_885 = arith.constant 0 : i32
    %parallel_loop3A_886 = arith.constant 1024 : i32
    %parallel_loop3A_887 = arith.constant 1 : i32
    scf.for %parallel_loop3A_1056 = %parallel_loop3A_885 to %parallel_loop3A_886 step %parallel_loop3A_887  : i32 {
      %parallel_loop3A_1057 = arith.constant 6 : i32
      %parallel_loop3A_1058 = arith.shrui %parallel_loop3A_1056, %parallel_loop3A_1057 : i32
      %parallel_loop3A_1059 = arith.constant 63 : i32
      %parallel_loop3A_1060 = arith.andi %parallel_loop3A_1056, %parallel_loop3A_1059 : i32
      %parallel_loop3A_1061 = arith.constant 4 : i32
      %parallel_loop3A_1062 = arith.shli %parallel_loop3A_1060, %parallel_loop3A_1061 : i32
      %parallel_loop3A_1063 = tpu.assume_multiple %parallel_loop3A_1062, 16 : i32
      %parallel_loop3A_1064 = arith.index_cast %parallel_loop3A_1058 : i32 to index
      %parallel_loop3A_1065 = arith.index_cast %parallel_loop3A_1063 : i32 to index
      %parallel_loop3A_1066 = tpu.vector_load %arg12[%parallel_loop3A_1064, %parallel_loop3A_1065] {strides = array<i32>} : memref<16x1024xf32, #tpu.memory_space<vmem>>, vector<1x16xf32>,
      %parallel_loop3A_1067 = vector.shape_cast %parallel_loop3A_1066 : vector<1x16xf32> to vector<16xf32>
      %parallel_loop3A_1068 = arith.index_cast %parallel_loop3A_1058 : i32 to index
      %parallel_loop3A_1069 = arith.index_cast %parallel_loop3A_1063 : i32 to index
      %parallel_loop3A_1070 = tpu.vector_load %arg8[%parallel_loop3A_1068, %parallel_loop3A_1069] {strides = array<i32>} : memref<16x1024xf32, #tpu.memory_space<vmem>>, vector<1x16xf32>,
      %parallel_loop3A_1071 = vector.shape_cast %parallel_loop3A_1070 : vector<1x16xf32> to vector<16xf32>
      %parallel_loop3A_1072 = vector.shape_cast %parallel_loop3A_1067 : vector<16xf32> to vector<1x16xf32>
      tpu.vector_store %arg8[%parallel_loop3A_1068, %parallel_loop3A_1069], %parallel_loop3A_1072 {add = true, strides = array<i32>} : memref<16x1024xf32, #tpu.memory_space<vmem>>, vector<1x16xf32>,
    } {sc.loop_unroll_factor = 8 : i64, sc.parallel_access}
    %add3A_888 = arith.constant 8192 : i32
    %add3A_889 = arith.addi %add3A_888, %mul3A_2 : i32
    %add3A_890 = arith.constant 96 : i32
    %add3A_891 = arith.addi %add3A_889, %add3A_890 : i32
    %dma_start3A_892 = arith.constant 0 : i32
    %dma_start3A_893 = tpu.memref_slice %arg5[%add3A_891, %dma_start3A_892] : memref<16384x1024xf32, #tpu.memory_space<hbm>> -> memref<16x1024xf32, #tpu.memory_space<hbm>>
    %dma_start3A_894 = arith.constant 0 : i32
    %dma_start3A_895 = tpu.memref_slice %arg5[%add3A_891, %dma_start3A_894] : memref<16384x1024xf32, #tpu.memory_space<hbm>> -> memref<16x1024xf32, #tpu.memory_space<hbm>>
    tpu.enqueue_dma source(%arg8 : memref<16x1024xf32, #tpu.memory_space<vmem>>) target(%dma_start3A_895 : memref<16x1024xf32, #tpu.memory_space<hbm>>) target_semaphore(%arg20 : memref<!tpu.dma_semaphore, #tpu.memory_space<semaphore_mem>>)
    %dma_wait3A_896 = arith.constant 0 : i32
    %dma_wait3A_897 = arith.constant 0 : i32
    %dma_wait3A_898 = tpu.memref_slice %arg5[%dma_wait3A_896, %dma_wait3A_897] : memref<16384x1024xf32, #tpu.memory_space<hbm>> -> memref<16x1024xf32, #tpu.memory_space<hbm>>
    %dma_wait3A_899 = arith.constant 0 : i32
    %dma_wait3A_900 = arith.constant 0 : i32
    %dma_wait3A_901 = tpu.memref_slice %arg5[%dma_wait3A_899, %dma_wait3A_900] : memref<16384x1024xf32, #tpu.memory_space<hbm>> -> memref<16x1024xf32, #tpu.memory_space<hbm>>
    tpu.wait_dma2 semaphore(%arg23 : memref<!tpu.dma_semaphore, #tpu.memory_space<semaphore_mem>>) src(%arg11 : memref<16x1024xf32, #tpu.memory_space<vmem>>) dst(%dma_wait3A_901 : memref<16x1024xf32, #tpu.memory_space<hbm>>)
    %dma_start3A_902 = arith.constant 29 : i32
    %dma_start3A_903 = arith.constant 0 : i32
    %dma_start3A_904 = tpu.memref_slice %arg6[%dma_start3A_902, %dma_start3A_903] : memref<32x16xi32, #tpu.memory_space<vmem>> -> memref<1x16xi32, #tpu.memory_space<vmem>>
    %dma_start3A_905 = tpu.memref_squeeze %dma_start3A_904 : memref<1x16xi32, #tpu.memory_space<vmem>> -> memref<16xi32, #tpu.memory_space<vmem>>
    %dma_start3A_906 = arith.constant 0 : i32
    %dma_start3A_907 = arith.constant 0 : i32
    %dma_start3A_908 = tpu.memref_slice %arg3[%dma_start3A_906, %dma_start3A_907] : memref<100000x1024xf32, #tpu.memory_space<hbm>> -> memref<100000x1024xf32, #tpu.memory_space<hbm>>
    tpu.enqueue_indirect_dma source(%dma_start3A_908 : memref<100000x1024xf32, #tpu.memory_space<hbm>>) target(%arg11 : memref<16x1024xf32, #tpu.memory_space<vmem>>) offsets(%dma_start3A_905 : memref<16xi32, #tpu.memory_space<vmem>>) semaphore(%arg18 : memref<!tpu.dma_semaphore, #tpu.memory_space<semaphore_mem>>)
    %dma_wait3A_909 = arith.constant 0 : i32
    %dma_wait3A_910 = arith.constant 0 : i32
    %dma_wait3A_911 = tpu.memref_slice %arg4[%dma_wait3A_909, %dma_wait3A_910] : memref<8192x1024xf32, #tpu.memory_space<hbm>> -> memref<16x1024xf32, #tpu.memory_space<hbm>>
    %dma_wait3A_912 = arith.constant 0 : i32
    %dma_wait3A_913 = arith.constant 0 : i32
    %dma_wait3A_914 = tpu.memref_slice %arg4[%dma_wait3A_912, %dma_wait3A_913] : memref<8192x1024xf32, #tpu.memory_space<hbm>> -> memref<16x1024xf32, #tpu.memory_space<hbm>>
    tpu.wait_dma2 semaphore(%arg16 : memref<!tpu.dma_semaphore, #tpu.memory_space<semaphore_mem>>) src(%dma_wait3A_914 : memref<16x1024xf32, #tpu.memory_space<hbm>>) dst(%arg9 : memref<16x1024xf32, #tpu.memory_space<vmem>>)
    %parallel_loop3A_915 = arith.constant 0 : i32
    %parallel_loop3A_916 = arith.constant 1024 : i32
    %parallel_loop3A_917 = arith.constant 1 : i32
    scf.for %parallel_loop3A_1056 = %parallel_loop3A_915 to %parallel_loop3A_916 step %parallel_loop3A_917  : i32 {
      %parallel_loop3A_1057 = arith.constant 6 : i32
      %parallel_loop3A_1058 = arith.shrui %parallel_loop3A_1056, %parallel_loop3A_1057 : i32
      %parallel_loop3A_1059 = arith.constant 63 : i32
      %parallel_loop3A_1060 = arith.andi %parallel_loop3A_1056, %parallel_loop3A_1059 : i32
      %parallel_loop3A_1061 = arith.constant 4 : i32
      %parallel_loop3A_1062 = arith.shli %parallel_loop3A_1060, %parallel_loop3A_1061 : i32
      %parallel_loop3A_1063 = tpu.assume_multiple %parallel_loop3A_1062, 16 : i32
      %parallel_loop3A_1064 = arith.index_cast %parallel_loop3A_1058 : i32 to index
      %parallel_loop3A_1065 = arith.index_cast %parallel_loop3A_1063 : i32 to index
      %parallel_loop3A_1066 = tpu.vector_load %arg12[%parallel_loop3A_1064, %parallel_loop3A_1065] {strides = array<i32>} : memref<16x1024xf32, #tpu.memory_space<vmem>>, vector<1x16xf32>,
      %parallel_loop3A_1067 = vector.shape_cast %parallel_loop3A_1066 : vector<1x16xf32> to vector<16xf32>
      %parallel_loop3A_1068 = arith.index_cast %parallel_loop3A_1058 : i32 to index
      %parallel_loop3A_1069 = arith.index_cast %parallel_loop3A_1063 : i32 to index
      %parallel_loop3A_1070 = tpu.vector_load %arg9[%parallel_loop3A_1068, %parallel_loop3A_1069] {strides = array<i32>} : memref<16x1024xf32, #tpu.memory_space<vmem>>, vector<1x16xf32>,
      %parallel_loop3A_1071 = vector.shape_cast %parallel_loop3A_1070 : vector<1x16xf32> to vector<16xf32>
      %parallel_loop3A_1072 = vector.shape_cast %parallel_loop3A_1067 : vector<16xf32> to vector<1x16xf32>
      tpu.vector_store %arg9[%parallel_loop3A_1068, %parallel_loop3A_1069], %parallel_loop3A_1072 {add = true, strides = array<i32>} : memref<16x1024xf32, #tpu.memory_space<vmem>>, vector<1x16xf32>,
    } {sc.loop_unroll_factor = 8 : i64, sc.parallel_access}
    %add3A_918 = arith.constant 12288 : i32
    %add3A_919 = arith.addi %add3A_918, %mul3A_2 : i32
    %add3A_920 = arith.constant 96 : i32
    %add3A_921 = arith.addi %add3A_919, %add3A_920 : i32
    %dma_start3A_922 = arith.constant 0 : i32
    %dma_start3A_923 = tpu.memref_slice %arg5[%add3A_921, %dma_start3A_922] : memref<16384x1024xf32, #tpu.memory_space<hbm>> -> memref<16x1024xf32, #tpu.memory_space<hbm>>
    %dma_start3A_924 = arith.constant 0 : i32
    %dma_start3A_925 = tpu.memref_slice %arg5[%add3A_921, %dma_start3A_924] : memref<16384x1024xf32, #tpu.memory_space<hbm>> -> memref<16x1024xf32, #tpu.memory_space<hbm>>
    tpu.enqueue_dma source(%arg9 : memref<16x1024xf32, #tpu.memory_space<vmem>>) target(%dma_start3A_925 : memref<16x1024xf32, #tpu.memory_space<hbm>>) target_semaphore(%arg21 : memref<!tpu.dma_semaphore, #tpu.memory_space<semaphore_mem>>)
    %dma_wait3A_926 = arith.constant 0 : i32
    %dma_wait3A_927 = arith.constant 0 : i32
    %dma_wait3A_928 = tpu.memref_slice %arg5[%dma_wait3A_926, %dma_wait3A_927] : memref<16384x1024xf32, #tpu.memory_space<hbm>> -> memref<16x1024xf32, #tpu.memory_space<hbm>>
    %dma_wait3A_929 = arith.constant 0 : i32
    %dma_wait3A_930 = arith.constant 0 : i32
    %dma_wait3A_931 = tpu.memref_slice %arg5[%dma_wait3A_929, %dma_wait3A_930] : memref<16384x1024xf32, #tpu.memory_space<hbm>> -> memref<16x1024xf32, #tpu.memory_space<hbm>>
    tpu.wait_dma2 semaphore(%arg19 : memref<!tpu.dma_semaphore, #tpu.memory_space<semaphore_mem>>) src(%arg7 : memref<16x1024xf32, #tpu.memory_space<vmem>>) dst(%dma_wait3A_931 : memref<16x1024xf32, #tpu.memory_space<hbm>>)
    %dma_start3A_932 = arith.constant 30 : i32
    %dma_start3A_933 = arith.constant 0 : i32
    %dma_start3A_934 = tpu.memref_slice %arg6[%dma_start3A_932, %dma_start3A_933] : memref<32x16xi32, #tpu.memory_space<vmem>> -> memref<1x16xi32, #tpu.memory_space<vmem>>
    %dma_start3A_935 = tpu.memref_squeeze %dma_start3A_934 : memref<1x16xi32, #tpu.memory_space<vmem>> -> memref<16xi32, #tpu.memory_space<vmem>>
    %dma_start3A_936 = arith.constant 0 : i32
    %dma_start3A_937 = arith.constant 0 : i32
    %dma_start3A_938 = tpu.memref_slice %arg3[%dma_start3A_936, %dma_start3A_937] : memref<100000x1024xf32, #tpu.memory_space<hbm>> -> memref<100000x1024xf32, #tpu.memory_space<hbm>>
    tpu.enqueue_indirect_dma source(%dma_start3A_938 : memref<100000x1024xf32, #tpu.memory_space<hbm>>) target(%arg7 : memref<16x1024xf32, #tpu.memory_space<vmem>>) offsets(%dma_start3A_935 : memref<16xi32, #tpu.memory_space<vmem>>) semaphore(%arg14 : memref<!tpu.dma_semaphore, #tpu.memory_space<semaphore_mem>>)
    %dma_wait3A_939 = arith.constant 0 : i32
    %dma_wait3A_940 = arith.constant 0 : i32
    %dma_wait3A_941 = tpu.memref_slice %arg4[%dma_wait3A_939, %dma_wait3A_940] : memref<8192x1024xf32, #tpu.memory_space<hbm>> -> memref<16x1024xf32, #tpu.memory_space<hbm>>
    %dma_wait3A_942 = arith.constant 0 : i32
    %dma_wait3A_943 = arith.constant 0 : i32
    %dma_wait3A_944 = tpu.memref_slice %arg4[%dma_wait3A_942, %dma_wait3A_943] : memref<8192x1024xf32, #tpu.memory_space<hbm>> -> memref<16x1024xf32, #tpu.memory_space<hbm>>
    tpu.wait_dma2 semaphore(%arg17 : memref<!tpu.dma_semaphore, #tpu.memory_space<semaphore_mem>>) src(%dma_wait3A_944 : memref<16x1024xf32, #tpu.memory_space<hbm>>) dst(%arg10 : memref<16x1024xf32, #tpu.memory_space<vmem>>)
    %dma_wait3A_945 = arith.constant 0 : i32
    %dma_wait3A_946 = arith.constant 0 : i32
    %dma_wait3A_947 = tpu.memref_slice %arg4[%dma_wait3A_945, %dma_wait3A_946] : memref<8192x1024xf32, #tpu.memory_space<hbm>> -> memref<16x1024xf32, #tpu.memory_space<hbm>>
    %dma_wait3A_948 = arith.constant 0 : i32
    %dma_wait3A_949 = arith.constant 0 : i32
    %dma_wait3A_950 = tpu.memref_slice %arg4[%dma_wait3A_948, %dma_wait3A_949] : memref<8192x1024xf32, #tpu.memory_space<hbm>> -> memref<16x1024xf32, #tpu.memory_space<hbm>>
    tpu.wait_dma2 semaphore(%arg25 : memref<!tpu.dma_semaphore, #tpu.memory_space<semaphore_mem>>) src(%dma_wait3A_950 : memref<16x1024xf32, #tpu.memory_space<hbm>>) dst(%arg13 : memref<16x1024xf32, #tpu.memory_space<vmem>>)
    %parallel_loop3A_951 = arith.constant 0 : i32
    %parallel_loop3A_952 = arith.constant 1024 : i32
    %parallel_loop3A_953 = arith.constant 1 : i32
    scf.for %parallel_loop3A_1056 = %parallel_loop3A_951 to %parallel_loop3A_952 step %parallel_loop3A_953  : i32 {
      %parallel_loop3A_1057 = arith.constant 6 : i32
      %parallel_loop3A_1058 = arith.shrui %parallel_loop3A_1056, %parallel_loop3A_1057 : i32
      %parallel_loop3A_1059 = arith.constant 63 : i32
      %parallel_loop3A_1060 = arith.andi %parallel_loop3A_1056, %parallel_loop3A_1059 : i32
      %parallel_loop3A_1061 = arith.constant 4 : i32
      %parallel_loop3A_1062 = arith.shli %parallel_loop3A_1060, %parallel_loop3A_1061 : i32
      %parallel_loop3A_1063 = tpu.assume_multiple %parallel_loop3A_1062, 16 : i32
      %parallel_loop3A_1064 = arith.index_cast %parallel_loop3A_1058 : i32 to index
      %parallel_loop3A_1065 = arith.index_cast %parallel_loop3A_1063 : i32 to index
      %parallel_loop3A_1066 = tpu.vector_load %arg13[%parallel_loop3A_1064, %parallel_loop3A_1065] {strides = array<i32>} : memref<16x1024xf32, #tpu.memory_space<vmem>>, vector<1x16xf32>,
      %parallel_loop3A_1067 = vector.shape_cast %parallel_loop3A_1066 : vector<1x16xf32> to vector<16xf32>
      %parallel_loop3A_1068 = arith.index_cast %parallel_loop3A_1058 : i32 to index
      %parallel_loop3A_1069 = arith.index_cast %parallel_loop3A_1063 : i32 to index
      %parallel_loop3A_1070 = tpu.vector_load %arg10[%parallel_loop3A_1068, %parallel_loop3A_1069] {strides = array<i32>} : memref<16x1024xf32, #tpu.memory_space<vmem>>, vector<1x16xf32>,
      %parallel_loop3A_1071 = vector.shape_cast %parallel_loop3A_1070 : vector<1x16xf32> to vector<16xf32>
      %parallel_loop3A_1072 = vector.shape_cast %parallel_loop3A_1067 : vector<16xf32> to vector<1x16xf32>
      tpu.vector_store %arg10[%parallel_loop3A_1068, %parallel_loop3A_1069], %parallel_loop3A_1072 {add = true, strides = array<i32>} : memref<16x1024xf32, #tpu.memory_space<vmem>>, vector<1x16xf32>,
    } {sc.loop_unroll_factor = 8 : i64, sc.parallel_access}
    %add3A_954 = arith.constant 0 : i32
    %add3A_955 = arith.addi %add3A_954, %mul3A_2 : i32
    %add3A_956 = arith.constant 112 : i32
    %add3A_957 = arith.addi %add3A_955, %add3A_956 : i32
    %dma_start3A_958 = arith.constant 0 : i32
    %dma_start3A_959 = tpu.memref_slice %arg5[%add3A_957, %dma_start3A_958] : memref<16384x1024xf32, #tpu.memory_space<hbm>> -> memref<16x1024xf32, #tpu.memory_space<hbm>>
    %dma_start3A_960 = arith.constant 0 : i32
    %dma_start3A_961 = tpu.memref_slice %arg5[%add3A_957, %dma_start3A_960] : memref<16384x1024xf32, #tpu.memory_space<hbm>> -> memref<16x1024xf32, #tpu.memory_space<hbm>>
    tpu.enqueue_dma source(%arg10 : memref<16x1024xf32, #tpu.memory_space<vmem>>) target(%dma_start3A_961 : memref<16x1024xf32, #tpu.memory_space<hbm>>) target_semaphore(%arg22 : memref<!tpu.dma_semaphore, #tpu.memory_space<semaphore_mem>>)
    %dma_wait3A_962 = arith.constant 0 : i32
    %dma_wait3A_963 = arith.constant 0 : i32
    %dma_wait3A_964 = tpu.memref_slice %arg5[%dma_wait3A_962, %dma_wait3A_963] : memref<16384x1024xf32, #tpu.memory_space<hbm>> -> memref<16x1024xf32, #tpu.memory_space<hbm>>
    %dma_wait3A_965 = arith.constant 0 : i32
    %dma_wait3A_966 = arith.constant 0 : i32
    %dma_wait3A_967 = tpu.memref_slice %arg5[%dma_wait3A_965, %dma_wait3A_966] : memref<16384x1024xf32, #tpu.memory_space<hbm>> -> memref<16x1024xf32, #tpu.memory_space<hbm>>
    tpu.wait_dma2 semaphore(%arg20 : memref<!tpu.dma_semaphore, #tpu.memory_space<semaphore_mem>>) src(%arg8 : memref<16x1024xf32, #tpu.memory_space<vmem>>) dst(%dma_wait3A_967 : memref<16x1024xf32, #tpu.memory_space<hbm>>)
    %dma_start3A_968 = arith.constant 31 : i32
    %dma_start3A_969 = arith.constant 0 : i32
    %dma_start3A_970 = tpu.memref_slice %arg6[%dma_start3A_968, %dma_start3A_969] : memref<32x16xi32, #tpu.memory_space<vmem>> -> memref<1x16xi32, #tpu.memory_space<vmem>>
    %dma_start3A_971 = tpu.memref_squeeze %dma_start3A_970 : memref<1x16xi32, #tpu.memory_space<vmem>> -> memref<16xi32, #tpu.memory_space<vmem>>
    %dma_start3A_972 = arith.constant 0 : i32
    %dma_start3A_973 = arith.constant 0 : i32
    %dma_start3A_974 = tpu.memref_slice %arg3[%dma_start3A_972, %dma_start3A_973] : memref<100000x1024xf32, #tpu.memory_space<hbm>> -> memref<100000x1024xf32, #tpu.memory_space<hbm>>
    tpu.enqueue_indirect_dma source(%dma_start3A_974 : memref<100000x1024xf32, #tpu.memory_space<hbm>>) target(%arg8 : memref<16x1024xf32, #tpu.memory_space<vmem>>) offsets(%dma_start3A_971 : memref<16xi32, #tpu.memory_space<vmem>>) semaphore(%arg15 : memref<!tpu.dma_semaphore, #tpu.memory_space<semaphore_mem>>)
    %dma_wait3A_975 = arith.constant 0 : i32
    %dma_wait3A_976 = arith.constant 0 : i32
    %dma_wait3A_977 = tpu.memref_slice %arg4[%dma_wait3A_975, %dma_wait3A_976] : memref<8192x1024xf32, #tpu.memory_space<hbm>> -> memref<16x1024xf32, #tpu.memory_space<hbm>>
    %dma_wait3A_978 = arith.constant 0 : i32
    %dma_wait3A_979 = arith.constant 0 : i32
    %dma_wait3A_980 = tpu.memref_slice %arg4[%dma_wait3A_978, %dma_wait3A_979] : memref<8192x1024xf32, #tpu.memory_space<hbm>> -> memref<16x1024xf32, #tpu.memory_space<hbm>>
    tpu.wait_dma2 semaphore(%arg18 : memref<!tpu.dma_semaphore, #tpu.memory_space<semaphore_mem>>) src(%dma_wait3A_980 : memref<16x1024xf32, #tpu.memory_space<hbm>>) dst(%arg11 : memref<16x1024xf32, #tpu.memory_space<vmem>>)
    %parallel_loop3A_981 = arith.constant 0 : i32
    %parallel_loop3A_982 = arith.constant 1024 : i32
    %parallel_loop3A_983 = arith.constant 1 : i32
    scf.for %parallel_loop3A_1056 = %parallel_loop3A_981 to %parallel_loop3A_982 step %parallel_loop3A_983  : i32 {
      %parallel_loop3A_1057 = arith.constant 6 : i32
      %parallel_loop3A_1058 = arith.shrui %parallel_loop3A_1056, %parallel_loop3A_1057 : i32
      %parallel_loop3A_1059 = arith.constant 63 : i32
      %parallel_loop3A_1060 = arith.andi %parallel_loop3A_1056, %parallel_loop3A_1059 : i32
      %parallel_loop3A_1061 = arith.constant 4 : i32
      %parallel_loop3A_1062 = arith.shli %parallel_loop3A_1060, %parallel_loop3A_1061 : i32
      %parallel_loop3A_1063 = tpu.assume_multiple %parallel_loop3A_1062, 16 : i32
      %parallel_loop3A_1064 = arith.index_cast %parallel_loop3A_1058 : i32 to index
      %parallel_loop3A_1065 = arith.index_cast %parallel_loop3A_1063 : i32 to index
      %parallel_loop3A_1066 = tpu.vector_load %arg13[%parallel_loop3A_1064, %parallel_loop3A_1065] {strides = array<i32>} : memref<16x1024xf32, #tpu.memory_space<vmem>>, vector<1x16xf32>,
      %parallel_loop3A_1067 = vector.shape_cast %parallel_loop3A_1066 : vector<1x16xf32> to vector<16xf32>
      %parallel_loop3A_1068 = arith.index_cast %parallel_loop3A_1058 : i32 to index
      %parallel_loop3A_1069 = arith.index_cast %parallel_loop3A_1063 : i32 to index
      %parallel_loop3A_1070 = tpu.vector_load %arg11[%parallel_loop3A_1068, %parallel_loop3A_1069] {strides = array<i32>} : memref<16x1024xf32, #tpu.memory_space<vmem>>, vector<1x16xf32>,
      %parallel_loop3A_1071 = vector.shape_cast %parallel_loop3A_1070 : vector<1x16xf32> to vector<16xf32>
      %parallel_loop3A_1072 = vector.shape_cast %parallel_loop3A_1067 : vector<16xf32> to vector<1x16xf32>
      tpu.vector_store %arg11[%parallel_loop3A_1068, %parallel_loop3A_1069], %parallel_loop3A_1072 {add = true, strides = array<i32>} : memref<16x1024xf32, #tpu.memory_space<vmem>>, vector<1x16xf32>,
    } {sc.loop_unroll_factor = 8 : i64, sc.parallel_access}
    %add3A_984 = arith.constant 4096 : i32
    %add3A_985 = arith.addi %add3A_984, %mul3A_2 : i32
    %add3A_986 = arith.constant 112 : i32
    %add3A_987 = arith.addi %add3A_985, %add3A_986 : i32
    %dma_start3A_988 = arith.constant 0 : i32
    %dma_start3A_989 = tpu.memref_slice %arg5[%add3A_987, %dma_start3A_988] : memref<16384x1024xf32, #tpu.memory_space<hbm>> -> memref<16x1024xf32, #tpu.memory_space<hbm>>
    %dma_start3A_990 = arith.constant 0 : i32
    %dma_start3A_991 = tpu.memref_slice %arg5[%add3A_987, %dma_start3A_990] : memref<16384x1024xf32, #tpu.memory_space<hbm>> -> memref<16x1024xf32, #tpu.memory_space<hbm>>
    tpu.enqueue_dma source(%arg11 : memref<16x1024xf32, #tpu.memory_space<vmem>>) target(%dma_start3A_991 : memref<16x1024xf32, #tpu.memory_space<hbm>>) target_semaphore(%arg23 : memref<!tpu.dma_semaphore, #tpu.memory_space<semaphore_mem>>)
    %dma_wait3A_992 = arith.constant 0 : i32
    %dma_wait3A_993 = arith.constant 0 : i32
    %dma_wait3A_994 = tpu.memref_slice %arg4[%dma_wait3A_992, %dma_wait3A_993] : memref<8192x1024xf32, #tpu.memory_space<hbm>> -> memref<16x1024xf32, #tpu.memory_space<hbm>>
    %dma_wait3A_995 = arith.constant 0 : i32
    %dma_wait3A_996 = arith.constant 0 : i32
    %dma_wait3A_997 = tpu.memref_slice %arg4[%dma_wait3A_995, %dma_wait3A_996] : memref<8192x1024xf32, #tpu.memory_space<hbm>> -> memref<16x1024xf32, #tpu.memory_space<hbm>>
    tpu.wait_dma2 semaphore(%arg14 : memref<!tpu.dma_semaphore, #tpu.memory_space<semaphore_mem>>) src(%dma_wait3A_997 : memref<16x1024xf32, #tpu.memory_space<hbm>>) dst(%arg7 : memref<16x1024xf32, #tpu.memory_space<vmem>>)
    %parallel_loop3A_998 = arith.constant 0 : i32
    %parallel_loop3A_999 = arith.constant 1024 : i32
    %parallel_loop3A_1000 = arith.constant 1 : i32
    scf.for %parallel_loop3A_1056 = %parallel_loop3A_998 to %parallel_loop3A_999 step %parallel_loop3A_1000  : i32 {
      %parallel_loop3A_1057 = arith.constant 6 : i32
      %parallel_loop3A_1058 = arith.shrui %parallel_loop3A_1056, %parallel_loop3A_1057 : i32
      %parallel_loop3A_1059 = arith.constant 63 : i32
      %parallel_loop3A_1060 = arith.andi %parallel_loop3A_1056, %parallel_loop3A_1059 : i32
      %parallel_loop3A_1061 = arith.constant 4 : i32
      %parallel_loop3A_1062 = arith.shli %parallel_loop3A_1060, %parallel_loop3A_1061 : i32
      %parallel_loop3A_1063 = tpu.assume_multiple %parallel_loop3A_1062, 16 : i32
      %parallel_loop3A_1064 = arith.index_cast %parallel_loop3A_1058 : i32 to index
      %parallel_loop3A_1065 = arith.index_cast %parallel_loop3A_1063 : i32 to index
      %parallel_loop3A_1066 = tpu.vector_load %arg13[%parallel_loop3A_1064, %parallel_loop3A_1065] {strides = array<i32>} : memref<16x1024xf32, #tpu.memory_space<vmem>>, vector<1x16xf32>,
      %parallel_loop3A_1067 = vector.shape_cast %parallel_loop3A_1066 : vector<1x16xf32> to vector<16xf32>
      %parallel_loop3A_1068 = arith.index_cast %parallel_loop3A_1058 : i32 to index
      %parallel_loop3A_1069 = arith.index_cast %parallel_loop3A_1063 : i32 to index
      %parallel_loop3A_1070 = tpu.vector_load %arg7[%parallel_loop3A_1068, %parallel_loop3A_1069] {strides = array<i32>} : memref<16x1024xf32, #tpu.memory_space<vmem>>, vector<1x16xf32>,
      %parallel_loop3A_1071 = vector.shape_cast %parallel_loop3A_1070 : vector<1x16xf32> to vector<16xf32>
      %parallel_loop3A_1072 = vector.shape_cast %parallel_loop3A_1067 : vector<16xf32> to vector<1x16xf32>
      tpu.vector_store %arg7[%parallel_loop3A_1068, %parallel_loop3A_1069], %parallel_loop3A_1072 {add = true, strides = array<i32>} : memref<16x1024xf32, #tpu.memory_space<vmem>>, vector<1x16xf32>,
    } {sc.loop_unroll_factor = 8 : i64, sc.parallel_access}
    %add3A_1001 = arith.constant 8192 : i32
    %add3A_1002 = arith.addi %add3A_1001, %mul3A_2 : i32
    %add3A_1003 = arith.constant 112 : i32
    %add3A_1004 = arith.addi %add3A_1002, %add3A_1003 : i32
    %dma_start3A_1005 = arith.constant 0 : i32
    %dma_start3A_1006 = tpu.memref_slice %arg5[%add3A_1004, %dma_start3A_1005] : memref<16384x1024xf32, #tpu.memory_space<hbm>> -> memref<16x1024xf32, #tpu.memory_space<hbm>>
    %dma_start3A_1007 = arith.constant 0 : i32
    %dma_start3A_1008 = tpu.memref_slice %arg5[%add3A_1004, %dma_start3A_1007] : memref<16384x1024xf32, #tpu.memory_space<hbm>> -> memref<16x1024xf32, #tpu.memory_space<hbm>>
    tpu.enqueue_dma source(%arg7 : memref<16x1024xf32, #tpu.memory_space<vmem>>) target(%dma_start3A_1008 : memref<16x1024xf32, #tpu.memory_space<hbm>>) target_semaphore(%arg19 : memref<!tpu.dma_semaphore, #tpu.memory_space<semaphore_mem>>)
    %dma_wait3A_1009 = arith.constant 0 : i32
    %dma_wait3A_1010 = arith.constant 0 : i32
    %dma_wait3A_1011 = tpu.memref_slice %arg4[%dma_wait3A_1009, %dma_wait3A_1010] : memref<8192x1024xf32, #tpu.memory_space<hbm>> -> memref<16x1024xf32, #tpu.memory_space<hbm>>
    %dma_wait3A_1012 = arith.constant 0 : i32
    %dma_wait3A_1013 = arith.constant 0 : i32
    %dma_wait3A_1014 = tpu.memref_slice %arg4[%dma_wait3A_1012, %dma_wait3A_1013] : memref<8192x1024xf32, #tpu.memory_space<hbm>> -> memref<16x1024xf32, #tpu.memory_space<hbm>>
    tpu.wait_dma2 semaphore(%arg15 : memref<!tpu.dma_semaphore, #tpu.memory_space<semaphore_mem>>) src(%dma_wait3A_1014 : memref<16x1024xf32, #tpu.memory_space<hbm>>) dst(%arg8 : memref<16x1024xf32, #tpu.memory_space<vmem>>)
    %parallel_loop3A_1015 = arith.constant 0 : i32
    %parallel_loop3A_1016 = arith.constant 1024 : i32
    %parallel_loop3A_1017 = arith.constant 1 : i32
    scf.for %parallel_loop3A_1056 = %parallel_loop3A_1015 to %parallel_loop3A_1016 step %parallel_loop3A_1017  : i32 {
      %parallel_loop3A_1057 = arith.constant 6 : i32
      %parallel_loop3A_1058 = arith.shrui %parallel_loop3A_1056, %parallel_loop3A_1057 : i32
      %parallel_loop3A_1059 = arith.constant 63 : i32
      %parallel_loop3A_1060 = arith.andi %parallel_loop3A_1056, %parallel_loop3A_1059 : i32
      %parallel_loop3A_1061 = arith.constant 4 : i32
      %parallel_loop3A_1062 = arith.shli %parallel_loop3A_1060, %parallel_loop3A_1061 : i32
      %parallel_loop3A_1063 = tpu.assume_multiple %parallel_loop3A_1062, 16 : i32
      %parallel_loop3A_1064 = arith.index_cast %parallel_loop3A_1058 : i32 to index
      %parallel_loop3A_1065 = arith.index_cast %parallel_loop3A_1063 : i32 to index
      %parallel_loop3A_1066 = tpu.vector_load %arg13[%parallel_loop3A_1064, %parallel_loop3A_1065] {strides = array<i32>} : memref<16x1024xf32, #tpu.memory_space<vmem>>, vector<1x16xf32>,
      %parallel_loop3A_1067 = vector.shape_cast %parallel_loop3A_1066 : vector<1x16xf32> to vector<16xf32>
      %parallel_loop3A_1068 = arith.index_cast %parallel_loop3A_1058 : i32 to index
      %parallel_loop3A_1069 = arith.index_cast %parallel_loop3A_1063 : i32 to index
      %parallel_loop3A_1070 = tpu.vector_load %arg8[%parallel_loop3A_1068, %parallel_loop3A_1069] {strides = array<i32>} : memref<16x1024xf32, #tpu.memory_space<vmem>>, vector<1x16xf32>,
      %parallel_loop3A_1071 = vector.shape_cast %parallel_loop3A_1070 : vector<1x16xf32> to vector<16xf32>
      %parallel_loop3A_1072 = vector.shape_cast %parallel_loop3A_1067 : vector<16xf32> to vector<1x16xf32>
      tpu.vector_store %arg8[%parallel_loop3A_1068, %parallel_loop3A_1069], %parallel_loop3A_1072 {add = true, strides = array<i32>} : memref<16x1024xf32, #tpu.memory_space<vmem>>, vector<1x16xf32>,
    } {sc.loop_unroll_factor = 8 : i64, sc.parallel_access}
    %add3A_1018 = arith.constant 12288 : i32
    %add3A_1019 = arith.addi %add3A_1018, %mul3A_2 : i32
    %add3A_1020 = arith.constant 112 : i32
    %add3A_1021 = arith.addi %add3A_1019, %add3A_1020 : i32
    %dma_start3A_1022 = arith.constant 0 : i32
    %dma_start3A_1023 = tpu.memref_slice %arg5[%add3A_1021, %dma_start3A_1022] : memref<16384x1024xf32, #tpu.memory_space<hbm>> -> memref<16x1024xf32, #tpu.memory_space<hbm>>
    %dma_start3A_1024 = arith.constant 0 : i32
    %dma_start3A_1025 = tpu.memref_slice %arg5[%add3A_1021, %dma_start3A_1024] : memref<16384x1024xf32, #tpu.memory_space<hbm>> -> memref<16x1024xf32, #tpu.memory_space<hbm>>
    tpu.enqueue_dma source(%arg8 : memref<16x1024xf32, #tpu.memory_space<vmem>>) target(%dma_start3A_1025 : memref<16x1024xf32, #tpu.memory_space<hbm>>) target_semaphore(%arg20 : memref<!tpu.dma_semaphore, #tpu.memory_space<semaphore_mem>>)
    %dma_wait3A_1026 = arith.constant 0 : i32
    %dma_wait3A_1027 = arith.constant 0 : i32
    %dma_wait3A_1028 = tpu.memref_slice %arg5[%dma_wait3A_1026, %dma_wait3A_1027] : memref<16384x1024xf32, #tpu.memory_space<hbm>> -> memref<16x1024xf32, #tpu.memory_space<hbm>>
    %dma_wait3A_1029 = arith.constant 0 : i32
    %dma_wait3A_1030 = arith.constant 0 : i32
    %dma_wait3A_1031 = tpu.memref_slice %arg5[%dma_wait3A_1029, %dma_wait3A_1030] : memref<16384x1024xf32, #tpu.memory_space<hbm>> -> memref<16x1024xf32, #tpu.memory_space<hbm>>
    tpu.wait_dma2 semaphore(%arg19 : memref<!tpu.dma_semaphore, #tpu.memory_space<semaphore_mem>>) src(%arg7 : memref<16x1024xf32, #tpu.memory_space<vmem>>) dst(%dma_wait3A_1031 : memref<16x1024xf32, #tpu.memory_space<hbm>>)
    %dma_wait3A_1032 = arith.constant 0 : i32
    %dma_wait3A_1033 = arith.constant 0 : i32
    %dma_wait3A_1034 = tpu.memref_slice %arg5[%dma_wait3A_1032, %dma_wait3A_1033] : memref<16384x1024xf32, #tpu.memory_space<hbm>> -> memref<16x1024xf32, #tpu.memory_space<hbm>>
    %dma_wait3A_1035 = arith.constant 0 : i32
    %dma_wait3A_1036 = arith.constant 0 : i32
    %dma_wait3A_1037 = tpu.memref_slice %arg5[%dma_wait3A_1035, %dma_wait3A_1036] : memref<16384x1024xf32, #tpu.memory_space<hbm>> -> memref<16x1024xf32, #tpu.memory_space<hbm>>
    tpu.wait_dma2 semaphore(%arg20 : memref<!tpu.dma_semaphore, #tpu.memory_space<semaphore_mem>>) src(%arg8 : memref<16x1024xf32, #tpu.memory_space<vmem>>) dst(%dma_wait3A_1037 : memref<16x1024xf32, #tpu.memory_space<hbm>>)
    %dma_wait3A_1038 = arith.constant 0 : i32
    %dma_wait3A_1039 = arith.constant 0 : i32
    %dma_wait3A_1040 = tpu.memref_slice %arg5[%dma_wait3A_1038, %dma_wait3A_1039] : memref<16384x1024xf32, #tpu.memory_space<hbm>> -> memref<16x1024xf32, #tpu.memory_space<hbm>>
    %dma_wait3A_1041 = arith.constant 0 : i32
    %dma_wait3A_1042 = arith.constant 0 : i32
    %dma_wait3A_1043 = tpu.memref_slice %arg5[%dma_wait3A_1041, %dma_wait3A_1042] : memref<16384x1024xf32, #tpu.memory_space<hbm>> -> memref<16x1024xf32, #tpu.memory_space<hbm>>
    tpu.wait_dma2 semaphore(%arg21 : memref<!tpu.dma_semaphore, #tpu.memory_space<semaphore_mem>>) src(%arg9 : memref<16x1024xf32, #tpu.memory_space<vmem>>) dst(%dma_wait3A_1043 : memref<16x1024xf32, #tpu.memory_space<hbm>>)
    %dma_wait3A_1044 = arith.constant 0 : i32
    %dma_wait3A_1045 = arith.constant 0 : i32
    %dma_wait3A_1046 = tpu.memref_slice %arg5[%dma_wait3A_1044, %dma_wait3A_1045] : memref<16384x1024xf32, #tpu.memory_space<hbm>> -> memref<16x1024xf32, #tpu.memory_space<hbm>>
    %dma_wait3A_1047 = arith.constant 0 : i32
    %dma_wait3A_1048 = arith.constant 0 : i32
    %dma_wait3A_1049 = tpu.memref_slice %arg5[%dma_wait3A_1047, %dma_wait3A_1048] : memref<16384x1024xf32, #tpu.memory_space<hbm>> -> memref<16x1024xf32, #tpu.memory_space<hbm>>
    tpu.wait_dma2 semaphore(%arg22 : memref<!tpu.dma_semaphore, #tpu.memory_space<semaphore_mem>>) src(%arg10 : memref<16x1024xf32, #tpu.memory_space<vmem>>) dst(%dma_wait3A_1049 : memref<16x1024xf32, #tpu.memory_space<hbm>>)
    %dma_wait3A_1050 = arith.constant 0 : i32
    %dma_wait3A_1051 = arith.constant 0 : i32
    %dma_wait3A_1052 = tpu.memref_slice %arg5[%dma_wait3A_1050, %dma_wait3A_1051] : memref<16384x1024xf32, #tpu.memory_space<hbm>> -> memref<16x1024xf32, #tpu.memory_space<hbm>>
    %dma_wait3A_1053 = arith.constant 0 : i32
    %dma_wait3A_1054 = arith.constant 0 : i32
    %dma_wait3A_1055 = tpu.memref_slice %arg5[%dma_wait3A_1053, %dma_wait3A_1054] : memref<16384x1024xf32, #tpu.memory_space<hbm>> -> memref<16x1024xf32, #tpu.memory_space<hbm>>
    tpu.wait_dma2 semaphore(%arg23 : memref<!tpu.dma_semaphore, #tpu.memory_space<semaphore_mem>>) src(%arg11 : memref<16x1024xf32, #tpu.memory_space<vmem>>) dst(%dma_wait3A_1055 : memref<16x1024xf32, #tpu.memory_space<hbm>>)
    return
  }
}

</mosaic_0001>

<sc_bundles>
// kernel: kernel.3.cloned.1.call-start
scs
__scs_entry_jumppad:
0x0: {  	(pc) =	sbr.rel $0x88, $3  }
0x1: {  	(tag) =	ssettag $0x0;
	lr =	simm.s32 $0x1  }
0x2: {  	[smem:$0x3F9E] =	sst lr;
	_ =	strace $0xD0000000  }
0x3: {  	_ = 	snop  }
0x4: {  	_ = 	snop  }
0x5: {  	_ = 	snop  }
0x6: {  	_ = 	snop  }
0x7: {  	_ = 	snop  }
__scs_overlays_trampoline_lowered:
0x8: {  	[smem:$0x3FAD] =	sst s0  }
0x9: {  	[smem:$0x3FAE] =	sst s1  }
0xa: {  	[smem:$0x3FAF] =	sst s2  }
0xb: {  	[smem:$0x3FB0] =	sst s3  }
0xc: {  	[smem:$0x3FB1] =	sst s4  }
0xd: {  	[smem:$0x3FB2] =	sst s5  }
0xe: {  	[smem:$0x3FB3] =	sst s6  }
0xf: {  	[smem:$0x3FB4] =	sst s7  }
0x10: {  	[smem:$0x3FB5] =	sst s8  }
0x11: {  	[smem:$0x3FB6] =	sst s9;
	s0 =	simm.s32 @!p0 $0x0  }
0x12: {  	s1 =	sld [smem:$0x3F9C];
	s0 =	simm.s32 @p0 $0x1  }
0x13: {  	[smem:$0x3FB7] =	sst s0;
	s0 =	simm.s32 @!p1 $0x0  }
0x14: {  	s2 =	sld [smem:$0x3F9B];
	s0 =	simm.s32 @p1 $0x1  }
0x15: {  	[smem:$0x3FB8] =	sst s0;
	s0 =	simm.s32 @!p2 $0x0  }
0x16: {  	s3 =	sld [smem:$0x3FDB];
	s0 =	simm.s32 @p2 $0x1  }
0x17: {  	s4 =	simm.s32 $0x1BF5;
	[smem:$0x3FBA] =	sst s0  }
0x18: {  	s0 =	sld [smem:$0x3F9D];
	_ =	swait.ge [sflag:s4], $0x0  }
0x19: {  	s7 =	sld [smem:$0x3F9E]  }
0x1a: {  	s8 =	sadd.s32 $0xFFFFE003, lr  }
0x1b: {  	s9 =	sadd.s32 $0xFFFFFEF7, lr;
	s5 =	simm.s32 $0xFFFFFFFF;
	p2 =	slt.u32 s8, $0xFFFFF086  }
0x1c: {  	p1 =	slt.u32 s9, $0xF7A;
	s5 =	simm.s32 @!p2 $0x0  }
0x1d: {  	s5 =	simm.s32 @p1 $0x1;
	p0 =	seq.s32 s7, s2  }
0x1e: {  	s7 =	smul.u32 @!p0 $0xF7A, s2;
	p2 =	seq.s32 @!p0 s5, $0x0  }
0x1f: {  	s9 =	smul.u32 $0xF7A, s1;
	s8 =	simm.s32 @!p0 $0x1BF5;
	p2 =	por !p2, p0  }
0x20: {  	[sflag:s8] =	ssyncset.s32 @!p0 $0xFFFFF086;
	s6 =	sadd.s32 @!p0 s3, s7;
	s7 =	simm.s32 @!p0 $0x108  }
0x21: {  	s3 =	sadd.s32 s3, s9;
	s6 =	sadd.s32 @!p0 $0x88, s6;
	s7 =	simm.s32 @p2 $0x1082  }
0x22: {  	[simem:s7], [sflag:s8] =	dma.local @!p0 [hbm:s6], $0xF7A  }
0x23: {  	s9 =	sor.u32 $0xD0000000, s2;
	s6 =	simm.s32 $0x108;
	_ =	swait.ge @!p0 [sflag:s8], $0x0  }
0x24: {  	s3 =	sadd.s32 $0x88, s3;
	s6 =	simm.s32 @!p1 $0x1082;
	[sflag:s4] =	ssyncset.s32 $0xFFFFF086  }
0x25: {  	[simem:s6], [sflag:s4] =	dma.local [hbm:s3], $0xF7A  }
0x26: {  	[smem:$0x3F9E] =	sst s1;
	(tag) =	ssettag s2;
	_ =	strace s9  }
0x27: {  	s1 =	sld [smem:$0x3FAE]  }
0x28: {  	s2 =	sld [smem:$0x3FAF]  }
0x29: {  	s4 =	sld [smem:$0x3FB1]  }
0x2a: {  	p0 =	seq.s32 s5, $0x0;
	s5 =	sld [smem:$0x3FB2]  }
0x2b: {  	s6 =	sld [smem:$0x3FB3]  }
0x2c: {  	s7 =	sld [smem:$0x3FB4]  }
0x2d: {  	s3 =	simm.s32 $0x108;
	s8 =	sld [smem:$0x3FB5]  }
0x2e: {  	s3 =	simm.s32 @!p0 $0x1082;
	s9 =	sld [smem:$0x3FB6]  }
0x2f: {  	lr =	sadd.s32 s0, s3;
	s0 =	sld [smem:$0x3FAD]  }
0x30: {  	s3 =	sld [smem:$0x3FB0]  }
0x31: {  	[smem:$0x3FB9] =	sst s10  }
0x32: {  	s10 =	sld [smem:$0x3FB7];
	_ =	sdelay $0x3  }
0x33: {  	p0 =	seq.s32 s10, $0x1;
	s10 =	sld [smem:$0x3FB9];
	_ =	sdelay $0x3  }
0x34: {  	[smem:$0x3FB9] =	sst s10  }
0x35: {  	s10 =	sld [smem:$0x3FB8];
	_ =	sdelay $0x3  }
0x36: {  	p1 =	seq.s32 s10, $0x1;
	s10 =	sld [smem:$0x3FB9];
	_ =	sdelay $0x3  }
0x37: {  	[smem:$0x3FB9] =	sst s10  }
0x38: {  	s10 =	sld [smem:$0x3FBA]  }
0x39: {  	_ = 	snop;
	(pc) =	sbr.ind lr, $3  }
0x3a: {  	_ = 	snop  }
0x3b: {  	_ = 	snop  }
0x3c: {  	p2 =	seq.s32 s10, $0x1;
	s10 =	sld [smem:$0x3FB9]  }
0x3d: {  	_ =	shalt  }
0x3e: {  	_ =	shalt  }
0x3f: {  	_ =	shalt  }
0x40: {  	_ =	shalt  }
0x41: {  	_ =	shalt  }
0x42: {  	_ =	shalt  }
0x43: {  	_ =	shalt  }
0x44: {  	_ =	shalt  }
0x45: {  	_ =	shalt  }
0x46: {  	_ =	shalt  }
0x47: {  	_ =	shalt  }
0x48: {  	_ =	shalt  }
0x49: {  	_ =	shalt  }
0x4a: {  	_ =	shalt  }
0x4b: {  	_ =	shalt  }
0x4c: {  	_ =	shalt  }
0x4d: {  	_ =	shalt  }
0x4e: {  	_ =	shalt  }
0x4f: {  	_ =	shalt  }
0x50: {  	_ =	shalt  }
0x51: {  	_ =	shalt  }
0x52: {  	_ =	shalt  }
0x53: {  	_ =	shalt  }
0x54: {  	_ =	shalt  }
0x55: {  	_ =	shalt  }
0x56: {  	_ =	shalt  }
0x57: {  	_ =	shalt  }
0x58: {  	_ =	shalt  }
0x59: {  	_ =	shalt  }
0x5a: {  	_ =	shalt  }
0x5b: {  	_ =	shalt  }
0x5c: {  	_ =	shalt  }
0x5d: {  	_ =	shalt  }
0x5e: {  	_ =	shalt  }
0x5f: {  	_ =	shalt  }
0x60: {  	_ =	shalt  }
0x61: {  	_ =	shalt  }
0x62: {  	_ =	shalt  }
0x63: {  	_ =	shalt  }
0x64: {  	_ =	shalt  }
0x65: {  	_ =	shalt  }
0x66: {  	_ =	shalt  }
0x67: {  	_ =	shalt  }
0x68: {  	_ =	shalt  }
0x69: {  	_ =	shalt  }
0x6a: {  	_ =	shalt  }
0x6b: {  	_ =	shalt  }
0x6c: {  	_ =	shalt  }
0x6d: {  	_ =	shalt  }
0x6e: {  	_ =	shalt  }
0x6f: {  	_ =	shalt  }
0x70: {  	_ =	shalt  }
0x71: {  	_ =	shalt  }
0x72: {  	_ =	shalt  }
0x73: {  	_ =	shalt  }
0x74: {  	_ =	shalt  }
0x75: {  	_ =	shalt  }
0x76: {  	_ =	shalt  }
0x77: {  	_ =	shalt  }
0x78: {  	_ =	shalt  }
0x79: {  	_ =	shalt  }
0x7a: {  	_ =	shalt  }
0x7b: {  	_ =	shalt  }
0x7c: {  	_ =	shalt  }
0x7d: {  	_ =	shalt  }
0x7e: {  	_ =	shalt  }
0x7f: {  	_ =	shalt  }
0x80: {  	_ =	shalt  }
0x81: {  	_ =	shalt  }
0x82: {  	_ =	shalt  }
0x83: {  	_ =	shalt  }
0x84: {  	_ =	shalt  }
0x85: {  	_ =	shalt  }
0x86: {  	_ =	shalt  }
0x87: {  	_ =	shalt  }
.Lfunc_end0:
.L_simem_size_0:
called_computation_lowered:
.L_overlay_start_0:
0x88: {  	s2 =	sld [smem:$0x3FD9]  }
0x89: {  	s3 =	sld [smem:$0x3FFE];
	_ =	sdelay $0x1  }
0x8a: {  	s1 =	srdreg.scid  }
0x8b: {  	s0 =	sand.u32 $0x1, s1  }
0x8c: {  	s17 =	sshll.u32 s0, $0xA;
	s2 =	sadd.s32 s3, s2  }
0x8d: {  	s2 =	sadd.s32 s2, s17  }
0x8e: {  	[smem:$0x3FC5] =	sst s2  }
0x8f: {  	_ = 	snop  }
0x90: {  	s2 =	sld [smem:$0x3FC8]  }
0x91: {  	s18 =	sld [smem:$0x3FC7]  }
0x92: {  	s4 =	sld [smem:$0x3FD0];
	(tm) =	ssettm $0x1  }
0x93: {  	s5 =	sld [smem:$0x3FFB];
	_ =	sdelay $0x3  }
0x94: {  	_ =	strace s5  }
0x95: {  	s5 =	sld [smem:$0x3FFC];
	_ =	sdelay $0x3  }
0x96: {  	_ =	strace s5  }
0x97: {  	s5 =	sld [smem:$0x3FFD];
	_ =	sdelay $0x3  }
0x98: {  	_ =	strace s5  }
0x99: {  	_ =	strace $0x8FFFFFFF  }
0x9a: {  	s19 =	sld [smem:$0x3FDB];
	_ =	sdelay $0x1  }
0x9b: {  	s6 =	simm.s32 $_scs_section_size  }
0x9c: {  	s7 =	simm.s32 $_size__tile_overlayer_lowered;
	s8 =	simm.s32 $_tile_overlayer_lowered  }
0x9d: {  	s22 =	simm.s32 $0x1BFF;
	s21 =	sshll.u32 s8, $0x1;
	s5 =	sadd.s32 s6, s19  }
0x9e: {  	s9 =	simm.s32 $0x0;
	s20 =	sshll.u32 s7, $0x1;
	s7 =	sadd.s32 s21, s5  }
0x9f: {  	[timem:s9], [sflag:s22] =	dma.local [hbm:s7], s20  }
0xa0: {  	_ =	swait.ge [sflag:s22], s20  }
0xa1: {  	s6 =	ssub.s32 $0x0, s20;
	[sflag:s22] =	ssyncset.done $0x0  }
0xa2: {  	[sflag:s22] =	ssyncadd.s32 s6;
	_ =	sdelay $0x1  }
0xa3: {  	s23 =	simm.s32 $0x1B8B  }
0xa4: {  	_ =	swait.ge [sflag:s23], $0x1  }
0xa5: {  	[sflag:s23] =	ssyncset.done $0x0  }
0xa6: {  	s25 =	simm.s32 $0x1B8E;
	s24 =	sld [smem:$0x3FFE];
	[sflag:s23] =	ssyncadd.s32 $0xFFFFFFFF  }
0xa7: {  	s26 =	simm.s32 $execute0_lowered;
	[smem:$0x3FD2] =	sst s25  }
0xa8: {  	s7 =	sshll.u32 s26, $0x1;
	_ =	strace $0x80000046;
	[dreg:$0x1] =	wrdreg $0xFFFFFFFF  }
0xa9: {  	s28 =	simm.s32 $_size_execute0_lowered;
	s5 =	sadd.s32 s5, s7;
	[dreg:$0x0] =	wrdreg $0x0  }
0xaa: {  	s7 =	sshll.u32 s28, $0x1;
	[dreg:$0x2] =	wrdreg s5  }
0xab: {  	[dreg:$0x3] =	wrdreg s7  }
0xac: {  	[dreg:$0x4] =	wrdreg $0xC0  }
0xad: {  	_ =	task [dreg:s9], $0x5FFFF  }
0xae: {  	[dreg:$0x1] =	wrdreg $0xFFFFFFFF  }
0xaf: {  	[dreg:$0x0] =	wrdreg $0x60  }
0xb0: {  	[dreg:$0x2] =	wrdreg s24  }
0xb1: {  	[dreg:$0x3] =	wrdreg s2  }
0xb2: {  	[dreg:$0x4] =	wrdreg s18  }
0xb3: {  	[dreg:$0x5] =	wrdreg s4  }
0xb4: {  	[dreg:$0x6] =	wrdreg $0x9  }
0xb5: {  	_ =	task.clear_ibuf [dreg:s9], $0x7FFFF;
	_ =	strace $0x90000046  }
0xb6: {  	s29 =	simm.s32 $0x9;
	_ =	strace $0x80000048  }
0xb7: {  	_ =	swait.ge [sflag:s29], $0x1  }
0xb8: {  	[sflag:s29] =	ssyncadd.s32 $0xFFFFFFFF  }
0xb9: {  	_ =	strace $0x90000048  }
0xba: {  	_ =	sfence  }
0xbb: {  	s30 =	sld [smem:$0x0];
	_ =	sdelay $0x2  }
0xbc: {  	s31 =	sshll.u32 s1, $0xD;
	s1 =	sshrl.u32 s1, $0x2  }
0xbd: {  	s3 =	sand.u32 $0x4000, s31;
	s1 =	sadd.s32 s1, s30  }
0xbe: {  	s0 =	sor.u32 s3, s0;
	s1 =	sshll.u32 s1, $0x11  }
0xbf: {  	s0 =	sor.u32 s1, s0  }
0xc0: {  	s0 =	sadd.s32 $0x8F2B, s0  }
0xc1: {  	[sflag:s0] =	ssyncadd.remote.s32 $0x1  }
0xc2: {  	_ =	sfence.sel $0xFFFF  }
0xc3: {  	[dreg:$0x0] =	wrdreg $0xFFFFFFFF;
	(pc) =	sbr.abs _section_cstart, $3  }
0xc4: {  	[dreg:$0x1] =	wrdreg $0xFFFFFFFF  }
0xc5: {  	_ =	task.clear_ibuf [dreg:s9], $0x2FFFF;
	_ =	strace $0x9FFFFFFF  }
0xc6: {  	(tm) =	ssettm $0x7FFFFFFF  }
0xc7: {  	_ =	shalt  }
tec
execute0_lowered:
.L_overlay_start_1:
0x0: {  	(tag) =	ssettag $0x1  }
0x1: {  	s0 =	rddreg [dreg:$0x0]  }
0x2: {  	s5 =	srdreg.scid;
	s6 =	stileid.u32  }
0x3: {  	s1 =	rddreg [dreg:$0x1];
	s5 =	sand.u32 $0x1, s5;
	s6 =	sshll.u32 s6, $0x1  }
0x4: {  	s2 =	rddreg [dreg:$0x2];
	s3 =	simm.s32 $0x0;
	s6 =	sor.u32 s5, s6  }
0x5: {  	[smem:$0x7FF] =	sst s3;
	s7 =	sshll.u32 s6, $0x9;
	s6 =	sshll.u32 s6, $0xE  }
0x6: {  	s4 =	rddreg [dreg:$0x3];
	_ =	strace $0x80000047;
	s23 =	sadd.s32 s2, s6  }
0x7: {  	s0 =	sadd.s32 s7, s0;
	s11 =	sadd.s32 s4, s6;
	[dreg:$0x6] =	wrdreg s23  }
0x8: {  	s24 =	sor.u32 $0x800, s6;
	s0 =	sadd.s32 $0x400, s0;
	[dreg:$0x8] =	wrdreg s11  }
0x9: {  	s10 =	sor.u32 $0x1000, s6;
	s25 =	sadd.s32 s2, s24;
	[dreg:$0x5] =	wrdreg s0  }
0xa: {  	s26 =	sor.u32 $0x1800, s6;
	s12 =	sadd.s32 s2, s10;
	[dreg:$0x7] =	wrdreg s25  }
0xb: {  	s13 =	sadd.s32 s2, s26;
	[dreg:$0x9] =	wrdreg s12  }
0xc: {  	s14 =	sor.u32 $0x2000, s6;
	s10 =	sadd.s32 s4, s10;
	[dreg:$0xb] =	wrdreg s13  }
0xd: {  	s16 =	sor.u32 $0x2800, s6;
	s15 =	sadd.s32 s2, s14;
	[dreg:$0xc] =	wrdreg s10  }
0xe: {  	s18 =	sor.u32 $0x3000, s6;
	s17 =	sadd.s32 s2, s16;
	[dreg:$0xd] =	wrdreg s15  }
0xf: {  	s20 =	sor.u32 $0x3800, s6;
	s19 =	sadd.s32 s2, s18;
	[dreg:$0xf] =	wrdreg s17  }
0x10: {  	s5 =	ssub.s32 $0x2, s5;
	s2 =	sadd.s32 s2, s20;
	[dreg:$0x11] =	wrdreg s19  }
0x11: {  	s8 =	sshrl.u32 s5, $0x1;
	s21 =	sadd.s32 s4, s18;
	[dreg:$0x13] =	wrdreg s2  }
0x12: {  	s5 =	ssub.s32 s5, s8;
	s22 =	sadd.s32 $0x80000, s11;
	[dreg:$0x14] =	wrdreg s21  }
0x13: {  	s23 =	smax.u32 s5, $0x1;
	[dreg:$0x16] =	wrdreg s22  }
0x14: {  	s5 =	sadd.s32 $0x81000, s11;
	[dreg:$0x17] =	wrdreg s23  }
0x15: {  	s6 =	sadd.s32 $0x101000, s11;
	[dreg:$0x1d] =	wrdreg s5  }
0x16: {  	s18 =	sadd.s32 $0x82800, s11;
	[dreg:$0x1e] =	wrdreg s6  }
0x17: {  	s0 =	sadd.s32 s4, s24;
	[smem:$0x7F5] =	sst s18  }
0x18: {  	s10 =	sadd.s32 s4, s14;
	[dreg:$0xa] =	wrdreg s0  }
0x19: {  	s24 =	sadd.s32 $0x100000, s11;
	[dreg:$0x10] =	wrdreg s10  }
0x1a: {  	s25 =	sadd.s32 $0x180000, s11;
	[dreg:$0x18] =	wrdreg s24  }
0x1b: {  	s2 =	sadd.s32 $0x100800, s11;
	[dreg:$0x19] =	wrdreg s25  }
0x1c: {  	s12 =	sadd.s32 $0x81800, s11;
	[dreg:$0x1b] =	wrdreg s2  }
0x1d: {  	s13 =	sadd.s32 $0x101800, s11;
	[smem:$0x7EF] =	sst s12  }
0x1e: {  	s14 =	sadd.s32 $0x181800, s11;
	[smem:$0x7F0] =	sst s13  }
0x1f: {  	s28 =	simm.s32 $0x1000;
	s15 =	sadd.s32 $0x82000, s11;
	[smem:$0x7F1] =	sst s14  }
0x20: {  	s29 =	simm.s32 $0x5;
	s17 =	sadd.s32 $0x182000, s11;
	[smem:$0x7F2] =	sst s15  }
0x21: {  	s30 =	simm.s32 $0xC;
	s19 =	sadd.s32 $0x102800, s11;
	[smem:$0x7F4] =	sst s17  }
0x22: {  	s31 =	simm.s32 $0x8;
	s21 =	sadd.s32 $0x83000, s11;
	[smem:$0x7F6] =	sst s19  }
0x23: {  	s9 =	sadd.s32 $0x300, s1;
	s22 =	sadd.s32 $0x103000, s11;
	[smem:$0x7F8] =	sst s21  }
0x24: {  	s7 =	sadd.s32 $0x100, s1;
	s23 =	sadd.s32 $0x183000, s11;
	[smem:$0x7F9] =	sst s22  }
0x25: {  	s8 =	sadd.s32 $0x200, s1;
	s0 =	sadd.s32 s4, s26;
	[smem:$0x7FA] =	sst s23  }
0x26: {  	s6 =	simm.s32 $0x5000;
	s26 =	sadd.s32 $0x80800, s11;
	[dreg:$0xe] =	wrdreg s0  }
0x27: {  	s18 =	simm.s32 $0x9000;
	s10 =	sadd.s32 $0x181000, s11;
	[dreg:$0x1a] =	wrdreg s26  }
0x28: {  	s24 =	sadd.s32 $0x83800, s11;
	s25 =	sadd.s32 $0x103800, s11;
	[dreg:$0x1f] =	wrdreg s10  }
0x29: {  	s17 =	simm.s32 $0x8800;
	s19 =	simm.s32 $0xD000;
	[smem:$0x7FB] =	sst s24  }
0x2a: {  	s21 =	simm.s32 $0x2;
	s0 =	sadd.s32 s4, s16;
	[smem:$0x7FC] =	sst s25  }
0x2b: {  	s22 =	simm.s32 $0x11000;
	s16 =	sadd.s32 $0x102000, s11;
	[dreg:$0x12] =	wrdreg s0  }
0x2c: {  	s23 =	simm.s32 $0x6;
	s26 =	sadd.s32 $0x183800, s11;
	[smem:$0x7F3] =	sst s16  }
0x2d: {  	s2 =	simm.s32 $0xA;
	s0 =	sadd.s32 s4, s20;
	[smem:$0x7FD] =	sst s26  }
0x2e: {  	s25 =	simm.s32 $0x1;
	s4 =	sadd.s32 $0x180800, s11;
	[dreg:$0x15] =	wrdreg s0  }
0x2f: {  	v2 =	vlaneseq.u32;
	s24 =	simm.s32 $0x4;
	s20 =	sadd.s32 $0x182800, s11;
	[dreg:$0x1c] =	wrdreg s4  }
0x30: {  	vm0 =	vmmov $0xffff;
	v1 =	vshrl.u32 v2, $0x3;
	s10 =	simm.s32 $0x7;
	s26 =	simm.s32 $0xB;
	[smem:$0x7F7] =	sst s20  }
0x31: {  	v0 =	vand.u32 $0x7, v2;
	v2 =	vor.u32 $0x8, v2;
	v1 =	vmul.u32 $0x8, v1;
	s20 =	simm.s32 $0x3;
	s0 =	simm.s32 $0x9;
	s4 =	simm.s32 $0x0  }
.LBB2_1:
0x32: {  	s5 =	rddreg [dreg:$0x5];
	s13 =	simm.s32 $0xD  }
0x33: {  	[tilespmem:s3], [sflag:$0xD] =	stream.linear.gather [hbm4b:s5+s3], $0x1000, $0x38;
	[tilespmem:$0x1D000] =	vst v63  }
0x34: {  	_ =	swait.ge [sflag:s13], $0x1000  }
0x35: {  	[sflag:s13] =	ssyncset.done $0x0  }
0x36: {  	s11 =	simm.s32 $0x15000;
	s14 =	rddreg [dreg:$0x6];
	[sflag:s13] =	ssyncadd.s32 $0xFFFFF000  }
0x37: {  	[tilespmem:s11], [sflag:$0xB] =	stream.linear.gather [hbm4b:s14+s3], $0x4000, $0x38;
	[tilespmem:$0x1D000] =	vst v63  }
0x38: {  	s16 =	simm.s32 $0x19000;
	s15 =	rddreg [dreg:$0x7]  }
0x39: {  	[tilespmem:s16], [sflag:$0xC] =	stream.linear.gather [hbm4b:s15+s3], $0x4000, $0x38;
	[tilespmem:$0x1D000] =	vst v63  }
0x3a: {  	v3 =	vld [tilespmem:$0x0];
	_ =	sdelay $0x4  }
0x3b: {  	v4 =	vshll.u32 v3, $0x3  }
0x3c: {  	v3 =	vand.u32 $0x7, v3;
	v4 =	vand.u32 $0xFFFFFFC0, v4  }
0x3d: {  	v3 =	vor.u32 v3, v4  }
0x3e: {  	v4 =	vperm.xlane v3, v0;
	_ =	sdelay $0x1  }
0x3f: {  	v4 =	vadd.s32 v1, v4;
	_ =	sdelay $0x4  }
0x40: {  	[tilespmem:s28], [sflag:$0x1] =	stream.indirect_vreg.gather [hbm4b:s1+s3], $0x80, v4, vm0, $0xb8;
	[tilespmem:$0x1D000] =	vst v63  }
0x41: {  	s12 =	simm.s32 $0x1800;
	v3 =	vperm.xlane v3, v2  }
0x42: {  	[tilespmem:s12], [sflag:$0x1] =	stream.indirect_vreg.gather [hbm4b:s7+s3], $0x80, v4, vm0, $0xb8;
	[tilespmem:$0x1D000] =	vst v63  }
0x43: {  	s13 =	simm.s32 $0x2000;
	v3 =	vadd.s32 v1, v3  }
0x44: {  	[tilespmem:s13], [sflag:$0x1] =	stream.indirect_vreg.gather [hbm4b:s8+s3], $0x80, v4, vm0, $0xb8;
	[tilespmem:$0x1D000] =	vst v63  }
0x45: {  	s14 =	simm.s32 $0x2800  }
0x46: {  	[tilespmem:s14], [sflag:$0x1] =	stream.indirect_vreg.gather [hbm4b:s9+s3], $0x80, v4, vm0, $0xb8;
	[tilespmem:$0x1D000] =	vst v63  }
0x47: {  	s15 =	simm.s32 $0x3000  }
0x48: {  	[tilespmem:s15], [sflag:$0x1] =	stream.indirect_vreg.gather [hbm4b:s1+s3], $0x80, v3, vm0, $0xb8;
	[tilespmem:$0x1D000] =	vst v63  }
0x49: {  	s16 =	simm.s32 $0x3800  }
0x4a: {  	[tilespmem:s16], [sflag:$0x1] =	stream.indirect_vreg.gather [hbm4b:s7+s3], $0x80, v3, vm0, $0xb8;
	[tilespmem:$0x1D000] =	vst v63  }
0x4b: {  	s11 =	simm.s32 $0x4000  }
0x4c: {  	[tilespmem:s11], [sflag:$0x1] =	stream.indirect_vreg.gather [hbm4b:s8+s3], $0x80, v3, vm0, $0xb8;
	[tilespmem:$0x1D000] =	vst v63  }
0x4d: {  	s12 =	simm.s32 $0x4800  }
0x4e: {  	[tilespmem:s12], [sflag:$0x1] =	stream.indirect_vreg.gather [hbm4b:s9+s3], $0x80, v3, vm0, $0xb8;
	[tilespmem:$0x1D000] =	vst v63  }
0x4f: {  	v3 =	vld [tilespmem:$0x80];
	_ =	sdelay $0x4  }
0x50: {  	v4 =	vshll.u32 v3, $0x3  }
0x51: {  	v3 =	vand.u32 $0x7, v3;
	v4 =	vand.u32 $0xFFFFFFC0, v4  }
0x52: {  	v3 =	vor.u32 v3, v4  }
0x53: {  	v4 =	vperm.xlane v3, v0;
	_ =	sdelay $0x1  }
0x54: {  	v4 =	vadd.s32 v1, v4;
	_ =	sdelay $0x4  }
0x55: {  	[tilespmem:s6], [sflag:$0x2] =	stream.indirect_vreg.gather [hbm4b:s1+s3], $0x80, v4, vm0, $0xb8;
	[tilespmem:$0x1D000] =	vst v63  }
0x56: {  	s13 =	simm.s32 $0x5800;
	v3 =	vperm.xlane v3, v2  }
0x57: {  	[tilespmem:s13], [sflag:$0x2] =	stream.indirect_vreg.gather [hbm4b:s7+s3], $0x80, v4, vm0, $0xb8;
	[tilespmem:$0x1D000] =	vst v63  }
0x58: {  	s14 =	simm.s32 $0x6000;
	v3 =	vadd.s32 v1, v3  }
0x59: {  	[tilespmem:s14], [sflag:$0x2] =	stream.indirect_vreg.gather [hbm4b:s8+s3], $0x80, v4, vm0, $0xb8;
	[tilespmem:$0x1D000] =	vst v63  }
0x5a: {  	s15 =	simm.s32 $0x6800  }
0x5b: {  	[tilespmem:s15], [sflag:$0x2] =	stream.indirect_vreg.gather [hbm4b:s9+s3], $0x80, v4, vm0, $0xb8;
	[tilespmem:$0x1D000] =	vst v63  }
0x5c: {  	s16 =	simm.s32 $0x7000  }
0x5d: {  	[tilespmem:s16], [sflag:$0x2] =	stream.indirect_vreg.gather [hbm4b:s1+s3], $0x80, v3, vm0, $0xb8;
	[tilespmem:$0x1D000] =	vst v63  }
0x5e: {  	s11 =	simm.s32 $0x7800  }
0x5f: {  	[tilespmem:s11], [sflag:$0x2] =	stream.indirect_vreg.gather [hbm4b:s7+s3], $0x80, v3, vm0, $0xb8;
	[tilespmem:$0x1D000] =	vst v63  }
0x60: {  	s12 =	simm.s32 $0x8000  }
0x61: {  	[tilespmem:s12], [sflag:$0x2] =	stream.indirect_vreg.gather [hbm4b:s8+s3], $0x80, v3, vm0, $0xb8;
	[tilespmem:$0x1D000] =	vst v63  }
0x62: {  	_ = 	snop  }
0x63: {  	[tilespmem:s17], [sflag:$0x2] =	stream.indirect_vreg.gather [hbm4b:s9+s3], $0x80, v3, vm0, $0xb8;
	[tilespmem:$0x1D000] =	vst v63  }
0x64: {  	v3 =	vld [tilespmem:$0x100];
	_ =	sdelay $0x4  }
0x65: {  	v4 =	vshll.u32 v3, $0x3  }
0x66: {  	v3 =	vand.u32 $0x7, v3;
	v4 =	vand.u32 $0xFFFFFFC0, v4  }
0x67: {  	v3 =	vor.u32 v3, v4  }
0x68: {  	v4 =	vperm.xlane v3, v0;
	_ =	sdelay $0x1  }
0x69: {  	v4 =	vadd.s32 v1, v4;
	_ =	sdelay $0x4  }
0x6a: {  	[tilespmem:s18], [sflag:$0x3] =	stream.indirect_vreg.gather [hbm4b:s1+s3], $0x80, v4, vm0, $0xb8;
	[tilespmem:$0x1D000] =	vst v63  }
0x6b: {  	s13 =	simm.s32 $0x9800;
	v3 =	vperm.xlane v3, v2  }
0x6c: {  	[tilespmem:s13], [sflag:$0x3] =	stream.indirect_vreg.gather [hbm4b:s7+s3], $0x80, v4, vm0, $0xb8;
	[tilespmem:$0x1D000] =	vst v63  }
0x6d: {  	s14 =	simm.s32 $0xA000;
	v3 =	vadd.s32 v1, v3  }
0x6e: {  	[tilespmem:s14], [sflag:$0x3] =	stream.indirect_vreg.gather [hbm4b:s8+s3], $0x80, v4, vm0, $0xb8;
	[tilespmem:$0x1D000] =	vst v63  }
0x6f: {  	s15 =	simm.s32 $0xA800  }
0x70: {  	[tilespmem:s15], [sflag:$0x3] =	stream.indirect_vreg.gather [hbm4b:s9+s3], $0x80, v4, vm0, $0xb8;
	[tilespmem:$0x1D000] =	vst v63  }
0x71: {  	s16 =	simm.s32 $0xB000  }
0x72: {  	[tilespmem:s16], [sflag:$0x3] =	stream.indirect_vreg.gather [hbm4b:s1+s3], $0x80, v3, vm0, $0xb8;
	[tilespmem:$0x1D000] =	vst v63  }
0x73: {  	s11 =	simm.s32 $0xB800  }
0x74: {  	[tilespmem:s11], [sflag:$0x3] =	stream.indirect_vreg.gather [hbm4b:s7+s3], $0x80, v3, vm0, $0xb8;
	[tilespmem:$0x1D000] =	vst v63  }
0x75: {  	s12 =	simm.s32 $0xC000  }
0x76: {  	[tilespmem:s12], [sflag:$0x3] =	stream.indirect_vreg.gather [hbm4b:s8+s3], $0x80, v3, vm0, $0xb8;
	[tilespmem:$0x1D000] =	vst v63  }
0x77: {  	s13 =	simm.s32 $0xC800  }
0x78: {  	[tilespmem:s13], [sflag:$0x3] =	stream.indirect_vreg.gather [hbm4b:s9+s3], $0x80, v3, vm0, $0xb8;
	[tilespmem:$0x1D000] =	vst v63  }
0x79: {  	_ =	swait.ge [sflag:s25], $0x4000  }
0x7a: {  	[sflag:s25] =	ssyncset.done $0x0  }
0x7b: {  	[sflag:s25] =	ssyncadd.s32 $0xFFFFC000  }
0x7c: {  	s14 =	sand.u32 $0x2000, s3;
	s15 =	sand.u32 $0x1C00, s3;
	_ =	swait.ge [sflag:s26], $0x4000  }
0x7d: {  	s5 =	sor.u32 s15, s14;
	s16 =	sand.u32 $0x380, s3;
	[sflag:s26] =	ssyncset.done $0x0  }
0x7e: {  	s5 =	sor.u32 s16, s5;
	[sflag:s26] =	ssyncadd.s32 $0xFFFFC000  }
0x7f: {  	v3 =	vld [tilespmem:s5+$0x15070]  }
0x80: {  	v6 =	vld [tilespmem:s5+$0x15000]  }
0x81: {  	v7 =	vld [tilespmem:s5+$0x15010]  }
0x82: {  	v8 =	vld [tilespmem:s5+$0x15020]  }
0x83: {  	v9 =	vld [tilespmem:s5+$0x15030]  }
0x84: {  	v5 =	vld [tilespmem:s5+$0x15040]  }
0x85: {  	v4 =	vld [tilespmem:s5+$0x15060]  }
0x86: {  	[tilespmem:s5+$0x1070] =	vst.add.f32.msk $0xffff, v3  }
0x87: {  	v3 =	vld [tilespmem:s5+$0x15050]  }
0x88: {  	[tilespmem:s5+$0x1000] =	vst.add.f32.msk $0xffff, v6  }
0x89: {  	[tilespmem:s5+$0x1010] =	vst.add.f32.msk $0xffff, v7  }
0x8a: {  	s14 =	simm.s32 $0x80;
	[tilespmem:s5+$0x1020] =	vst.add.f32.msk $0xffff, v8  }
0x8b: {  	s11 =	simm.s32 $0x0;
	s12 =	simm.s32 $0x10;
	s13 =	simm.s32 $0x400;
	[tilespmem:s5+$0x1030] =	vst.add.f32.msk $0xffff, v9  }
.LBB2_2:
0x8c: {  	s15 =	sand.u32 $0x2000, s14;
	s16 =	sand.u32 $0x1C00, s13;
	s11 =	sadd.s32 $0x8, s11;
	[tilespmem:s5+$0x1040] =	vst.add.f32.msk $0xffff, v5  }
0x8d: {  	s15 =	sor.u32 s16, s15;
	s16 =	sand.u32 $0x380, s12;
	p0 =	slt.u32 s11, $0x3F8;
	[tilespmem:s5+$0x1050] =	vst.add.f32.msk $0xffff, v3  }
0x8e: {  	[tilespmem:s5+$0x1060] =	vst.add.f32.msk $0xffff, v4;
	s5 =	sor.u32 s16, s15  }
0x8f: {  	v3 =	vld [tilespmem:s5+$0x15070]  }
0x90: {  	v6 =	vld [tilespmem:s5+$0x15000]  }
0x91: {  	v7 =	vld [tilespmem:s5+$0x15010]  }
0x92: {  	v8 =	vld [tilespmem:s5+$0x15020]  }
0x93: {  	v9 =	vld [tilespmem:s5+$0x15030]  }
0x94: {  	[tilespmem:s5+$0x1070] =	vst.add.f32.msk $0xffff, v3  }
0x95: {  	v5 =	vld [tilespmem:s5+$0x15040]  }
0x96: {  	v3 =	vld [tilespmem:s5+$0x15050]  }
.Ltmp0:
0x97: {  	v4 =	vld [tilespmem:s5+$0x15060];
	(pc) =	sbr.rel @p0 .LBB2_2-.Ltmp0, $4  }
0x98: {  	[tilespmem:s5+$0x1000] =	vst.add.f32.msk $0xffff, v6  }
0x99: {  	[tilespmem:s5+$0x1010] =	vst.add.f32.msk $0xffff, v7  }
0x9a: {  	[tilespmem:s5+$0x1020] =	vst.add.f32.msk $0xffff, v8  }
0x9b: {  	s13 =	sadd.s32 $0x400, s13;
	s14 =	sadd.s32 $0x80, s14;
	s12 =	sadd.s32 $0x10, s12;
	[tilespmem:s5+$0x1030] =	vst.add.f32.msk $0xffff, v9  }
0x9c: {  	[tilespmem:s5+$0x1040] =	vst.add.f32.msk $0xffff, v5  }
0x9d: {  	[tilespmem:s5+$0x1050] =	vst.add.f32.msk $0xffff, v3  }
0x9e: {  	[tilespmem:s5+$0x1060] =	vst.add.f32.msk $0xffff, v4  }
0x9f: {  	s5 =	simm.s32 $0x0;
	s11 =	rddreg [dreg:$0x8]  }
0xa0: {  	[hbm4b:s11+s5] =	stream.linear.scatter [tilespmem:s28], [sflag:$0x6], $0x4000, $0x38;
	[tilespmem:$0x1D000] =	vst v63  }
0xa1: {  	v3 =	vld [tilespmem:$0x180];
	_ =	sdelay $0x4  }
0xa2: {  	v4 =	vshll.u32 v3, $0x3  }
0xa3: {  	v3 =	vand.u32 $0x7, v3;
	v4 =	vand.u32 $0xFFFFFFC0, v4  }
0xa4: {  	v3 =	vor.u32 v3, v4  }
0xa5: {  	v4 =	vperm.xlane v3, v0;
	_ =	sdelay $0x1  }
0xa6: {  	v4 =	vadd.s32 v1, v4;
	_ =	sdelay $0x4  }
0xa7: {  	[tilespmem:s19], [sflag:$0x4] =	stream.indirect_vreg.gather [hbm4b:s1+s5], $0x80, v4, vm0, $0xb8;
	[tilespmem:$0x1D000] =	vst v63  }
0xa8: {  	s14 =	simm.s32 $0xD800;
	v3 =	vperm.xlane v3, v2  }
0xa9: {  	[tilespmem:s14], [sflag:$0x4] =	stream.indirect_vreg.gather [hbm4b:s7+s5], $0x80, v4, vm0, $0xb8;
	[tilespmem:$0x1D000] =	vst v63  }
0xaa: {  	s15 =	simm.s32 $0xE000;
	v3 =	vadd.s32 v1, v3  }
0xab: {  	[tilespmem:s15], [sflag:$0x4] =	stream.indirect_vreg.gather [hbm4b:s8+s5], $0x80, v4, vm0, $0xb8;
	[tilespmem:$0x1D000] =	vst v63  }
0xac: {  	s16 =	simm.s32 $0xE800  }
0xad: {  	[tilespmem:s16], [sflag:$0x4] =	stream.indirect_vreg.gather [hbm4b:s9+s5], $0x80, v4, vm0, $0xb8;
	[tilespmem:$0x1D000] =	vst v63  }
0xae: {  	s12 =	simm.s32 $0xF000  }
0xaf: {  	[tilespmem:s12], [sflag:$0x4] =	stream.indirect_vreg.gather [hbm4b:s1+s5], $0x80, v3, vm0, $0xb8;
	[tilespmem:$0x1D000] =	vst v63  }
0xb0: {  	s13 =	simm.s32 $0xF800  }
0xb1: {  	[tilespmem:s13], [sflag:$0x4] =	stream.indirect_vreg.gather [hbm4b:s7+s5], $0x80, v3, vm0, $0xb8;
	[tilespmem:$0x1D000] =	vst v63  }
0xb2: {  	s14 =	simm.s32 $0x10000  }
0xb3: {  	[tilespmem:s14], [sflag:$0x4] =	stream.indirect_vreg.gather [hbm4b:s8+s5], $0x80, v3, vm0, $0xb8;
	[tilespmem:$0x1D000] =	vst v63  }
0xb4: {  	s15 =	simm.s32 $0x10800  }
0xb5: {  	[tilespmem:s15], [sflag:$0x4] =	stream.indirect_vreg.gather [hbm4b:s9+s5], $0x80, v3, vm0, $0xb8;
	[tilespmem:$0x1D000] =	vst v63  }
0xb6: {  	s16 =	sand.u32 $0x2000, s5;
	s12 =	sand.u32 $0x1C00, s5;
	_ =	swait.ge [sflag:s21], $0x4000  }
0xb7: {  	s11 =	sor.u32 s12, s16;
	s5 =	sand.u32 $0x380, s5;
	[sflag:s21] =	ssyncset.done $0x0  }
0xb8: {  	s5 =	sor.u32 s5, s11;
	[sflag:s21] =	ssyncadd.s32 $0xFFFFC000  }
0xb9: {  	v3 =	vld [tilespmem:s5+$0x15070]  }
0xba: {  	v6 =	vld [tilespmem:s5+$0x15000]  }
0xbb: {  	v7 =	vld [tilespmem:s5+$0x15010]  }
0xbc: {  	v8 =	vld [tilespmem:s5+$0x15020]  }
0xbd: {  	v9 =	vld [tilespmem:s5+$0x15030]  }
0xbe: {  	v5 =	vld [tilespmem:s5+$0x15040]  }
0xbf: {  	v4 =	vld [tilespmem:s5+$0x15060]  }
0xc0: {  	[tilespmem:s5+$0x5070] =	vst.add.f32.msk $0xffff, v3  }
0xc1: {  	v3 =	vld [tilespmem:s5+$0x15050]  }
0xc2: {  	[tilespmem:s5+$0x5000] =	vst.add.f32.msk $0xffff, v6  }
0xc3: {  	[tilespmem:s5+$0x5010] =	vst.add.f32.msk $0xffff, v7  }
0xc4: {  	s12 =	simm.s32 $0x10;
	[tilespmem:s5+$0x5020] =	vst.add.f32.msk $0xffff, v8  }
0xc5: {  	s13 =	simm.s32 $0x400;
	s14 =	simm.s32 $0x80;
	s11 =	simm.s32 $0x0;
	[tilespmem:s5+$0x5030] =	vst.add.f32.msk $0xffff, v9  }
.LBB2_4:
0xc6: {  	s15 =	sand.u32 $0x2000, s14;
	s16 =	sand.u32 $0x1C00, s13;
	s11 =	sadd.s32 $0x8, s11;
	[tilespmem:s5+$0x5040] =	vst.add.f32.msk $0xffff, v5  }
0xc7: {  	s15 =	sor.u32 s16, s15;
	s16 =	sand.u32 $0x380, s12;
	p0 =	slt.u32 s11, $0x3F8;
	[tilespmem:s5+$0x5050] =	vst.add.f32.msk $0xffff, v3  }
0xc8: {  	[tilespmem:s5+$0x5060] =	vst.add.f32.msk $0xffff, v4;
	s5 =	sor.u32 s16, s15  }
0xc9: {  	v3 =	vld [tilespmem:s5+$0x15070]  }
0xca: {  	v6 =	vld [tilespmem:s5+$0x15000]  }
0xcb: {  	v7 =	vld [tilespmem:s5+$0x15010]  }
0xcc: {  	v8 =	vld [tilespmem:s5+$0x15020]  }
0xcd: {  	v9 =	vld [tilespmem:s5+$0x15030]  }
0xce: {  	[tilespmem:s5+$0x5070] =	vst.add.f32.msk $0xffff, v3  }
0xcf: {  	v5 =	vld [tilespmem:s5+$0x15040]  }
0xd0: {  	v3 =	vld [tilespmem:s5+$0x15050]  }
.Ltmp1:
0xd1: {  	v4 =	vld [tilespmem:s5+$0x15060];
	(pc) =	sbr.rel @p0 .LBB2_4-.Ltmp1, $4  }
0xd2: {  	[tilespmem:s5+$0x5000] =	vst.add.f32.msk $0xffff, v6  }
0xd3: {  	[tilespmem:s5+$0x5010] =	vst.add.f32.msk $0xffff, v7  }
0xd4: {  	[tilespmem:s5+$0x5020] =	vst.add.f32.msk $0xffff, v8  }
0xd5: {  	s13 =	sadd.s32 $0x400, s13;
	s14 =	sadd.s32 $0x80, s14;
	s12 =	sadd.s32 $0x10, s12;
	[tilespmem:s5+$0x5030] =	vst.add.f32.msk $0xffff, v9  }
0xd6: {  	[tilespmem:s5+$0x5040] =	vst.add.f32.msk $0xffff, v5  }
0xd7: {  	[tilespmem:s5+$0x5050] =	vst.add.f32.msk $0xffff, v3  }
0xd8: {  	[tilespmem:s5+$0x5060] =	vst.add.f32.msk $0xffff, v4  }
0xd9: {  	s5 =	simm.s32 $0x0;
	s11 =	rddreg [dreg:$0x16]  }
0xda: {  	[hbm4b:s11+s5] =	stream.linear.scatter [tilespmem:s6], [sflag:$0x7], $0x4000, $0x38;
	[tilespmem:$0x1D000] =	vst v63  }
0xdb: {  	v3 =	vld [tilespmem:$0x200];
	_ =	sdelay $0x4  }
0xdc: {  	v4 =	vshll.u32 v3, $0x3  }
0xdd: {  	v3 =	vand.u32 $0x7, v3;
	v4 =	vand.u32 $0xFFFFFFC0, v4  }
0xde: {  	v3 =	vor.u32 v3, v4  }
0xdf: {  	v4 =	vperm.xlane v3, v0;
	_ =	sdelay $0x1  }
0xe0: {  	v4 =	vadd.s32 v1, v4;
	_ =	sdelay $0x4  }
0xe1: {  	[tilespmem:s22], [sflag:$0x5] =	stream.indirect_vreg.gather [hbm4b:s1+s5], $0x80, v4, vm0, $0xb8;
	[tilespmem:$0x1D000] =	vst v63  }
0xe2: {  	s14 =	simm.s32 $0x11800;
	v3 =	vperm.xlane v3, v2  }
0xe3: {  	[tilespmem:s14], [sflag:$0x5] =	stream.indirect_vreg.gather [hbm4b:s7+s5], $0x80, v4, vm0, $0xb8;
	[tilespmem:$0x1D000] =	vst v63  }
0xe4: {  	s15 =	simm.s32 $0x12000;
	v3 =	vadd.s32 v1, v3  }
0xe5: {  	[tilespmem:s15], [sflag:$0x5] =	stream.indirect_vreg.gather [hbm4b:s8+s5], $0x80, v4, vm0, $0xb8;
	[tilespmem:$0x1D000] =	vst v63  }
0xe6: {  	s16 =	simm.s32 $0x12800  }
0xe7: {  	[tilespmem:s16], [sflag:$0x5] =	stream.indirect_vreg.gather [hbm4b:s9+s5], $0x80, v4, vm0, $0xb8;
	[tilespmem:$0x1D000] =	vst v63  }
0xe8: {  	s12 =	simm.s32 $0x13000  }
0xe9: {  	[tilespmem:s12], [sflag:$0x5] =	stream.indirect_vreg.gather [hbm4b:s1+s5], $0x80, v3, vm0, $0xb8;
	[tilespmem:$0x1D000] =	vst v63  }
0xea: {  	s13 =	simm.s32 $0x13800  }
0xeb: {  	[tilespmem:s13], [sflag:$0x5] =	stream.indirect_vreg.gather [hbm4b:s7+s5], $0x80, v3, vm0, $0xb8;
	[tilespmem:$0x1D000] =	vst v63  }
0xec: {  	s14 =	simm.s32 $0x14000  }
0xed: {  	[tilespmem:s14], [sflag:$0x5] =	stream.indirect_vreg.gather [hbm4b:s8+s5], $0x80, v3, vm0, $0xb8;
	[tilespmem:$0x1D000] =	vst v63  }
0xee: {  	s15 =	simm.s32 $0x14800  }
0xef: {  	[tilespmem:s15], [sflag:$0x5] =	stream.indirect_vreg.gather [hbm4b:s9+s5], $0x80, v3, vm0, $0xb8;
	[tilespmem:$0x1D000] =	vst v63  }
0xf0: {  	s16 =	sand.u32 $0x2000, s5;
	s12 =	sand.u32 $0x1C00, s5;
	_ =	swait.ge [sflag:s20], $0x4000  }
0xf1: {  	s11 =	sor.u32 s12, s16;
	s5 =	sand.u32 $0x380, s5;
	[sflag:s20] =	ssyncset.done $0x0  }
0xf2: {  	s5 =	sor.u32 s5, s11;
	[sflag:s20] =	ssyncadd.s32 $0xFFFFC000  }
0xf3: {  	v3 =	vld [tilespmem:s5+$0x15070]  }
0xf4: {  	v6 =	vld [tilespmem:s5+$0x15000]  }
0xf5: {  	v7 =	vld [tilespmem:s5+$0x15010]  }
0xf6: {  	v8 =	vld [tilespmem:s5+$0x15020]  }
0xf7: {  	v9 =	vld [tilespmem:s5+$0x15030]  }
0xf8: {  	v5 =	vld [tilespmem:s5+$0x15040]  }
0xf9: {  	v4 =	vld [tilespmem:s5+$0x15060]  }
0xfa: {  	[tilespmem:s5+$0x9070] =	vst.add.f32.msk $0xffff, v3  }
0xfb: {  	v3 =	vld [tilespmem:s5+$0x15050]  }
0xfc: {  	[tilespmem:s5+$0x9000] =	vst.add.f32.msk $0xffff, v6  }
0xfd: {  	[tilespmem:s5+$0x9010] =	vst.add.f32.msk $0xffff, v7  }
0xfe: {  	s12 =	simm.s32 $0x10;
	[tilespmem:s5+$0x9020] =	vst.add.f32.msk $0xffff, v8  }
0xff: {  	s13 =	simm.s32 $0x400;
	s14 =	simm.s32 $0x80;
	s11 =	simm.s32 $0x0;
	[tilespmem:s5+$0x9030] =	vst.add.f32.msk $0xffff, v9  }
.LBB2_6:
0x100: {  	s15 =	sand.u32 $0x2000, s14;
	s16 =	sand.u32 $0x1C00, s13;
	s11 =	sadd.s32 $0x8, s11;
	[tilespmem:s5+$0x9040] =	vst.add.f32.msk $0xffff, v5  }
0x101: {  	s15 =	sor.u32 s16, s15;
	s16 =	sand.u32 $0x380, s12;
	p0 =	slt.u32 s11, $0x3F8;
	[tilespmem:s5+$0x9050] =	vst.add.f32.msk $0xffff, v3  }
0x102: {  	[tilespmem:s5+$0x9060] =	vst.add.f32.msk $0xffff, v4;
	s5 =	sor.u32 s16, s15  }
0x103: {  	v3 =	vld [tilespmem:s5+$0x15070]  }
0x104: {  	v6 =	vld [tilespmem:s5+$0x15000]  }
0x105: {  	v7 =	vld [tilespmem:s5+$0x15010]  }
0x106: {  	v8 =	vld [tilespmem:s5+$0x15020]  }
0x107: {  	v9 =	vld [tilespmem:s5+$0x15030]  }
0x108: {  	[tilespmem:s5+$0x9070] =	vst.add.f32.msk $0xffff, v3  }
0x109: {  	v5 =	vld [tilespmem:s5+$0x15040]  }
0x10a: {  	v3 =	vld [tilespmem:s5+$0x15050]  }
.Ltmp2:
0x10b: {  	v4 =	vld [tilespmem:s5+$0x15060];
	(pc) =	sbr.rel @p0 .LBB2_6-.Ltmp2, $4  }
0x10c: {  	[tilespmem:s5+$0x9000] =	vst.add.f32.msk $0xffff, v6  }
0x10d: {  	[tilespmem:s5+$0x9010] =	vst.add.f32.msk $0xffff, v7  }
0x10e: {  	[tilespmem:s5+$0x9020] =	vst.add.f32.msk $0xffff, v8  }
0x10f: {  	s13 =	sadd.s32 $0x400, s13;
	s14 =	sadd.s32 $0x80, s14;
	s12 =	sadd.s32 $0x10, s12;
	[tilespmem:s5+$0x9030] =	vst.add.f32.msk $0xffff, v9  }
0x110: {  	[tilespmem:s5+$0x9040] =	vst.add.f32.msk $0xffff, v5  }
0x111: {  	[tilespmem:s5+$0x9050] =	vst.add.f32.msk $0xffff, v3  }
0x112: {  	[tilespmem:s5+$0x9060] =	vst.add.f32.msk $0xffff, v4  }
0x113: {  	s5 =	simm.s32 $0x0;
	s11 =	rddreg [dreg:$0x18]  }
0x114: {  	[hbm4b:s11+s5] =	stream.linear.scatter [tilespmem:s18], [sflag:$0x8], $0x4000, $0x38;
	[tilespmem:$0x1D000] =	vst v63  }
0x115: {  	_ =	swait.ge [sflag:s23], $0x4000  }
0x116: {  	[sflag:s23] =	ssyncset.done $0x0  }
0x117: {  	[sflag:s23] =	ssyncadd.s32 $0xFFFFC000  }
0x118: {  	v3 =	vld [tilespmem:$0x280];
	_ =	sdelay $0x4  }
0x119: {  	v4 =	vshll.u32 v3, $0x3  }
0x11a: {  	v3 =	vand.u32 $0x7, v3;
	v4 =	vand.u32 $0xFFFFFFC0, v4  }
0x11b: {  	v3 =	vor.u32 v3, v4  }
0x11c: {  	v4 =	vperm.xlane v3, v0;
	_ =	sdelay $0x1  }
0x11d: {  	v4 =	vadd.s32 v1, v4;
	_ =	sdelay $0x4  }
0x11e: {  	[tilespmem:s28], [sflag:$0x1] =	stream.indirect_vreg.gather [hbm4b:s1+s5], $0x80, v4, vm0, $0xb8;
	[tilespmem:$0x1D000] =	vst v63  }
0x11f: {  	s14 =	simm.s32 $0x1800;
	v3 =	vperm.xlane v3, v2  }
0x120: {  	[tilespmem:s14], [sflag:$0x1] =	stream.indirect_vreg.gather [hbm4b:s7+s5], $0x80, v4, vm0, $0xb8;
	[tilespmem:$0x1D000] =	vst v63  }
0x121: {  	s15 =	simm.s32 $0x2000;
	v3 =	vadd.s32 v1, v3  }
0x122: {  	[tilespmem:s15], [sflag:$0x1] =	stream.indirect_vreg.gather [hbm4b:s8+s5], $0x80, v4, vm0, $0xb8;
	[tilespmem:$0x1D000] =	vst v63  }
0x123: {  	s16 =	simm.s32 $0x2800  }
0x124: {  	[tilespmem:s16], [sflag:$0x1] =	stream.indirect_vreg.gather [hbm4b:s9+s5], $0x80, v4, vm0, $0xb8;
	[tilespmem:$0x1D000] =	vst v63  }
0x125: {  	s12 =	simm.s32 $0x3000  }
0x126: {  	[tilespmem:s12], [sflag:$0x1] =	stream.indirect_vreg.gather [hbm4b:s1+s5], $0x80, v3, vm0, $0xb8;
	[tilespmem:$0x1D000] =	vst v63  }
0x127: {  	s13 =	simm.s32 $0x3800  }
0x128: {  	[tilespmem:s13], [sflag:$0x1] =	stream.indirect_vreg.gather [hbm4b:s7+s5], $0x80, v3, vm0, $0xb8;
	[tilespmem:$0x1D000] =	vst v63  }
0x129: {  	s14 =	simm.s32 $0x4000  }
0x12a: {  	[tilespmem:s14], [sflag:$0x1] =	stream.indirect_vreg.gather [hbm4b:s8+s5], $0x80, v3, vm0, $0xb8;
	[tilespmem:$0x1D000] =	vst v63  }
0x12b: {  	s15 =	simm.s32 $0x4800  }
0x12c: {  	[tilespmem:s15], [sflag:$0x1] =	stream.indirect_vreg.gather [hbm4b:s9+s5], $0x80, v3, vm0, $0xb8;
	[tilespmem:$0x1D000] =	vst v63  }
0x12d: {  	s16 =	sand.u32 $0x2000, s5;
	s12 =	sand.u32 $0x1C00, s5;
	_ =	swait.ge [sflag:s24], $0x4000  }
0x12e: {  	s11 =	sor.u32 s12, s16;
	s5 =	sand.u32 $0x380, s5;
	[sflag:s24] =	ssyncset.done $0x0  }
0x12f: {  	s5 =	sor.u32 s5, s11;
	[sflag:s24] =	ssyncadd.s32 $0xFFFFC000  }
0x130: {  	v3 =	vld [tilespmem:s5+$0x15070]  }
0x131: {  	v6 =	vld [tilespmem:s5+$0x15000]  }
0x132: {  	v7 =	vld [tilespmem:s5+$0x15010]  }
0x133: {  	v8 =	vld [tilespmem:s5+$0x15020]  }
0x134: {  	v9 =	vld [tilespmem:s5+$0x15030]  }
0x135: {  	v5 =	vld [tilespmem:s5+$0x15040]  }
0x136: {  	v4 =	vld [tilespmem:s5+$0x15060]  }
0x137: {  	[tilespmem:s5+$0xD070] =	vst.add.f32.msk $0xffff, v3  }
0x138: {  	v3 =	vld [tilespmem:s5+$0x15050]  }
0x139: {  	[tilespmem:s5+$0xD000] =	vst.add.f32.msk $0xffff, v6  }
0x13a: {  	[tilespmem:s5+$0xD010] =	vst.add.f32.msk $0xffff, v7  }
0x13b: {  	s12 =	simm.s32 $0x10;
	[tilespmem:s5+$0xD020] =	vst.add.f32.msk $0xffff, v8  }
0x13c: {  	s13 =	simm.s32 $0x400;
	s14 =	simm.s32 $0x80;
	s11 =	simm.s32 $0x0;
	[tilespmem:s5+$0xD030] =	vst.add.f32.msk $0xffff, v9  }
.LBB2_8:
0x13d: {  	s15 =	sand.u32 $0x2000, s14;
	s16 =	sand.u32 $0x1C00, s13;
	s11 =	sadd.s32 $0x8, s11;
	[tilespmem:s5+$0xD040] =	vst.add.f32.msk $0xffff, v5  }
0x13e: {  	s15 =	sor.u32 s16, s15;
	s16 =	sand.u32 $0x380, s12;
	p0 =	slt.u32 s11, $0x3F8;
	[tilespmem:s5+$0xD050] =	vst.add.f32.msk $0xffff, v3  }
0x13f: {  	[tilespmem:s5+$0xD060] =	vst.add.f32.msk $0xffff, v4;
	s5 =	sor.u32 s16, s15  }
0x140: {  	v3 =	vld [tilespmem:s5+$0x15070]  }
0x141: {  	v6 =	vld [tilespmem:s5+$0x15000]  }
0x142: {  	v7 =	vld [tilespmem:s5+$0x15010]  }
0x143: {  	v8 =	vld [tilespmem:s5+$0x15020]  }
0x144: {  	v9 =	vld [tilespmem:s5+$0x15030]  }
0x145: {  	[tilespmem:s5+$0xD070] =	vst.add.f32.msk $0xffff, v3  }
0x146: {  	v5 =	vld [tilespmem:s5+$0x15040]  }
0x147: {  	v3 =	vld [tilespmem:s5+$0x15050]  }
.Ltmp3:
0x148: {  	v4 =	vld [tilespmem:s5+$0x15060];
	(pc) =	sbr.rel @p0 .LBB2_8-.Ltmp3, $4  }
0x149: {  	[tilespmem:s5+$0xD000] =	vst.add.f32.msk $0xffff, v6  }
0x14a: {  	[tilespmem:s5+$0xD010] =	vst.add.f32.msk $0xffff, v7  }
0x14b: {  	[tilespmem:s5+$0xD020] =	vst.add.f32.msk $0xffff, v8  }
0x14c: {  	s13 =	sadd.s32 $0x400, s13;
	s14 =	sadd.s32 $0x80, s14;
	s12 =	sadd.s32 $0x10, s12;
	[tilespmem:s5+$0xD030] =	vst.add.f32.msk $0xffff, v9  }
0x14d: {  	[tilespmem:s5+$0xD040] =	vst.add.f32.msk $0xffff, v5  }
0x14e: {  	[tilespmem:s5+$0xD050] =	vst.add.f32.msk $0xffff, v3  }
0x14f: {  	[tilespmem:s5+$0xD060] =	vst.add.f32.msk $0xffff, v4  }
0x150: {  	s5 =	simm.s32 $0x0;
	s11 =	rddreg [dreg:$0x19]  }
0x151: {  	[hbm4b:s11+s5] =	stream.linear.scatter [tilespmem:s19], [sflag:$0x9], $0x4000, $0x38;
	[tilespmem:$0x1D000] =	vst v63  }
0x152: {  	s12 =	simm.s32 $0x15000;
	s13 =	rddreg [dreg:$0x9]  }
0x153: {  	[tilespmem:s12], [sflag:$0xB] =	stream.linear.gather [hbm4b:s13+s5], $0x4000, $0x38;
	[tilespmem:$0x1D000] =	vst v63  }
0x154: {  	_ =	swait.ge [sflag:s10], $0x4000  }
0x155: {  	[sflag:s10] =	ssyncset.done $0x0  }
0x156: {  	[sflag:s10] =	ssyncadd.s32 $0xFFFFC000  }
0x157: {  	v3 =	vld [tilespmem:$0x300];
	_ =	sdelay $0x4  }
0x158: {  	v4 =	vshll.u32 v3, $0x3  }
0x159: {  	v3 =	vand.u32 $0x7, v3;
	v4 =	vand.u32 $0xFFFFFFC0, v4  }
0x15a: {  	v3 =	vor.u32 v3, v4  }
0x15b: {  	v4 =	vperm.xlane v3, v0;
	_ =	sdelay $0x1  }
0x15c: {  	v4 =	vadd.s32 v1, v4;
	_ =	sdelay $0x4  }
0x15d: {  	[tilespmem:s6], [sflag:$0x2] =	stream.indirect_vreg.gather [hbm4b:s1+s5], $0x80, v4, vm0, $0xb8;
	[tilespmem:$0x1D000] =	vst v63  }
0x15e: {  	s14 =	simm.s32 $0x5800;
	v3 =	vperm.xlane v3, v2  }
0x15f: {  	[tilespmem:s14], [sflag:$0x2] =	stream.indirect_vreg.gather [hbm4b:s7+s5], $0x80, v4, vm0, $0xb8;
	[tilespmem:$0x1D000] =	vst v63  }
0x160: {  	s15 =	simm.s32 $0x6000;
	v3 =	vadd.s32 v1, v3  }
0x161: {  	[tilespmem:s15], [sflag:$0x2] =	stream.indirect_vreg.gather [hbm4b:s8+s5], $0x80, v4, vm0, $0xb8;
	[tilespmem:$0x1D000] =	vst v63  }
0x162: {  	s16 =	simm.s32 $0x6800  }
0x163: {  	[tilespmem:s16], [sflag:$0x2] =	stream.indirect_vreg.gather [hbm4b:s9+s5], $0x80, v4, vm0, $0xb8;
	[tilespmem:$0x1D000] =	vst v63  }
0x164: {  	s12 =	simm.s32 $0x7000  }
0x165: {  	[tilespmem:s12], [sflag:$0x2] =	stream.indirect_vreg.gather [hbm4b:s1+s5], $0x80, v3, vm0, $0xb8;
	[tilespmem:$0x1D000] =	vst v63  }
0x166: {  	s13 =	simm.s32 $0x7800  }
0x167: {  	[tilespmem:s13], [sflag:$0x2] =	stream.indirect_vreg.gather [hbm4b:s7+s5], $0x80, v3, vm0, $0xb8;
	[tilespmem:$0x1D000] =	vst v63  }
0x168: {  	s14 =	simm.s32 $0x8000  }
0x169: {  	[tilespmem:s14], [sflag:$0x2] =	stream.indirect_vreg.gather [hbm4b:s8+s5], $0x80, v3, vm0, $0xb8;
	[tilespmem:$0x1D000] =	vst v63  }
0x16a: {  	_ = 	snop  }
0x16b: {  	[tilespmem:s17], [sflag:$0x2] =	stream.indirect_vreg.gather [hbm4b:s9+s5], $0x80, v3, vm0, $0xb8;
	[tilespmem:$0x1D000] =	vst v63  }
0x16c: {  	_ =	swait.ge [sflag:s29], $0x4000  }
0x16d: {  	[sflag:s29] =	ssyncset.done $0x0  }
0x16e: {  	[sflag:s29] =	ssyncadd.s32 $0xFFFFC000  }
0x16f: {  	s15 =	sand.u32 $0x2000, s5;
	s16 =	sand.u32 $0x1C00, s5;
	_ =	swait.ge [sflag:s30], $0x4000  }
0x170: {  	s11 =	sor.u32 s16, s15;
	s5 =	sand.u32 $0x380, s5;
	[sflag:s30] =	ssyncset.done $0x0  }
0x171: {  	s5 =	sor.u32 s5, s11;
	[sflag:s30] =	ssyncadd.s32 $0xFFFFC000  }
0x172: {  	v3 =	vld [tilespmem:s5+$0x19070]  }
0x173: {  	v6 =	vld [tilespmem:s5+$0x19000]  }
0x174: {  	v7 =	vld [tilespmem:s5+$0x19010]  }
0x175: {  	v8 =	vld [tilespmem:s5+$0x19020]  }
0x176: {  	v9 =	vld [tilespmem:s5+$0x19030]  }
0x177: {  	v5 =	vld [tilespmem:s5+$0x19040]  }
0x178: {  	v4 =	vld [tilespmem:s5+$0x19060]  }
0x179: {  	[tilespmem:s5+$0x11070] =	vst.add.f32.msk $0xffff, v3  }
0x17a: {  	v3 =	vld [tilespmem:s5+$0x19050]  }
0x17b: {  	[tilespmem:s5+$0x11000] =	vst.add.f32.msk $0xffff, v6  }
0x17c: {  	[tilespmem:s5+$0x11010] =	vst.add.f32.msk $0xffff, v7  }
0x17d: {  	s12 =	simm.s32 $0x10;
	[tilespmem:s5+$0x11020] =	vst.add.f32.msk $0xffff, v8  }
0x17e: {  	s13 =	simm.s32 $0x400;
	s14 =	simm.s32 $0x80;
	s11 =	simm.s32 $0x0;
	[tilespmem:s5+$0x11030] =	vst.add.f32.msk $0xffff, v9  }
.LBB2_10:
0x17f: {  	s15 =	sand.u32 $0x2000, s14;
	s16 =	sand.u32 $0x1C00, s13;
	s11 =	sadd.s32 $0x8, s11;
	[tilespmem:s5+$0x11040] =	vst.add.f32.msk $0xffff, v5  }
0x180: {  	s15 =	sor.u32 s16, s15;
	s16 =	sand.u32 $0x380, s12;
	p0 =	slt.u32 s11, $0x3F8;
	[tilespmem:s5+$0x11050] =	vst.add.f32.msk $0xffff, v3  }
0x181: {  	[tilespmem:s5+$0x11060] =	vst.add.f32.msk $0xffff, v4;
	s5 =	sor.u32 s16, s15  }
0x182: {  	v3 =	vld [tilespmem:s5+$0x19070]  }
0x183: {  	v6 =	vld [tilespmem:s5+$0x19000]  }
0x184: {  	v7 =	vld [tilespmem:s5+$0x19010]  }
0x185: {  	v8 =	vld [tilespmem:s5+$0x19020]  }
0x186: {  	v9 =	vld [tilespmem:s5+$0x19030]  }
0x187: {  	[tilespmem:s5+$0x11070] =	vst.add.f32.msk $0xffff, v3  }
0x188: {  	v5 =	vld [tilespmem:s5+$0x19040]  }
0x189: {  	v3 =	vld [tilespmem:s5+$0x19050]  }
.Ltmp4:
0x18a: {  	v4 =	vld [tilespmem:s5+$0x19060];
	(pc) =	sbr.rel @p0 .LBB2_10-.Ltmp4, $4  }
0x18b: {  	[tilespmem:s5+$0x11000] =	vst.add.f32.msk $0xffff, v6  }
0x18c: {  	[tilespmem:s5+$0x11010] =	vst.add.f32.msk $0xffff, v7  }
0x18d: {  	[tilespmem:s5+$0x11020] =	vst.add.f32.msk $0xffff, v8  }
0x18e: {  	s13 =	sadd.s32 $0x400, s13;
	s14 =	sadd.s32 $0x80, s14;
	s12 =	sadd.s32 $0x10, s12;
	[tilespmem:s5+$0x11030] =	vst.add.f32.msk $0xffff, v9  }
0x18f: {  	[tilespmem:s5+$0x11040] =	vst.add.f32.msk $0xffff, v5  }
0x190: {  	[tilespmem:s5+$0x11050] =	vst.add.f32.msk $0xffff, v3  }
0x191: {  	[tilespmem:s5+$0x11060] =	vst.add.f32.msk $0xffff, v4  }
0x192: {  	s5 =	simm.s32 $0x0;
	s11 =	rddreg [dreg:$0xa]  }
0x193: {  	[hbm4b:s11+s5] =	stream.linear.scatter [tilespmem:s22], [sflag:$0xA], $0x4000, $0x38;
	[tilespmem:$0x1D000] =	vst v63  }
0x194: {  	_ =	swait.ge [sflag:s31], $0x4000  }
0x195: {  	[sflag:s31] =	ssyncset.done $0x0  }
0x196: {  	[sflag:s31] =	ssyncadd.s32 $0xFFFFC000  }
0x197: {  	v3 =	vld [tilespmem:$0x380];
	_ =	sdelay $0x4  }
0x198: {  	v4 =	vshll.u32 v3, $0x3  }
0x199: {  	v3 =	vand.u32 $0x7, v3;
	v4 =	vand.u32 $0xFFFFFFC0, v4  }
0x19a: {  	v3 =	vor.u32 v3, v4  }
0x19b: {  	v4 =	vperm.xlane v3, v0;
	_ =	sdelay $0x1  }
0x19c: {  	v4 =	vadd.s32 v1, v4;
	_ =	sdelay $0x4  }
0x19d: {  	[tilespmem:s18], [sflag:$0x3] =	stream.indirect_vreg.gather [hbm4b:s1+s5], $0x80, v4, vm0, $0xb8;
	[tilespmem:$0x1D000] =	vst v63  }
0x19e: {  	s14 =	simm.s32 $0x9800;
	v3 =	vperm.xlane v3, v2  }
0x19f: {  	[tilespmem:s14], [sflag:$0x3] =	stream.indirect_vreg.gather [hbm4b:s7+s5], $0x80, v4, vm0, $0xb8;
	[tilespmem:$0x1D000] =	vst v63  }
0x1a0: {  	s15 =	simm.s32 $0xA000;
	v3 =	vadd.s32 v1, v3  }
0x1a1: {  	[tilespmem:s15], [sflag:$0x3] =	stream.indirect_vreg.gather [hbm4b:s8+s5], $0x80, v4, vm0, $0xb8;
	[tilespmem:$0x1D000] =	vst v63  }
0x1a2: {  	s16 =	simm.s32 $0xA800  }
0x1a3: {  	[tilespmem:s16], [sflag:$0x3] =	stream.indirect_vreg.gather [hbm4b:s9+s5], $0x80, v4, vm0, $0xb8;
	[tilespmem:$0x1D000] =	vst v63  }
0x1a4: {  	s12 =	simm.s32 $0xB000  }
0x1a5: {  	[tilespmem:s12], [sflag:$0x3] =	stream.indirect_vreg.gather [hbm4b:s1+s5], $0x80, v3, vm0, $0xb8;
	[tilespmem:$0x1D000] =	vst v63  }
0x1a6: {  	s13 =	simm.s32 $0xB800  }
0x1a7: {  	[tilespmem:s13], [sflag:$0x3] =	stream.indirect_vreg.gather [hbm4b:s7+s5], $0x80, v3, vm0, $0xb8;
	[tilespmem:$0x1D000] =	vst v63  }
0x1a8: {  	s14 =	simm.s32 $0xC000  }
0x1a9: {  	[tilespmem:s14], [sflag:$0x3] =	stream.indirect_vreg.gather [hbm4b:s8+s5], $0x80, v3, vm0, $0xb8;
	[tilespmem:$0x1D000] =	vst v63  }
0x1aa: {  	s15 =	simm.s32 $0xC800  }
0x1ab: {  	[tilespmem:s15], [sflag:$0x3] =	stream.indirect_vreg.gather [hbm4b:s9+s5], $0x80, v3, vm0, $0xb8;
	[tilespmem:$0x1D000] =	vst v63  }
0x1ac: {  	s16 =	sand.u32 $0x2000, s5;
	s12 =	sand.u32 $0x1C00, s5;
	_ =	swait.ge [sflag:s25], $0x4000  }
0x1ad: {  	s11 =	sor.u32 s12, s16;
	s5 =	sand.u32 $0x380, s5;
	[sflag:s25] =	ssyncset.done $0x0  }
0x1ae: {  	s5 =	sor.u32 s5, s11;
	[sflag:s25] =	ssyncadd.s32 $0xFFFFC000  }
0x1af: {  	v3 =	vld [tilespmem:s5+$0x19070]  }
0x1b0: {  	v6 =	vld [tilespmem:s5+$0x19000]  }
0x1b1: {  	v7 =	vld [tilespmem:s5+$0x19010]  }
0x1b2: {  	v8 =	vld [tilespmem:s5+$0x19020]  }
0x1b3: {  	v9 =	vld [tilespmem:s5+$0x19030]  }
0x1b4: {  	v5 =	vld [tilespmem:s5+$0x19040]  }
0x1b5: {  	v4 =	vld [tilespmem:s5+$0x19060]  }
0x1b6: {  	[tilespmem:s5+$0x1070] =	vst.add.f32.msk $0xffff, v3  }
0x1b7: {  	v3 =	vld [tilespmem:s5+$0x19050]  }
0x1b8: {  	[tilespmem:s5+$0x1000] =	vst.add.f32.msk $0xffff, v6  }
0x1b9: {  	[tilespmem:s5+$0x1010] =	vst.add.f32.msk $0xffff, v7  }
0x1ba: {  	s12 =	simm.s32 $0x10;
	[tilespmem:s5+$0x1020] =	vst.add.f32.msk $0xffff, v8  }
0x1bb: {  	s13 =	simm.s32 $0x400;
	s14 =	simm.s32 $0x80;
	s11 =	simm.s32 $0x0;
	[tilespmem:s5+$0x1030] =	vst.add.f32.msk $0xffff, v9  }
.LBB2_12:
0x1bc: {  	s15 =	sand.u32 $0x2000, s14;
	s16 =	sand.u32 $0x1C00, s13;
	s11 =	sadd.s32 $0x8, s11;
	[tilespmem:s5+$0x1040] =	vst.add.f32.msk $0xffff, v5  }
0x1bd: {  	s15 =	sor.u32 s16, s15;
	s16 =	sand.u32 $0x380, s12;
	p0 =	slt.u32 s11, $0x3F8;
	[tilespmem:s5+$0x1050] =	vst.add.f32.msk $0xffff, v3  }
0x1be: {  	[tilespmem:s5+$0x1060] =	vst.add.f32.msk $0xffff, v4;
	s5 =	sor.u32 s16, s15  }
0x1bf: {  	v3 =	vld [tilespmem:s5+$0x19070]  }
0x1c0: {  	v6 =	vld [tilespmem:s5+$0x19000]  }
0x1c1: {  	v7 =	vld [tilespmem:s5+$0x19010]  }
0x1c2: {  	v8 =	vld [tilespmem:s5+$0x19020]  }
0x1c3: {  	v9 =	vld [tilespmem:s5+$0x19030]  }
0x1c4: {  	[tilespmem:s5+$0x1070] =	vst.add.f32.msk $0xffff, v3  }
0x1c5: {  	v5 =	vld [tilespmem:s5+$0x19040]  }
0x1c6: {  	v3 =	vld [tilespmem:s5+$0x19050]  }
.Ltmp5:
0x1c7: {  	v4 =	vld [tilespmem:s5+$0x19060];
	(pc) =	sbr.rel @p0 .LBB2_12-.Ltmp5, $4  }
0x1c8: {  	[tilespmem:s5+$0x1000] =	vst.add.f32.msk $0xffff, v6  }
0x1c9: {  	[tilespmem:s5+$0x1010] =	vst.add.f32.msk $0xffff, v7  }
0x1ca: {  	[tilespmem:s5+$0x1020] =	vst.add.f32.msk $0xffff, v8  }
0x1cb: {  	s13 =	sadd.s32 $0x400, s13;
	s14 =	sadd.s32 $0x80, s14;
	s12 =	sadd.s32 $0x10, s12;
	[tilespmem:s5+$0x1030] =	vst.add.f32.msk $0xffff, v9  }
0x1cc: {  	[tilespmem:s5+$0x1040] =	vst.add.f32.msk $0xffff, v5  }
0x1cd: {  	[tilespmem:s5+$0x1050] =	vst.add.f32.msk $0xffff, v3  }
0x1ce: {  	[tilespmem:s5+$0x1060] =	vst.add.f32.msk $0xffff, v4  }
0x1cf: {  	s5 =	simm.s32 $0x0;
	s11 =	rddreg [dreg:$0x1a]  }
0x1d0: {  	[hbm4b:s11+s5] =	stream.linear.scatter [tilespmem:s28], [sflag:$0x6], $0x4000, $0x38;
	[tilespmem:$0x1D000] =	vst v63  }
0x1d1: {  	_ =	swait.ge [sflag:s0], $0x4000  }
0x1d2: {  	[sflag:s0] =	ssyncset.done $0x0  }
0x1d3: {  	[sflag:s0] =	ssyncadd.s32 $0xFFFFC000  }
0x1d4: {  	v3 =	vld [tilespmem:$0x400];
	_ =	sdelay $0x4  }
0x1d5: {  	v4 =	vshll.u32 v3, $0x3  }
0x1d6: {  	v3 =	vand.u32 $0x7, v3;
	v4 =	vand.u32 $0xFFFFFFC0, v4  }
0x1d7: {  	v3 =	vor.u32 v3, v4  }
0x1d8: {  	v4 =	vperm.xlane v3, v0;
	_ =	sdelay $0x1  }
0x1d9: {  	v4 =	vadd.s32 v1, v4;
	_ =	sdelay $0x4  }
0x1da: {  	[tilespmem:s19], [sflag:$0x4] =	stream.indirect_vreg.gather [hbm4b:s1+s5], $0x80, v4, vm0, $0xb8;
	[tilespmem:$0x1D000] =	vst v63  }
0x1db: {  	s14 =	simm.s32 $0xD800;
	v3 =	vperm.xlane v3, v2  }
0x1dc: {  	[tilespmem:s14], [sflag:$0x4] =	stream.indirect_vreg.gather [hbm4b:s7+s5], $0x80, v4, vm0, $0xb8;
	[tilespmem:$0x1D000] =	vst v63  }
0x1dd: {  	s15 =	simm.s32 $0xE000;
	v3 =	vadd.s32 v1, v3  }
0x1de: {  	[tilespmem:s15], [sflag:$0x4] =	stream.indirect_vreg.gather [hbm4b:s8+s5], $0x80, v4, vm0, $0xb8;
	[tilespmem:$0x1D000] =	vst v63  }
0x1df: {  	s16 =	simm.s32 $0xE800  }
0x1e0: {  	[tilespmem:s16], [sflag:$0x4] =	stream.indirect_vreg.gather [hbm4b:s9+s5], $0x80, v4, vm0, $0xb8;
	[tilespmem:$0x1D000] =	vst v63  }
0x1e1: {  	s12 =	simm.s32 $0xF000  }
0x1e2: {  	[tilespmem:s12], [sflag:$0x4] =	stream.indirect_vreg.gather [hbm4b:s1+s5], $0x80, v3, vm0, $0xb8;
	[tilespmem:$0x1D000] =	vst v63  }
0x1e3: {  	s13 =	simm.s32 $0xF800  }
0x1e4: {  	[tilespmem:s13], [sflag:$0x4] =	stream.indirect_vreg.gather [hbm4b:s7+s5], $0x80, v3, vm0, $0xb8;
	[tilespmem:$0x1D000] =	vst v63  }
0x1e5: {  	s14 =	simm.s32 $0x10000  }
0x1e6: {  	[tilespmem:s14], [sflag:$0x4] =	stream.indirect_vreg.gather [hbm4b:s8+s5], $0x80, v3, vm0, $0xb8;
	[tilespmem:$0x1D000] =	vst v63  }
0x1e7: {  	s15 =	simm.s32 $0x10800  }
0x1e8: {  	[tilespmem:s15], [sflag:$0x4] =	stream.indirect_vreg.gather [hbm4b:s9+s5], $0x80, v3, vm0, $0xb8;
	[tilespmem:$0x1D000] =	vst v63  }
0x1e9: {  	s16 =	sand.u32 $0x2000, s5;
	s12 =	sand.u32 $0x1C00, s5;
	_ =	swait.ge [sflag:s21], $0x4000  }
0x1ea: {  	s11 =	sor.u32 s12, s16;
	s5 =	sand.u32 $0x380, s5;
	[sflag:s21] =	ssyncset.done $0x0  }
0x1eb: {  	s5 =	sor.u32 s5, s11;
	[sflag:s21] =	ssyncadd.s32 $0xFFFFC000  }
0x1ec: {  	v3 =	vld [tilespmem:s5+$0x19070]  }
0x1ed: {  	v6 =	vld [tilespmem:s5+$0x19000]  }
0x1ee: {  	v7 =	vld [tilespmem:s5+$0x19010]  }
0x1ef: {  	v8 =	vld [tilespmem:s5+$0x19020]  }
0x1f0: {  	v9 =	vld [tilespmem:s5+$0x19030]  }
0x1f1: {  	v5 =	vld [tilespmem:s5+$0x19040]  }
0x1f2: {  	v4 =	vld [tilespmem:s5+$0x19060]  }
0x1f3: {  	[tilespmem:s5+$0x5070] =	vst.add.f32.msk $0xffff, v3  }
0x1f4: {  	v3 =	vld [tilespmem:s5+$0x19050]  }
0x1f5: {  	[tilespmem:s5+$0x5000] =	vst.add.f32.msk $0xffff, v6  }
0x1f6: {  	[tilespmem:s5+$0x5010] =	vst.add.f32.msk $0xffff, v7  }
0x1f7: {  	s12 =	simm.s32 $0x10;
	[tilespmem:s5+$0x5020] =	vst.add.f32.msk $0xffff, v8  }
0x1f8: {  	s13 =	simm.s32 $0x400;
	s14 =	simm.s32 $0x80;
	s11 =	simm.s32 $0x0;
	[tilespmem:s5+$0x5030] =	vst.add.f32.msk $0xffff, v9  }
.LBB2_14:
0x1f9: {  	s15 =	sand.u32 $0x2000, s14;
	s16 =	sand.u32 $0x1C00, s13;
	s11 =	sadd.s32 $0x8, s11;
	[tilespmem:s5+$0x5040] =	vst.add.f32.msk $0xffff, v5  }
0x1fa: {  	s15 =	sor.u32 s16, s15;
	s16 =	sand.u32 $0x380, s12;
	p0 =	slt.u32 s11, $0x3F8;
	[tilespmem:s5+$0x5050] =	vst.add.f32.msk $0xffff, v3  }
0x1fb: {  	[tilespmem:s5+$0x5060] =	vst.add.f32.msk $0xffff, v4;
	s5 =	sor.u32 s16, s15  }
0x1fc: {  	v3 =	vld [tilespmem:s5+$0x19070]  }
0x1fd: {  	v6 =	vld [tilespmem:s5+$0x19000]  }
0x1fe: {  	v7 =	vld [tilespmem:s5+$0x19010]  }
0x1ff: {  	v8 =	vld [tilespmem:s5+$0x19020]  }
0x200: {  	v9 =	vld [tilespmem:s5+$0x19030]  }
0x201: {  	[tilespmem:s5+$0x5070] =	vst.add.f32.msk $0xffff, v3  }
0x202: {  	v5 =	vld [tilespmem:s5+$0x19040]  }
0x203: {  	v3 =	vld [tilespmem:s5+$0x19050]  }
.Ltmp6:
0x204: {  	v4 =	vld [tilespmem:s5+$0x19060];
	(pc) =	sbr.rel @p0 .LBB2_14-.Ltmp6, $4  }
0x205: {  	[tilespmem:s5+$0x5000] =	vst.add.f32.msk $0xffff, v6  }
0x206: {  	[tilespmem:s5+$0x5010] =	vst.add.f32.msk $0xffff, v7  }
0x207: {  	[tilespmem:s5+$0x5020] =	vst.add.f32.msk $0xffff, v8  }
0x208: {  	s13 =	sadd.s32 $0x400, s13;
	s14 =	sadd.s32 $0x80, s14;
	s12 =	sadd.s32 $0x10, s12;
	[tilespmem:s5+$0x5030] =	vst.add.f32.msk $0xffff, v9  }
0x209: {  	[tilespmem:s5+$0x5040] =	vst.add.f32.msk $0xffff, v5  }
0x20a: {  	[tilespmem:s5+$0x5050] =	vst.add.f32.msk $0xffff, v3  }
0x20b: {  	[tilespmem:s5+$0x5060] =	vst.add.f32.msk $0xffff, v4  }
0x20c: {  	s5 =	simm.s32 $0x0;
	s11 =	rddreg [dreg:$0x1b]  }
0x20d: {  	[hbm4b:s11+s5] =	stream.linear.scatter [tilespmem:s6], [sflag:$0x7], $0x4000, $0x38;
	[tilespmem:$0x1D000] =	vst v63  }
0x20e: {  	_ =	swait.ge [sflag:s2], $0x4000  }
0x20f: {  	[sflag:s2] =	ssyncset.done $0x0  }
0x210: {  	[sflag:s2] =	ssyncadd.s32 $0xFFFFC000  }
0x211: {  	v3 =	vld [tilespmem:$0x480];
	_ =	sdelay $0x4  }
0x212: {  	v4 =	vshll.u32 v3, $0x3  }
0x213: {  	v3 =	vand.u32 $0x7, v3;
	v4 =	vand.u32 $0xFFFFFFC0, v4  }
0x214: {  	v3 =	vor.u32 v3, v4  }
0x215: {  	v4 =	vperm.xlane v3, v0;
	_ =	sdelay $0x1  }
0x216: {  	v4 =	vadd.s32 v1, v4;
	_ =	sdelay $0x4  }
0x217: {  	[tilespmem:s22], [sflag:$0x5] =	stream.indirect_vreg.gather [hbm4b:s1+s5], $0x80, v4, vm0, $0xb8;
	[tilespmem:$0x1D000] =	vst v63  }
0x218: {  	s14 =	simm.s32 $0x11800;
	v3 =	vperm.xlane v3, v2  }
0x219: {  	[tilespmem:s14], [sflag:$0x5] =	stream.indirect_vreg.gather [hbm4b:s7+s5], $0x80, v4, vm0, $0xb8;
	[tilespmem:$0x1D000] =	vst v63  }
0x21a: {  	s15 =	simm.s32 $0x12000;
	v3 =	vadd.s32 v1, v3  }
0x21b: {  	[tilespmem:s15], [sflag:$0x5] =	stream.indirect_vreg.gather [hbm4b:s8+s5], $0x80, v4, vm0, $0xb8;
	[tilespmem:$0x1D000] =	vst v63  }
0x21c: {  	s16 =	simm.s32 $0x12800  }
0x21d: {  	[tilespmem:s16], [sflag:$0x5] =	stream.indirect_vreg.gather [hbm4b:s9+s5], $0x80, v4, vm0, $0xb8;
	[tilespmem:$0x1D000] =	vst v63  }
0x21e: {  	s12 =	simm.s32 $0x13000  }
0x21f: {  	[tilespmem:s12], [sflag:$0x5] =	stream.indirect_vreg.gather [hbm4b:s1+s5], $0x80, v3, vm0, $0xb8;
	[tilespmem:$0x1D000] =	vst v63  }
0x220: {  	s13 =	simm.s32 $0x13800  }
0x221: {  	[tilespmem:s13], [sflag:$0x5] =	stream.indirect_vreg.gather [hbm4b:s7+s5], $0x80, v3, vm0, $0xb8;
	[tilespmem:$0x1D000] =	vst v63  }
0x222: {  	s14 =	simm.s32 $0x14000  }
0x223: {  	[tilespmem:s14], [sflag:$0x5] =	stream.indirect_vreg.gather [hbm4b:s8+s5], $0x80, v3, vm0, $0xb8;
	[tilespmem:$0x1D000] =	vst v63  }
0x224: {  	s15 =	simm.s32 $0x14800  }
0x225: {  	[tilespmem:s15], [sflag:$0x5] =	stream.indirect_vreg.gather [hbm4b:s9+s5], $0x80, v3, vm0, $0xb8;
	[tilespmem:$0x1D000] =	vst v63  }
0x226: {  	s16 =	sand.u32 $0x2000, s5;
	s12 =	sand.u32 $0x1C00, s5;
	_ =	swait.ge [sflag:s20], $0x4000  }
0x227: {  	s11 =	sor.u32 s12, s16;
	s5 =	sand.u32 $0x380, s5;
	[sflag:s20] =	ssyncset.done $0x0  }
0x228: {  	s5 =	sor.u32 s5, s11;
	[sflag:s20] =	ssyncadd.s32 $0xFFFFC000  }
0x229: {  	v3 =	vld [tilespmem:s5+$0x19070]  }
0x22a: {  	v6 =	vld [tilespmem:s5+$0x19000]  }
0x22b: {  	v7 =	vld [tilespmem:s5+$0x19010]  }
0x22c: {  	v8 =	vld [tilespmem:s5+$0x19020]  }
0x22d: {  	v9 =	vld [tilespmem:s5+$0x19030]  }
0x22e: {  	v5 =	vld [tilespmem:s5+$0x19040]  }
0x22f: {  	v4 =	vld [tilespmem:s5+$0x19060]  }
0x230: {  	[tilespmem:s5+$0x9070] =	vst.add.f32.msk $0xffff, v3  }
0x231: {  	v3 =	vld [tilespmem:s5+$0x19050]  }
0x232: {  	[tilespmem:s5+$0x9000] =	vst.add.f32.msk $0xffff, v6  }
0x233: {  	[tilespmem:s5+$0x9010] =	vst.add.f32.msk $0xffff, v7  }
0x234: {  	s12 =	simm.s32 $0x10;
	[tilespmem:s5+$0x9020] =	vst.add.f32.msk $0xffff, v8  }
0x235: {  	s13 =	simm.s32 $0x400;
	s14 =	simm.s32 $0x80;
	s11 =	simm.s32 $0x0;
	[tilespmem:s5+$0x9030] =	vst.add.f32.msk $0xffff, v9  }
.LBB2_16:
0x236: {  	s15 =	sand.u32 $0x2000, s14;
	s16 =	sand.u32 $0x1C00, s13;
	s11 =	sadd.s32 $0x8, s11;
	[tilespmem:s5+$0x9040] =	vst.add.f32.msk $0xffff, v5  }
0x237: {  	s15 =	sor.u32 s16, s15;
	s16 =	sand.u32 $0x380, s12;
	p0 =	slt.u32 s11, $0x3F8;
	[tilespmem:s5+$0x9050] =	vst.add.f32.msk $0xffff, v3  }
0x238: {  	[tilespmem:s5+$0x9060] =	vst.add.f32.msk $0xffff, v4;
	s5 =	sor.u32 s16, s15  }
0x239: {  	v3 =	vld [tilespmem:s5+$0x19070]  }
0x23a: {  	v6 =	vld [tilespmem:s5+$0x19000]  }
0x23b: {  	v7 =	vld [tilespmem:s5+$0x19010]  }
0x23c: {  	v8 =	vld [tilespmem:s5+$0x19020]  }
0x23d: {  	v9 =	vld [tilespmem:s5+$0x19030]  }
0x23e: {  	[tilespmem:s5+$0x9070] =	vst.add.f32.msk $0xffff, v3  }
0x23f: {  	v5 =	vld [tilespmem:s5+$0x19040]  }
0x240: {  	v3 =	vld [tilespmem:s5+$0x19050]  }
.Ltmp7:
0x241: {  	v4 =	vld [tilespmem:s5+$0x19060];
	(pc) =	sbr.rel @p0 .LBB2_16-.Ltmp7, $4  }
0x242: {  	[tilespmem:s5+$0x9000] =	vst.add.f32.msk $0xffff, v6  }
0x243: {  	[tilespmem:s5+$0x9010] =	vst.add.f32.msk $0xffff, v7  }
0x244: {  	[tilespmem:s5+$0x9020] =	vst.add.f32.msk $0xffff, v8  }
0x245: {  	s13 =	sadd.s32 $0x400, s13;
	s14 =	sadd.s32 $0x80, s14;
	s12 =	sadd.s32 $0x10, s12;
	[tilespmem:s5+$0x9030] =	vst.add.f32.msk $0xffff, v9  }
0x246: {  	[tilespmem:s5+$0x9040] =	vst.add.f32.msk $0xffff, v5  }
0x247: {  	[tilespmem:s5+$0x9050] =	vst.add.f32.msk $0xffff, v3  }
0x248: {  	[tilespmem:s5+$0x9060] =	vst.add.f32.msk $0xffff, v4  }
0x249: {  	s5 =	simm.s32 $0x0;
	s11 =	rddreg [dreg:$0x1c]  }
0x24a: {  	[hbm4b:s11+s5] =	stream.linear.scatter [tilespmem:s18], [sflag:$0x8], $0x4000, $0x38;
	[tilespmem:$0x1D000] =	vst v63  }
0x24b: {  	s12 =	simm.s32 $0x19000;
	s16 =	rddreg [dreg:$0xb]  }
0x24c: {  	[tilespmem:s12], [sflag:$0xC] =	stream.linear.gather [hbm4b:s16+s5], $0x4000, $0x38;
	[tilespmem:$0x1D000] =	vst v63  }
0x24d: {  	_ =	swait.ge [sflag:s23], $0x4000  }
0x24e: {  	[sflag:s23] =	ssyncset.done $0x0  }
0x24f: {  	[sflag:s23] =	ssyncadd.s32 $0xFFFFC000  }
0x250: {  	v3 =	vld [tilespmem:$0x500];
	_ =	sdelay $0x4  }
0x251: {  	v4 =	vshll.u32 v3, $0x3  }
0x252: {  	v3 =	vand.u32 $0x7, v3;
	v4 =	vand.u32 $0xFFFFFFC0, v4  }
0x253: {  	v3 =	vor.u32 v3, v4  }
0x254: {  	v4 =	vperm.xlane v3, v0;
	_ =	sdelay $0x1  }
0x255: {  	v4 =	vadd.s32 v1, v4;
	_ =	sdelay $0x4  }
0x256: {  	[tilespmem:s28], [sflag:$0x1] =	stream.indirect_vreg.gather [hbm4b:s1+s5], $0x80, v4, vm0, $0xb8;
	[tilespmem:$0x1D000] =	vst v63  }
0x257: {  	s13 =	simm.s32 $0x1800;
	v3 =	vperm.xlane v3, v2  }
0x258: {  	[tilespmem:s13], [sflag:$0x1] =	stream.indirect_vreg.gather [hbm4b:s7+s5], $0x80, v4, vm0, $0xb8;
	[tilespmem:$0x1D000] =	vst v63  }
0x259: {  	s14 =	simm.s32 $0x2000;
	v3 =	vadd.s32 v1, v3  }
0x25a: {  	[tilespmem:s14], [sflag:$0x1] =	stream.indirect_vreg.gather [hbm4b:s8+s5], $0x80, v4, vm0, $0xb8;
	[tilespmem:$0x1D000] =	vst v63  }
0x25b: {  	s15 =	simm.s32 $0x2800  }
0x25c: {  	[tilespmem:s15], [sflag:$0x1] =	stream.indirect_vreg.gather [hbm4b:s9+s5], $0x80, v4, vm0, $0xb8;
	[tilespmem:$0x1D000] =	vst v63  }
0x25d: {  	s16 =	simm.s32 $0x3000  }
0x25e: {  	[tilespmem:s16], [sflag:$0x1] =	stream.indirect_vreg.gather [hbm4b:s1+s5], $0x80, v3, vm0, $0xb8;
	[tilespmem:$0x1D000] =	vst v63  }
0x25f: {  	s12 =	simm.s32 $0x3800  }
0x260: {  	[tilespmem:s12], [sflag:$0x1] =	stream.indirect_vreg.gather [hbm4b:s7+s5], $0x80, v3, vm0, $0xb8;
	[tilespmem:$0x1D000] =	vst v63  }
0x261: {  	s13 =	simm.s32 $0x4000  }
0x262: {  	[tilespmem:s13], [sflag:$0x1] =	stream.indirect_vreg.gather [hbm4b:s8+s5], $0x80, v3, vm0, $0xb8;
	[tilespmem:$0x1D000] =	vst v63  }
0x263: {  	s14 =	simm.s32 $0x4800  }
0x264: {  	[tilespmem:s14], [sflag:$0x1] =	stream.indirect_vreg.gather [hbm4b:s9+s5], $0x80, v3, vm0, $0xb8;
	[tilespmem:$0x1D000] =	vst v63  }
0x265: {  	_ =	swait.ge [sflag:s24], $0x4000  }
0x266: {  	[sflag:s24] =	ssyncset.done $0x0  }
0x267: {  	[sflag:s24] =	ssyncadd.s32 $0xFFFFC000  }
0x268: {  	s15 =	sand.u32 $0x2000, s5;
	s16 =	sand.u32 $0x1C00, s5;
	_ =	swait.ge [sflag:s26], $0x4000  }
0x269: {  	s11 =	sor.u32 s16, s15;
	s5 =	sand.u32 $0x380, s5;
	[sflag:s26] =	ssyncset.done $0x0  }
0x26a: {  	s5 =	sor.u32 s5, s11;
	[sflag:s26] =	ssyncadd.s32 $0xFFFFC000  }
0x26b: {  	v3 =	vld [tilespmem:s5+$0x15070]  }
0x26c: {  	v6 =	vld [tilespmem:s5+$0x15000]  }
0x26d: {  	v7 =	vld [tilespmem:s5+$0x15010]  }
0x26e: {  	v8 =	vld [tilespmem:s5+$0x15020]  }
0x26f: {  	v9 =	vld [tilespmem:s5+$0x15030]  }
0x270: {  	v5 =	vld [tilespmem:s5+$0x15040]  }
0x271: {  	v4 =	vld [tilespmem:s5+$0x15060]  }
0x272: {  	[tilespmem:s5+$0xD070] =	vst.add.f32.msk $0xffff, v3  }
0x273: {  	v3 =	vld [tilespmem:s5+$0x15050]  }
0x274: {  	[tilespmem:s5+$0xD000] =	vst.add.f32.msk $0xffff, v6  }
0x275: {  	[tilespmem:s5+$0xD010] =	vst.add.f32.msk $0xffff, v7  }
0x276: {  	s12 =	simm.s32 $0x10;
	[tilespmem:s5+$0xD020] =	vst.add.f32.msk $0xffff, v8  }
0x277: {  	s13 =	simm.s32 $0x400;
	s14 =	simm.s32 $0x80;
	s11 =	simm.s32 $0x0;
	[tilespmem:s5+$0xD030] =	vst.add.f32.msk $0xffff, v9  }
.LBB2_18:
0x278: {  	s15 =	sand.u32 $0x2000, s14;
	s16 =	sand.u32 $0x1C00, s13;
	s11 =	sadd.s32 $0x8, s11;
	[tilespmem:s5+$0xD040] =	vst.add.f32.msk $0xffff, v5  }
0x279: {  	s15 =	sor.u32 s16, s15;
	s16 =	sand.u32 $0x380, s12;
	p0 =	slt.u32 s11, $0x3F8;
	[tilespmem:s5+$0xD050] =	vst.add.f32.msk $0xffff, v3  }
0x27a: {  	[tilespmem:s5+$0xD060] =	vst.add.f32.msk $0xffff, v4;
	s5 =	sor.u32 s16, s15  }
0x27b: {  	v3 =	vld [tilespmem:s5+$0x15070]  }
0x27c: {  	v6 =	vld [tilespmem:s5+$0x15000]  }
0x27d: {  	v7 =	vld [tilespmem:s5+$0x15010]  }
0x27e: {  	v8 =	vld [tilespmem:s5+$0x15020]  }
0x27f: {  	v9 =	vld [tilespmem:s5+$0x15030]  }
0x280: {  	[tilespmem:s5+$0xD070] =	vst.add.f32.msk $0xffff, v3  }
0x281: {  	v5 =	vld [tilespmem:s5+$0x15040]  }
0x282: {  	v3 =	vld [tilespmem:s5+$0x15050]  }
.Ltmp8:
0x283: {  	v4 =	vld [tilespmem:s5+$0x15060];
	(pc) =	sbr.rel @p0 .LBB2_18-.Ltmp8, $4  }
0x284: {  	[tilespmem:s5+$0xD000] =	vst.add.f32.msk $0xffff, v6  }
0x285: {  	[tilespmem:s5+$0xD010] =	vst.add.f32.msk $0xffff, v7  }
0x286: {  	[tilespmem:s5+$0xD020] =	vst.add.f32.msk $0xffff, v8  }
0x287: {  	s13 =	sadd.s32 $0x400, s13;
	s14 =	sadd.s32 $0x80, s14;
	s12 =	sadd.s32 $0x10, s12;
	[tilespmem:s5+$0xD030] =	vst.add.f32.msk $0xffff, v9  }
0x288: {  	[tilespmem:s5+$0xD040] =	vst.add.f32.msk $0xffff, v5  }
0x289: {  	[tilespmem:s5+$0xD050] =	vst.add.f32.msk $0xffff, v3  }
0x28a: {  	[tilespmem:s5+$0xD060] =	vst.add.f32.msk $0xffff, v4  }
0x28b: {  	s5 =	simm.s32 $0x0;
	s11 =	rddreg [dreg:$0xc]  }
0x28c: {  	[hbm4b:s11+s5] =	stream.linear.scatter [tilespmem:s19], [sflag:$0x9], $0x4000, $0x38;
	[tilespmem:$0x1D000] =	vst v63  }
0x28d: {  	_ =	swait.ge [sflag:s10], $0x4000  }
0x28e: {  	[sflag:s10] =	ssyncset.done $0x0  }
0x28f: {  	[sflag:s10] =	ssyncadd.s32 $0xFFFFC000  }
0x290: {  	v3 =	vld [tilespmem:$0x580];
	_ =	sdelay $0x4  }
0x291: {  	v4 =	vshll.u32 v3, $0x3  }
0x292: {  	v3 =	vand.u32 $0x7, v3;
	v4 =	vand.u32 $0xFFFFFFC0, v4  }
0x293: {  	v3 =	vor.u32 v3, v4  }
0x294: {  	v4 =	vperm.xlane v3, v0;
	_ =	sdelay $0x1  }
0x295: {  	v4 =	vadd.s32 v1, v4;
	_ =	sdelay $0x4  }
0x296: {  	[tilespmem:s6], [sflag:$0x2] =	stream.indirect_vreg.gather [hbm4b:s1+s5], $0x80, v4, vm0, $0xb8;
	[tilespmem:$0x1D000] =	vst v63  }
0x297: {  	s15 =	simm.s32 $0x5800;
	v3 =	vperm.xlane v3, v2  }
0x298: {  	[tilespmem:s15], [sflag:$0x2] =	stream.indirect_vreg.gather [hbm4b:s7+s5], $0x80, v4, vm0, $0xb8;
	[tilespmem:$0x1D000] =	vst v63  }
0x299: {  	s16 =	simm.s32 $0x6000;
	v3 =	vadd.s32 v1, v3  }
0x29a: {  	[tilespmem:s16], [sflag:$0x2] =	stream.indirect_vreg.gather [hbm4b:s8+s5], $0x80, v4, vm0, $0xb8;
	[tilespmem:$0x1D000] =	vst v63  }
0x29b: {  	s12 =	simm.s32 $0x6800  }
0x29c: {  	[tilespmem:s12], [sflag:$0x2] =	stream.indirect_vreg.gather [hbm4b:s9+s5], $0x80, v4, vm0, $0xb8;
	[tilespmem:$0x1D000] =	vst v63  }
0x29d: {  	s13 =	simm.s32 $0x7000  }
0x29e: {  	[tilespmem:s13], [sflag:$0x2] =	stream.indirect_vreg.gather [hbm4b:s1+s5], $0x80, v3, vm0, $0xb8;
	[tilespmem:$0x1D000] =	vst v63  }
0x29f: {  	s14 =	simm.s32 $0x7800  }
0x2a0: {  	[tilespmem:s14], [sflag:$0x2] =	stream.indirect_vreg.gather [hbm4b:s7+s5], $0x80, v3, vm0, $0xb8;
	[tilespmem:$0x1D000] =	vst v63  }
0x2a1: {  	s15 =	simm.s32 $0x8000  }
0x2a2: {  	[tilespmem:s15], [sflag:$0x2] =	stream.indirect_vreg.gather [hbm4b:s8+s5], $0x80, v3, vm0, $0xb8;
	[tilespmem:$0x1D000] =	vst v63  }
0x2a3: {  	_ = 	snop  }
0x2a4: {  	[tilespmem:s17], [sflag:$0x2] =	stream.indirect_vreg.gather [hbm4b:s9+s5], $0x80, v3, vm0, $0xb8;
	[tilespmem:$0x1D000] =	vst v63  }
0x2a5: {  	s16 =	sand.u32 $0x2000, s5;
	s12 =	sand.u32 $0x1C00, s5;
	_ =	swait.ge [sflag:s29], $0x4000  }
0x2a6: {  	s11 =	sor.u32 s12, s16;
	s5 =	sand.u32 $0x380, s5;
	[sflag:s29] =	ssyncset.done $0x0  }
0x2a7: {  	s5 =	sor.u32 s5, s11;
	[sflag:s29] =	ssyncadd.s32 $0xFFFFC000  }
0x2a8: {  	v3 =	vld [tilespmem:s5+$0x15070]  }
0x2a9: {  	v6 =	vld [tilespmem:s5+$0x15000]  }
0x2aa: {  	v7 =	vld [tilespmem:s5+$0x15010]  }
0x2ab: {  	v8 =	vld [tilespmem:s5+$0x15020]  }
0x2ac: {  	v9 =	vld [tilespmem:s5+$0x15030]  }
0x2ad: {  	v5 =	vld [tilespmem:s5+$0x15040]  }
0x2ae: {  	v4 =	vld [tilespmem:s5+$0x15060]  }
0x2af: {  	[tilespmem:s5+$0x11070] =	vst.add.f32.msk $0xffff, v3  }
0x2b0: {  	v3 =	vld [tilespmem:s5+$0x15050]  }
0x2b1: {  	[tilespmem:s5+$0x11000] =	vst.add.f32.msk $0xffff, v6  }
0x2b2: {  	[tilespmem:s5+$0x11010] =	vst.add.f32.msk $0xffff, v7  }
0x2b3: {  	s12 =	simm.s32 $0x10;
	[tilespmem:s5+$0x11020] =	vst.add.f32.msk $0xffff, v8  }
0x2b4: {  	s13 =	simm.s32 $0x400;
	s14 =	simm.s32 $0x80;
	s11 =	simm.s32 $0x0;
	[tilespmem:s5+$0x11030] =	vst.add.f32.msk $0xffff, v9  }
.LBB2_20:
0x2b5: {  	s15 =	sand.u32 $0x2000, s14;
	s16 =	sand.u32 $0x1C00, s13;
	s11 =	sadd.s32 $0x8, s11;
	[tilespmem:s5+$0x11040] =	vst.add.f32.msk $0xffff, v5  }
0x2b6: {  	s15 =	sor.u32 s16, s15;
	s16 =	sand.u32 $0x380, s12;
	p0 =	slt.u32 s11, $0x3F8;
	[tilespmem:s5+$0x11050] =	vst.add.f32.msk $0xffff, v3  }
0x2b7: {  	[tilespmem:s5+$0x11060] =	vst.add.f32.msk $0xffff, v4;
	s5 =	sor.u32 s16, s15  }
0x2b8: {  	v3 =	vld [tilespmem:s5+$0x15070]  }
0x2b9: {  	v6 =	vld [tilespmem:s5+$0x15000]  }
0x2ba: {  	v7 =	vld [tilespmem:s5+$0x15010]  }
0x2bb: {  	v8 =	vld [tilespmem:s5+$0x15020]  }
0x2bc: {  	v9 =	vld [tilespmem:s5+$0x15030]  }
0x2bd: {  	[tilespmem:s5+$0x11070] =	vst.add.f32.msk $0xffff, v3  }
0x2be: {  	v5 =	vld [tilespmem:s5+$0x15040]  }
0x2bf: {  	v3 =	vld [tilespmem:s5+$0x15050]  }
.Ltmp9:
0x2c0: {  	v4 =	vld [tilespmem:s5+$0x15060];
	(pc) =	sbr.rel @p0 .LBB2_20-.Ltmp9, $4  }
0x2c1: {  	[tilespmem:s5+$0x11000] =	vst.add.f32.msk $0xffff, v6  }
0x2c2: {  	[tilespmem:s5+$0x11010] =	vst.add.f32.msk $0xffff, v7  }
0x2c3: {  	[tilespmem:s5+$0x11020] =	vst.add.f32.msk $0xffff, v8  }
0x2c4: {  	s13 =	sadd.s32 $0x400, s13;
	s14 =	sadd.s32 $0x80, s14;
	s12 =	sadd.s32 $0x10, s12;
	[tilespmem:s5+$0x11030] =	vst.add.f32.msk $0xffff, v9  }
0x2c5: {  	[tilespmem:s5+$0x11040] =	vst.add.f32.msk $0xffff, v5  }
0x2c6: {  	[tilespmem:s5+$0x11050] =	vst.add.f32.msk $0xffff, v3  }
0x2c7: {  	[tilespmem:s5+$0x11060] =	vst.add.f32.msk $0xffff, v4  }
0x2c8: {  	s5 =	simm.s32 $0x0;
	s11 =	rddreg [dreg:$0x1d]  }
0x2c9: {  	[hbm4b:s11+s5] =	stream.linear.scatter [tilespmem:s22], [sflag:$0xA], $0x4000, $0x38;
	[tilespmem:$0x1D000] =	vst v63  }
0x2ca: {  	_ =	swait.ge [sflag:s31], $0x4000  }
0x2cb: {  	[sflag:s31] =	ssyncset.done $0x0  }
0x2cc: {  	[sflag:s31] =	ssyncadd.s32 $0xFFFFC000  }
0x2cd: {  	v3 =	vld [tilespmem:$0x600];
	_ =	sdelay $0x4  }
0x2ce: {  	v4 =	vshll.u32 v3, $0x3  }
0x2cf: {  	v3 =	vand.u32 $0x7, v3;
	v4 =	vand.u32 $0xFFFFFFC0, v4  }
0x2d0: {  	v3 =	vor.u32 v3, v4  }
0x2d1: {  	v4 =	vperm.xlane v3, v0;
	_ =	sdelay $0x1  }
0x2d2: {  	v4 =	vadd.s32 v1, v4;
	_ =	sdelay $0x4  }
0x2d3: {  	[tilespmem:s18], [sflag:$0x3] =	stream.indirect_vreg.gather [hbm4b:s1+s5], $0x80, v4, vm0, $0xb8;
	[tilespmem:$0x1D000] =	vst v63  }
0x2d4: {  	s14 =	simm.s32 $0x9800;
	v3 =	vperm.xlane v3, v2  }
0x2d5: {  	[tilespmem:s14], [sflag:$0x3] =	stream.indirect_vreg.gather [hbm4b:s7+s5], $0x80, v4, vm0, $0xb8;
	[tilespmem:$0x1D000] =	vst v63  }
0x2d6: {  	s15 =	simm.s32 $0xA000;
	v3 =	vadd.s32 v1, v3  }
0x2d7: {  	[tilespmem:s15], [sflag:$0x3] =	stream.indirect_vreg.gather [hbm4b:s8+s5], $0x80, v4, vm0, $0xb8;
	[tilespmem:$0x1D000] =	vst v63  }
0x2d8: {  	s16 =	simm.s32 $0xA800  }
0x2d9: {  	[tilespmem:s16], [sflag:$0x3] =	stream.indirect_vreg.gather [hbm4b:s9+s5], $0x80, v4, vm0, $0xb8;
	[tilespmem:$0x1D000] =	vst v63  }
0x2da: {  	s12 =	simm.s32 $0xB000  }
0x2db: {  	[tilespmem:s12], [sflag:$0x3] =	stream.indirect_vreg.gather [hbm4b:s1+s5], $0x80, v3, vm0, $0xb8;
	[tilespmem:$0x1D000] =	vst v63  }
0x2dc: {  	s13 =	simm.s32 $0xB800  }
0x2dd: {  	[tilespmem:s13], [sflag:$0x3] =	stream.indirect_vreg.gather [hbm4b:s7+s5], $0x80, v3, vm0, $0xb8;
	[tilespmem:$0x1D000] =	vst v63  }
0x2de: {  	s14 =	simm.s32 $0xC000  }
0x2df: {  	[tilespmem:s14], [sflag:$0x3] =	stream.indirect_vreg.gather [hbm4b:s8+s5], $0x80, v3, vm0, $0xb8;
	[tilespmem:$0x1D000] =	vst v63  }
0x2e0: {  	s15 =	simm.s32 $0xC800  }
0x2e1: {  	[tilespmem:s15], [sflag:$0x3] =	stream.indirect_vreg.gather [hbm4b:s9+s5], $0x80, v3, vm0, $0xb8;
	[tilespmem:$0x1D000] =	vst v63  }
0x2e2: {  	s16 =	sand.u32 $0x2000, s5;
	s12 =	sand.u32 $0x1C00, s5;
	_ =	swait.ge [sflag:s25], $0x4000  }
0x2e3: {  	s11 =	sor.u32 s12, s16;
	s5 =	sand.u32 $0x380, s5;
	[sflag:s25] =	ssyncset.done $0x0  }
0x2e4: {  	s5 =	sor.u32 s5, s11;
	[sflag:s25] =	ssyncadd.s32 $0xFFFFC000  }
0x2e5: {  	v3 =	vld [tilespmem:s5+$0x15070]  }
0x2e6: {  	v6 =	vld [tilespmem:s5+$0x15000]  }
0x2e7: {  	v7 =	vld [tilespmem:s5+$0x15010]  }
0x2e8: {  	v8 =	vld [tilespmem:s5+$0x15020]  }
0x2e9: {  	v9 =	vld [tilespmem:s5+$0x15030]  }
0x2ea: {  	v5 =	vld [tilespmem:s5+$0x15040]  }
0x2eb: {  	v4 =	vld [tilespmem:s5+$0x15060]  }
0x2ec: {  	[tilespmem:s5+$0x1070] =	vst.add.f32.msk $0xffff, v3  }
0x2ed: {  	v3 =	vld [tilespmem:s5+$0x15050]  }
0x2ee: {  	[tilespmem:s5+$0x1000] =	vst.add.f32.msk $0xffff, v6  }
0x2ef: {  	[tilespmem:s5+$0x1010] =	vst.add.f32.msk $0xffff, v7  }
0x2f0: {  	s12 =	simm.s32 $0x10;
	[tilespmem:s5+$0x1020] =	vst.add.f32.msk $0xffff, v8  }
0x2f1: {  	s13 =	simm.s32 $0x400;
	s14 =	simm.s32 $0x80;
	s11 =	simm.s32 $0x0;
	[tilespmem:s5+$0x1030] =	vst.add.f32.msk $0xffff, v9  }
.LBB2_22:
0x2f2: {  	s15 =	sand.u32 $0x2000, s14;
	s16 =	sand.u32 $0x1C00, s13;
	s11 =	sadd.s32 $0x8, s11;
	[tilespmem:s5+$0x1040] =	vst.add.f32.msk $0xffff, v5  }
0x2f3: {  	s15 =	sor.u32 s16, s15;
	s16 =	sand.u32 $0x380, s12;
	p0 =	slt.u32 s11, $0x3F8;
	[tilespmem:s5+$0x1050] =	vst.add.f32.msk $0xffff, v3  }
0x2f4: {  	[tilespmem:s5+$0x1060] =	vst.add.f32.msk $0xffff, v4;
	s5 =	sor.u32 s16, s15  }
0x2f5: {  	v3 =	vld [tilespmem:s5+$0x15070]  }
0x2f6: {  	v6 =	vld [tilespmem:s5+$0x15000]  }
0x2f7: {  	v7 =	vld [tilespmem:s5+$0x15010]  }
0x2f8: {  	v8 =	vld [tilespmem:s5+$0x15020]  }
0x2f9: {  	v9 =	vld [tilespmem:s5+$0x15030]  }
0x2fa: {  	[tilespmem:s5+$0x1070] =	vst.add.f32.msk $0xffff, v3  }
0x2fb: {  	v5 =	vld [tilespmem:s5+$0x15040]  }
0x2fc: {  	v3 =	vld [tilespmem:s5+$0x15050]  }
.Ltmp10:
0x2fd: {  	v4 =	vld [tilespmem:s5+$0x15060];
	(pc) =	sbr.rel @p0 .LBB2_22-.Ltmp10, $4  }
0x2fe: {  	[tilespmem:s5+$0x1000] =	vst.add.f32.msk $0xffff, v6  }
0x2ff: {  	[tilespmem:s5+$0x1010] =	vst.add.f32.msk $0xffff, v7  }
0x300: {  	[tilespmem:s5+$0x1020] =	vst.add.f32.msk $0xffff, v8  }
0x301: {  	s13 =	sadd.s32 $0x400, s13;
	s14 =	sadd.s32 $0x80, s14;
	s12 =	sadd.s32 $0x10, s12;
	[tilespmem:s5+$0x1030] =	vst.add.f32.msk $0xffff, v9  }
0x302: {  	[tilespmem:s5+$0x1040] =	vst.add.f32.msk $0xffff, v5  }
0x303: {  	[tilespmem:s5+$0x1050] =	vst.add.f32.msk $0xffff, v3  }
0x304: {  	[tilespmem:s5+$0x1060] =	vst.add.f32.msk $0xffff, v4  }
0x305: {  	s5 =	simm.s32 $0x0;
	s11 =	rddreg [dreg:$0x1e]  }
0x306: {  	[hbm4b:s11+s5] =	stream.linear.scatter [tilespmem:s28], [sflag:$0x6], $0x4000, $0x38;
	[tilespmem:$0x1D000] =	vst v63  }
0x307: {  	_ =	swait.ge [sflag:s0], $0x4000  }
0x308: {  	[sflag:s0] =	ssyncset.done $0x0  }
0x309: {  	[sflag:s0] =	ssyncadd.s32 $0xFFFFC000  }
0x30a: {  	v3 =	vld [tilespmem:$0x680];
	_ =	sdelay $0x4  }
0x30b: {  	v4 =	vshll.u32 v3, $0x3  }
0x30c: {  	v3 =	vand.u32 $0x7, v3;
	v4 =	vand.u32 $0xFFFFFFC0, v4  }
0x30d: {  	v3 =	vor.u32 v3, v4  }
0x30e: {  	v4 =	vperm.xlane v3, v0;
	_ =	sdelay $0x1  }
0x30f: {  	v4 =	vadd.s32 v1, v4;
	_ =	sdelay $0x4  }
0x310: {  	[tilespmem:s19], [sflag:$0x4] =	stream.indirect_vreg.gather [hbm4b:s1+s5], $0x80, v4, vm0, $0xb8;
	[tilespmem:$0x1D000] =	vst v63  }
0x311: {  	s14 =	simm.s32 $0xD800;
	v3 =	vperm.xlane v3, v2  }
0x312: {  	[tilespmem:s14], [sflag:$0x4] =	stream.indirect_vreg.gather [hbm4b:s7+s5], $0x80, v4, vm0, $0xb8;
	[tilespmem:$0x1D000] =	vst v63  }
0x313: {  	s15 =	simm.s32 $0xE000;
	v3 =	vadd.s32 v1, v3  }
0x314: {  	[tilespmem:s15], [sflag:$0x4] =	stream.indirect_vreg.gather [hbm4b:s8+s5], $0x80, v4, vm0, $0xb8;
	[tilespmem:$0x1D000] =	vst v63  }
0x315: {  	s16 =	simm.s32 $0xE800  }
0x316: {  	[tilespmem:s16], [sflag:$0x4] =	stream.indirect_vreg.gather [hbm4b:s9+s5], $0x80, v4, vm0, $0xb8;
	[tilespmem:$0x1D000] =	vst v63  }
0x317: {  	s12 =	simm.s32 $0xF000  }
0x318: {  	[tilespmem:s12], [sflag:$0x4] =	stream.indirect_vreg.gather [hbm4b:s1+s5], $0x80, v3, vm0, $0xb8;
	[tilespmem:$0x1D000] =	vst v63  }
0x319: {  	s13 =	simm.s32 $0xF800  }
0x31a: {  	[tilespmem:s13], [sflag:$0x4] =	stream.indirect_vreg.gather [hbm4b:s7+s5], $0x80, v3, vm0, $0xb8;
	[tilespmem:$0x1D000] =	vst v63  }
0x31b: {  	s14 =	simm.s32 $0x10000  }
0x31c: {  	[tilespmem:s14], [sflag:$0x4] =	stream.indirect_vreg.gather [hbm4b:s8+s5], $0x80, v3, vm0, $0xb8;
	[tilespmem:$0x1D000] =	vst v63  }
0x31d: {  	s15 =	simm.s32 $0x10800  }
0x31e: {  	[tilespmem:s15], [sflag:$0x4] =	stream.indirect_vreg.gather [hbm4b:s9+s5], $0x80, v3, vm0, $0xb8;
	[tilespmem:$0x1D000] =	vst v63  }
0x31f: {  	s16 =	sand.u32 $0x2000, s5;
	s12 =	sand.u32 $0x1C00, s5;
	_ =	swait.ge [sflag:s21], $0x4000  }
0x320: {  	s11 =	sor.u32 s12, s16;
	s5 =	sand.u32 $0x380, s5;
	[sflag:s21] =	ssyncset.done $0x0  }
0x321: {  	s5 =	sor.u32 s5, s11;
	[sflag:s21] =	ssyncadd.s32 $0xFFFFC000  }
0x322: {  	v3 =	vld [tilespmem:s5+$0x15070]  }
0x323: {  	v6 =	vld [tilespmem:s5+$0x15000]  }
0x324: {  	v7 =	vld [tilespmem:s5+$0x15010]  }
0x325: {  	v8 =	vld [tilespmem:s5+$0x15020]  }
0x326: {  	v9 =	vld [tilespmem:s5+$0x15030]  }
0x327: {  	v5 =	vld [tilespmem:s5+$0x15040]  }
0x328: {  	v4 =	vld [tilespmem:s5+$0x15060]  }
0x329: {  	[tilespmem:s5+$0x5070] =	vst.add.f32.msk $0xffff, v3  }
0x32a: {  	v3 =	vld [tilespmem:s5+$0x15050]  }
0x32b: {  	[tilespmem:s5+$0x5000] =	vst.add.f32.msk $0xffff, v6  }
0x32c: {  	[tilespmem:s5+$0x5010] =	vst.add.f32.msk $0xffff, v7  }
0x32d: {  	s12 =	simm.s32 $0x10;
	[tilespmem:s5+$0x5020] =	vst.add.f32.msk $0xffff, v8  }
0x32e: {  	s13 =	simm.s32 $0x400;
	s14 =	simm.s32 $0x80;
	s11 =	simm.s32 $0x0;
	[tilespmem:s5+$0x5030] =	vst.add.f32.msk $0xffff, v9  }
.LBB2_24:
0x32f: {  	s15 =	sand.u32 $0x2000, s14;
	s16 =	sand.u32 $0x1C00, s13;
	s11 =	sadd.s32 $0x8, s11;
	[tilespmem:s5+$0x5040] =	vst.add.f32.msk $0xffff, v5  }
0x330: {  	s15 =	sor.u32 s16, s15;
	s16 =	sand.u32 $0x380, s12;
	p0 =	slt.u32 s11, $0x3F8;
	[tilespmem:s5+$0x5050] =	vst.add.f32.msk $0xffff, v3  }
0x331: {  	[tilespmem:s5+$0x5060] =	vst.add.f32.msk $0xffff, v4;
	s5 =	sor.u32 s16, s15  }
0x332: {  	v3 =	vld [tilespmem:s5+$0x15070]  }
0x333: {  	v6 =	vld [tilespmem:s5+$0x15000]  }
0x334: {  	v7 =	vld [tilespmem:s5+$0x15010]  }
0x335: {  	v8 =	vld [tilespmem:s5+$0x15020]  }
0x336: {  	v9 =	vld [tilespmem:s5+$0x15030]  }
0x337: {  	[tilespmem:s5+$0x5070] =	vst.add.f32.msk $0xffff, v3  }
0x338: {  	v5 =	vld [tilespmem:s5+$0x15040]  }
0x339: {  	v3 =	vld [tilespmem:s5+$0x15050]  }
.Ltmp11:
0x33a: {  	v4 =	vld [tilespmem:s5+$0x15060];
	(pc) =	sbr.rel @p0 .LBB2_24-.Ltmp11, $4  }
0x33b: {  	[tilespmem:s5+$0x5000] =	vst.add.f32.msk $0xffff, v6  }
0x33c: {  	[tilespmem:s5+$0x5010] =	vst.add.f32.msk $0xffff, v7  }
0x33d: {  	[tilespmem:s5+$0x5020] =	vst.add.f32.msk $0xffff, v8  }
0x33e: {  	s13 =	sadd.s32 $0x400, s13;
	s14 =	sadd.s32 $0x80, s14;
	s12 =	sadd.s32 $0x10, s12;
	[tilespmem:s5+$0x5030] =	vst.add.f32.msk $0xffff, v9  }
0x33f: {  	[tilespmem:s5+$0x5040] =	vst.add.f32.msk $0xffff, v5  }
0x340: {  	[tilespmem:s5+$0x5050] =	vst.add.f32.msk $0xffff, v3  }
0x341: {  	[tilespmem:s5+$0x5060] =	vst.add.f32.msk $0xffff, v4  }
0x342: {  	s5 =	simm.s32 $0x0;
	s11 =	rddreg [dreg:$0x1f]  }
0x343: {  	[hbm4b:s11+s5] =	stream.linear.scatter [tilespmem:s6], [sflag:$0x7], $0x4000, $0x38;
	[tilespmem:$0x1D000] =	vst v63  }
0x344: {  	s12 =	simm.s32 $0x15000;
	s16 =	rddreg [dreg:$0xd]  }
0x345: {  	[tilespmem:s12], [sflag:$0xB] =	stream.linear.gather [hbm4b:s16+s5], $0x4000, $0x38;
	[tilespmem:$0x1D000] =	vst v63  }
0x346: {  	_ =	swait.ge [sflag:s2], $0x4000  }
0x347: {  	[sflag:s2] =	ssyncset.done $0x0  }
0x348: {  	[sflag:s2] =	ssyncadd.s32 $0xFFFFC000  }
0x349: {  	v3 =	vld [tilespmem:$0x700];
	_ =	sdelay $0x4  }
0x34a: {  	v4 =	vshll.u32 v3, $0x3  }
0x34b: {  	v3 =	vand.u32 $0x7, v3;
	v4 =	vand.u32 $0xFFFFFFC0, v4  }
0x34c: {  	v3 =	vor.u32 v3, v4  }
0x34d: {  	v4 =	vperm.xlane v3, v0;
	_ =	sdelay $0x1  }
0x34e: {  	v4 =	vadd.s32 v1, v4;
	_ =	sdelay $0x4  }
0x34f: {  	[tilespmem:s22], [sflag:$0x5] =	stream.indirect_vreg.gather [hbm4b:s1+s5], $0x80, v4, vm0, $0xb8;
	[tilespmem:$0x1D000] =	vst v63  }
0x350: {  	s13 =	simm.s32 $0x11800;
	v3 =	vperm.xlane v3, v2  }
0x351: {  	[tilespmem:s13], [sflag:$0x5] =	stream.indirect_vreg.gather [hbm4b:s7+s5], $0x80, v4, vm0, $0xb8;
	[tilespmem:$0x1D000] =	vst v63  }
0x352: {  	s14 =	simm.s32 $0x12000;
	v3 =	vadd.s32 v1, v3  }
0x353: {  	[tilespmem:s14], [sflag:$0x5] =	stream.indirect_vreg.gather [hbm4b:s8+s5], $0x80, v4, vm0, $0xb8;
	[tilespmem:$0x1D000] =	vst v63  }
0x354: {  	s15 =	simm.s32 $0x12800  }
0x355: {  	[tilespmem:s15], [sflag:$0x5] =	stream.indirect_vreg.gather [hbm4b:s9+s5], $0x80, v4, vm0, $0xb8;
	[tilespmem:$0x1D000] =	vst v63  }
0x356: {  	s16 =	simm.s32 $0x13000  }
0x357: {  	[tilespmem:s16], [sflag:$0x5] =	stream.indirect_vreg.gather [hbm4b:s1+s5], $0x80, v3, vm0, $0xb8;
	[tilespmem:$0x1D000] =	vst v63  }
0x358: {  	s12 =	simm.s32 $0x13800  }
0x359: {  	[tilespmem:s12], [sflag:$0x5] =	stream.indirect_vreg.gather [hbm4b:s7+s5], $0x80, v3, vm0, $0xb8;
	[tilespmem:$0x1D000] =	vst v63  }
0x35a: {  	s13 =	simm.s32 $0x14000  }
0x35b: {  	[tilespmem:s13], [sflag:$0x5] =	stream.indirect_vreg.gather [hbm4b:s8+s5], $0x80, v3, vm0, $0xb8;
	[tilespmem:$0x1D000] =	vst v63  }
0x35c: {  	s14 =	simm.s32 $0x14800  }
0x35d: {  	[tilespmem:s14], [sflag:$0x5] =	stream.indirect_vreg.gather [hbm4b:s9+s5], $0x80, v3, vm0, $0xb8;
	[tilespmem:$0x1D000] =	vst v63  }
0x35e: {  	_ =	swait.ge [sflag:s20], $0x4000  }
0x35f: {  	[sflag:s20] =	ssyncset.done $0x0  }
0x360: {  	[sflag:s20] =	ssyncadd.s32 $0xFFFFC000  }
0x361: {  	s15 =	sand.u32 $0x2000, s5;
	s16 =	sand.u32 $0x1C00, s5;
	_ =	swait.ge [sflag:s30], $0x4000  }
0x362: {  	s11 =	sor.u32 s16, s15;
	s5 =	sand.u32 $0x380, s5;
	[sflag:s30] =	ssyncset.done $0x0  }
0x363: {  	s5 =	sor.u32 s5, s11;
	[sflag:s30] =	ssyncadd.s32 $0xFFFFC000  }
0x364: {  	v3 =	vld [tilespmem:s5+$0x19070]  }
0x365: {  	v6 =	vld [tilespmem:s5+$0x19000]  }
0x366: {  	v7 =	vld [tilespmem:s5+$0x19010]  }
0x367: {  	v8 =	vld [tilespmem:s5+$0x19020]  }
0x368: {  	v9 =	vld [tilespmem:s5+$0x19030]  }
0x369: {  	v5 =	vld [tilespmem:s5+$0x19040]  }
0x36a: {  	v4 =	vld [tilespmem:s5+$0x19060]  }
0x36b: {  	[tilespmem:s5+$0x9070] =	vst.add.f32.msk $0xffff, v3  }
0x36c: {  	v3 =	vld [tilespmem:s5+$0x19050]  }
0x36d: {  	[tilespmem:s5+$0x9000] =	vst.add.f32.msk $0xffff, v6  }
0x36e: {  	[tilespmem:s5+$0x9010] =	vst.add.f32.msk $0xffff, v7  }
0x36f: {  	s12 =	simm.s32 $0x10;
	[tilespmem:s5+$0x9020] =	vst.add.f32.msk $0xffff, v8  }
0x370: {  	s13 =	simm.s32 $0x400;
	s14 =	simm.s32 $0x80;
	s11 =	simm.s32 $0x0;
	[tilespmem:s5+$0x9030] =	vst.add.f32.msk $0xffff, v9  }
.LBB2_26:
0x371: {  	s15 =	sand.u32 $0x2000, s14;
	s16 =	sand.u32 $0x1C00, s13;
	s11 =	sadd.s32 $0x8, s11;
	[tilespmem:s5+$0x9040] =	vst.add.f32.msk $0xffff, v5  }
0x372: {  	s15 =	sor.u32 s16, s15;
	s16 =	sand.u32 $0x380, s12;
	p0 =	slt.u32 s11, $0x3F8;
	[tilespmem:s5+$0x9050] =	vst.add.f32.msk $0xffff, v3  }
0x373: {  	[tilespmem:s5+$0x9060] =	vst.add.f32.msk $0xffff, v4;
	s5 =	sor.u32 s16, s15  }
0x374: {  	v3 =	vld [tilespmem:s5+$0x19070]  }
0x375: {  	v6 =	vld [tilespmem:s5+$0x19000]  }
0x376: {  	v7 =	vld [tilespmem:s5+$0x19010]  }
0x377: {  	v8 =	vld [tilespmem:s5+$0x19020]  }
0x378: {  	v9 =	vld [tilespmem:s5+$0x19030]  }
0x379: {  	[tilespmem:s5+$0x9070] =	vst.add.f32.msk $0xffff, v3  }
0x37a: {  	v5 =	vld [tilespmem:s5+$0x19040]  }
0x37b: {  	v3 =	vld [tilespmem:s5+$0x19050]  }
.Ltmp12:
0x37c: {  	v4 =	vld [tilespmem:s5+$0x19060];
	(pc) =	sbr.rel @p0 .LBB2_26-.Ltmp12, $4  }
0x37d: {  	[tilespmem:s5+$0x9000] =	vst.add.f32.msk $0xffff, v6  }
0x37e: {  	[tilespmem:s5+$0x9010] =	vst.add.f32.msk $0xffff, v7  }
0x37f: {  	[tilespmem:s5+$0x9020] =	vst.add.f32.msk $0xffff, v8  }
0x380: {  	s13 =	sadd.s32 $0x400, s13;
	s14 =	sadd.s32 $0x80, s14;
	s12 =	sadd.s32 $0x10, s12;
	[tilespmem:s5+$0x9030] =	vst.add.f32.msk $0xffff, v9  }
0x381: {  	[tilespmem:s5+$0x9040] =	vst.add.f32.msk $0xffff, v5  }
0x382: {  	[tilespmem:s5+$0x9050] =	vst.add.f32.msk $0xffff, v3  }
0x383: {  	[tilespmem:s5+$0x9060] =	vst.add.f32.msk $0xffff, v4  }
0x384: {  	s5 =	simm.s32 $0x0;
	s11 =	rddreg [dreg:$0xe]  }
0x385: {  	[hbm4b:s11+s5] =	stream.linear.scatter [tilespmem:s18], [sflag:$0x8], $0x4000, $0x38;
	[tilespmem:$0x1D000] =	vst v63  }
0x386: {  	_ =	swait.ge [sflag:s23], $0x4000  }
0x387: {  	[sflag:s23] =	ssyncset.done $0x0  }
0x388: {  	[sflag:s23] =	ssyncadd.s32 $0xFFFFC000  }
0x389: {  	v3 =	vld [tilespmem:$0x780];
	_ =	sdelay $0x4  }
0x38a: {  	v4 =	vshll.u32 v3, $0x3  }
0x38b: {  	v3 =	vand.u32 $0x7, v3;
	v4 =	vand.u32 $0xFFFFFFC0, v4  }
0x38c: {  	v3 =	vor.u32 v3, v4  }
0x38d: {  	v4 =	vperm.xlane v3, v0;
	_ =	sdelay $0x1  }
0x38e: {  	v4 =	vadd.s32 v1, v4;
	_ =	sdelay $0x4  }
0x38f: {  	[tilespmem:s28], [sflag:$0x1] =	stream.indirect_vreg.gather [hbm4b:s1+s5], $0x80, v4, vm0, $0xb8;
	[tilespmem:$0x1D000] =	vst v63  }
0x390: {  	s14 =	simm.s32 $0x1800;
	v3 =	vperm.xlane v3, v2  }
0x391: {  	[tilespmem:s14], [sflag:$0x1] =	stream.indirect_vreg.gather [hbm4b:s7+s5], $0x80, v4, vm0, $0xb8;
	[tilespmem:$0x1D000] =	vst v63  }
0x392: {  	s15 =	simm.s32 $0x2000;
	v3 =	vadd.s32 v1, v3  }
0x393: {  	[tilespmem:s15], [sflag:$0x1] =	stream.indirect_vreg.gather [hbm4b:s8+s5], $0x80, v4, vm0, $0xb8;
	[tilespmem:$0x1D000] =	vst v63  }
0x394: {  	s16 =	simm.s32 $0x2800  }
0x395: {  	[tilespmem:s16], [sflag:$0x1] =	stream.indirect_vreg.gather [hbm4b:s9+s5], $0x80, v4, vm0, $0xb8;
	[tilespmem:$0x1D000] =	vst v63  }
0x396: {  	s12 =	simm.s32 $0x3000  }
0x397: {  	[tilespmem:s12], [sflag:$0x1] =	stream.indirect_vreg.gather [hbm4b:s1+s5], $0x80, v3, vm0, $0xb8;
	[tilespmem:$0x1D000] =	vst v63  }
0x398: {  	s13 =	simm.s32 $0x3800  }
0x399: {  	[tilespmem:s13], [sflag:$0x1] =	stream.indirect_vreg.gather [hbm4b:s7+s5], $0x80, v3, vm0, $0xb8;
	[tilespmem:$0x1D000] =	vst v63  }
0x39a: {  	s14 =	simm.s32 $0x4000  }
0x39b: {  	[tilespmem:s14], [sflag:$0x1] =	stream.indirect_vreg.gather [hbm4b:s8+s5], $0x80, v3, vm0, $0xb8;
	[tilespmem:$0x1D000] =	vst v63  }
0x39c: {  	s15 =	simm.s32 $0x4800  }
0x39d: {  	[tilespmem:s15], [sflag:$0x1] =	stream.indirect_vreg.gather [hbm4b:s9+s5], $0x80, v3, vm0, $0xb8;
	[tilespmem:$0x1D000] =	vst v63  }
0x39e: {  	s16 =	sand.u32 $0x2000, s5;
	s12 =	sand.u32 $0x1C00, s5;
	_ =	swait.ge [sflag:s24], $0x4000  }
0x39f: {  	s11 =	sor.u32 s12, s16;
	s5 =	sand.u32 $0x380, s5;
	[sflag:s24] =	ssyncset.done $0x0  }
0x3a0: {  	s5 =	sor.u32 s5, s11;
	[sflag:s24] =	ssyncadd.s32 $0xFFFFC000  }
0x3a1: {  	v3 =	vld [tilespmem:s5+$0x19070]  }
0x3a2: {  	v6 =	vld [tilespmem:s5+$0x19000]  }
0x3a3: {  	v7 =	vld [tilespmem:s5+$0x19010]  }
0x3a4: {  	v8 =	vld [tilespmem:s5+$0x19020]  }
0x3a5: {  	v9 =	vld [tilespmem:s5+$0x19030]  }
0x3a6: {  	v5 =	vld [tilespmem:s5+$0x19040]  }
0x3a7: {  	v4 =	vld [tilespmem:s5+$0x19060]  }
0x3a8: {  	[tilespmem:s5+$0xD070] =	vst.add.f32.msk $0xffff, v3  }
0x3a9: {  	v3 =	vld [tilespmem:s5+$0x19050]  }
0x3aa: {  	[tilespmem:s5+$0xD000] =	vst.add.f32.msk $0xffff, v6  }
0x3ab: {  	[tilespmem:s5+$0xD010] =	vst.add.f32.msk $0xffff, v7  }
0x3ac: {  	s12 =	simm.s32 $0x10;
	[tilespmem:s5+$0xD020] =	vst.add.f32.msk $0xffff, v8  }
0x3ad: {  	s13 =	simm.s32 $0x400;
	s14 =	simm.s32 $0x80;
	s11 =	simm.s32 $0x0;
	[tilespmem:s5+$0xD030] =	vst.add.f32.msk $0xffff, v9  }
.LBB2_28:
0x3ae: {  	s15 =	sand.u32 $0x2000, s14;
	s16 =	sand.u32 $0x1C00, s13;
	s11 =	sadd.s32 $0x8, s11;
	[tilespmem:s5+$0xD040] =	vst.add.f32.msk $0xffff, v5  }
0x3af: {  	s15 =	sor.u32 s16, s15;
	s16 =	sand.u32 $0x380, s12;
	p0 =	slt.u32 s11, $0x3F8;
	[tilespmem:s5+$0xD050] =	vst.add.f32.msk $0xffff, v3  }
0x3b0: {  	[tilespmem:s5+$0xD060] =	vst.add.f32.msk $0xffff, v4;
	s5 =	sor.u32 s16, s15  }
0x3b1: {  	v3 =	vld [tilespmem:s5+$0x19070]  }
0x3b2: {  	v6 =	vld [tilespmem:s5+$0x19000]  }
0x3b3: {  	v7 =	vld [tilespmem:s5+$0x19010]  }
0x3b4: {  	v8 =	vld [tilespmem:s5+$0x19020]  }
0x3b5: {  	v9 =	vld [tilespmem:s5+$0x19030]  }
0x3b6: {  	[tilespmem:s5+$0xD070] =	vst.add.f32.msk $0xffff, v3  }
0x3b7: {  	v5 =	vld [tilespmem:s5+$0x19040]  }
0x3b8: {  	v3 =	vld [tilespmem:s5+$0x19050]  }
.Ltmp13:
0x3b9: {  	v4 =	vld [tilespmem:s5+$0x19060];
	(pc) =	sbr.rel @p0 .LBB2_28-.Ltmp13, $4  }
0x3ba: {  	[tilespmem:s5+$0xD000] =	vst.add.f32.msk $0xffff, v6  }
0x3bb: {  	[tilespmem:s5+$0xD010] =	vst.add.f32.msk $0xffff, v7  }
0x3bc: {  	[tilespmem:s5+$0xD020] =	vst.add.f32.msk $0xffff, v8  }
0x3bd: {  	s13 =	sadd.s32 $0x400, s13;
	s14 =	sadd.s32 $0x80, s14;
	s12 =	sadd.s32 $0x10, s12;
	[tilespmem:s5+$0xD030] =	vst.add.f32.msk $0xffff, v9  }
0x3be: {  	[tilespmem:s5+$0xD040] =	vst.add.f32.msk $0xffff, v5  }
0x3bf: {  	[tilespmem:s5+$0xD050] =	vst.add.f32.msk $0xffff, v3  }
0x3c0: {  	[tilespmem:s5+$0xD060] =	vst.add.f32.msk $0xffff, v4  }
0x3c1: {  	s11 =	sld [smem:$0x7EF];
	_ =	sdelay $0x1  }
0x3c2: {  	s5 =	simm.s32 $0x0  }
0x3c3: {  	[hbm4b:s11+s5] =	stream.linear.scatter [tilespmem:s19], [sflag:$0x9], $0x4000, $0x38;
	[tilespmem:$0x1D000] =	vst v63  }
0x3c4: {  	_ =	swait.ge [sflag:s10], $0x4000  }
0x3c5: {  	[sflag:s10] =	ssyncset.done $0x0  }
0x3c6: {  	[sflag:s10] =	ssyncadd.s32 $0xFFFFC000  }
0x3c7: {  	v3 =	vld [tilespmem:$0x800];
	_ =	sdelay $0x4  }
0x3c8: {  	v4 =	vshll.u32 v3, $0x3  }
0x3c9: {  	v3 =	vand.u32 $0x7, v3;
	v4 =	vand.u32 $0xFFFFFFC0, v4  }
0x3ca: {  	v3 =	vor.u32 v3, v4  }
0x3cb: {  	v4 =	vperm.xlane v3, v0;
	_ =	sdelay $0x1  }
0x3cc: {  	v4 =	vadd.s32 v1, v4;
	_ =	sdelay $0x4  }
0x3cd: {  	[tilespmem:s6], [sflag:$0x2] =	stream.indirect_vreg.gather [hbm4b:s1+s5], $0x80, v4, vm0, $0xb8;
	[tilespmem:$0x1D000] =	vst v63  }
0x3ce: {  	s15 =	simm.s32 $0x5800;
	v3 =	vperm.xlane v3, v2  }
0x3cf: {  	[tilespmem:s15], [sflag:$0x2] =	stream.indirect_vreg.gather [hbm4b:s7+s5], $0x80, v4, vm0, $0xb8;
	[tilespmem:$0x1D000] =	vst v63  }
0x3d0: {  	s16 =	simm.s32 $0x6000;
	v3 =	vadd.s32 v1, v3  }
0x3d1: {  	[tilespmem:s16], [sflag:$0x2] =	stream.indirect_vreg.gather [hbm4b:s8+s5], $0x80, v4, vm0, $0xb8;
	[tilespmem:$0x1D000] =	vst v63  }
0x3d2: {  	s12 =	simm.s32 $0x6800  }
0x3d3: {  	[tilespmem:s12], [sflag:$0x2] =	stream.indirect_vreg.gather [hbm4b:s9+s5], $0x80, v4, vm0, $0xb8;
	[tilespmem:$0x1D000] =	vst v63  }
0x3d4: {  	s13 =	simm.s32 $0x7000  }
0x3d5: {  	[tilespmem:s13], [sflag:$0x2] =	stream.indirect_vreg.gather [hbm4b:s1+s5], $0x80, v3, vm0, $0xb8;
	[tilespmem:$0x1D000] =	vst v63  }
0x3d6: {  	s14 =	simm.s32 $0x7800  }
0x3d7: {  	[tilespmem:s14], [sflag:$0x2] =	stream.indirect_vreg.gather [hbm4b:s7+s5], $0x80, v3, vm0, $0xb8;
	[tilespmem:$0x1D000] =	vst v63  }
0x3d8: {  	s15 =	simm.s32 $0x8000  }
0x3d9: {  	[tilespmem:s15], [sflag:$0x2] =	stream.indirect_vreg.gather [hbm4b:s8+s5], $0x80, v3, vm0, $0xb8;
	[tilespmem:$0x1D000] =	vst v63  }
0x3da: {  	_ = 	snop  }
0x3db: {  	[tilespmem:s17], [sflag:$0x2] =	stream.indirect_vreg.gather [hbm4b:s9+s5], $0x80, v3, vm0, $0xb8;
	[tilespmem:$0x1D000] =	vst v63  }
0x3dc: {  	s16 =	sand.u32 $0x2000, s5;
	s12 =	sand.u32 $0x1C00, s5;
	_ =	swait.ge [sflag:s29], $0x4000  }
0x3dd: {  	s11 =	sor.u32 s12, s16;
	s5 =	sand.u32 $0x380, s5;
	[sflag:s29] =	ssyncset.done $0x0  }
0x3de: {  	s5 =	sor.u32 s5, s11;
	[sflag:s29] =	ssyncadd.s32 $0xFFFFC000  }
0x3df: {  	v3 =	vld [tilespmem:s5+$0x19070]  }
0x3e0: {  	v6 =	vld [tilespmem:s5+$0x19000]  }
0x3e1: {  	v7 =	vld [tilespmem:s5+$0x19010]  }
0x3e2: {  	v8 =	vld [tilespmem:s5+$0x19020]  }
0x3e3: {  	v9 =	vld [tilespmem:s5+$0x19030]  }
0x3e4: {  	v5 =	vld [tilespmem:s5+$0x19040]  }
0x3e5: {  	v4 =	vld [tilespmem:s5+$0x19060]  }
0x3e6: {  	[tilespmem:s5+$0x11070] =	vst.add.f32.msk $0xffff, v3  }
0x3e7: {  	v3 =	vld [tilespmem:s5+$0x19050]  }
0x3e8: {  	[tilespmem:s5+$0x11000] =	vst.add.f32.msk $0xffff, v6  }
0x3e9: {  	[tilespmem:s5+$0x11010] =	vst.add.f32.msk $0xffff, v7  }
0x3ea: {  	s12 =	simm.s32 $0x10;
	[tilespmem:s5+$0x11020] =	vst.add.f32.msk $0xffff, v8  }
0x3eb: {  	s13 =	simm.s32 $0x400;
	s14 =	simm.s32 $0x80;
	s11 =	simm.s32 $0x0;
	[tilespmem:s5+$0x11030] =	vst.add.f32.msk $0xffff, v9  }
.LBB2_30:
0x3ec: {  	s15 =	sand.u32 $0x2000, s14;
	s16 =	sand.u32 $0x1C00, s13;
	s11 =	sadd.s32 $0x8, s11;
	[tilespmem:s5+$0x11040] =	vst.add.f32.msk $0xffff, v5  }
0x3ed: {  	s15 =	sor.u32 s16, s15;
	s16 =	sand.u32 $0x380, s12;
	p0 =	slt.u32 s11, $0x3F8;
	[tilespmem:s5+$0x11050] =	vst.add.f32.msk $0xffff, v3  }
0x3ee: {  	[tilespmem:s5+$0x11060] =	vst.add.f32.msk $0xffff, v4;
	s5 =	sor.u32 s16, s15  }
0x3ef: {  	v3 =	vld [tilespmem:s5+$0x19070]  }
0x3f0: {  	v6 =	vld [tilespmem:s5+$0x19000]  }
0x3f1: {  	v7 =	vld [tilespmem:s5+$0x19010]  }
0x3f2: {  	v8 =	vld [tilespmem:s5+$0x19020]  }
0x3f3: {  	v9 =	vld [tilespmem:s5+$0x19030]  }
0x3f4: {  	[tilespmem:s5+$0x11070] =	vst.add.f32.msk $0xffff, v3  }
0x3f5: {  	v5 =	vld [tilespmem:s5+$0x19040]  }
0x3f6: {  	v3 =	vld [tilespmem:s5+$0x19050]  }
.Ltmp14:
0x3f7: {  	v4 =	vld [tilespmem:s5+$0x19060];
	(pc) =	sbr.rel @p0 .LBB2_30-.Ltmp14, $4  }
0x3f8: {  	[tilespmem:s5+$0x11000] =	vst.add.f32.msk $0xffff, v6  }
0x3f9: {  	[tilespmem:s5+$0x11010] =	vst.add.f32.msk $0xffff, v7  }
0x3fa: {  	[tilespmem:s5+$0x11020] =	vst.add.f32.msk $0xffff, v8  }
0x3fb: {  	s13 =	sadd.s32 $0x400, s13;
	s14 =	sadd.s32 $0x80, s14;
	s12 =	sadd.s32 $0x10, s12;
	[tilespmem:s5+$0x11030] =	vst.add.f32.msk $0xffff, v9  }
0x3fc: {  	[tilespmem:s5+$0x11040] =	vst.add.f32.msk $0xffff, v5  }
0x3fd: {  	[tilespmem:s5+$0x11050] =	vst.add.f32.msk $0xffff, v3  }
0x3fe: {  	[tilespmem:s5+$0x11060] =	vst.add.f32.msk $0xffff, v4  }
0x3ff: {  	s11 =	sld [smem:$0x7F0];
	_ =	sdelay $0x1  }
0x400: {  	s5 =	simm.s32 $0x0  }
0x401: {  	[hbm4b:s11+s5] =	stream.linear.scatter [tilespmem:s22], [sflag:$0xA], $0x4000, $0x38;
	[tilespmem:$0x1D000] =	vst v63  }
0x402: {  	_ =	swait.ge [sflag:s31], $0x4000  }
0x403: {  	[sflag:s31] =	ssyncset.done $0x0  }
0x404: {  	[sflag:s31] =	ssyncadd.s32 $0xFFFFC000  }
0x405: {  	v3 =	vld [tilespmem:$0x880];
	_ =	sdelay $0x4  }
0x406: {  	v4 =	vshll.u32 v3, $0x3  }
0x407: {  	v3 =	vand.u32 $0x7, v3;
	v4 =	vand.u32 $0xFFFFFFC0, v4  }
0x408: {  	v3 =	vor.u32 v3, v4  }
0x409: {  	v4 =	vperm.xlane v3, v0;
	_ =	sdelay $0x1  }
0x40a: {  	v4 =	vadd.s32 v1, v4;
	_ =	sdelay $0x4  }
0x40b: {  	[tilespmem:s18], [sflag:$0x3] =	stream.indirect_vreg.gather [hbm4b:s1+s5], $0x80, v4, vm0, $0xb8;
	[tilespmem:$0x1D000] =	vst v63  }
0x40c: {  	s14 =	simm.s32 $0x9800;
	v3 =	vperm.xlane v3, v2  }
0x40d: {  	[tilespmem:s14], [sflag:$0x3] =	stream.indirect_vreg.gather [hbm4b:s7+s5], $0x80, v4, vm0, $0xb8;
	[tilespmem:$0x1D000] =	vst v63  }
0x40e: {  	s15 =	simm.s32 $0xA000;
	v3 =	vadd.s32 v1, v3  }
0x40f: {  	[tilespmem:s15], [sflag:$0x3] =	stream.indirect_vreg.gather [hbm4b:s8+s5], $0x80, v4, vm0, $0xb8;
	[tilespmem:$0x1D000] =	vst v63  }
0x410: {  	s16 =	simm.s32 $0xA800  }
0x411: {  	[tilespmem:s16], [sflag:$0x3] =	stream.indirect_vreg.gather [hbm4b:s9+s5], $0x80, v4, vm0, $0xb8;
	[tilespmem:$0x1D000] =	vst v63  }
0x412: {  	s12 =	simm.s32 $0xB000  }
0x413: {  	[tilespmem:s12], [sflag:$0x3] =	stream.indirect_vreg.gather [hbm4b:s1+s5], $0x80, v3, vm0, $0xb8;
	[tilespmem:$0x1D000] =	vst v63  }
0x414: {  	s13 =	simm.s32 $0xB800  }
0x415: {  	[tilespmem:s13], [sflag:$0x3] =	stream.indirect_vreg.gather [hbm4b:s7+s5], $0x80, v3, vm0, $0xb8;
	[tilespmem:$0x1D000] =	vst v63  }
0x416: {  	s14 =	simm.s32 $0xC000  }
0x417: {  	[tilespmem:s14], [sflag:$0x3] =	stream.indirect_vreg.gather [hbm4b:s8+s5], $0x80, v3, vm0, $0xb8;
	[tilespmem:$0x1D000] =	vst v63  }
0x418: {  	s15 =	simm.s32 $0xC800  }
0x419: {  	[tilespmem:s15], [sflag:$0x3] =	stream.indirect_vreg.gather [hbm4b:s9+s5], $0x80, v3, vm0, $0xb8;
	[tilespmem:$0x1D000] =	vst v63  }
0x41a: {  	s16 =	sand.u32 $0x2000, s5;
	s12 =	sand.u32 $0x1C00, s5;
	_ =	swait.ge [sflag:s25], $0x4000  }
0x41b: {  	s11 =	sor.u32 s12, s16;
	s5 =	sand.u32 $0x380, s5;
	[sflag:s25] =	ssyncset.done $0x0  }
0x41c: {  	s5 =	sor.u32 s5, s11;
	[sflag:s25] =	ssyncadd.s32 $0xFFFFC000  }
0x41d: {  	v3 =	vld [tilespmem:s5+$0x19070]  }
0x41e: {  	v6 =	vld [tilespmem:s5+$0x19000]  }
0x41f: {  	v7 =	vld [tilespmem:s5+$0x19010]  }
0x420: {  	v8 =	vld [tilespmem:s5+$0x19020]  }
0x421: {  	v9 =	vld [tilespmem:s5+$0x19030]  }
0x422: {  	v5 =	vld [tilespmem:s5+$0x19040]  }
0x423: {  	v4 =	vld [tilespmem:s5+$0x19060]  }
0x424: {  	[tilespmem:s5+$0x1070] =	vst.add.f32.msk $0xffff, v3  }
0x425: {  	v3 =	vld [tilespmem:s5+$0x19050]  }
0x426: {  	[tilespmem:s5+$0x1000] =	vst.add.f32.msk $0xffff, v6  }
0x427: {  	[tilespmem:s5+$0x1010] =	vst.add.f32.msk $0xffff, v7  }
0x428: {  	s12 =	simm.s32 $0x10;
	[tilespmem:s5+$0x1020] =	vst.add.f32.msk $0xffff, v8  }
0x429: {  	s13 =	simm.s32 $0x400;
	s14 =	simm.s32 $0x80;
	s11 =	simm.s32 $0x0;
	[tilespmem:s5+$0x1030] =	vst.add.f32.msk $0xffff, v9  }
.LBB2_32:
0x42a: {  	s15 =	sand.u32 $0x2000, s14;
	s16 =	sand.u32 $0x1C00, s13;
	s11 =	sadd.s32 $0x8, s11;
	[tilespmem:s5+$0x1040] =	vst.add.f32.msk $0xffff, v5  }
0x42b: {  	s15 =	sor.u32 s16, s15;
	s16 =	sand.u32 $0x380, s12;
	p0 =	slt.u32 s11, $0x3F8;
	[tilespmem:s5+$0x1050] =	vst.add.f32.msk $0xffff, v3  }
0x42c: {  	[tilespmem:s5+$0x1060] =	vst.add.f32.msk $0xffff, v4;
	s5 =	sor.u32 s16, s15  }
0x42d: {  	v3 =	vld [tilespmem:s5+$0x19070]  }
0x42e: {  	v6 =	vld [tilespmem:s5+$0x19000]  }
0x42f: {  	v7 =	vld [tilespmem:s5+$0x19010]  }
0x430: {  	v8 =	vld [tilespmem:s5+$0x19020]  }
0x431: {  	v9 =	vld [tilespmem:s5+$0x19030]  }
0x432: {  	[tilespmem:s5+$0x1070] =	vst.add.f32.msk $0xffff, v3  }
0x433: {  	v5 =	vld [tilespmem:s5+$0x19040]  }
0x434: {  	v3 =	vld [tilespmem:s5+$0x19050]  }
.Ltmp15:
0x435: {  	v4 =	vld [tilespmem:s5+$0x19060];
	(pc) =	sbr.rel @p0 .LBB2_32-.Ltmp15, $4  }
0x436: {  	[tilespmem:s5+$0x1000] =	vst.add.f32.msk $0xffff, v6  }
0x437: {  	[tilespmem:s5+$0x1010] =	vst.add.f32.msk $0xffff, v7  }
0x438: {  	[tilespmem:s5+$0x1020] =	vst.add.f32.msk $0xffff, v8  }
0x439: {  	s13 =	sadd.s32 $0x400, s13;
	s14 =	sadd.s32 $0x80, s14;
	s12 =	sadd.s32 $0x10, s12;
	[tilespmem:s5+$0x1030] =	vst.add.f32.msk $0xffff, v9  }
0x43a: {  	[tilespmem:s5+$0x1040] =	vst.add.f32.msk $0xffff, v5  }
0x43b: {  	[tilespmem:s5+$0x1050] =	vst.add.f32.msk $0xffff, v3  }
0x43c: {  	[tilespmem:s5+$0x1060] =	vst.add.f32.msk $0xffff, v4  }
0x43d: {  	s11 =	sld [smem:$0x7F1];
	_ =	sdelay $0x1  }
0x43e: {  	s5 =	simm.s32 $0x0  }
0x43f: {  	[hbm4b:s11+s5] =	stream.linear.scatter [tilespmem:s28], [sflag:$0x6], $0x4000, $0x38;
	[tilespmem:$0x1D000] =	vst v63  }
0x440: {  	s12 =	simm.s32 $0x19000;
	s16 =	rddreg [dreg:$0xf]  }
0x441: {  	[tilespmem:s12], [sflag:$0xC] =	stream.linear.gather [hbm4b:s16+s5], $0x4000, $0x38;
	[tilespmem:$0x1D000] =	vst v63  }
0x442: {  	_ =	swait.ge [sflag:s0], $0x4000  }
0x443: {  	[sflag:s0] =	ssyncset.done $0x0  }
0x444: {  	[sflag:s0] =	ssyncadd.s32 $0xFFFFC000  }
0x445: {  	v3 =	vld [tilespmem:$0x900];
	_ =	sdelay $0x4  }
0x446: {  	v4 =	vshll.u32 v3, $0x3  }
0x447: {  	v3 =	vand.u32 $0x7, v3;
	v4 =	vand.u32 $0xFFFFFFC0, v4  }
0x448: {  	v3 =	vor.u32 v3, v4  }
0x449: {  	v4 =	vperm.xlane v3, v0;
	_ =	sdelay $0x1  }
0x44a: {  	v4 =	vadd.s32 v1, v4;
	_ =	sdelay $0x4  }
0x44b: {  	[tilespmem:s19], [sflag:$0x4] =	stream.indirect_vreg.gather [hbm4b:s1+s5], $0x80, v4, vm0, $0xb8;
	[tilespmem:$0x1D000] =	vst v63  }
0x44c: {  	s13 =	simm.s32 $0xD800;
	v3 =	vperm.xlane v3, v2  }
0x44d: {  	[tilespmem:s13], [sflag:$0x4] =	stream.indirect_vreg.gather [hbm4b:s7+s5], $0x80, v4, vm0, $0xb8;
	[tilespmem:$0x1D000] =	vst v63  }
0x44e: {  	s14 =	simm.s32 $0xE000;
	v3 =	vadd.s32 v1, v3  }
0x44f: {  	[tilespmem:s14], [sflag:$0x4] =	stream.indirect_vreg.gather [hbm4b:s8+s5], $0x80, v4, vm0, $0xb8;
	[tilespmem:$0x1D000] =	vst v63  }
0x450: {  	s15 =	simm.s32 $0xE800  }
0x451: {  	[tilespmem:s15], [sflag:$0x4] =	stream.indirect_vreg.gather [hbm4b:s9+s5], $0x80, v4, vm0, $0xb8;
	[tilespmem:$0x1D000] =	vst v63  }
0x452: {  	s16 =	simm.s32 $0xF000  }
0x453: {  	[tilespmem:s16], [sflag:$0x4] =	stream.indirect_vreg.gather [hbm4b:s1+s5], $0x80, v3, vm0, $0xb8;
	[tilespmem:$0x1D000] =	vst v63  }
0x454: {  	s12 =	simm.s32 $0xF800  }
0x455: {  	[tilespmem:s12], [sflag:$0x4] =	stream.indirect_vreg.gather [hbm4b:s7+s5], $0x80, v3, vm0, $0xb8;
	[tilespmem:$0x1D000] =	vst v63  }
0x456: {  	s13 =	simm.s32 $0x10000  }
0x457: {  	[tilespmem:s13], [sflag:$0x4] =	stream.indirect_vreg.gather [hbm4b:s8+s5], $0x80, v3, vm0, $0xb8;
	[tilespmem:$0x1D000] =	vst v63  }
0x458: {  	s14 =	simm.s32 $0x10800  }
0x459: {  	[tilespmem:s14], [sflag:$0x4] =	stream.indirect_vreg.gather [hbm4b:s9+s5], $0x80, v3, vm0, $0xb8;
	[tilespmem:$0x1D000] =	vst v63  }
0x45a: {  	_ =	swait.ge [sflag:s21], $0x4000  }
0x45b: {  	[sflag:s21] =	ssyncset.done $0x0  }
0x45c: {  	[sflag:s21] =	ssyncadd.s32 $0xFFFFC000  }
0x45d: {  	s15 =	sand.u32 $0x2000, s5;
	s16 =	sand.u32 $0x1C00, s5;
	_ =	swait.ge [sflag:s26], $0x4000  }
0x45e: {  	s11 =	sor.u32 s16, s15;
	s5 =	sand.u32 $0x380, s5;
	[sflag:s26] =	ssyncset.done $0x0  }
0x45f: {  	s5 =	sor.u32 s5, s11;
	[sflag:s26] =	ssyncadd.s32 $0xFFFFC000  }
0x460: {  	v3 =	vld [tilespmem:s5+$0x15070]  }
0x461: {  	v6 =	vld [tilespmem:s5+$0x15000]  }
0x462: {  	v7 =	vld [tilespmem:s5+$0x15010]  }
0x463: {  	v8 =	vld [tilespmem:s5+$0x15020]  }
0x464: {  	v9 =	vld [tilespmem:s5+$0x15030]  }
0x465: {  	v5 =	vld [tilespmem:s5+$0x15040]  }
0x466: {  	v4 =	vld [tilespmem:s5+$0x15060]  }
0x467: {  	[tilespmem:s5+$0x5070] =	vst.add.f32.msk $0xffff, v3  }
0x468: {  	v3 =	vld [tilespmem:s5+$0x15050]  }
0x469: {  	[tilespmem:s5+$0x5000] =	vst.add.f32.msk $0xffff, v6  }
0x46a: {  	[tilespmem:s5+$0x5010] =	vst.add.f32.msk $0xffff, v7  }
0x46b: {  	s12 =	simm.s32 $0x10;
	[tilespmem:s5+$0x5020] =	vst.add.f32.msk $0xffff, v8  }
0x46c: {  	s13 =	simm.s32 $0x400;
	s14 =	simm.s32 $0x80;
	s11 =	simm.s32 $0x0;
	[tilespmem:s5+$0x5030] =	vst.add.f32.msk $0xffff, v9  }
.LBB2_34:
0x46d: {  	s15 =	sand.u32 $0x2000, s14;
	s16 =	sand.u32 $0x1C00, s13;
	s11 =	sadd.s32 $0x8, s11;
	[tilespmem:s5+$0x5040] =	vst.add.f32.msk $0xffff, v5  }
0x46e: {  	s15 =	sor.u32 s16, s15;
	s16 =	sand.u32 $0x380, s12;
	p0 =	slt.u32 s11, $0x3F8;
	[tilespmem:s5+$0x5050] =	vst.add.f32.msk $0xffff, v3  }
0x46f: {  	[tilespmem:s5+$0x5060] =	vst.add.f32.msk $0xffff, v4;
	s5 =	sor.u32 s16, s15  }
0x470: {  	v3 =	vld [tilespmem:s5+$0x15070]  }
0x471: {  	v6 =	vld [tilespmem:s5+$0x15000]  }
0x472: {  	v7 =	vld [tilespmem:s5+$0x15010]  }
0x473: {  	v8 =	vld [tilespmem:s5+$0x15020]  }
0x474: {  	v9 =	vld [tilespmem:s5+$0x15030]  }
0x475: {  	[tilespmem:s5+$0x5070] =	vst.add.f32.msk $0xffff, v3  }
0x476: {  	v5 =	vld [tilespmem:s5+$0x15040]  }
0x477: {  	v3 =	vld [tilespmem:s5+$0x15050]  }
.Ltmp16:
0x478: {  	v4 =	vld [tilespmem:s5+$0x15060];
	(pc) =	sbr.rel @p0 .LBB2_34-.Ltmp16, $4  }
0x479: {  	[tilespmem:s5+$0x5000] =	vst.add.f32.msk $0xffff, v6  }
0x47a: {  	[tilespmem:s5+$0x5010] =	vst.add.f32.msk $0xffff, v7  }
0x47b: {  	[tilespmem:s5+$0x5020] =	vst.add.f32.msk $0xffff, v8  }
0x47c: {  	s13 =	sadd.s32 $0x400, s13;
	s14 =	sadd.s32 $0x80, s14;
	s12 =	sadd.s32 $0x10, s12;
	[tilespmem:s5+$0x5030] =	vst.add.f32.msk $0xffff, v9  }
0x47d: {  	[tilespmem:s5+$0x5040] =	vst.add.f32.msk $0xffff, v5  }
0x47e: {  	[tilespmem:s5+$0x5050] =	vst.add.f32.msk $0xffff, v3  }
0x47f: {  	[tilespmem:s5+$0x5060] =	vst.add.f32.msk $0xffff, v4  }
0x480: {  	s5 =	simm.s32 $0x0;
	s11 =	rddreg [dreg:$0x10]  }
0x481: {  	[hbm4b:s11+s5] =	stream.linear.scatter [tilespmem:s6], [sflag:$0x7], $0x4000, $0x38;
	[tilespmem:$0x1D000] =	vst v63  }
0x482: {  	_ =	swait.ge [sflag:s2], $0x4000  }
0x483: {  	[sflag:s2] =	ssyncset.done $0x0  }
0x484: {  	[sflag:s2] =	ssyncadd.s32 $0xFFFFC000  }
0x485: {  	v3 =	vld [tilespmem:$0x980];
	_ =	sdelay $0x4  }
0x486: {  	v4 =	vshll.u32 v3, $0x3  }
0x487: {  	v3 =	vand.u32 $0x7, v3;
	v4 =	vand.u32 $0xFFFFFFC0, v4  }
0x488: {  	v3 =	vor.u32 v3, v4  }
0x489: {  	v4 =	vperm.xlane v3, v0;
	_ =	sdelay $0x1  }
0x48a: {  	v4 =	vadd.s32 v1, v4;
	_ =	sdelay $0x4  }
0x48b: {  	[tilespmem:s22], [sflag:$0x5] =	stream.indirect_vreg.gather [hbm4b:s1+s5], $0x80, v4, vm0, $0xb8;
	[tilespmem:$0x1D000] =	vst v63  }
0x48c: {  	s14 =	simm.s32 $0x11800;
	v3 =	vperm.xlane v3, v2  }
0x48d: {  	[tilespmem:s14], [sflag:$0x5] =	stream.indirect_vreg.gather [hbm4b:s7+s5], $0x80, v4, vm0, $0xb8;
	[tilespmem:$0x1D000] =	vst v63  }
0x48e: {  	s15 =	simm.s32 $0x12000;
	v3 =	vadd.s32 v1, v3  }
0x48f: {  	[tilespmem:s15], [sflag:$0x5] =	stream.indirect_vreg.gather [hbm4b:s8+s5], $0x80, v4, vm0, $0xb8;
	[tilespmem:$0x1D000] =	vst v63  }
0x490: {  	s16 =	simm.s32 $0x12800  }
0x491: {  	[tilespmem:s16], [sflag:$0x5] =	stream.indirect_vreg.gather [hbm4b:s9+s5], $0x80, v4, vm0, $0xb8;
	[tilespmem:$0x1D000] =	vst v63  }
0x492: {  	s12 =	simm.s32 $0x13000  }
0x493: {  	[tilespmem:s12], [sflag:$0x5] =	stream.indirect_vreg.gather [hbm4b:s1+s5], $0x80, v3, vm0, $0xb8;
	[tilespmem:$0x1D000] =	vst v63  }
0x494: {  	s13 =	simm.s32 $0x13800  }
0x495: {  	[tilespmem:s13], [sflag:$0x5] =	stream.indirect_vreg.gather [hbm4b:s7+s5], $0x80, v3, vm0, $0xb8;
	[tilespmem:$0x1D000] =	vst v63  }
0x496: {  	s14 =	simm.s32 $0x14000  }
0x497: {  	[tilespmem:s14], [sflag:$0x5] =	stream.indirect_vreg.gather [hbm4b:s8+s5], $0x80, v3, vm0, $0xb8;
	[tilespmem:$0x1D000] =	vst v63  }
0x498: {  	s15 =	simm.s32 $0x14800  }
0x499: {  	[tilespmem:s15], [sflag:$0x5] =	stream.indirect_vreg.gather [hbm4b:s9+s5], $0x80, v3, vm0, $0xb8;
	[tilespmem:$0x1D000] =	vst v63  }
0x49a: {  	s16 =	sand.u32 $0x2000, s5;
	s12 =	sand.u32 $0x1C00, s5;
	_ =	swait.ge [sflag:s20], $0x4000  }
0x49b: {  	s11 =	sor.u32 s12, s16;
	s5 =	sand.u32 $0x380, s5;
	[sflag:s20] =	ssyncset.done $0x0  }
0x49c: {  	s5 =	sor.u32 s5, s11;
	[sflag:s20] =	ssyncadd.s32 $0xFFFFC000  }
0x49d: {  	v3 =	vld [tilespmem:s5+$0x15070]  }
0x49e: {  	v6 =	vld [tilespmem:s5+$0x15000]  }
0x49f: {  	v7 =	vld [tilespmem:s5+$0x15010]  }
0x4a0: {  	v8 =	vld [tilespmem:s5+$0x15020]  }
0x4a1: {  	v9 =	vld [tilespmem:s5+$0x15030]  }
0x4a2: {  	v5 =	vld [tilespmem:s5+$0x15040]  }
0x4a3: {  	v4 =	vld [tilespmem:s5+$0x15060]  }
0x4a4: {  	[tilespmem:s5+$0x9070] =	vst.add.f32.msk $0xffff, v3  }
0x4a5: {  	v3 =	vld [tilespmem:s5+$0x15050]  }
0x4a6: {  	[tilespmem:s5+$0x9000] =	vst.add.f32.msk $0xffff, v6  }
0x4a7: {  	[tilespmem:s5+$0x9010] =	vst.add.f32.msk $0xffff, v7  }
0x4a8: {  	s12 =	simm.s32 $0x10;
	[tilespmem:s5+$0x9020] =	vst.add.f32.msk $0xffff, v8  }
0x4a9: {  	s13 =	simm.s32 $0x400;
	s14 =	simm.s32 $0x80;
	s11 =	simm.s32 $0x0;
	[tilespmem:s5+$0x9030] =	vst.add.f32.msk $0xffff, v9  }
.LBB2_36:
0x4aa: {  	s15 =	sand.u32 $0x2000, s14;
	s16 =	sand.u32 $0x1C00, s13;
	s11 =	sadd.s32 $0x8, s11;
	[tilespmem:s5+$0x9040] =	vst.add.f32.msk $0xffff, v5  }
0x4ab: {  	s15 =	sor.u32 s16, s15;
	s16 =	sand.u32 $0x380, s12;
	p0 =	slt.u32 s11, $0x3F8;
	[tilespmem:s5+$0x9050] =	vst.add.f32.msk $0xffff, v3  }
0x4ac: {  	[tilespmem:s5+$0x9060] =	vst.add.f32.msk $0xffff, v4;
	s5 =	sor.u32 s16, s15  }
0x4ad: {  	v3 =	vld [tilespmem:s5+$0x15070]  }
0x4ae: {  	v6 =	vld [tilespmem:s5+$0x15000]  }
0x4af: {  	v7 =	vld [tilespmem:s5+$0x15010]  }
0x4b0: {  	v8 =	vld [tilespmem:s5+$0x15020]  }
0x4b1: {  	v9 =	vld [tilespmem:s5+$0x15030]  }
0x4b2: {  	[tilespmem:s5+$0x9070] =	vst.add.f32.msk $0xffff, v3  }
0x4b3: {  	v5 =	vld [tilespmem:s5+$0x15040]  }
0x4b4: {  	v3 =	vld [tilespmem:s5+$0x15050]  }
.Ltmp17:
0x4b5: {  	v4 =	vld [tilespmem:s5+$0x15060];
	(pc) =	sbr.rel @p0 .LBB2_36-.Ltmp17, $4  }
0x4b6: {  	[tilespmem:s5+$0x9000] =	vst.add.f32.msk $0xffff, v6  }
0x4b7: {  	[tilespmem:s5+$0x9010] =	vst.add.f32.msk $0xffff, v7  }
0x4b8: {  	[tilespmem:s5+$0x9020] =	vst.add.f32.msk $0xffff, v8  }
0x4b9: {  	s13 =	sadd.s32 $0x400, s13;
	s14 =	sadd.s32 $0x80, s14;
	s12 =	sadd.s32 $0x10, s12;
	[tilespmem:s5+$0x9030] =	vst.add.f32.msk $0xffff, v9  }
0x4ba: {  	[tilespmem:s5+$0x9040] =	vst.add.f32.msk $0xffff, v5  }
0x4bb: {  	[tilespmem:s5+$0x9050] =	vst.add.f32.msk $0xffff, v3  }
0x4bc: {  	[tilespmem:s5+$0x9060] =	vst.add.f32.msk $0xffff, v4  }
0x4bd: {  	s11 =	sld [smem:$0x7F2];
	_ =	sdelay $0x1  }
0x4be: {  	s5 =	simm.s32 $0x0  }
0x4bf: {  	[hbm4b:s11+s5] =	stream.linear.scatter [tilespmem:s18], [sflag:$0x8], $0x4000, $0x38;
	[tilespmem:$0x1D000] =	vst v63  }
0x4c0: {  	_ =	swait.ge [sflag:s23], $0x4000  }
0x4c1: {  	[sflag:s23] =	ssyncset.done $0x0  }
0x4c2: {  	[sflag:s23] =	ssyncadd.s32 $0xFFFFC000  }
0x4c3: {  	v3 =	vld [tilespmem:$0xA00];
	_ =	sdelay $0x4  }
0x4c4: {  	v4 =	vshll.u32 v3, $0x3  }
0x4c5: {  	v3 =	vand.u32 $0x7, v3;
	v4 =	vand.u32 $0xFFFFFFC0, v4  }
0x4c6: {  	v3 =	vor.u32 v3, v4  }
0x4c7: {  	v4 =	vperm.xlane v3, v0;
	_ =	sdelay $0x1  }
0x4c8: {  	v4 =	vadd.s32 v1, v4;
	_ =	sdelay $0x4  }
0x4c9: {  	[tilespmem:s28], [sflag:$0x1] =	stream.indirect_vreg.gather [hbm4b:s1+s5], $0x80, v4, vm0, $0xb8;
	[tilespmem:$0x1D000] =	vst v63  }
0x4ca: {  	s14 =	simm.s32 $0x1800;
	v3 =	vperm.xlane v3, v2  }
0x4cb: {  	[tilespmem:s14], [sflag:$0x1] =	stream.indirect_vreg.gather [hbm4b:s7+s5], $0x80, v4, vm0, $0xb8;
	[tilespmem:$0x1D000] =	vst v63  }
0x4cc: {  	s15 =	simm.s32 $0x2000;
	v3 =	vadd.s32 v1, v3  }
0x4cd: {  	[tilespmem:s15], [sflag:$0x1] =	stream.indirect_vreg.gather [hbm4b:s8+s5], $0x80, v4, vm0, $0xb8;
	[tilespmem:$0x1D000] =	vst v63  }
0x4ce: {  	s16 =	simm.s32 $0x2800  }
0x4cf: {  	[tilespmem:s16], [sflag:$0x1] =	stream.indirect_vreg.gather [hbm4b:s9+s5], $0x80, v4, vm0, $0xb8;
	[tilespmem:$0x1D000] =	vst v63  }
0x4d0: {  	s12 =	simm.s32 $0x3000  }
0x4d1: {  	[tilespmem:s12], [sflag:$0x1] =	stream.indirect_vreg.gather [hbm4b:s1+s5], $0x80, v3, vm0, $0xb8;
	[tilespmem:$0x1D000] =	vst v63  }
0x4d2: {  	s13 =	simm.s32 $0x3800  }
0x4d3: {  	[tilespmem:s13], [sflag:$0x1] =	stream.indirect_vreg.gather [hbm4b:s7+s5], $0x80, v3, vm0, $0xb8;
	[tilespmem:$0x1D000] =	vst v63  }
0x4d4: {  	s14 =	simm.s32 $0x4000  }
0x4d5: {  	[tilespmem:s14], [sflag:$0x1] =	stream.indirect_vreg.gather [hbm4b:s8+s5], $0x80, v3, vm0, $0xb8;
	[tilespmem:$0x1D000] =	vst v63  }
0x4d6: {  	s15 =	simm.s32 $0x4800  }
0x4d7: {  	[tilespmem:s15], [sflag:$0x1] =	stream.indirect_vreg.gather [hbm4b:s9+s5], $0x80, v3, vm0, $0xb8;
	[tilespmem:$0x1D000] =	vst v63  }
0x4d8: {  	s16 =	sand.u32 $0x2000, s5;
	s12 =	sand.u32 $0x1C00, s5;
	_ =	swait.ge [sflag:s24], $0x4000  }
0x4d9: {  	s11 =	sor.u32 s12, s16;
	s5 =	sand.u32 $0x380, s5;
	[sflag:s24] =	ssyncset.done $0x0  }
0x4da: {  	s5 =	sor.u32 s5, s11;
	[sflag:s24] =	ssyncadd.s32 $0xFFFFC000  }
0x4db: {  	v3 =	vld [tilespmem:s5+$0x15070]  }
0x4dc: {  	v6 =	vld [tilespmem:s5+$0x15000]  }
0x4dd: {  	v7 =	vld [tilespmem:s5+$0x15010]  }
0x4de: {  	v8 =	vld [tilespmem:s5+$0x15020]  }
0x4df: {  	v9 =	vld [tilespmem:s5+$0x15030]  }
0x4e0: {  	v5 =	vld [tilespmem:s5+$0x15040]  }
0x4e1: {  	v4 =	vld [tilespmem:s5+$0x15060]  }
0x4e2: {  	[tilespmem:s5+$0xD070] =	vst.add.f32.msk $0xffff, v3  }
0x4e3: {  	v3 =	vld [tilespmem:s5+$0x15050]  }
0x4e4: {  	[tilespmem:s5+$0xD000] =	vst.add.f32.msk $0xffff, v6  }
0x4e5: {  	[tilespmem:s5+$0xD010] =	vst.add.f32.msk $0xffff, v7  }
0x4e6: {  	s12 =	simm.s32 $0x10;
	[tilespmem:s5+$0xD020] =	vst.add.f32.msk $0xffff, v8  }
0x4e7: {  	s13 =	simm.s32 $0x400;
	s14 =	simm.s32 $0x80;
	s11 =	simm.s32 $0x0;
	[tilespmem:s5+$0xD030] =	vst.add.f32.msk $0xffff, v9  }
.LBB2_38:
0x4e8: {  	s15 =	sand.u32 $0x2000, s14;
	s16 =	sand.u32 $0x1C00, s13;
	s11 =	sadd.s32 $0x8, s11;
	[tilespmem:s5+$0xD040] =	vst.add.f32.msk $0xffff, v5  }
0x4e9: {  	s15 =	sor.u32 s16, s15;
	s16 =	sand.u32 $0x380, s12;
	p0 =	slt.u32 s11, $0x3F8;
	[tilespmem:s5+$0xD050] =	vst.add.f32.msk $0xffff, v3  }
0x4ea: {  	[tilespmem:s5+$0xD060] =	vst.add.f32.msk $0xffff, v4;
	s5 =	sor.u32 s16, s15  }
0x4eb: {  	v3 =	vld [tilespmem:s5+$0x15070]  }
0x4ec: {  	v6 =	vld [tilespmem:s5+$0x15000]  }
0x4ed: {  	v7 =	vld [tilespmem:s5+$0x15010]  }
0x4ee: {  	v8 =	vld [tilespmem:s5+$0x15020]  }
0x4ef: {  	v9 =	vld [tilespmem:s5+$0x15030]  }
0x4f0: {  	[tilespmem:s5+$0xD070] =	vst.add.f32.msk $0xffff, v3  }
0x4f1: {  	v5 =	vld [tilespmem:s5+$0x15040]  }
0x4f2: {  	v3 =	vld [tilespmem:s5+$0x15050]  }
.Ltmp18:
0x4f3: {  	v4 =	vld [tilespmem:s5+$0x15060];
	(pc) =	sbr.rel @p0 .LBB2_38-.Ltmp18, $4  }
0x4f4: {  	[tilespmem:s5+$0xD000] =	vst.add.f32.msk $0xffff, v6  }
0x4f5: {  	[tilespmem:s5+$0xD010] =	vst.add.f32.msk $0xffff, v7  }
0x4f6: {  	[tilespmem:s5+$0xD020] =	vst.add.f32.msk $0xffff, v8  }
0x4f7: {  	s13 =	sadd.s32 $0x400, s13;
	s14 =	sadd.s32 $0x80, s14;
	s12 =	sadd.s32 $0x10, s12;
	[tilespmem:s5+$0xD030] =	vst.add.f32.msk $0xffff, v9  }
0x4f8: {  	[tilespmem:s5+$0xD040] =	vst.add.f32.msk $0xffff, v5  }
0x4f9: {  	[tilespmem:s5+$0xD050] =	vst.add.f32.msk $0xffff, v3  }
0x4fa: {  	[tilespmem:s5+$0xD060] =	vst.add.f32.msk $0xffff, v4  }
0x4fb: {  	s11 =	sld [smem:$0x7F3];
	_ =	sdelay $0x1  }
0x4fc: {  	s5 =	simm.s32 $0x0  }
0x4fd: {  	[hbm4b:s11+s5] =	stream.linear.scatter [tilespmem:s19], [sflag:$0x9], $0x4000, $0x38;
	[tilespmem:$0x1D000] =	vst v63  }
0x4fe: {  	_ =	swait.ge [sflag:s10], $0x4000  }
0x4ff: {  	[sflag:s10] =	ssyncset.done $0x0  }
0x500: {  	[sflag:s10] =	ssyncadd.s32 $0xFFFFC000  }
0x501: {  	v3 =	vld [tilespmem:$0xA80];
	_ =	sdelay $0x4  }
0x502: {  	v4 =	vshll.u32 v3, $0x3  }
0x503: {  	v3 =	vand.u32 $0x7, v3;
	v4 =	vand.u32 $0xFFFFFFC0, v4  }
0x504: {  	v3 =	vor.u32 v3, v4  }
0x505: {  	v4 =	vperm.xlane v3, v0;
	_ =	sdelay $0x1  }
0x506: {  	v4 =	vadd.s32 v1, v4;
	_ =	sdelay $0x4  }
0x507: {  	[tilespmem:s6], [sflag:$0x2] =	stream.indirect_vreg.gather [hbm4b:s1+s5], $0x80, v4, vm0, $0xb8;
	[tilespmem:$0x1D000] =	vst v63  }
0x508: {  	s15 =	simm.s32 $0x5800;
	v3 =	vperm.xlane v3, v2  }
0x509: {  	[tilespmem:s15], [sflag:$0x2] =	stream.indirect_vreg.gather [hbm4b:s7+s5], $0x80, v4, vm0, $0xb8;
	[tilespmem:$0x1D000] =	vst v63  }
0x50a: {  	s16 =	simm.s32 $0x6000;
	v3 =	vadd.s32 v1, v3  }
0x50b: {  	[tilespmem:s16], [sflag:$0x2] =	stream.indirect_vreg.gather [hbm4b:s8+s5], $0x80, v4, vm0, $0xb8;
	[tilespmem:$0x1D000] =	vst v63  }
0x50c: {  	s12 =	simm.s32 $0x6800  }
0x50d: {  	[tilespmem:s12], [sflag:$0x2] =	stream.indirect_vreg.gather [hbm4b:s9+s5], $0x80, v4, vm0, $0xb8;
	[tilespmem:$0x1D000] =	vst v63  }
0x50e: {  	s13 =	simm.s32 $0x7000  }
0x50f: {  	[tilespmem:s13], [sflag:$0x2] =	stream.indirect_vreg.gather [hbm4b:s1+s5], $0x80, v3, vm0, $0xb8;
	[tilespmem:$0x1D000] =	vst v63  }
0x510: {  	s14 =	simm.s32 $0x7800  }
0x511: {  	[tilespmem:s14], [sflag:$0x2] =	stream.indirect_vreg.gather [hbm4b:s7+s5], $0x80, v3, vm0, $0xb8;
	[tilespmem:$0x1D000] =	vst v63  }
0x512: {  	s15 =	simm.s32 $0x8000  }
0x513: {  	[tilespmem:s15], [sflag:$0x2] =	stream.indirect_vreg.gather [hbm4b:s8+s5], $0x80, v3, vm0, $0xb8;
	[tilespmem:$0x1D000] =	vst v63  }
0x514: {  	_ = 	snop  }
0x515: {  	[tilespmem:s17], [sflag:$0x2] =	stream.indirect_vreg.gather [hbm4b:s9+s5], $0x80, v3, vm0, $0xb8;
	[tilespmem:$0x1D000] =	vst v63  }
0x516: {  	s16 =	sand.u32 $0x2000, s5;
	s12 =	sand.u32 $0x1C00, s5;
	_ =	swait.ge [sflag:s29], $0x4000  }
0x517: {  	s11 =	sor.u32 s12, s16;
	s5 =	sand.u32 $0x380, s5;
	[sflag:s29] =	ssyncset.done $0x0  }
0x518: {  	s5 =	sor.u32 s5, s11;
	[sflag:s29] =	ssyncadd.s32 $0xFFFFC000  }
0x519: {  	v3 =	vld [tilespmem:s5+$0x15070]  }
0x51a: {  	v6 =	vld [tilespmem:s5+$0x15000]  }
0x51b: {  	v7 =	vld [tilespmem:s5+$0x15010]  }
0x51c: {  	v8 =	vld [tilespmem:s5+$0x15020]  }
0x51d: {  	v9 =	vld [tilespmem:s5+$0x15030]  }
0x51e: {  	v5 =	vld [tilespmem:s5+$0x15040]  }
0x51f: {  	v4 =	vld [tilespmem:s5+$0x15060]  }
0x520: {  	[tilespmem:s5+$0x11070] =	vst.add.f32.msk $0xffff, v3  }
0x521: {  	v3 =	vld [tilespmem:s5+$0x15050]  }
0x522: {  	[tilespmem:s5+$0x11000] =	vst.add.f32.msk $0xffff, v6  }
0x523: {  	[tilespmem:s5+$0x11010] =	vst.add.f32.msk $0xffff, v7  }
0x524: {  	s12 =	simm.s32 $0x10;
	[tilespmem:s5+$0x11020] =	vst.add.f32.msk $0xffff, v8  }
0x525: {  	s13 =	simm.s32 $0x400;
	s14 =	simm.s32 $0x80;
	s11 =	simm.s32 $0x0;
	[tilespmem:s5+$0x11030] =	vst.add.f32.msk $0xffff, v9  }
.LBB2_40:
0x526: {  	s15 =	sand.u32 $0x2000, s14;
	s16 =	sand.u32 $0x1C00, s13;
	s11 =	sadd.s32 $0x8, s11;
	[tilespmem:s5+$0x11040] =	vst.add.f32.msk $0xffff, v5  }
0x527: {  	s15 =	sor.u32 s16, s15;
	s16 =	sand.u32 $0x380, s12;
	p0 =	slt.u32 s11, $0x3F8;
	[tilespmem:s5+$0x11050] =	vst.add.f32.msk $0xffff, v3  }
0x528: {  	[tilespmem:s5+$0x11060] =	vst.add.f32.msk $0xffff, v4;
	s5 =	sor.u32 s16, s15  }
0x529: {  	v3 =	vld [tilespmem:s5+$0x15070]  }
0x52a: {  	v6 =	vld [tilespmem:s5+$0x15000]  }
0x52b: {  	v7 =	vld [tilespmem:s5+$0x15010]  }
0x52c: {  	v8 =	vld [tilespmem:s5+$0x15020]  }
0x52d: {  	v9 =	vld [tilespmem:s5+$0x15030]  }
0x52e: {  	[tilespmem:s5+$0x11070] =	vst.add.f32.msk $0xffff, v3  }
0x52f: {  	v5 =	vld [tilespmem:s5+$0x15040]  }
0x530: {  	v3 =	vld [tilespmem:s5+$0x15050]  }
.Ltmp19:
0x531: {  	v4 =	vld [tilespmem:s5+$0x15060];
	(pc) =	sbr.rel @p0 .LBB2_40-.Ltmp19, $4  }
0x532: {  	[tilespmem:s5+$0x11000] =	vst.add.f32.msk $0xffff, v6  }
0x533: {  	[tilespmem:s5+$0x11010] =	vst.add.f32.msk $0xffff, v7  }
0x534: {  	[tilespmem:s5+$0x11020] =	vst.add.f32.msk $0xffff, v8  }
0x535: {  	s13 =	sadd.s32 $0x400, s13;
	s14 =	sadd.s32 $0x80, s14;
	s12 =	sadd.s32 $0x10, s12;
	[tilespmem:s5+$0x11030] =	vst.add.f32.msk $0xffff, v9  }
0x536: {  	[tilespmem:s5+$0x11040] =	vst.add.f32.msk $0xffff, v5  }
0x537: {  	[tilespmem:s5+$0x11050] =	vst.add.f32.msk $0xffff, v3  }
0x538: {  	[tilespmem:s5+$0x11060] =	vst.add.f32.msk $0xffff, v4  }
0x539: {  	s11 =	sld [smem:$0x7F4];
	_ =	sdelay $0x1  }
0x53a: {  	s5 =	simm.s32 $0x0  }
0x53b: {  	[hbm4b:s11+s5] =	stream.linear.scatter [tilespmem:s22], [sflag:$0xA], $0x4000, $0x38;
	[tilespmem:$0x1D000] =	vst v63  }
0x53c: {  	s12 =	simm.s32 $0x15000;
	s16 =	rddreg [dreg:$0x11]  }
0x53d: {  	[tilespmem:s12], [sflag:$0xB] =	stream.linear.gather [hbm4b:s16+s5], $0x4000, $0x38;
	[tilespmem:$0x1D000] =	vst v63  }
0x53e: {  	_ =	swait.ge [sflag:s31], $0x4000  }
0x53f: {  	[sflag:s31] =	ssyncset.done $0x0  }
0x540: {  	[sflag:s31] =	ssyncadd.s32 $0xFFFFC000  }
0x541: {  	v3 =	vld [tilespmem:$0xB00];
	_ =	sdelay $0x4  }
0x542: {  	v4 =	vshll.u32 v3, $0x3  }
0x543: {  	v3 =	vand.u32 $0x7, v3;
	v4 =	vand.u32 $0xFFFFFFC0, v4  }
0x544: {  	v3 =	vor.u32 v3, v4  }
0x545: {  	v4 =	vperm.xlane v3, v0;
	_ =	sdelay $0x1  }
0x546: {  	v4 =	vadd.s32 v1, v4;
	_ =	sdelay $0x4  }
0x547: {  	[tilespmem:s18], [sflag:$0x3] =	stream.indirect_vreg.gather [hbm4b:s1+s5], $0x80, v4, vm0, $0xb8;
	[tilespmem:$0x1D000] =	vst v63  }
0x548: {  	s13 =	simm.s32 $0x9800;
	v3 =	vperm.xlane v3, v2  }
0x549: {  	[tilespmem:s13], [sflag:$0x3] =	stream.indirect_vreg.gather [hbm4b:s7+s5], $0x80, v4, vm0, $0xb8;
	[tilespmem:$0x1D000] =	vst v63  }
0x54a: {  	s14 =	simm.s32 $0xA000;
	v3 =	vadd.s32 v1, v3  }
0x54b: {  	[tilespmem:s14], [sflag:$0x3] =	stream.indirect_vreg.gather [hbm4b:s8+s5], $0x80, v4, vm0, $0xb8;
	[tilespmem:$0x1D000] =	vst v63  }
0x54c: {  	s15 =	simm.s32 $0xA800  }
0x54d: {  	[tilespmem:s15], [sflag:$0x3] =	stream.indirect_vreg.gather [hbm4b:s9+s5], $0x80, v4, vm0, $0xb8;
	[tilespmem:$0x1D000] =	vst v63  }
0x54e: {  	s16 =	simm.s32 $0xB000  }
0x54f: {  	[tilespmem:s16], [sflag:$0x3] =	stream.indirect_vreg.gather [hbm4b:s1+s5], $0x80, v3, vm0, $0xb8;
	[tilespmem:$0x1D000] =	vst v63  }
0x550: {  	s12 =	simm.s32 $0xB800  }
0x551: {  	[tilespmem:s12], [sflag:$0x3] =	stream.indirect_vreg.gather [hbm4b:s7+s5], $0x80, v3, vm0, $0xb8;
	[tilespmem:$0x1D000] =	vst v63  }
0x552: {  	s13 =	simm.s32 $0xC000  }
0x553: {  	[tilespmem:s13], [sflag:$0x3] =	stream.indirect_vreg.gather [hbm4b:s8+s5], $0x80, v3, vm0, $0xb8;
	[tilespmem:$0x1D000] =	vst v63  }
0x554: {  	s14 =	simm.s32 $0xC800  }
0x555: {  	[tilespmem:s14], [sflag:$0x3] =	stream.indirect_vreg.gather [hbm4b:s9+s5], $0x80, v3, vm0, $0xb8;
	[tilespmem:$0x1D000] =	vst v63  }
0x556: {  	_ =	swait.ge [sflag:s25], $0x4000  }
0x557: {  	[sflag:s25] =	ssyncset.done $0x0  }
0x558: {  	[sflag:s25] =	ssyncadd.s32 $0xFFFFC000  }
0x559: {  	s15 =	sand.u32 $0x2000, s5;
	s16 =	sand.u32 $0x1C00, s5;
	_ =	swait.ge [sflag:s30], $0x4000  }
0x55a: {  	s11 =	sor.u32 s16, s15;
	s5 =	sand.u32 $0x380, s5;
	[sflag:s30] =	ssyncset.done $0x0  }
0x55b: {  	s5 =	sor.u32 s5, s11;
	[sflag:s30] =	ssyncadd.s32 $0xFFFFC000  }
0x55c: {  	v3 =	vld [tilespmem:s5+$0x19070]  }
0x55d: {  	v6 =	vld [tilespmem:s5+$0x19000]  }
0x55e: {  	v7 =	vld [tilespmem:s5+$0x19010]  }
0x55f: {  	v8 =	vld [tilespmem:s5+$0x19020]  }
0x560: {  	v9 =	vld [tilespmem:s5+$0x19030]  }
0x561: {  	v5 =	vld [tilespmem:s5+$0x19040]  }
0x562: {  	v4 =	vld [tilespmem:s5+$0x19060]  }
0x563: {  	[tilespmem:s5+$0x1070] =	vst.add.f32.msk $0xffff, v3  }
0x564: {  	v3 =	vld [tilespmem:s5+$0x19050]  }
0x565: {  	[tilespmem:s5+$0x1000] =	vst.add.f32.msk $0xffff, v6  }
0x566: {  	[tilespmem:s5+$0x1010] =	vst.add.f32.msk $0xffff, v7  }
0x567: {  	s12 =	simm.s32 $0x10;
	[tilespmem:s5+$0x1020] =	vst.add.f32.msk $0xffff, v8  }
0x568: {  	s13 =	simm.s32 $0x400;
	s14 =	simm.s32 $0x80;
	s11 =	simm.s32 $0x0;
	[tilespmem:s5+$0x1030] =	vst.add.f32.msk $0xffff, v9  }
.LBB2_42:
0x569: {  	s15 =	sand.u32 $0x2000, s14;
	s16 =	sand.u32 $0x1C00, s13;
	s11 =	sadd.s32 $0x8, s11;
	[tilespmem:s5+$0x1040] =	vst.add.f32.msk $0xffff, v5  }
0x56a: {  	s15 =	sor.u32 s16, s15;
	s16 =	sand.u32 $0x380, s12;
	p0 =	slt.u32 s11, $0x3F8;
	[tilespmem:s5+$0x1050] =	vst.add.f32.msk $0xffff, v3  }
0x56b: {  	[tilespmem:s5+$0x1060] =	vst.add.f32.msk $0xffff, v4;
	s5 =	sor.u32 s16, s15  }
0x56c: {  	v3 =	vld [tilespmem:s5+$0x19070]  }
0x56d: {  	v6 =	vld [tilespmem:s5+$0x19000]  }
0x56e: {  	v7 =	vld [tilespmem:s5+$0x19010]  }
0x56f: {  	v8 =	vld [tilespmem:s5+$0x19020]  }
0x570: {  	v9 =	vld [tilespmem:s5+$0x19030]  }
0x571: {  	[tilespmem:s5+$0x1070] =	vst.add.f32.msk $0xffff, v3  }
0x572: {  	v5 =	vld [tilespmem:s5+$0x19040]  }
0x573: {  	v3 =	vld [tilespmem:s5+$0x19050]  }
.Ltmp20:
0x574: {  	v4 =	vld [tilespmem:s5+$0x19060];
	(pc) =	sbr.rel @p0 .LBB2_42-.Ltmp20, $4  }
0x575: {  	[tilespmem:s5+$0x1000] =	vst.add.f32.msk $0xffff, v6  }
0x576: {  	[tilespmem:s5+$0x1010] =	vst.add.f32.msk $0xffff, v7  }
0x577: {  	[tilespmem:s5+$0x1020] =	vst.add.f32.msk $0xffff, v8  }
0x578: {  	s13 =	sadd.s32 $0x400, s13;
	s14 =	sadd.s32 $0x80, s14;
	s12 =	sadd.s32 $0x10, s12;
	[tilespmem:s5+$0x1030] =	vst.add.f32.msk $0xffff, v9  }
0x579: {  	[tilespmem:s5+$0x1040] =	vst.add.f32.msk $0xffff, v5  }
0x57a: {  	[tilespmem:s5+$0x1050] =	vst.add.f32.msk $0xffff, v3  }
0x57b: {  	[tilespmem:s5+$0x1060] =	vst.add.f32.msk $0xffff, v4  }
0x57c: {  	s5 =	simm.s32 $0x0;
	s11 =	rddreg [dreg:$0x12]  }
0x57d: {  	[hbm4b:s11+s5] =	stream.linear.scatter [tilespmem:s28], [sflag:$0x6], $0x4000, $0x38;
	[tilespmem:$0x1D000] =	vst v63  }
0x57e: {  	_ =	swait.ge [sflag:s0], $0x4000  }
0x57f: {  	[sflag:s0] =	ssyncset.done $0x0  }
0x580: {  	[sflag:s0] =	ssyncadd.s32 $0xFFFFC000  }
0x581: {  	v3 =	vld [tilespmem:$0xB80];
	_ =	sdelay $0x4  }
0x582: {  	v4 =	vshll.u32 v3, $0x3  }
0x583: {  	v3 =	vand.u32 $0x7, v3;
	v4 =	vand.u32 $0xFFFFFFC0, v4  }
0x584: {  	v3 =	vor.u32 v3, v4  }
0x585: {  	v4 =	vperm.xlane v3, v0;
	_ =	sdelay $0x1  }
0x586: {  	v4 =	vadd.s32 v1, v4;
	_ =	sdelay $0x4  }
0x587: {  	[tilespmem:s19], [sflag:$0x4] =	stream.indirect_vreg.gather [hbm4b:s1+s5], $0x80, v4, vm0, $0xb8;
	[tilespmem:$0x1D000] =	vst v63  }
0x588: {  	s14 =	simm.s32 $0xD800;
	v3 =	vperm.xlane v3, v2  }
0x589: {  	[tilespmem:s14], [sflag:$0x4] =	stream.indirect_vreg.gather [hbm4b:s7+s5], $0x80, v4, vm0, $0xb8;
	[tilespmem:$0x1D000] =	vst v63  }
0x58a: {  	s15 =	simm.s32 $0xE000;
	v3 =	vadd.s32 v1, v3  }
0x58b: {  	[tilespmem:s15], [sflag:$0x4] =	stream.indirect_vreg.gather [hbm4b:s8+s5], $0x80, v4, vm0, $0xb8;
	[tilespmem:$0x1D000] =	vst v63  }
0x58c: {  	s16 =	simm.s32 $0xE800  }
0x58d: {  	[tilespmem:s16], [sflag:$0x4] =	stream.indirect_vreg.gather [hbm4b:s9+s5], $0x80, v4, vm0, $0xb8;
	[tilespmem:$0x1D000] =	vst v63  }
0x58e: {  	s12 =	simm.s32 $0xF000  }
0x58f: {  	[tilespmem:s12], [sflag:$0x4] =	stream.indirect_vreg.gather [hbm4b:s1+s5], $0x80, v3, vm0, $0xb8;
	[tilespmem:$0x1D000] =	vst v63  }
0x590: {  	s13 =	simm.s32 $0xF800  }
0x591: {  	[tilespmem:s13], [sflag:$0x4] =	stream.indirect_vreg.gather [hbm4b:s7+s5], $0x80, v3, vm0, $0xb8;
	[tilespmem:$0x1D000] =	vst v63  }
0x592: {  	s14 =	simm.s32 $0x10000  }
0x593: {  	[tilespmem:s14], [sflag:$0x4] =	stream.indirect_vreg.gather [hbm4b:s8+s5], $0x80, v3, vm0, $0xb8;
	[tilespmem:$0x1D000] =	vst v63  }
0x594: {  	s15 =	simm.s32 $0x10800  }
0x595: {  	[tilespmem:s15], [sflag:$0x4] =	stream.indirect_vreg.gather [hbm4b:s9+s5], $0x80, v3, vm0, $0xb8;
	[tilespmem:$0x1D000] =	vst v63  }
0x596: {  	s16 =	sand.u32 $0x2000, s5;
	s12 =	sand.u32 $0x1C00, s5;
	_ =	swait.ge [sflag:s21], $0x4000  }
0x597: {  	s11 =	sor.u32 s12, s16;
	s5 =	sand.u32 $0x380, s5;
	[sflag:s21] =	ssyncset.done $0x0  }
0x598: {  	s5 =	sor.u32 s5, s11;
	[sflag:s21] =	ssyncadd.s32 $0xFFFFC000  }
0x599: {  	v3 =	vld [tilespmem:s5+$0x19070]  }
0x59a: {  	v6 =	vld [tilespmem:s5+$0x19000]  }
0x59b: {  	v7 =	vld [tilespmem:s5+$0x19010]  }
0x59c: {  	v8 =	vld [tilespmem:s5+$0x19020]  }
0x59d: {  	v9 =	vld [tilespmem:s5+$0x19030]  }
0x59e: {  	v5 =	vld [tilespmem:s5+$0x19040]  }
0x59f: {  	v4 =	vld [tilespmem:s5+$0x19060]  }
0x5a0: {  	[tilespmem:s5+$0x5070] =	vst.add.f32.msk $0xffff, v3  }
0x5a1: {  	v3 =	vld [tilespmem:s5+$0x19050]  }
0x5a2: {  	[tilespmem:s5+$0x5000] =	vst.add.f32.msk $0xffff, v6  }
0x5a3: {  	[tilespmem:s5+$0x5010] =	vst.add.f32.msk $0xffff, v7  }
0x5a4: {  	s12 =	simm.s32 $0x10;
	[tilespmem:s5+$0x5020] =	vst.add.f32.msk $0xffff, v8  }
0x5a5: {  	s13 =	simm.s32 $0x400;
	s14 =	simm.s32 $0x80;
	s11 =	simm.s32 $0x0;
	[tilespmem:s5+$0x5030] =	vst.add.f32.msk $0xffff, v9  }
.LBB2_44:
0x5a6: {  	s15 =	sand.u32 $0x2000, s14;
	s16 =	sand.u32 $0x1C00, s13;
	s11 =	sadd.s32 $0x8, s11;
	[tilespmem:s5+$0x5040] =	vst.add.f32.msk $0xffff, v5  }
0x5a7: {  	s15 =	sor.u32 s16, s15;
	s16 =	sand.u32 $0x380, s12;
	p0 =	slt.u32 s11, $0x3F8;
	[tilespmem:s5+$0x5050] =	vst.add.f32.msk $0xffff, v3  }
0x5a8: {  	[tilespmem:s5+$0x5060] =	vst.add.f32.msk $0xffff, v4;
	s5 =	sor.u32 s16, s15  }
0x5a9: {  	v3 =	vld [tilespmem:s5+$0x19070]  }
0x5aa: {  	v6 =	vld [tilespmem:s5+$0x19000]  }
0x5ab: {  	v7 =	vld [tilespmem:s5+$0x19010]  }
0x5ac: {  	v8 =	vld [tilespmem:s5+$0x19020]  }
0x5ad: {  	v9 =	vld [tilespmem:s5+$0x19030]  }
0x5ae: {  	[tilespmem:s5+$0x5070] =	vst.add.f32.msk $0xffff, v3  }
0x5af: {  	v5 =	vld [tilespmem:s5+$0x19040]  }
0x5b0: {  	v3 =	vld [tilespmem:s5+$0x19050]  }
.Ltmp21:
0x5b1: {  	v4 =	vld [tilespmem:s5+$0x19060];
	(pc) =	sbr.rel @p0 .LBB2_44-.Ltmp21, $4  }
0x5b2: {  	[tilespmem:s5+$0x5000] =	vst.add.f32.msk $0xffff, v6  }
0x5b3: {  	[tilespmem:s5+$0x5010] =	vst.add.f32.msk $0xffff, v7  }
0x5b4: {  	[tilespmem:s5+$0x5020] =	vst.add.f32.msk $0xffff, v8  }
0x5b5: {  	s13 =	sadd.s32 $0x400, s13;
	s14 =	sadd.s32 $0x80, s14;
	s12 =	sadd.s32 $0x10, s12;
	[tilespmem:s5+$0x5030] =	vst.add.f32.msk $0xffff, v9  }
0x5b6: {  	[tilespmem:s5+$0x5040] =	vst.add.f32.msk $0xffff, v5  }
0x5b7: {  	[tilespmem:s5+$0x5050] =	vst.add.f32.msk $0xffff, v3  }
0x5b8: {  	[tilespmem:s5+$0x5060] =	vst.add.f32.msk $0xffff, v4  }
0x5b9: {  	s11 =	sld [smem:$0x7F5];
	_ =	sdelay $0x1  }
0x5ba: {  	s5 =	simm.s32 $0x0  }
0x5bb: {  	[hbm4b:s11+s5] =	stream.linear.scatter [tilespmem:s6], [sflag:$0x7], $0x4000, $0x38;
	[tilespmem:$0x1D000] =	vst v63  }
0x5bc: {  	_ =	swait.ge [sflag:s2], $0x4000  }
0x5bd: {  	[sflag:s2] =	ssyncset.done $0x0  }
0x5be: {  	[sflag:s2] =	ssyncadd.s32 $0xFFFFC000  }
0x5bf: {  	v3 =	vld [tilespmem:$0xC00];
	_ =	sdelay $0x4  }
0x5c0: {  	v4 =	vshll.u32 v3, $0x3  }
0x5c1: {  	v3 =	vand.u32 $0x7, v3;
	v4 =	vand.u32 $0xFFFFFFC0, v4  }
0x5c2: {  	v3 =	vor.u32 v3, v4  }
0x5c3: {  	v4 =	vperm.xlane v3, v0;
	_ =	sdelay $0x1  }
0x5c4: {  	v4 =	vadd.s32 v1, v4;
	_ =	sdelay $0x4  }
0x5c5: {  	[tilespmem:s22], [sflag:$0x5] =	stream.indirect_vreg.gather [hbm4b:s1+s5], $0x80, v4, vm0, $0xb8;
	[tilespmem:$0x1D000] =	vst v63  }
0x5c6: {  	s14 =	simm.s32 $0x11800;
	v3 =	vperm.xlane v3, v2  }
0x5c7: {  	[tilespmem:s14], [sflag:$0x5] =	stream.indirect_vreg.gather [hbm4b:s7+s5], $0x80, v4, vm0, $0xb8;
	[tilespmem:$0x1D000] =	vst v63  }
0x5c8: {  	s15 =	simm.s32 $0x12000;
	v3 =	vadd.s32 v1, v3  }
0x5c9: {  	[tilespmem:s15], [sflag:$0x5] =	stream.indirect_vreg.gather [hbm4b:s8+s5], $0x80, v4, vm0, $0xb8;
	[tilespmem:$0x1D000] =	vst v63  }
0x5ca: {  	s16 =	simm.s32 $0x12800  }
0x5cb: {  	[tilespmem:s16], [sflag:$0x5] =	stream.indirect_vreg.gather [hbm4b:s9+s5], $0x80, v4, vm0, $0xb8;
	[tilespmem:$0x1D000] =	vst v63  }
0x5cc: {  	s12 =	simm.s32 $0x13000  }
0x5cd: {  	[tilespmem:s12], [sflag:$0x5] =	stream.indirect_vreg.gather [hbm4b:s1+s5], $0x80, v3, vm0, $0xb8;
	[tilespmem:$0x1D000] =	vst v63  }
0x5ce: {  	s13 =	simm.s32 $0x13800  }
0x5cf: {  	[tilespmem:s13], [sflag:$0x5] =	stream.indirect_vreg.gather [hbm4b:s7+s5], $0x80, v3, vm0, $0xb8;
	[tilespmem:$0x1D000] =	vst v63  }
0x5d0: {  	s14 =	simm.s32 $0x14000  }
0x5d1: {  	[tilespmem:s14], [sflag:$0x5] =	stream.indirect_vreg.gather [hbm4b:s8+s5], $0x80, v3, vm0, $0xb8;
	[tilespmem:$0x1D000] =	vst v63  }
0x5d2: {  	s15 =	simm.s32 $0x14800  }
0x5d3: {  	[tilespmem:s15], [sflag:$0x5] =	stream.indirect_vreg.gather [hbm4b:s9+s5], $0x80, v3, vm0, $0xb8;
	[tilespmem:$0x1D000] =	vst v63  }
0x5d4: {  	s16 =	sand.u32 $0x2000, s5;
	s12 =	sand.u32 $0x1C00, s5;
	_ =	swait.ge [sflag:s20], $0x4000  }
0x5d5: {  	s11 =	sor.u32 s12, s16;
	s5 =	sand.u32 $0x380, s5;
	[sflag:s20] =	ssyncset.done $0x0  }
0x5d6: {  	s5 =	sor.u32 s5, s11;
	[sflag:s20] =	ssyncadd.s32 $0xFFFFC000  }
0x5d7: {  	v3 =	vld [tilespmem:s5+$0x19070]  }
0x5d8: {  	v6 =	vld [tilespmem:s5+$0x19000]  }
0x5d9: {  	v7 =	vld [tilespmem:s5+$0x19010]  }
0x5da: {  	v8 =	vld [tilespmem:s5+$0x19020]  }
0x5db: {  	v9 =	vld [tilespmem:s5+$0x19030]  }
0x5dc: {  	v5 =	vld [tilespmem:s5+$0x19040]  }
0x5dd: {  	v4 =	vld [tilespmem:s5+$0x19060]  }
0x5de: {  	[tilespmem:s5+$0x9070] =	vst.add.f32.msk $0xffff, v3  }
0x5df: {  	v3 =	vld [tilespmem:s5+$0x19050]  }
0x5e0: {  	[tilespmem:s5+$0x9000] =	vst.add.f32.msk $0xffff, v6  }
0x5e1: {  	[tilespmem:s5+$0x9010] =	vst.add.f32.msk $0xffff, v7  }
0x5e2: {  	s12 =	simm.s32 $0x10;
	[tilespmem:s5+$0x9020] =	vst.add.f32.msk $0xffff, v8  }
0x5e3: {  	s13 =	simm.s32 $0x400;
	s14 =	simm.s32 $0x80;
	s11 =	simm.s32 $0x0;
	[tilespmem:s5+$0x9030] =	vst.add.f32.msk $0xffff, v9  }
.LBB2_46:
0x5e4: {  	s15 =	sand.u32 $0x2000, s14;
	s16 =	sand.u32 $0x1C00, s13;
	s11 =	sadd.s32 $0x8, s11;
	[tilespmem:s5+$0x9040] =	vst.add.f32.msk $0xffff, v5  }
0x5e5: {  	s15 =	sor.u32 s16, s15;
	s16 =	sand.u32 $0x380, s12;
	p0 =	slt.u32 s11, $0x3F8;
	[tilespmem:s5+$0x9050] =	vst.add.f32.msk $0xffff, v3  }
0x5e6: {  	[tilespmem:s5+$0x9060] =	vst.add.f32.msk $0xffff, v4;
	s5 =	sor.u32 s16, s15  }
0x5e7: {  	v3 =	vld [tilespmem:s5+$0x19070]  }
0x5e8: {  	v6 =	vld [tilespmem:s5+$0x19000]  }
0x5e9: {  	v7 =	vld [tilespmem:s5+$0x19010]  }
0x5ea: {  	v8 =	vld [tilespmem:s5+$0x19020]  }
0x5eb: {  	v9 =	vld [tilespmem:s5+$0x19030]  }
0x5ec: {  	[tilespmem:s5+$0x9070] =	vst.add.f32.msk $0xffff, v3  }
0x5ed: {  	v5 =	vld [tilespmem:s5+$0x19040]  }
0x5ee: {  	v3 =	vld [tilespmem:s5+$0x19050]  }
.Ltmp22:
0x5ef: {  	v4 =	vld [tilespmem:s5+$0x19060];
	(pc) =	sbr.rel @p0 .LBB2_46-.Ltmp22, $4  }
0x5f0: {  	[tilespmem:s5+$0x9000] =	vst.add.f32.msk $0xffff, v6  }
0x5f1: {  	[tilespmem:s5+$0x9010] =	vst.add.f32.msk $0xffff, v7  }
0x5f2: {  	[tilespmem:s5+$0x9020] =	vst.add.f32.msk $0xffff, v8  }
0x5f3: {  	s13 =	sadd.s32 $0x400, s13;
	s14 =	sadd.s32 $0x80, s14;
	s12 =	sadd.s32 $0x10, s12;
	[tilespmem:s5+$0x9030] =	vst.add.f32.msk $0xffff, v9  }
0x5f4: {  	[tilespmem:s5+$0x9040] =	vst.add.f32.msk $0xffff, v5  }
0x5f5: {  	[tilespmem:s5+$0x9050] =	vst.add.f32.msk $0xffff, v3  }
0x5f6: {  	[tilespmem:s5+$0x9060] =	vst.add.f32.msk $0xffff, v4  }
0x5f7: {  	s11 =	sld [smem:$0x7F6];
	_ =	sdelay $0x1  }
0x5f8: {  	s5 =	simm.s32 $0x0  }
0x5f9: {  	[hbm4b:s11+s5] =	stream.linear.scatter [tilespmem:s18], [sflag:$0x8], $0x4000, $0x38;
	[tilespmem:$0x1D000] =	vst v63  }
0x5fa: {  	_ =	swait.ge [sflag:s23], $0x4000  }
0x5fb: {  	[sflag:s23] =	ssyncset.done $0x0  }
0x5fc: {  	[sflag:s23] =	ssyncadd.s32 $0xFFFFC000  }
0x5fd: {  	v3 =	vld [tilespmem:$0xC80];
	_ =	sdelay $0x4  }
0x5fe: {  	v4 =	vshll.u32 v3, $0x3  }
0x5ff: {  	v3 =	vand.u32 $0x7, v3;
	v4 =	vand.u32 $0xFFFFFFC0, v4  }
0x600: {  	v3 =	vor.u32 v3, v4  }
0x601: {  	v4 =	vperm.xlane v3, v0;
	_ =	sdelay $0x1  }
0x602: {  	v4 =	vadd.s32 v1, v4;
	_ =	sdelay $0x4  }
0x603: {  	[tilespmem:s28], [sflag:$0x1] =	stream.indirect_vreg.gather [hbm4b:s1+s5], $0x80, v4, vm0, $0xb8;
	[tilespmem:$0x1D000] =	vst v63  }
0x604: {  	s14 =	simm.s32 $0x1800;
	v3 =	vperm.xlane v3, v2  }
0x605: {  	[tilespmem:s14], [sflag:$0x1] =	stream.indirect_vreg.gather [hbm4b:s7+s5], $0x80, v4, vm0, $0xb8;
	[tilespmem:$0x1D000] =	vst v63  }
0x606: {  	s15 =	simm.s32 $0x2000;
	v3 =	vadd.s32 v1, v3  }
0x607: {  	[tilespmem:s15], [sflag:$0x1] =	stream.indirect_vreg.gather [hbm4b:s8+s5], $0x80, v4, vm0, $0xb8;
	[tilespmem:$0x1D000] =	vst v63  }
0x608: {  	s16 =	simm.s32 $0x2800  }
0x609: {  	[tilespmem:s16], [sflag:$0x1] =	stream.indirect_vreg.gather [hbm4b:s9+s5], $0x80, v4, vm0, $0xb8;
	[tilespmem:$0x1D000] =	vst v63  }
0x60a: {  	s12 =	simm.s32 $0x3000  }
0x60b: {  	[tilespmem:s12], [sflag:$0x1] =	stream.indirect_vreg.gather [hbm4b:s1+s5], $0x80, v3, vm0, $0xb8;
	[tilespmem:$0x1D000] =	vst v63  }
0x60c: {  	s13 =	simm.s32 $0x3800  }
0x60d: {  	[tilespmem:s13], [sflag:$0x1] =	stream.indirect_vreg.gather [hbm4b:s7+s5], $0x80, v3, vm0, $0xb8;
	[tilespmem:$0x1D000] =	vst v63  }
0x60e: {  	s14 =	simm.s32 $0x4000  }
0x60f: {  	[tilespmem:s14], [sflag:$0x1] =	stream.indirect_vreg.gather [hbm4b:s8+s5], $0x80, v3, vm0, $0xb8;
	[tilespmem:$0x1D000] =	vst v63  }
0x610: {  	s15 =	simm.s32 $0x4800  }
0x611: {  	[tilespmem:s15], [sflag:$0x1] =	stream.indirect_vreg.gather [hbm4b:s9+s5], $0x80, v3, vm0, $0xb8;
	[tilespmem:$0x1D000] =	vst v63  }
0x612: {  	s16 =	sand.u32 $0x2000, s5;
	s12 =	sand.u32 $0x1C00, s5;
	_ =	swait.ge [sflag:s24], $0x4000  }
0x613: {  	s11 =	sor.u32 s12, s16;
	s5 =	sand.u32 $0x380, s5;
	[sflag:s24] =	ssyncset.done $0x0  }
0x614: {  	s5 =	sor.u32 s5, s11;
	[sflag:s24] =	ssyncadd.s32 $0xFFFFC000  }
0x615: {  	v3 =	vld [tilespmem:s5+$0x19070]  }
0x616: {  	v6 =	vld [tilespmem:s5+$0x19000]  }
0x617: {  	v7 =	vld [tilespmem:s5+$0x19010]  }
0x618: {  	v8 =	vld [tilespmem:s5+$0x19020]  }
0x619: {  	v9 =	vld [tilespmem:s5+$0x19030]  }
0x61a: {  	v5 =	vld [tilespmem:s5+$0x19040]  }
0x61b: {  	v4 =	vld [tilespmem:s5+$0x19060]  }
0x61c: {  	[tilespmem:s5+$0xD070] =	vst.add.f32.msk $0xffff, v3  }
0x61d: {  	v3 =	vld [tilespmem:s5+$0x19050]  }
0x61e: {  	[tilespmem:s5+$0xD000] =	vst.add.f32.msk $0xffff, v6  }
0x61f: {  	[tilespmem:s5+$0xD010] =	vst.add.f32.msk $0xffff, v7  }
0x620: {  	s12 =	simm.s32 $0x10;
	[tilespmem:s5+$0xD020] =	vst.add.f32.msk $0xffff, v8  }
0x621: {  	s13 =	simm.s32 $0x400;
	s14 =	simm.s32 $0x80;
	s11 =	simm.s32 $0x0;
	[tilespmem:s5+$0xD030] =	vst.add.f32.msk $0xffff, v9  }
.LBB2_48:
0x622: {  	s15 =	sand.u32 $0x2000, s14;
	s16 =	sand.u32 $0x1C00, s13;
	s11 =	sadd.s32 $0x8, s11;
	[tilespmem:s5+$0xD040] =	vst.add.f32.msk $0xffff, v5  }
0x623: {  	s15 =	sor.u32 s16, s15;
	s16 =	sand.u32 $0x380, s12;
	p0 =	slt.u32 s11, $0x3F8;
	[tilespmem:s5+$0xD050] =	vst.add.f32.msk $0xffff, v3  }
0x624: {  	[tilespmem:s5+$0xD060] =	vst.add.f32.msk $0xffff, v4;
	s5 =	sor.u32 s16, s15  }
0x625: {  	v3 =	vld [tilespmem:s5+$0x19070]  }
0x626: {  	v6 =	vld [tilespmem:s5+$0x19000]  }
0x627: {  	v7 =	vld [tilespmem:s5+$0x19010]  }
0x628: {  	v8 =	vld [tilespmem:s5+$0x19020]  }
0x629: {  	v9 =	vld [tilespmem:s5+$0x19030]  }
0x62a: {  	[tilespmem:s5+$0xD070] =	vst.add.f32.msk $0xffff, v3  }
0x62b: {  	v5 =	vld [tilespmem:s5+$0x19040]  }
0x62c: {  	v3 =	vld [tilespmem:s5+$0x19050]  }
.Ltmp23:
0x62d: {  	v4 =	vld [tilespmem:s5+$0x19060];
	(pc) =	sbr.rel @p0 .LBB2_48-.Ltmp23, $4  }
0x62e: {  	[tilespmem:s5+$0xD000] =	vst.add.f32.msk $0xffff, v6  }
0x62f: {  	[tilespmem:s5+$0xD010] =	vst.add.f32.msk $0xffff, v7  }
0x630: {  	[tilespmem:s5+$0xD020] =	vst.add.f32.msk $0xffff, v8  }
0x631: {  	s13 =	sadd.s32 $0x400, s13;
	s14 =	sadd.s32 $0x80, s14;
	s12 =	sadd.s32 $0x10, s12;
	[tilespmem:s5+$0xD030] =	vst.add.f32.msk $0xffff, v9  }
0x632: {  	[tilespmem:s5+$0xD040] =	vst.add.f32.msk $0xffff, v5  }
0x633: {  	[tilespmem:s5+$0xD050] =	vst.add.f32.msk $0xffff, v3  }
0x634: {  	[tilespmem:s5+$0xD060] =	vst.add.f32.msk $0xffff, v4  }
0x635: {  	s11 =	sld [smem:$0x7F7];
	_ =	sdelay $0x1  }
0x636: {  	s5 =	simm.s32 $0x0  }
0x637: {  	[hbm4b:s11+s5] =	stream.linear.scatter [tilespmem:s19], [sflag:$0x9], $0x4000, $0x38;
	[tilespmem:$0x1D000] =	vst v63  }
0x638: {  	s12 =	simm.s32 $0x19000;
	s13 =	rddreg [dreg:$0x13]  }
0x639: {  	[tilespmem:s12], [sflag:$0xC] =	stream.linear.gather [hbm4b:s13+s5], $0x4000, $0x38;
	[tilespmem:$0x1D000] =	vst v63  }
0x63a: {  	_ =	swait.ge [sflag:s10], $0x4000  }
0x63b: {  	[sflag:s10] =	ssyncset.done $0x0  }
0x63c: {  	[sflag:s10] =	ssyncadd.s32 $0xFFFFC000  }
0x63d: {  	v3 =	vld [tilespmem:$0xD00];
	_ =	sdelay $0x4  }
0x63e: {  	v4 =	vshll.u32 v3, $0x3  }
0x63f: {  	v3 =	vand.u32 $0x7, v3;
	v4 =	vand.u32 $0xFFFFFFC0, v4  }
0x640: {  	v3 =	vor.u32 v3, v4  }
0x641: {  	v4 =	vperm.xlane v3, v0;
	_ =	sdelay $0x1  }
0x642: {  	v4 =	vadd.s32 v1, v4;
	_ =	sdelay $0x4  }
0x643: {  	[tilespmem:s6], [sflag:$0x2] =	stream.indirect_vreg.gather [hbm4b:s1+s5], $0x80, v4, vm0, $0xb8;
	[tilespmem:$0x1D000] =	vst v63  }
0x644: {  	s14 =	simm.s32 $0x5800;
	v3 =	vperm.xlane v3, v2  }
0x645: {  	[tilespmem:s14], [sflag:$0x2] =	stream.indirect_vreg.gather [hbm4b:s7+s5], $0x80, v4, vm0, $0xb8;
	[tilespmem:$0x1D000] =	vst v63  }
0x646: {  	s15 =	simm.s32 $0x6000;
	v3 =	vadd.s32 v1, v3  }
0x647: {  	[tilespmem:s15], [sflag:$0x2] =	stream.indirect_vreg.gather [hbm4b:s8+s5], $0x80, v4, vm0, $0xb8;
	[tilespmem:$0x1D000] =	vst v63  }
0x648: {  	s16 =	simm.s32 $0x6800  }
0x649: {  	[tilespmem:s16], [sflag:$0x2] =	stream.indirect_vreg.gather [hbm4b:s9+s5], $0x80, v4, vm0, $0xb8;
	[tilespmem:$0x1D000] =	vst v63  }
0x64a: {  	s12 =	simm.s32 $0x7000  }
0x64b: {  	[tilespmem:s12], [sflag:$0x2] =	stream.indirect_vreg.gather [hbm4b:s1+s5], $0x80, v3, vm0, $0xb8;
	[tilespmem:$0x1D000] =	vst v63  }
0x64c: {  	s13 =	simm.s32 $0x7800  }
0x64d: {  	[tilespmem:s13], [sflag:$0x2] =	stream.indirect_vreg.gather [hbm4b:s7+s5], $0x80, v3, vm0, $0xb8;
	[tilespmem:$0x1D000] =	vst v63  }
0x64e: {  	s14 =	simm.s32 $0x8000  }
0x64f: {  	[tilespmem:s14], [sflag:$0x2] =	stream.indirect_vreg.gather [hbm4b:s8+s5], $0x80, v3, vm0, $0xb8;
	[tilespmem:$0x1D000] =	vst v63  }
0x650: {  	_ = 	snop  }
0x651: {  	[tilespmem:s17], [sflag:$0x2] =	stream.indirect_vreg.gather [hbm4b:s9+s5], $0x80, v3, vm0, $0xb8;
	[tilespmem:$0x1D000] =	vst v63  }
0x652: {  	_ =	swait.ge [sflag:s29], $0x4000  }
0x653: {  	[sflag:s29] =	ssyncset.done $0x0  }
0x654: {  	[sflag:s29] =	ssyncadd.s32 $0xFFFFC000  }
0x655: {  	s15 =	sand.u32 $0x2000, s5;
	s16 =	sand.u32 $0x1C00, s5;
	_ =	swait.ge [sflag:s26], $0x4000  }
0x656: {  	s11 =	sor.u32 s16, s15;
	s5 =	sand.u32 $0x380, s5;
	[sflag:s26] =	ssyncset.done $0x0  }
0x657: {  	s5 =	sor.u32 s5, s11;
	[sflag:s26] =	ssyncadd.s32 $0xFFFFC000  }
0x658: {  	v3 =	vld [tilespmem:s5+$0x15070]  }
0x659: {  	v6 =	vld [tilespmem:s5+$0x15000]  }
0x65a: {  	v7 =	vld [tilespmem:s5+$0x15010]  }
0x65b: {  	v8 =	vld [tilespmem:s5+$0x15020]  }
0x65c: {  	v9 =	vld [tilespmem:s5+$0x15030]  }
0x65d: {  	v5 =	vld [tilespmem:s5+$0x15040]  }
0x65e: {  	v4 =	vld [tilespmem:s5+$0x15060]  }
0x65f: {  	[tilespmem:s5+$0x11070] =	vst.add.f32.msk $0xffff, v3  }
0x660: {  	v3 =	vld [tilespmem:s5+$0x15050]  }
0x661: {  	[tilespmem:s5+$0x11000] =	vst.add.f32.msk $0xffff, v6  }
0x662: {  	[tilespmem:s5+$0x11010] =	vst.add.f32.msk $0xffff, v7  }
0x663: {  	s12 =	simm.s32 $0x10;
	[tilespmem:s5+$0x11020] =	vst.add.f32.msk $0xffff, v8  }
0x664: {  	s13 =	simm.s32 $0x400;
	s14 =	simm.s32 $0x80;
	s11 =	simm.s32 $0x0;
	[tilespmem:s5+$0x11030] =	vst.add.f32.msk $0xffff, v9  }
.LBB2_50:
0x665: {  	s15 =	sand.u32 $0x2000, s14;
	s16 =	sand.u32 $0x1C00, s13;
	s11 =	sadd.s32 $0x8, s11;
	[tilespmem:s5+$0x11040] =	vst.add.f32.msk $0xffff, v5  }
0x666: {  	s15 =	sor.u32 s16, s15;
	s16 =	sand.u32 $0x380, s12;
	p0 =	slt.u32 s11, $0x3F8;
	[tilespmem:s5+$0x11050] =	vst.add.f32.msk $0xffff, v3  }
0x667: {  	[tilespmem:s5+$0x11060] =	vst.add.f32.msk $0xffff, v4;
	s5 =	sor.u32 s16, s15  }
0x668: {  	v3 =	vld [tilespmem:s5+$0x15070]  }
0x669: {  	v6 =	vld [tilespmem:s5+$0x15000]  }
0x66a: {  	v7 =	vld [tilespmem:s5+$0x15010]  }
0x66b: {  	v8 =	vld [tilespmem:s5+$0x15020]  }
0x66c: {  	v9 =	vld [tilespmem:s5+$0x15030]  }
0x66d: {  	[tilespmem:s5+$0x11070] =	vst.add.f32.msk $0xffff, v3  }
0x66e: {  	v5 =	vld [tilespmem:s5+$0x15040]  }
0x66f: {  	v3 =	vld [tilespmem:s5+$0x15050]  }
.Ltmp24:
0x670: {  	v4 =	vld [tilespmem:s5+$0x15060];
	(pc) =	sbr.rel @p0 .LBB2_50-.Ltmp24, $4  }
0x671: {  	[tilespmem:s5+$0x11000] =	vst.add.f32.msk $0xffff, v6  }
0x672: {  	[tilespmem:s5+$0x11010] =	vst.add.f32.msk $0xffff, v7  }
0x673: {  	[tilespmem:s5+$0x11020] =	vst.add.f32.msk $0xffff, v8  }
0x674: {  	s13 =	sadd.s32 $0x400, s13;
	s14 =	sadd.s32 $0x80, s14;
	s12 =	sadd.s32 $0x10, s12;
	[tilespmem:s5+$0x11030] =	vst.add.f32.msk $0xffff, v9  }
0x675: {  	[tilespmem:s5+$0x11040] =	vst.add.f32.msk $0xffff, v5  }
0x676: {  	[tilespmem:s5+$0x11050] =	vst.add.f32.msk $0xffff, v3  }
0x677: {  	[tilespmem:s5+$0x11060] =	vst.add.f32.msk $0xffff, v4  }
0x678: {  	s5 =	simm.s32 $0x0;
	s11 =	rddreg [dreg:$0x14]  }
0x679: {  	[hbm4b:s11+s5] =	stream.linear.scatter [tilespmem:s22], [sflag:$0xA], $0x4000, $0x38;
	[tilespmem:$0x1D000] =	vst v63  }
0x67a: {  	_ =	swait.ge [sflag:s31], $0x4000  }
0x67b: {  	[sflag:s31] =	ssyncset.done $0x0  }
0x67c: {  	[sflag:s31] =	ssyncadd.s32 $0xFFFFC000  }
0x67d: {  	v3 =	vld [tilespmem:$0xD80];
	_ =	sdelay $0x4  }
0x67e: {  	v4 =	vshll.u32 v3, $0x3  }
0x67f: {  	v3 =	vand.u32 $0x7, v3;
	v4 =	vand.u32 $0xFFFFFFC0, v4  }
0x680: {  	v3 =	vor.u32 v3, v4  }
0x681: {  	v4 =	vperm.xlane v3, v0;
	_ =	sdelay $0x1  }
0x682: {  	v4 =	vadd.s32 v1, v4;
	_ =	sdelay $0x4  }
0x683: {  	[tilespmem:s18], [sflag:$0x3] =	stream.indirect_vreg.gather [hbm4b:s1+s5], $0x80, v4, vm0, $0xb8;
	[tilespmem:$0x1D000] =	vst v63  }
0x684: {  	s14 =	simm.s32 $0x9800;
	v3 =	vperm.xlane v3, v2  }
0x685: {  	[tilespmem:s14], [sflag:$0x3] =	stream.indirect_vreg.gather [hbm4b:s7+s5], $0x80, v4, vm0, $0xb8;
	[tilespmem:$0x1D000] =	vst v63  }
0x686: {  	s15 =	simm.s32 $0xA000;
	v3 =	vadd.s32 v1, v3  }
0x687: {  	[tilespmem:s15], [sflag:$0x3] =	stream.indirect_vreg.gather [hbm4b:s8+s5], $0x80, v4, vm0, $0xb8;
	[tilespmem:$0x1D000] =	vst v63  }
0x688: {  	s16 =	simm.s32 $0xA800  }
0x689: {  	[tilespmem:s16], [sflag:$0x3] =	stream.indirect_vreg.gather [hbm4b:s9+s5], $0x80, v4, vm0, $0xb8;
	[tilespmem:$0x1D000] =	vst v63  }
0x68a: {  	s12 =	simm.s32 $0xB000  }
0x68b: {  	[tilespmem:s12], [sflag:$0x3] =	stream.indirect_vreg.gather [hbm4b:s1+s5], $0x80, v3, vm0, $0xb8;
	[tilespmem:$0x1D000] =	vst v63  }
0x68c: {  	s13 =	simm.s32 $0xB800  }
0x68d: {  	[tilespmem:s13], [sflag:$0x3] =	stream.indirect_vreg.gather [hbm4b:s7+s5], $0x80, v3, vm0, $0xb8;
	[tilespmem:$0x1D000] =	vst v63  }
0x68e: {  	s14 =	simm.s32 $0xC000  }
0x68f: {  	[tilespmem:s14], [sflag:$0x3] =	stream.indirect_vreg.gather [hbm4b:s8+s5], $0x80, v3, vm0, $0xb8;
	[tilespmem:$0x1D000] =	vst v63  }
0x690: {  	s15 =	simm.s32 $0xC800  }
0x691: {  	[tilespmem:s15], [sflag:$0x3] =	stream.indirect_vreg.gather [hbm4b:s9+s5], $0x80, v3, vm0, $0xb8;
	[tilespmem:$0x1D000] =	vst v63  }
0x692: {  	s16 =	sand.u32 $0x2000, s5;
	s12 =	sand.u32 $0x1C00, s5;
	_ =	swait.ge [sflag:s25], $0x4000  }
0x693: {  	s11 =	sor.u32 s12, s16;
	s5 =	sand.u32 $0x380, s5;
	[sflag:s25] =	ssyncset.done $0x0  }
0x694: {  	s5 =	sor.u32 s5, s11;
	[sflag:s25] =	ssyncadd.s32 $0xFFFFC000  }
0x695: {  	v3 =	vld [tilespmem:s5+$0x15070]  }
0x696: {  	v6 =	vld [tilespmem:s5+$0x15000]  }
0x697: {  	v7 =	vld [tilespmem:s5+$0x15010]  }
0x698: {  	v8 =	vld [tilespmem:s5+$0x15020]  }
0x699: {  	v9 =	vld [tilespmem:s5+$0x15030]  }
0x69a: {  	v5 =	vld [tilespmem:s5+$0x15040]  }
0x69b: {  	v4 =	vld [tilespmem:s5+$0x15060]  }
0x69c: {  	[tilespmem:s5+$0x1070] =	vst.add.f32.msk $0xffff, v3  }
0x69d: {  	v3 =	vld [tilespmem:s5+$0x15050]  }
0x69e: {  	[tilespmem:s5+$0x1000] =	vst.add.f32.msk $0xffff, v6  }
0x69f: {  	[tilespmem:s5+$0x1010] =	vst.add.f32.msk $0xffff, v7  }
0x6a0: {  	s12 =	simm.s32 $0x10;
	[tilespmem:s5+$0x1020] =	vst.add.f32.msk $0xffff, v8  }
0x6a1: {  	s13 =	simm.s32 $0x400;
	s14 =	simm.s32 $0x80;
	s11 =	simm.s32 $0x0;
	[tilespmem:s5+$0x1030] =	vst.add.f32.msk $0xffff, v9  }
.LBB2_52:
0x6a2: {  	s15 =	sand.u32 $0x2000, s14;
	s16 =	sand.u32 $0x1C00, s13;
	s11 =	sadd.s32 $0x8, s11;
	[tilespmem:s5+$0x1040] =	vst.add.f32.msk $0xffff, v5  }
0x6a3: {  	s15 =	sor.u32 s16, s15;
	s16 =	sand.u32 $0x380, s12;
	p0 =	slt.u32 s11, $0x3F8;
	[tilespmem:s5+$0x1050] =	vst.add.f32.msk $0xffff, v3  }
0x6a4: {  	[tilespmem:s5+$0x1060] =	vst.add.f32.msk $0xffff, v4;
	s5 =	sor.u32 s16, s15  }
0x6a5: {  	v3 =	vld [tilespmem:s5+$0x15070]  }
0x6a6: {  	v6 =	vld [tilespmem:s5+$0x15000]  }
0x6a7: {  	v7 =	vld [tilespmem:s5+$0x15010]  }
0x6a8: {  	v8 =	vld [tilespmem:s5+$0x15020]  }
0x6a9: {  	v9 =	vld [tilespmem:s5+$0x15030]  }
0x6aa: {  	[tilespmem:s5+$0x1070] =	vst.add.f32.msk $0xffff, v3  }
0x6ab: {  	v5 =	vld [tilespmem:s5+$0x15040]  }
0x6ac: {  	v3 =	vld [tilespmem:s5+$0x15050]  }
.Ltmp25:
0x6ad: {  	v4 =	vld [tilespmem:s5+$0x15060];
	(pc) =	sbr.rel @p0 .LBB2_52-.Ltmp25, $4  }
0x6ae: {  	[tilespmem:s5+$0x1000] =	vst.add.f32.msk $0xffff, v6  }
0x6af: {  	[tilespmem:s5+$0x1010] =	vst.add.f32.msk $0xffff, v7  }
0x6b0: {  	[tilespmem:s5+$0x1020] =	vst.add.f32.msk $0xffff, v8  }
0x6b1: {  	s13 =	sadd.s32 $0x400, s13;
	s14 =	sadd.s32 $0x80, s14;
	s12 =	sadd.s32 $0x10, s12;
	[tilespmem:s5+$0x1030] =	vst.add.f32.msk $0xffff, v9  }
0x6b2: {  	[tilespmem:s5+$0x1040] =	vst.add.f32.msk $0xffff, v5  }
0x6b3: {  	[tilespmem:s5+$0x1050] =	vst.add.f32.msk $0xffff, v3  }
0x6b4: {  	[tilespmem:s5+$0x1060] =	vst.add.f32.msk $0xffff, v4  }
0x6b5: {  	s11 =	sld [smem:$0x7F8];
	_ =	sdelay $0x1  }
0x6b6: {  	s5 =	simm.s32 $0x0  }
0x6b7: {  	[hbm4b:s11+s5] =	stream.linear.scatter [tilespmem:s28], [sflag:$0x6], $0x4000, $0x38;
	[tilespmem:$0x1D000] =	vst v63  }
0x6b8: {  	_ =	swait.ge [sflag:s0], $0x4000  }
0x6b9: {  	[sflag:s0] =	ssyncset.done $0x0  }
0x6ba: {  	[sflag:s0] =	ssyncadd.s32 $0xFFFFC000  }
0x6bb: {  	v3 =	vld [tilespmem:$0xE00];
	_ =	sdelay $0x4  }
0x6bc: {  	v4 =	vshll.u32 v3, $0x3  }
0x6bd: {  	v3 =	vand.u32 $0x7, v3;
	v4 =	vand.u32 $0xFFFFFFC0, v4  }
0x6be: {  	v3 =	vor.u32 v3, v4  }
0x6bf: {  	v4 =	vperm.xlane v3, v0;
	_ =	sdelay $0x1  }
0x6c0: {  	v4 =	vadd.s32 v1, v4;
	_ =	sdelay $0x4  }
0x6c1: {  	[tilespmem:s19], [sflag:$0x4] =	stream.indirect_vreg.gather [hbm4b:s1+s5], $0x80, v4, vm0, $0xb8;
	[tilespmem:$0x1D000] =	vst v63  }
0x6c2: {  	s14 =	simm.s32 $0xD800;
	v3 =	vperm.xlane v3, v2  }
0x6c3: {  	[tilespmem:s14], [sflag:$0x4] =	stream.indirect_vreg.gather [hbm4b:s7+s5], $0x80, v4, vm0, $0xb8;
	[tilespmem:$0x1D000] =	vst v63  }
0x6c4: {  	s15 =	simm.s32 $0xE000;
	v3 =	vadd.s32 v1, v3  }
0x6c5: {  	[tilespmem:s15], [sflag:$0x4] =	stream.indirect_vreg.gather [hbm4b:s8+s5], $0x80, v4, vm0, $0xb8;
	[tilespmem:$0x1D000] =	vst v63  }
0x6c6: {  	s16 =	simm.s32 $0xE800  }
0x6c7: {  	[tilespmem:s16], [sflag:$0x4] =	stream.indirect_vreg.gather [hbm4b:s9+s5], $0x80, v4, vm0, $0xb8;
	[tilespmem:$0x1D000] =	vst v63  }
0x6c8: {  	s12 =	simm.s32 $0xF000  }
0x6c9: {  	[tilespmem:s12], [sflag:$0x4] =	stream.indirect_vreg.gather [hbm4b:s1+s5], $0x80, v3, vm0, $0xb8;
	[tilespmem:$0x1D000] =	vst v63  }
0x6ca: {  	s13 =	simm.s32 $0xF800  }
0x6cb: {  	[tilespmem:s13], [sflag:$0x4] =	stream.indirect_vreg.gather [hbm4b:s7+s5], $0x80, v3, vm0, $0xb8;
	[tilespmem:$0x1D000] =	vst v63  }
0x6cc: {  	s14 =	simm.s32 $0x10000  }
0x6cd: {  	[tilespmem:s14], [sflag:$0x4] =	stream.indirect_vreg.gather [hbm4b:s8+s5], $0x80, v3, vm0, $0xb8;
	[tilespmem:$0x1D000] =	vst v63  }
0x6ce: {  	s15 =	simm.s32 $0x10800  }
0x6cf: {  	[tilespmem:s15], [sflag:$0x4] =	stream.indirect_vreg.gather [hbm4b:s9+s5], $0x80, v3, vm0, $0xb8;
	[tilespmem:$0x1D000] =	vst v63  }
0x6d0: {  	s16 =	sand.u32 $0x2000, s5;
	s12 =	sand.u32 $0x1C00, s5;
	_ =	swait.ge [sflag:s21], $0x4000  }
0x6d1: {  	s11 =	sor.u32 s12, s16;
	s5 =	sand.u32 $0x380, s5;
	[sflag:s21] =	ssyncset.done $0x0  }
0x6d2: {  	s5 =	sor.u32 s5, s11;
	[sflag:s21] =	ssyncadd.s32 $0xFFFFC000  }
0x6d3: {  	v3 =	vld [tilespmem:s5+$0x15070]  }
0x6d4: {  	v6 =	vld [tilespmem:s5+$0x15000]  }
0x6d5: {  	v7 =	vld [tilespmem:s5+$0x15010]  }
0x6d6: {  	v8 =	vld [tilespmem:s5+$0x15020]  }
0x6d7: {  	v9 =	vld [tilespmem:s5+$0x15030]  }
0x6d8: {  	v5 =	vld [tilespmem:s5+$0x15040]  }
0x6d9: {  	v4 =	vld [tilespmem:s5+$0x15060]  }
0x6da: {  	[tilespmem:s5+$0x5070] =	vst.add.f32.msk $0xffff, v3  }
0x6db: {  	v3 =	vld [tilespmem:s5+$0x15050]  }
0x6dc: {  	[tilespmem:s5+$0x5000] =	vst.add.f32.msk $0xffff, v6  }
0x6dd: {  	[tilespmem:s5+$0x5010] =	vst.add.f32.msk $0xffff, v7  }
0x6de: {  	s12 =	simm.s32 $0x10;
	[tilespmem:s5+$0x5020] =	vst.add.f32.msk $0xffff, v8  }
0x6df: {  	s13 =	simm.s32 $0x400;
	s14 =	simm.s32 $0x80;
	s11 =	simm.s32 $0x0;
	[tilespmem:s5+$0x5030] =	vst.add.f32.msk $0xffff, v9  }
.LBB2_54:
0x6e0: {  	s15 =	sand.u32 $0x2000, s14;
	s16 =	sand.u32 $0x1C00, s13;
	s11 =	sadd.s32 $0x8, s11;
	[tilespmem:s5+$0x5040] =	vst.add.f32.msk $0xffff, v5  }
0x6e1: {  	s15 =	sor.u32 s16, s15;
	s16 =	sand.u32 $0x380, s12;
	p0 =	slt.u32 s11, $0x3F8;
	[tilespmem:s5+$0x5050] =	vst.add.f32.msk $0xffff, v3  }
0x6e2: {  	[tilespmem:s5+$0x5060] =	vst.add.f32.msk $0xffff, v4;
	s5 =	sor.u32 s16, s15  }
0x6e3: {  	v3 =	vld [tilespmem:s5+$0x15070]  }
0x6e4: {  	v6 =	vld [tilespmem:s5+$0x15000]  }
0x6e5: {  	v7 =	vld [tilespmem:s5+$0x15010]  }
0x6e6: {  	v8 =	vld [tilespmem:s5+$0x15020]  }
0x6e7: {  	v9 =	vld [tilespmem:s5+$0x15030]  }
0x6e8: {  	[tilespmem:s5+$0x5070] =	vst.add.f32.msk $0xffff, v3  }
0x6e9: {  	v5 =	vld [tilespmem:s5+$0x15040]  }
0x6ea: {  	v3 =	vld [tilespmem:s5+$0x15050]  }
.Ltmp26:
0x6eb: {  	v4 =	vld [tilespmem:s5+$0x15060];
	(pc) =	sbr.rel @p0 .LBB2_54-.Ltmp26, $4  }
0x6ec: {  	[tilespmem:s5+$0x5000] =	vst.add.f32.msk $0xffff, v6  }
0x6ed: {  	[tilespmem:s5+$0x5010] =	vst.add.f32.msk $0xffff, v7  }
0x6ee: {  	[tilespmem:s5+$0x5020] =	vst.add.f32.msk $0xffff, v8  }
0x6ef: {  	s13 =	sadd.s32 $0x400, s13;
	s14 =	sadd.s32 $0x80, s14;
	s12 =	sadd.s32 $0x10, s12;
	[tilespmem:s5+$0x5030] =	vst.add.f32.msk $0xffff, v9  }
0x6f0: {  	[tilespmem:s5+$0x5040] =	vst.add.f32.msk $0xffff, v5  }
0x6f1: {  	[tilespmem:s5+$0x5050] =	vst.add.f32.msk $0xffff, v3  }
0x6f2: {  	[tilespmem:s5+$0x5060] =	vst.add.f32.msk $0xffff, v4  }
0x6f3: {  	s11 =	sld [smem:$0x7F9];
	_ =	sdelay $0x1  }
0x6f4: {  	s5 =	simm.s32 $0x0  }
0x6f5: {  	[hbm4b:s11+s5] =	stream.linear.scatter [tilespmem:s6], [sflag:$0x7], $0x4000, $0x38;
	[tilespmem:$0x1D000] =	vst v63  }
0x6f6: {  	_ =	swait.ge [sflag:s2], $0x4000  }
0x6f7: {  	[sflag:s2] =	ssyncset.done $0x0  }
0x6f8: {  	[sflag:s2] =	ssyncadd.s32 $0xFFFFC000  }
0x6f9: {  	v3 =	vld [tilespmem:$0xE80];
	_ =	sdelay $0x4  }
0x6fa: {  	v4 =	vshll.u32 v3, $0x3  }
0x6fb: {  	v3 =	vand.u32 $0x7, v3;
	v4 =	vand.u32 $0xFFFFFFC0, v4  }
0x6fc: {  	v3 =	vor.u32 v3, v4  }
0x6fd: {  	v4 =	vperm.xlane v3, v0;
	_ =	sdelay $0x1  }
0x6fe: {  	v4 =	vadd.s32 v1, v4;
	_ =	sdelay $0x4  }
0x6ff: {  	[tilespmem:s22], [sflag:$0x5] =	stream.indirect_vreg.gather [hbm4b:s1+s5], $0x80, v4, vm0, $0xb8;
	[tilespmem:$0x1D000] =	vst v63  }
0x700: {  	s14 =	simm.s32 $0x11800;
	v3 =	vperm.xlane v3, v2  }
0x701: {  	[tilespmem:s14], [sflag:$0x5] =	stream.indirect_vreg.gather [hbm4b:s7+s5], $0x80, v4, vm0, $0xb8;
	[tilespmem:$0x1D000] =	vst v63  }
0x702: {  	s15 =	simm.s32 $0x12000;
	v3 =	vadd.s32 v1, v3  }
0x703: {  	[tilespmem:s15], [sflag:$0x5] =	stream.indirect_vreg.gather [hbm4b:s8+s5], $0x80, v4, vm0, $0xb8;
	[tilespmem:$0x1D000] =	vst v63  }
0x704: {  	s16 =	simm.s32 $0x12800  }
0x705: {  	[tilespmem:s16], [sflag:$0x5] =	stream.indirect_vreg.gather [hbm4b:s9+s5], $0x80, v4, vm0, $0xb8;
	[tilespmem:$0x1D000] =	vst v63  }
0x706: {  	s12 =	simm.s32 $0x13000  }
0x707: {  	[tilespmem:s12], [sflag:$0x5] =	stream.indirect_vreg.gather [hbm4b:s1+s5], $0x80, v3, vm0, $0xb8;
	[tilespmem:$0x1D000] =	vst v63  }
0x708: {  	s13 =	simm.s32 $0x13800  }
0x709: {  	[tilespmem:s13], [sflag:$0x5] =	stream.indirect_vreg.gather [hbm4b:s7+s5], $0x80, v3, vm0, $0xb8;
	[tilespmem:$0x1D000] =	vst v63  }
0x70a: {  	s14 =	simm.s32 $0x14000  }
0x70b: {  	[tilespmem:s14], [sflag:$0x5] =	stream.indirect_vreg.gather [hbm4b:s8+s5], $0x80, v3, vm0, $0xb8;
	[tilespmem:$0x1D000] =	vst v63  }
0x70c: {  	s15 =	simm.s32 $0x14800  }
0x70d: {  	[tilespmem:s15], [sflag:$0x5] =	stream.indirect_vreg.gather [hbm4b:s9+s5], $0x80, v3, vm0, $0xb8;
	[tilespmem:$0x1D000] =	vst v63  }
0x70e: {  	s16 =	sand.u32 $0x2000, s5;
	s12 =	sand.u32 $0x1C00, s5;
	_ =	swait.ge [sflag:s20], $0x4000  }
0x70f: {  	s11 =	sor.u32 s12, s16;
	s5 =	sand.u32 $0x380, s5;
	[sflag:s20] =	ssyncset.done $0x0  }
0x710: {  	s5 =	sor.u32 s5, s11;
	[sflag:s20] =	ssyncadd.s32 $0xFFFFC000  }
0x711: {  	v3 =	vld [tilespmem:s5+$0x15070]  }
0x712: {  	v6 =	vld [tilespmem:s5+$0x15000]  }
0x713: {  	v7 =	vld [tilespmem:s5+$0x15010]  }
0x714: {  	v8 =	vld [tilespmem:s5+$0x15020]  }
0x715: {  	v9 =	vld [tilespmem:s5+$0x15030]  }
0x716: {  	v5 =	vld [tilespmem:s5+$0x15040]  }
0x717: {  	v4 =	vld [tilespmem:s5+$0x15060]  }
0x718: {  	[tilespmem:s5+$0x9070] =	vst.add.f32.msk $0xffff, v3  }
0x719: {  	v3 =	vld [tilespmem:s5+$0x15050]  }
0x71a: {  	[tilespmem:s5+$0x9000] =	vst.add.f32.msk $0xffff, v6  }
0x71b: {  	[tilespmem:s5+$0x9010] =	vst.add.f32.msk $0xffff, v7  }
0x71c: {  	s12 =	simm.s32 $0x10;
	[tilespmem:s5+$0x9020] =	vst.add.f32.msk $0xffff, v8  }
0x71d: {  	s13 =	simm.s32 $0x400;
	s14 =	simm.s32 $0x80;
	s11 =	simm.s32 $0x0;
	[tilespmem:s5+$0x9030] =	vst.add.f32.msk $0xffff, v9  }
.LBB2_56:
0x71e: {  	s15 =	sand.u32 $0x2000, s14;
	s16 =	sand.u32 $0x1C00, s13;
	s11 =	sadd.s32 $0x8, s11;
	[tilespmem:s5+$0x9040] =	vst.add.f32.msk $0xffff, v5  }
0x71f: {  	s15 =	sor.u32 s16, s15;
	s16 =	sand.u32 $0x380, s12;
	p0 =	slt.u32 s11, $0x3F8;
	[tilespmem:s5+$0x9050] =	vst.add.f32.msk $0xffff, v3  }
0x720: {  	[tilespmem:s5+$0x9060] =	vst.add.f32.msk $0xffff, v4;
	s5 =	sor.u32 s16, s15  }
0x721: {  	v3 =	vld [tilespmem:s5+$0x15070]  }
0x722: {  	v6 =	vld [tilespmem:s5+$0x15000]  }
0x723: {  	v7 =	vld [tilespmem:s5+$0x15010]  }
0x724: {  	v8 =	vld [tilespmem:s5+$0x15020]  }
0x725: {  	v9 =	vld [tilespmem:s5+$0x15030]  }
0x726: {  	[tilespmem:s5+$0x9070] =	vst.add.f32.msk $0xffff, v3  }
0x727: {  	v5 =	vld [tilespmem:s5+$0x15040]  }
0x728: {  	v3 =	vld [tilespmem:s5+$0x15050]  }
.Ltmp27:
0x729: {  	v4 =	vld [tilespmem:s5+$0x15060];
	(pc) =	sbr.rel @p0 .LBB2_56-.Ltmp27, $4  }
0x72a: {  	[tilespmem:s5+$0x9000] =	vst.add.f32.msk $0xffff, v6  }
0x72b: {  	[tilespmem:s5+$0x9010] =	vst.add.f32.msk $0xffff, v7  }
0x72c: {  	[tilespmem:s5+$0x9020] =	vst.add.f32.msk $0xffff, v8  }
0x72d: {  	s13 =	sadd.s32 $0x400, s13;
	s14 =	sadd.s32 $0x80, s14;
	s12 =	sadd.s32 $0x10, s12;
	[tilespmem:s5+$0x9030] =	vst.add.f32.msk $0xffff, v9  }
0x72e: {  	[tilespmem:s5+$0x9040] =	vst.add.f32.msk $0xffff, v5  }
0x72f: {  	[tilespmem:s5+$0x9050] =	vst.add.f32.msk $0xffff, v3  }
0x730: {  	[tilespmem:s5+$0x9060] =	vst.add.f32.msk $0xffff, v4  }
0x731: {  	s11 =	sld [smem:$0x7FA];
	_ =	sdelay $0x1  }
0x732: {  	s5 =	simm.s32 $0x0  }
0x733: {  	[hbm4b:s11+s5] =	stream.linear.scatter [tilespmem:s18], [sflag:$0x8], $0x4000, $0x38;
	[tilespmem:$0x1D000] =	vst v63  }
0x734: {  	_ =	swait.ge [sflag:s23], $0x4000  }
0x735: {  	[sflag:s23] =	ssyncset.done $0x0  }
0x736: {  	[sflag:s23] =	ssyncadd.s32 $0xFFFFC000  }
0x737: {  	v3 =	vld [tilespmem:$0xF00];
	_ =	sdelay $0x4  }
0x738: {  	v4 =	vshll.u32 v3, $0x3  }
0x739: {  	v3 =	vand.u32 $0x7, v3;
	v4 =	vand.u32 $0xFFFFFFC0, v4  }
0x73a: {  	v3 =	vor.u32 v3, v4  }
0x73b: {  	v4 =	vperm.xlane v3, v0;
	_ =	sdelay $0x1  }
0x73c: {  	v4 =	vadd.s32 v1, v4;
	_ =	sdelay $0x4  }
0x73d: {  	[tilespmem:s28], [sflag:$0x1] =	stream.indirect_vreg.gather [hbm4b:s1+s5], $0x80, v4, vm0, $0xb8;
	[tilespmem:$0x1D000] =	vst v63  }
0x73e: {  	s14 =	simm.s32 $0x1800;
	v3 =	vperm.xlane v3, v2  }
0x73f: {  	[tilespmem:s14], [sflag:$0x1] =	stream.indirect_vreg.gather [hbm4b:s7+s5], $0x80, v4, vm0, $0xb8;
	[tilespmem:$0x1D000] =	vst v63  }
0x740: {  	s15 =	simm.s32 $0x2000;
	v3 =	vadd.s32 v1, v3  }
0x741: {  	[tilespmem:s15], [sflag:$0x1] =	stream.indirect_vreg.gather [hbm4b:s8+s5], $0x80, v4, vm0, $0xb8;
	[tilespmem:$0x1D000] =	vst v63  }
0x742: {  	s16 =	simm.s32 $0x2800  }
0x743: {  	[tilespmem:s16], [sflag:$0x1] =	stream.indirect_vreg.gather [hbm4b:s9+s5], $0x80, v4, vm0, $0xb8;
	[tilespmem:$0x1D000] =	vst v63  }
0x744: {  	s12 =	simm.s32 $0x3000  }
0x745: {  	[tilespmem:s12], [sflag:$0x1] =	stream.indirect_vreg.gather [hbm4b:s1+s5], $0x80, v3, vm0, $0xb8;
	[tilespmem:$0x1D000] =	vst v63  }
0x746: {  	s13 =	simm.s32 $0x3800  }
0x747: {  	[tilespmem:s13], [sflag:$0x1] =	stream.indirect_vreg.gather [hbm4b:s7+s5], $0x80, v3, vm0, $0xb8;
	[tilespmem:$0x1D000] =	vst v63  }
0x748: {  	s14 =	simm.s32 $0x4000  }
0x749: {  	[tilespmem:s14], [sflag:$0x1] =	stream.indirect_vreg.gather [hbm4b:s8+s5], $0x80, v3, vm0, $0xb8;
	[tilespmem:$0x1D000] =	vst v63  }
0x74a: {  	s15 =	simm.s32 $0x4800  }
0x74b: {  	[tilespmem:s15], [sflag:$0x1] =	stream.indirect_vreg.gather [hbm4b:s9+s5], $0x80, v3, vm0, $0xb8;
	[tilespmem:$0x1D000] =	vst v63  }
0x74c: {  	_ =	swait.ge [sflag:s24], $0x4000  }
0x74d: {  	[sflag:s24] =	ssyncset.done $0x0  }
0x74e: {  	[sflag:s24] =	ssyncadd.s32 $0xFFFFC000  }
0x74f: {  	s16 =	sand.u32 $0x2000, s5;
	s12 =	sand.u32 $0x1C00, s5;
	_ =	swait.ge [sflag:s30], $0x4000  }
0x750: {  	s11 =	sor.u32 s12, s16;
	s5 =	sand.u32 $0x380, s5;
	[sflag:s30] =	ssyncset.done $0x0  }
0x751: {  	s5 =	sor.u32 s5, s11;
	[sflag:s30] =	ssyncadd.s32 $0xFFFFC000  }
0x752: {  	v3 =	vld [tilespmem:s5+$0x19070]  }
0x753: {  	v6 =	vld [tilespmem:s5+$0x19000]  }
0x754: {  	v7 =	vld [tilespmem:s5+$0x19010]  }
0x755: {  	v8 =	vld [tilespmem:s5+$0x19020]  }
0x756: {  	v9 =	vld [tilespmem:s5+$0x19030]  }
0x757: {  	v5 =	vld [tilespmem:s5+$0x19040]  }
0x758: {  	v4 =	vld [tilespmem:s5+$0x19060]  }
0x759: {  	[tilespmem:s5+$0xD070] =	vst.add.f32.msk $0xffff, v3  }
0x75a: {  	v3 =	vld [tilespmem:s5+$0x19050]  }
0x75b: {  	[tilespmem:s5+$0xD000] =	vst.add.f32.msk $0xffff, v6  }
0x75c: {  	[tilespmem:s5+$0xD010] =	vst.add.f32.msk $0xffff, v7  }
0x75d: {  	s12 =	simm.s32 $0x10;
	[tilespmem:s5+$0xD020] =	vst.add.f32.msk $0xffff, v8  }
0x75e: {  	s13 =	simm.s32 $0x400;
	s14 =	simm.s32 $0x80;
	s11 =	simm.s32 $0x0;
	[tilespmem:s5+$0xD030] =	vst.add.f32.msk $0xffff, v9  }
.LBB2_58:
0x75f: {  	s15 =	sand.u32 $0x2000, s14;
	s16 =	sand.u32 $0x1C00, s13;
	s11 =	sadd.s32 $0x8, s11;
	[tilespmem:s5+$0xD040] =	vst.add.f32.msk $0xffff, v5  }
0x760: {  	s15 =	sor.u32 s16, s15;
	s16 =	sand.u32 $0x380, s12;
	p0 =	slt.u32 s11, $0x3F8;
	[tilespmem:s5+$0xD050] =	vst.add.f32.msk $0xffff, v3  }
0x761: {  	[tilespmem:s5+$0xD060] =	vst.add.f32.msk $0xffff, v4;
	s5 =	sor.u32 s16, s15  }
0x762: {  	v3 =	vld [tilespmem:s5+$0x19070]  }
0x763: {  	v6 =	vld [tilespmem:s5+$0x19000]  }
0x764: {  	v7 =	vld [tilespmem:s5+$0x19010]  }
0x765: {  	v8 =	vld [tilespmem:s5+$0x19020]  }
0x766: {  	v9 =	vld [tilespmem:s5+$0x19030]  }
0x767: {  	[tilespmem:s5+$0xD070] =	vst.add.f32.msk $0xffff, v3  }
0x768: {  	v5 =	vld [tilespmem:s5+$0x19040]  }
0x769: {  	v3 =	vld [tilespmem:s5+$0x19050]  }
.Ltmp28:
0x76a: {  	v4 =	vld [tilespmem:s5+$0x19060];
	(pc) =	sbr.rel @p0 .LBB2_58-.Ltmp28, $4  }
0x76b: {  	[tilespmem:s5+$0xD000] =	vst.add.f32.msk $0xffff, v6  }
0x76c: {  	[tilespmem:s5+$0xD010] =	vst.add.f32.msk $0xffff, v7  }
0x76d: {  	[tilespmem:s5+$0xD020] =	vst.add.f32.msk $0xffff, v8  }
0x76e: {  	s13 =	sadd.s32 $0x400, s13;
	s14 =	sadd.s32 $0x80, s14;
	s12 =	sadd.s32 $0x10, s12;
	[tilespmem:s5+$0xD030] =	vst.add.f32.msk $0xffff, v9  }
0x76f: {  	[tilespmem:s5+$0xD040] =	vst.add.f32.msk $0xffff, v5  }
0x770: {  	[tilespmem:s5+$0xD050] =	vst.add.f32.msk $0xffff, v3  }
0x771: {  	[tilespmem:s5+$0xD060] =	vst.add.f32.msk $0xffff, v4  }
0x772: {  	s5 =	simm.s32 $0x0;
	s11 =	rddreg [dreg:$0x15]  }
0x773: {  	[hbm4b:s11+s5] =	stream.linear.scatter [tilespmem:s19], [sflag:$0x9], $0x4000, $0x38;
	[tilespmem:$0x1D000] =	vst v63  }
0x774: {  	_ =	swait.ge [sflag:s10], $0x4000  }
0x775: {  	[sflag:s10] =	ssyncset.done $0x0  }
0x776: {  	[sflag:s10] =	ssyncadd.s32 $0xFFFFC000  }
0x777: {  	v3 =	vld [tilespmem:$0xF80];
	_ =	sdelay $0x4  }
0x778: {  	v4 =	vshll.u32 v3, $0x3  }
0x779: {  	v3 =	vand.u32 $0x7, v3;
	v4 =	vand.u32 $0xFFFFFFC0, v4  }
0x77a: {  	v3 =	vor.u32 v3, v4  }
0x77b: {  	v4 =	vperm.xlane v3, v0;
	_ =	sdelay $0x1  }
0x77c: {  	v4 =	vadd.s32 v1, v4;
	_ =	sdelay $0x4  }
0x77d: {  	[tilespmem:s6], [sflag:$0x2] =	stream.indirect_vreg.gather [hbm4b:s1+s5], $0x80, v4, vm0, $0xb8;
	[tilespmem:$0x1D000] =	vst v63  }
0x77e: {  	s15 =	simm.s32 $0x5800;
	v3 =	vperm.xlane v3, v2  }
0x77f: {  	[tilespmem:s15], [sflag:$0x2] =	stream.indirect_vreg.gather [hbm4b:s7+s5], $0x80, v4, vm0, $0xb8;
	[tilespmem:$0x1D000] =	vst v63  }
0x780: {  	s16 =	simm.s32 $0x6000;
	v3 =	vadd.s32 v1, v3  }
0x781: {  	[tilespmem:s16], [sflag:$0x2] =	stream.indirect_vreg.gather [hbm4b:s8+s5], $0x80, v4, vm0, $0xb8;
	[tilespmem:$0x1D000] =	vst v63  }
0x782: {  	s12 =	simm.s32 $0x6800  }
0x783: {  	[tilespmem:s12], [sflag:$0x2] =	stream.indirect_vreg.gather [hbm4b:s9+s5], $0x80, v4, vm0, $0xb8;
	[tilespmem:$0x1D000] =	vst v63  }
0x784: {  	s13 =	simm.s32 $0x7000  }
0x785: {  	[tilespmem:s13], [sflag:$0x2] =	stream.indirect_vreg.gather [hbm4b:s1+s5], $0x80, v3, vm0, $0xb8;
	[tilespmem:$0x1D000] =	vst v63  }
0x786: {  	s14 =	simm.s32 $0x7800  }
0x787: {  	[tilespmem:s14], [sflag:$0x2] =	stream.indirect_vreg.gather [hbm4b:s7+s5], $0x80, v3, vm0, $0xb8;
	[tilespmem:$0x1D000] =	vst v63  }
0x788: {  	s15 =	simm.s32 $0x8000  }
0x789: {  	[tilespmem:s15], [sflag:$0x2] =	stream.indirect_vreg.gather [hbm4b:s8+s5], $0x80, v3, vm0, $0xb8;
	[tilespmem:$0x1D000] =	vst v63  }
0x78a: {  	_ = 	snop  }
0x78b: {  	[tilespmem:s17], [sflag:$0x2] =	stream.indirect_vreg.gather [hbm4b:s9+s5], $0x80, v3, vm0, $0xb8;
	[tilespmem:$0x1D000] =	vst v63  }
0x78c: {  	s16 =	sand.u32 $0x2000, s5;
	s12 =	sand.u32 $0x1C00, s5;
	_ =	swait.ge [sflag:s29], $0x4000  }
0x78d: {  	s11 =	sor.u32 s12, s16;
	s5 =	sand.u32 $0x380, s5;
	[sflag:s29] =	ssyncset.done $0x0  }
0x78e: {  	s5 =	sor.u32 s5, s11;
	[sflag:s29] =	ssyncadd.s32 $0xFFFFC000  }
0x78f: {  	v3 =	vld [tilespmem:s5+$0x19070]  }
0x790: {  	v6 =	vld [tilespmem:s5+$0x19000]  }
0x791: {  	v7 =	vld [tilespmem:s5+$0x19010]  }
0x792: {  	v8 =	vld [tilespmem:s5+$0x19020]  }
0x793: {  	v9 =	vld [tilespmem:s5+$0x19030]  }
0x794: {  	v5 =	vld [tilespmem:s5+$0x19040]  }
0x795: {  	v4 =	vld [tilespmem:s5+$0x19060]  }
0x796: {  	[tilespmem:s5+$0x11070] =	vst.add.f32.msk $0xffff, v3  }
0x797: {  	v3 =	vld [tilespmem:s5+$0x19050]  }
0x798: {  	[tilespmem:s5+$0x11000] =	vst.add.f32.msk $0xffff, v6  }
0x799: {  	[tilespmem:s5+$0x11010] =	vst.add.f32.msk $0xffff, v7  }
0x79a: {  	s12 =	simm.s32 $0x10;
	[tilespmem:s5+$0x11020] =	vst.add.f32.msk $0xffff, v8  }
0x79b: {  	s13 =	simm.s32 $0x400;
	s14 =	simm.s32 $0x80;
	s11 =	simm.s32 $0x0;
	[tilespmem:s5+$0x11030] =	vst.add.f32.msk $0xffff, v9  }
.LBB2_60:
0x79c: {  	s15 =	sand.u32 $0x2000, s14;
	s16 =	sand.u32 $0x1C00, s13;
	s11 =	sadd.s32 $0x8, s11;
	[tilespmem:s5+$0x11040] =	vst.add.f32.msk $0xffff, v5  }
0x79d: {  	s15 =	sor.u32 s16, s15;
	s16 =	sand.u32 $0x380, s12;
	p0 =	slt.u32 s11, $0x3F8;
	[tilespmem:s5+$0x11050] =	vst.add.f32.msk $0xffff, v3  }
0x79e: {  	[tilespmem:s5+$0x11060] =	vst.add.f32.msk $0xffff, v4;
	s5 =	sor.u32 s16, s15  }
0x79f: {  	v3 =	vld [tilespmem:s5+$0x19070]  }
0x7a0: {  	v6 =	vld [tilespmem:s5+$0x19000]  }
0x7a1: {  	v7 =	vld [tilespmem:s5+$0x19010]  }
0x7a2: {  	v8 =	vld [tilespmem:s5+$0x19020]  }
0x7a3: {  	v9 =	vld [tilespmem:s5+$0x19030]  }
0x7a4: {  	[tilespmem:s5+$0x11070] =	vst.add.f32.msk $0xffff, v3  }
0x7a5: {  	v5 =	vld [tilespmem:s5+$0x19040]  }
0x7a6: {  	v3 =	vld [tilespmem:s5+$0x19050]  }
.Ltmp29:
0x7a7: {  	v4 =	vld [tilespmem:s5+$0x19060];
	(pc) =	sbr.rel @p0 .LBB2_60-.Ltmp29, $4  }
0x7a8: {  	[tilespmem:s5+$0x11000] =	vst.add.f32.msk $0xffff, v6  }
0x7a9: {  	[tilespmem:s5+$0x11010] =	vst.add.f32.msk $0xffff, v7  }
0x7aa: {  	[tilespmem:s5+$0x11020] =	vst.add.f32.msk $0xffff, v8  }
0x7ab: {  	s13 =	sadd.s32 $0x400, s13;
	s14 =	sadd.s32 $0x80, s14;
	s12 =	sadd.s32 $0x10, s12;
	[tilespmem:s5+$0x11030] =	vst.add.f32.msk $0xffff, v9  }
0x7ac: {  	[tilespmem:s5+$0x11040] =	vst.add.f32.msk $0xffff, v5  }
0x7ad: {  	[tilespmem:s5+$0x11050] =	vst.add.f32.msk $0xffff, v3  }
0x7ae: {  	[tilespmem:s5+$0x11060] =	vst.add.f32.msk $0xffff, v4  }
0x7af: {  	s11 =	sld [smem:$0x7FB];
	_ =	sdelay $0x1  }
0x7b0: {  	s15 =	simm.s32 $0x0  }
0x7b1: {  	[hbm4b:s11+s15] =	stream.linear.scatter [tilespmem:s22], [sflag:$0xA], $0x4000, $0x38;
	[tilespmem:$0x1D000] =	vst v63  }
0x7b2: {  	s16 =	sand.u32 $0x2000, s15;
	s12 =	sand.u32 $0x1C00, s15;
	_ =	swait.ge [sflag:s25], $0x4000  }
0x7b3: {  	s5 =	sand.u32 $0x380, s15;
	s11 =	sor.u32 s12, s16;
	[sflag:s25] =	ssyncset.done $0x0  }
0x7b4: {  	s5 =	sor.u32 s5, s11;
	[sflag:s25] =	ssyncadd.s32 $0xFFFFC000  }
0x7b5: {  	v3 =	vld [tilespmem:s5+$0x19070]  }
0x7b6: {  	v6 =	vld [tilespmem:s5+$0x19000]  }
0x7b7: {  	v7 =	vld [tilespmem:s5+$0x19010]  }
0x7b8: {  	v8 =	vld [tilespmem:s5+$0x19020]  }
0x7b9: {  	v9 =	vld [tilespmem:s5+$0x19030]  }
0x7ba: {  	v5 =	vld [tilespmem:s5+$0x19040]  }
0x7bb: {  	v4 =	vld [tilespmem:s5+$0x19060]  }
0x7bc: {  	[tilespmem:s5+$0x1070] =	vst.add.f32.msk $0xffff, v3  }
0x7bd: {  	v3 =	vld [tilespmem:s5+$0x19050]  }
0x7be: {  	[tilespmem:s5+$0x1000] =	vst.add.f32.msk $0xffff, v6  }
0x7bf: {  	[tilespmem:s5+$0x1010] =	vst.add.f32.msk $0xffff, v7  }
0x7c0: {  	s13 =	simm.s32 $0x400;
	[tilespmem:s5+$0x1020] =	vst.add.f32.msk $0xffff, v8  }
0x7c1: {  	s14 =	simm.s32 $0x80;
	s12 =	simm.s32 $0x10;
	s11 =	simm.s32 $0x0;
	[tilespmem:s5+$0x1030] =	vst.add.f32.msk $0xffff, v9  }
.LBB2_62:
0x7c2: {  	s15 =	sand.u32 $0x2000, s14;
	s16 =	sand.u32 $0x1C00, s13;
	s11 =	sadd.s32 $0x8, s11;
	[tilespmem:s5+$0x1040] =	vst.add.f32.msk $0xffff, v5  }
0x7c3: {  	s15 =	sor.u32 s16, s15;
	s16 =	sand.u32 $0x380, s12;
	p0 =	slt.u32 s11, $0x3F8;
	[tilespmem:s5+$0x1050] =	vst.add.f32.msk $0xffff, v3  }
0x7c4: {  	[tilespmem:s5+$0x1060] =	vst.add.f32.msk $0xffff, v4;
	s5 =	sor.u32 s16, s15  }
0x7c5: {  	v3 =	vld [tilespmem:s5+$0x19070]  }
0x7c6: {  	v6 =	vld [tilespmem:s5+$0x19000]  }
0x7c7: {  	v7 =	vld [tilespmem:s5+$0x19010]  }
0x7c8: {  	v8 =	vld [tilespmem:s5+$0x19020]  }
0x7c9: {  	v9 =	vld [tilespmem:s5+$0x19030]  }
0x7ca: {  	[tilespmem:s5+$0x1070] =	vst.add.f32.msk $0xffff, v3  }
0x7cb: {  	v5 =	vld [tilespmem:s5+$0x19040]  }
0x7cc: {  	v3 =	vld [tilespmem:s5+$0x19050]  }
.Ltmp30:
0x7cd: {  	v4 =	vld [tilespmem:s5+$0x19060];
	(pc) =	sbr.rel @p0 .LBB2_62-.Ltmp30, $4  }
0x7ce: {  	[tilespmem:s5+$0x1000] =	vst.add.f32.msk $0xffff, v6  }
0x7cf: {  	[tilespmem:s5+$0x1010] =	vst.add.f32.msk $0xffff, v7  }
0x7d0: {  	[tilespmem:s5+$0x1020] =	vst.add.f32.msk $0xffff, v8  }
0x7d1: {  	s13 =	sadd.s32 $0x400, s13;
	s14 =	sadd.s32 $0x80, s14;
	s12 =	sadd.s32 $0x10, s12;
	[tilespmem:s5+$0x1030] =	vst.add.f32.msk $0xffff, v9  }
0x7d2: {  	[tilespmem:s5+$0x1040] =	vst.add.f32.msk $0xffff, v5  }
0x7d3: {  	[tilespmem:s5+$0x1050] =	vst.add.f32.msk $0xffff, v3  }
0x7d4: {  	[tilespmem:s5+$0x1060] =	vst.add.f32.msk $0xffff, v4  }
0x7d5: {  	s11 =	sld [smem:$0x7FC];
	_ =	sdelay $0x1  }
0x7d6: {  	s15 =	simm.s32 $0x0  }
0x7d7: {  	[hbm4b:s11+s15] =	stream.linear.scatter [tilespmem:s28], [sflag:$0x6], $0x4000, $0x38;
	[tilespmem:$0x1D000] =	vst v63  }
0x7d8: {  	s16 =	sand.u32 $0x2000, s15;
	s12 =	sand.u32 $0x1C00, s15;
	_ =	swait.ge [sflag:s21], $0x4000  }
0x7d9: {  	s5 =	sand.u32 $0x380, s15;
	s11 =	sor.u32 s12, s16;
	[sflag:s21] =	ssyncset.done $0x0  }
0x7da: {  	s5 =	sor.u32 s5, s11;
	[sflag:s21] =	ssyncadd.s32 $0xFFFFC000  }
0x7db: {  	v3 =	vld [tilespmem:s5+$0x19070]  }
0x7dc: {  	v6 =	vld [tilespmem:s5+$0x19000]  }
0x7dd: {  	v7 =	vld [tilespmem:s5+$0x19010]  }
0x7de: {  	v8 =	vld [tilespmem:s5+$0x19020]  }
0x7df: {  	v9 =	vld [tilespmem:s5+$0x19030]  }
0x7e0: {  	v5 =	vld [tilespmem:s5+$0x19040]  }
0x7e1: {  	v4 =	vld [tilespmem:s5+$0x19060]  }
0x7e2: {  	[tilespmem:s5+$0x5070] =	vst.add.f32.msk $0xffff, v3  }
0x7e3: {  	v3 =	vld [tilespmem:s5+$0x19050]  }
0x7e4: {  	[tilespmem:s5+$0x5000] =	vst.add.f32.msk $0xffff, v6  }
0x7e5: {  	[tilespmem:s5+$0x5010] =	vst.add.f32.msk $0xffff, v7  }
0x7e6: {  	s13 =	simm.s32 $0x400;
	[tilespmem:s5+$0x5020] =	vst.add.f32.msk $0xffff, v8  }
0x7e7: {  	s14 =	simm.s32 $0x80;
	s12 =	simm.s32 $0x10;
	s11 =	simm.s32 $0x0;
	[tilespmem:s5+$0x5030] =	vst.add.f32.msk $0xffff, v9  }
.LBB2_64:
0x7e8: {  	s15 =	sand.u32 $0x2000, s14;
	s16 =	sand.u32 $0x1C00, s13;
	s11 =	sadd.s32 $0x8, s11;
	[tilespmem:s5+$0x5040] =	vst.add.f32.msk $0xffff, v5  }
0x7e9: {  	s15 =	sor.u32 s16, s15;
	s16 =	sand.u32 $0x380, s12;
	p0 =	slt.u32 s11, $0x3F8;
	[tilespmem:s5+$0x5050] =	vst.add.f32.msk $0xffff, v3  }
0x7ea: {  	[tilespmem:s5+$0x5060] =	vst.add.f32.msk $0xffff, v4;
	s5 =	sor.u32 s16, s15  }
0x7eb: {  	v3 =	vld [tilespmem:s5+$0x19070]  }
0x7ec: {  	v6 =	vld [tilespmem:s5+$0x19000]  }
0x7ed: {  	v7 =	vld [tilespmem:s5+$0x19010]  }
0x7ee: {  	v8 =	vld [tilespmem:s5+$0x19020]  }
0x7ef: {  	v9 =	vld [tilespmem:s5+$0x19030]  }
0x7f0: {  	[tilespmem:s5+$0x5070] =	vst.add.f32.msk $0xffff, v3  }
0x7f1: {  	v5 =	vld [tilespmem:s5+$0x19040]  }
0x7f2: {  	v3 =	vld [tilespmem:s5+$0x19050]  }
.Ltmp31:
0x7f3: {  	v4 =	vld [tilespmem:s5+$0x19060];
	(pc) =	sbr.rel @p0 .LBB2_64-.Ltmp31, $4  }
0x7f4: {  	[tilespmem:s5+$0x5000] =	vst.add.f32.msk $0xffff, v6  }
0x7f5: {  	[tilespmem:s5+$0x5010] =	vst.add.f32.msk $0xffff, v7  }
0x7f6: {  	[tilespmem:s5+$0x5020] =	vst.add.f32.msk $0xffff, v8  }
0x7f7: {  	s13 =	sadd.s32 $0x400, s13;
	s14 =	sadd.s32 $0x80, s14;
	s12 =	sadd.s32 $0x10, s12;
	[tilespmem:s5+$0x5030] =	vst.add.f32.msk $0xffff, v9  }
0x7f8: {  	[tilespmem:s5+$0x5040] =	vst.add.f32.msk $0xffff, v5  }
0x7f9: {  	[tilespmem:s5+$0x5050] =	vst.add.f32.msk $0xffff, v3  }
0x7fa: {  	[tilespmem:s5+$0x5060] =	vst.add.f32.msk $0xffff, v4  }
0x7fb: {  	s5 =	sld [smem:$0x7FD];
	_ =	sdelay $0x2  }
0x7fc: {  	[hbm4b:s5+s3] =	stream.linear.scatter [tilespmem:s6], [sflag:$0x7], $0x4000, $0x38;
	[tilespmem:$0x1D000] =	vst v63  }
0x7fd: {  	_ =	swait.ge [sflag:s23], $0x4000  }
0x7fe: {  	[sflag:s23] =	ssyncset.done $0x0  }
0x7ff: {  	[sflag:s23] =	ssyncadd.s32 $0xFFFFC000  }
0x800: {  	_ =	swait.ge [sflag:s10], $0x4000  }
0x801: {  	[sflag:s10] =	ssyncset.done $0x0  }
0x802: {  	[sflag:s10] =	ssyncadd.s32 $0xFFFFC000  }
0x803: {  	_ =	swait.ge [sflag:s31], $0x4000  }
0x804: {  	[sflag:s31] =	ssyncset.done $0x0  }
0x805: {  	[sflag:s31] =	ssyncadd.s32 $0xFFFFC000  }
0x806: {  	_ =	swait.ge [sflag:s0], $0x4000  }
0x807: {  	[sflag:s0] =	ssyncset.done $0x0  }
0x808: {  	[sflag:s0] =	ssyncadd.s32 $0xFFFFC000  }
0x809: {  	_ =	swait.ge [sflag:s2], $0x4000  }
0x80a: {  	s4 =	sadd.s32 $0x1, s4;
	s16 =	rddreg [dreg:$0x17]  }
0x80b: {  	p0 =	sne.s32 s4, s16  }
.Ltmp32:
0x80c: {  	_ = 	snop;
	(pc) =	sbr.rel @p0 .LBB2_1-.Ltmp32, $3  }
0x80d: {  	_ =	sdelay $0x1  }
0x80e: {  	[sflag:s2] =	ssyncset.done $0x0  }
0x80f: {  	[sflag:s2] =	ssyncadd.s32 $0xFFFFC000  }
0x810: {  	_ =	sfence.sel $0x180000  }
0x811: {  	[bflag:$0x0] =	sbarrier.arrive $0xFFFF  }
0x812: {  	_ =	strace $0x90000047  }
0x813: {  	s0 =	stileid.u32;
	[bflag:$0x2] =	sbarrier.arrive $0xFFFF  }
0x814: {  	p0 =	sne.s32 s0, $0x0;
	s0 =	rddreg [dreg:$0x4]  }
0x815: {  	s0 =	sadd.s32 @!p0 $0x100000, s0  }
0x816: {  	[sflag:s0] =	ssyncadd.tile.s32 @!p0 $0x1;
	_ =	shalt  }
.Lfunc_end2:
_tile_overlayer_lowered:
.L_overlay_start_2:
0x817: {  	(tag) =	ssettag $0x2  }
0x818: {  	s0 =	rddreg [dreg:$0x0];
	s2 =	stileid.u32  }
0x819: {  	s1 =	rddreg [dreg:$0x1];
	p0 =	sne.s32 s2, $0x0  }
0x81a: {  	s3 =	rddreg [dreg:$0x2];
	[bflag:$0x3] =	sbarrier.arrive $0xFFFF;
	s2 =	simm.s32 @!p0 $0x1C0D  }
0x81b: {  	[timem:s3], [sflag:s2] =	dma.local @!p0 [hbm:s0], s1  }
0x81c: {  	s0 =	simm.s32 @!p0 $0xD  }
0x81d: {  	_ =	swait.ge @!p0 [sflag:s0], s1  }
0x81e: {  	s1 =	ssub.s32 @!p0 $0x0, s1;
	[sflag:s0] =	ssyncset.done @!p0 $0x0  }
0x81f: {  	[sflag:s0] =	ssyncadd.s32 @!p0 s1  }
0x820: {  	[bflag:$0x3] =	sbarrier.arrive $0xFFFF  }
0x821: {  	_ =	shalt  }

</sc_bundles>
